<compile_context>
chip_gen: v7x
topology: tpu7x:2x2x1
jax: 0.10.2.dev20260603
libtpu: 0.0.44.dev20260713+nightly
codegen_flags: <defaults>
</compile_context>

<pallas_src>
import jax
import jax.numpy as jnp
from jax import lax
from jax.experimental import pallas as pl
from jax.experimental.pallas import tpu as pltpu
from jax.experimental.pallas import tpu_sc as plsc


def _lane_take(v, idx):
    return v.at[idx].get(mode="promise_in_bounds")


def _transpose16(vs, iota):
    for s in (1, 2, 4, 8):
        perm = iota ^ s
        nv = []
        for i in range(16):
            pp = _lane_take(vs[i ^ s], perm)
            keep = (iota & s) == (i & s)
            nv.append(jnp.where(keep, vs[i], pp))
        vs = nv
    return vs


def _sc_lookup_body(rw_hbm, cw_hbm, out_hbm, rw_v, cw_v, slab_v, sem):
    wid = lax.axis_index("s") * 2 + lax.axis_index("c")

    pltpu.sync_copy(rw_hbm.at[pl.ds(0, 32)], rw_v)
    pltpu.sync_copy(cw_hbm.at[pl.ds(0, 32)], cw_v)

    iota16 = lax.iota(jnp.int32, 16)

    def build(tab_v, c0):
        for g in range(2):
            vs = [tab_v[g * 16 + i, pl.ds(c0, 16)] for i in range(16)]
            t = _transpose16(vs, iota16)
            for j in range(16):
                slab_v[j, pl.ds(g * 16, 16)] = t[j]

    @pl.when(wid < 16)
    def _build_x():
        build(rw_v, wid * 16)

    @pl.when(wid >= 16)
    def _build_y():
        build(cw_v, wid * 16 - 256)

    pltpu.async_copy(slab_v, out_hbm.at[pl.ds(wid * 16, 16)], sem).wait()


def _tc_broadcast_body(ps_ref, o_ref, tile_v, sem):
    ps = ps_ref[...]
    xs = ps[:256]
    ys = ps[256:]
    k = lax.broadcasted_iota(jnp.int32, (256, 1024), 1)
    tile_v[:256] = jnp.take_along_axis(xs, k % 32, axis=1)
    tile_v[256:] = jnp.take_along_axis(ys, k // 32, axis=1)
    copies = [
        pltpu.make_async_copy(tile_v, o_ref.at[b], sem) for b in range(16)
    ]
    for c in copies:
        c.start()
    for c in copies:
        c.wait()


def kernel(uv_feat, row_weight, col_weight):
    b = uv_feat.shape[0]
    h, w = uv_feat.shape[-2], uv_feat.shape[-1]
    d = row_weight.shape[-1]
    assert (b, h, w, d) == (16, 32, 32, 256)

    mesh = plsc.VectorSubcoreMesh(core_axis_name="c", subcore_axis_name="s")
    sc_lookup = pl.kernel(
        _sc_lookup_body,
        mesh=mesh,
        out_type=jax.ShapeDtypeStruct((2 * d, 32), jnp.float32),
        scratch_types=[
            pltpu.VMEM((w, d), jnp.float32),
            pltpu.VMEM((h, d), jnp.float32),
            pltpu.VMEM((16, 32), jnp.float32),
            pltpu.SemaphoreType.DMA,
        ],
    )
    ps = sc_lookup(row_weight, col_weight)

    out = pl.pallas_call(
        _tc_broadcast_body,
        in_specs=[pl.BlockSpec((2 * d, 32), lambda: (0, 0))],
        out_specs=pl.BlockSpec(memory_space=pl.ANY),
        out_shape=jax.ShapeDtypeStruct((b, 2 * d, h * w), jnp.float32),
        scratch_shapes=[
            pltpu.VMEM((2 * d, h * w), jnp.float32),
            pltpu.SemaphoreType.DMA,
        ],
    )(ps)
    return out.reshape(b, 2 * d, h, w)

# --- scband reference (transcript-rebuilt; emitter-appended) ---
"""Pipeline reference for scband-position-embedding-learned-63720134804170 (READ-ONLY COPY).

The authoritative reference and input builder live on the scoring server;
editing this copy changes nothing except your own understanding.
"""

import jax, jax.numpy as jnp
import numpy as np


def setup_inputs(seed: int = 0) -> dict:
    key = jax.random.key(seed)
    k1, k2, k3 = jax.random.split(key, 3)
    uv_feat = jax.random.normal(k1, (16, 256, 32, 32), dtype=jnp.float32)
    # nn.Embedding weights initialized with uniform_ in [0, 1)
    row_weight = jax.random.uniform(k2, (50, 256), dtype=jnp.float32)  # row_embed (w=50 entries)
    col_weight = jax.random.uniform(k3, (50, 256), dtype=jnp.float32)  # col_embed (h=50 entries)
    return {"uv_feat": uv_feat, "row_weight": row_weight, "col_weight": col_weight}


def reference(uv_feat, row_weight, col_weight):
    b = uv_feat.shape[0]
    h, w = uv_feat.shape[-2], uv_feat.shape[-1]
    i = jnp.arange(w)
    j = jnp.arange(h)
    x_emb = jnp.take(row_weight, i, axis=0)  # [w, d]
    y_emb = jnp.take(col_weight, j, axis=0)  # [h, d]
    d = x_emb.shape[-1]
    x_rep = jnp.tile(x_emb[None, :, :], (h, 1, 1))        # [h, w, d]
    y_rep = jnp.tile(y_emb[:, None, :], (1, w, 1))        # [h, w, d]
    pos = jnp.concatenate([x_rep, y_rep], axis=-1)         # [h, w, 2d]
    pos = jnp.transpose(pos, (2, 0, 1))[None, :, :, :]     # [1, 2d, h, w]
    pos = jnp.tile(pos, (b, 1, 1, 1))                      # [b, 2d, h, w]
    return pos

if __name__ == "__main__":
    import jax
    _d = setup_inputs()
    print(jax.jit(kernel)(*tuple(_d.values())))

</pallas_src>

<mosaic_0001>
#map = affine_map<(d0, d1) -> (0, 0)>
module attributes {stable_mosaic.version = 14 : i64} {
  func.func @_sc_lookup_body(%arg0: i32, %arg1: i32, %arg2: memref<50x256xf32, #tpu.memory_space<hbm>>, %arg3: memref<50x256xf32, #tpu.memory_space<hbm>>, %arg4: memref<512x32xf32, #tpu.memory_space<hbm>>, %arg5: memref<32x256xf32, #tpu.memory_space<vmem>>, %arg6: memref<32x256xf32, #tpu.memory_space<vmem>>, %arg7: memref<16x32xf32, #tpu.memory_space<vmem>>, %arg8: memref<!tpu.dma_semaphore, #tpu.memory_space<semaphore_mem>>) attributes {dimension_semantics = [#tpu.dimension_semantics<core_parallel>, #tpu.dimension_semantics<subcore_parallel>], iteration_bounds = array<i64: 2, 16>, scalar_prefetch = 0 : i64, scratch_operands = 4 : i64, tpu.core_type = #tpu.core_type<sc_vector_subcore>, window_params = [{transform_indices = #map}, {transform_indices = #map}, {transform_indices = #map}]} {
    %mul3A = arith.constant 2 : i32
    %mul3A_0 = arith.muli %arg1, %mul3A : i32
    %add3A = arith.addi %mul3A_0, %arg0 : i32
    "tpu.region"() ({
      %run_scoped3A = tpu.sem_alloc : memref<!tpu.dma_semaphore, #tpu.memory_space<semaphore_mem>>
      %dma_start3A_15 = arith.constant 0 : i32
      %dma_start3A_16 = arith.constant 0 : i32
      %dma_start3A_17 = tpu.memref_slice %arg2[%dma_start3A_15, %dma_start3A_16] : memref<50x256xf32, #tpu.memory_space<hbm>> -> memref<32x256xf32, #tpu.memory_space<hbm>>
      %dma_start3A_18 = arith.constant 0 : i32
      %dma_start3A_19 = arith.constant 0 : i32
      %dma_start3A_20 = tpu.memref_slice %arg2[%dma_start3A_18, %dma_start3A_19] : memref<50x256xf32, #tpu.memory_space<hbm>> -> memref<32x256xf32, #tpu.memory_space<hbm>>
      tpu.enqueue_dma source(%dma_start3A_20 : memref<32x256xf32, #tpu.memory_space<hbm>>) target(%arg5 : memref<32x256xf32, #tpu.memory_space<vmem>>) target_semaphore(%run_scoped3A : memref<!tpu.dma_semaphore, #tpu.memory_space<semaphore_mem>>)
      %dma_wait3A_21 = arith.constant 0 : i32
      %dma_wait3A_22 = arith.constant 0 : i32
      %dma_wait3A_23 = tpu.memref_slice %arg2[%dma_wait3A_21, %dma_wait3A_22] : memref<50x256xf32, #tpu.memory_space<hbm>> -> memref<32x256xf32, #tpu.memory_space<hbm>>
      %dma_wait3A_24 = arith.constant 0 : i32
      %dma_wait3A_25 = arith.constant 0 : i32
      %dma_wait3A_26 = tpu.memref_slice %arg2[%dma_wait3A_24, %dma_wait3A_25] : memref<50x256xf32, #tpu.memory_space<hbm>> -> memref<32x256xf32, #tpu.memory_space<hbm>>
      tpu.wait_dma2 semaphore(%run_scoped3A : memref<!tpu.dma_semaphore, #tpu.memory_space<semaphore_mem>>) src(%dma_wait3A_26 : memref<32x256xf32, #tpu.memory_space<hbm>>) dst(%arg5 : memref<32x256xf32, #tpu.memory_space<vmem>>)
      tpu.yield
    }) : () -> ()
    "tpu.region"() ({
      %run_scoped3A = tpu.sem_alloc : memref<!tpu.dma_semaphore, #tpu.memory_space<semaphore_mem>>
      %dma_start3A_15 = arith.constant 0 : i32
      %dma_start3A_16 = arith.constant 0 : i32
      %dma_start3A_17 = tpu.memref_slice %arg3[%dma_start3A_15, %dma_start3A_16] : memref<50x256xf32, #tpu.memory_space<hbm>> -> memref<32x256xf32, #tpu.memory_space<hbm>>
      %dma_start3A_18 = arith.constant 0 : i32
      %dma_start3A_19 = arith.constant 0 : i32
      %dma_start3A_20 = tpu.memref_slice %arg3[%dma_start3A_18, %dma_start3A_19] : memref<50x256xf32, #tpu.memory_space<hbm>> -> memref<32x256xf32, #tpu.memory_space<hbm>>
      tpu.enqueue_dma source(%dma_start3A_20 : memref<32x256xf32, #tpu.memory_space<hbm>>) target(%arg6 : memref<32x256xf32, #tpu.memory_space<vmem>>) target_semaphore(%run_scoped3A : memref<!tpu.dma_semaphore, #tpu.memory_space<semaphore_mem>>)
      %dma_wait3A_21 = arith.constant 0 : i32
      %dma_wait3A_22 = arith.constant 0 : i32
      %dma_wait3A_23 = tpu.memref_slice %arg3[%dma_wait3A_21, %dma_wait3A_22] : memref<50x256xf32, #tpu.memory_space<hbm>> -> memref<32x256xf32, #tpu.memory_space<hbm>>
      %dma_wait3A_24 = arith.constant 0 : i32
      %dma_wait3A_25 = arith.constant 0 : i32
      %dma_wait3A_26 = tpu.memref_slice %arg3[%dma_wait3A_24, %dma_wait3A_25] : memref<50x256xf32, #tpu.memory_space<hbm>> -> memref<32x256xf32, #tpu.memory_space<hbm>>
      tpu.wait_dma2 semaphore(%run_scoped3A : memref<!tpu.dma_semaphore, #tpu.memory_space<semaphore_mem>>) src(%dma_wait3A_26 : memref<32x256xf32, #tpu.memory_space<hbm>>) dst(%arg6 : memref<32x256xf32, #tpu.memory_space<vmem>>)
      tpu.yield
    }) : () -> ()
    %iota3A = tpu.iota {dimensions = array<i32: 0>} : vector<16xi32>
    %lt3A = arith.constant 16 : i32
    %lt3A_1 = arith.cmpi slt, %add3A, %lt3A : i32
    %convert_element_type3A = arith.extui %lt3A_1 : i1 to i32
    %cond3A = arith.constant 0 : i32
    %cond3A_2 = arith.cmpi ne, %convert_element_type3A, %cond3A : i32
    scf.if %cond3A_2 {
      %mul3A_15 = arith.constant 16 : i32
      %mul3A_16 = arith.muli %add3A, %mul3A_15 : i32
      %get3A = arith.constant 0 : i32
      %get3A_17 = arith.index_cast %get3A : i32 to index
      %get3A_18 = arith.index_cast %mul3A_16 : i32 to index
      %get3A_19 = tpu.vector_load %arg5[%get3A_17, %get3A_18] {strides = array<i32>} : memref<32x256xf32, #tpu.memory_space<vmem>>, vector<1x16xf32>,
      %get3A_20 = vector.shape_cast %get3A_19 : vector<1x16xf32> to vector<16xf32>
      %get3A_21 = arith.constant 1 : i32
      %get3A_22 = arith.index_cast %get3A_21 : i32 to index
      %get3A_23 = arith.index_cast %mul3A_16 : i32 to index
      %get3A_24 = tpu.vector_load %arg5[%get3A_22, %get3A_23] {strides = array<i32>} : memref<32x256xf32, #tpu.memory_space<vmem>>, vector<1x16xf32>,
      %get3A_25 = vector.shape_cast %get3A_24 : vector<1x16xf32> to vector<16xf32>
      %get3A_26 = arith.constant 2 : i32
      %get3A_27 = arith.index_cast %get3A_26 : i32 to index
      %get3A_28 = arith.index_cast %mul3A_16 : i32 to index
      %get3A_29 = tpu.vector_load %arg5[%get3A_27, %get3A_28] {strides = array<i32>} : memref<32x256xf32, #tpu.memory_space<vmem>>, vector<1x16xf32>,
      %get3A_30 = vector.shape_cast %get3A_29 : vector<1x16xf32> to vector<16xf32>
      %get3A_31 = arith.constant 3 : i32
      %get3A_32 = arith.index_cast %get3A_31 : i32 to index
      %get3A_33 = arith.index_cast %mul3A_16 : i32 to index
      %get3A_34 = tpu.vector_load %arg5[%get3A_32, %get3A_33] {strides = array<i32>} : memref<32x256xf32, #tpu.memory_space<vmem>>, vector<1x16xf32>,
      %get3A_35 = vector.shape_cast %get3A_34 : vector<1x16xf32> to vector<16xf32>
      %get3A_36 = arith.constant 4 : i32
      %get3A_37 = arith.index_cast %get3A_36 : i32 to index
      %get3A_38 = arith.index_cast %mul3A_16 : i32 to index
      %get3A_39 = tpu.vector_load %arg5[%get3A_37, %get3A_38] {strides = array<i32>} : memref<32x256xf32, #tpu.memory_space<vmem>>, vector<1x16xf32>,
      %get3A_40 = vector.shape_cast %get3A_39 : vector<1x16xf32> to vector<16xf32>
      %get3A_41 = arith.constant 5 : i32
      %get3A_42 = arith.index_cast %get3A_41 : i32 to index
      %get3A_43 = arith.index_cast %mul3A_16 : i32 to index
      %get3A_44 = tpu.vector_load %arg5[%get3A_42, %get3A_43] {strides = array<i32>} : memref<32x256xf32, #tpu.memory_space<vmem>>, vector<1x16xf32>,
      %get3A_45 = vector.shape_cast %get3A_44 : vector<1x16xf32> to vector<16xf32>
      %get3A_46 = arith.constant 6 : i32
      %get3A_47 = arith.index_cast %get3A_46 : i32 to index
      %get3A_48 = arith.index_cast %mul3A_16 : i32 to index
      %get3A_49 = tpu.vector_load %arg5[%get3A_47, %get3A_48] {strides = array<i32>} : memref<32x256xf32, #tpu.memory_space<vmem>>, vector<1x16xf32>,
      %get3A_50 = vector.shape_cast %get3A_49 : vector<1x16xf32> to vector<16xf32>
      %get3A_51 = arith.constant 7 : i32
      %get3A_52 = arith.index_cast %get3A_51 : i32 to index
      %get3A_53 = arith.index_cast %mul3A_16 : i32 to index
      %get3A_54 = tpu.vector_load %arg5[%get3A_52, %get3A_53] {strides = array<i32>} : memref<32x256xf32, #tpu.memory_space<vmem>>, vector<1x16xf32>,
      %get3A_55 = vector.shape_cast %get3A_54 : vector<1x16xf32> to vector<16xf32>
      %get3A_56 = arith.constant 8 : i32
      %get3A_57 = arith.index_cast %get3A_56 : i32 to index
      %get3A_58 = arith.index_cast %mul3A_16 : i32 to index
      %get3A_59 = tpu.vector_load %arg5[%get3A_57, %get3A_58] {strides = array<i32>} : memref<32x256xf32, #tpu.memory_space<vmem>>, vector<1x16xf32>,
      %get3A_60 = vector.shape_cast %get3A_59 : vector<1x16xf32> to vector<16xf32>
      %get3A_61 = arith.constant 9 : i32
      %get3A_62 = arith.index_cast %get3A_61 : i32 to index
      %get3A_63 = arith.index_cast %mul3A_16 : i32 to index
      %get3A_64 = tpu.vector_load %arg5[%get3A_62, %get3A_63] {strides = array<i32>} : memref<32x256xf32, #tpu.memory_space<vmem>>, vector<1x16xf32>,
      %get3A_65 = vector.shape_cast %get3A_64 : vector<1x16xf32> to vector<16xf32>
      %get3A_66 = arith.constant 10 : i32
      %get3A_67 = arith.index_cast %get3A_66 : i32 to index
      %get3A_68 = arith.index_cast %mul3A_16 : i32 to index
      %get3A_69 = tpu.vector_load %arg5[%get3A_67, %get3A_68] {strides = array<i32>} : memref<32x256xf32, #tpu.memory_space<vmem>>, vector<1x16xf32>,
      %get3A_70 = vector.shape_cast %get3A_69 : vector<1x16xf32> to vector<16xf32>
      %get3A_71 = arith.constant 11 : i32
      %get3A_72 = arith.index_cast %get3A_71 : i32 to index
      %get3A_73 = arith.index_cast %mul3A_16 : i32 to index
      %get3A_74 = tpu.vector_load %arg5[%get3A_72, %get3A_73] {strides = array<i32>} : memref<32x256xf32, #tpu.memory_space<vmem>>, vector<1x16xf32>,
      %get3A_75 = vector.shape_cast %get3A_74 : vector<1x16xf32> to vector<16xf32>
      %get3A_76 = arith.constant 12 : i32
      %get3A_77 = arith.index_cast %get3A_76 : i32 to index
      %get3A_78 = arith.index_cast %mul3A_16 : i32 to index
      %get3A_79 = tpu.vector_load %arg5[%get3A_77, %get3A_78] {strides = array<i32>} : memref<32x256xf32, #tpu.memory_space<vmem>>, vector<1x16xf32>,
      %get3A_80 = vector.shape_cast %get3A_79 : vector<1x16xf32> to vector<16xf32>
      %get3A_81 = arith.constant 13 : i32
      %get3A_82 = arith.index_cast %get3A_81 : i32 to index
      %get3A_83 = arith.index_cast %mul3A_16 : i32 to index
      %get3A_84 = tpu.vector_load %arg5[%get3A_82, %get3A_83] {strides = array<i32>} : memref<32x256xf32, #tpu.memory_space<vmem>>, vector<1x16xf32>,
      %get3A_85 = vector.shape_cast %get3A_84 : vector<1x16xf32> to vector<16xf32>
      %get3A_86 = arith.constant 14 : i32
      %get3A_87 = arith.index_cast %get3A_86 : i32 to index
      %get3A_88 = arith.index_cast %mul3A_16 : i32 to index
      %get3A_89 = tpu.vector_load %arg5[%get3A_87, %get3A_88] {strides = array<i32>} : memref<32x256xf32, #tpu.memory_space<vmem>>, vector<1x16xf32>,
      %get3A_90 = vector.shape_cast %get3A_89 : vector<1x16xf32> to vector<16xf32>
      %get3A_91 = arith.constant 15 : i32
      %get3A_92 = arith.index_cast %get3A_91 : i32 to index
      %get3A_93 = arith.index_cast %mul3A_16 : i32 to index
      %get3A_94 = tpu.vector_load %arg5[%get3A_92, %get3A_93] {strides = array<i32>} : memref<32x256xf32, #tpu.memory_space<vmem>>, vector<1x16xf32>,
      %get3A_95 = vector.shape_cast %get3A_94 : vector<1x16xf32> to vector<16xf32>
      %xor3A = arith.constant 1 : i32
      %xor3A_96 = vector.broadcast %xor3A : i32 to vector<16xi32>
      %xor3A_97 = arith.xori %iota3A, %xor3A_96 : vector<16xi32>
      %lt3A_98 = arith.constant 0 : i32
      %lt3A_99 = vector.broadcast %lt3A_98 : i32 to vector<16xi32>
      %lt3A_100 = arith.cmpi slt, %xor3A_97, %lt3A_99 : vector<16xi32>
      %add3A_101 = arith.constant 16 : i32
      %add3A_102 = vector.broadcast %add3A_101 : i32 to vector<16xi32>
      %add3A_103 = arith.addi %xor3A_97, %add3A_102 : vector<16xi32>
      %select_n3A = arith.select %lt3A_100, %add3A_103, %xor3A_97 : vector<16xi1>, vector<16xi32>
      %broadcast_in_dim3A = vector.shape_cast %select_n3A : vector<16xi32> to vector<16x1xi32>
      %gather3A = vector.shape_cast %broadcast_in_dim3A : vector<16x1xi32> to vector<16xi32>
      %gather3A_104 = tpu.dynamic_gather %get3A_25[%gather3A] in [0] : vector<16xf32>, vector<16xi32> -> vector<16xf32>
      %and3A = arith.constant 1 : i32
      %and3A_105 = vector.broadcast %and3A : i32 to vector<16xi32>
      %and3A_106 = arith.andi %iota3A, %and3A_105 : vector<16xi32>
      %eq3A = arith.constant 0 : i32
      %eq3A_107 = vector.broadcast %eq3A : i32 to vector<16xi32>
      %eq3A_108 = arith.cmpi eq, %and3A_106, %eq3A_107 : vector<16xi32>
      %select_n3A_109 = arith.select %eq3A_108, %get3A_20, %gather3A_104 : vector<16xi1>, vector<16xf32>
      %lt3A_110 = arith.constant 0 : i32
      %lt3A_111 = vector.broadcast %lt3A_110 : i32 to vector<16xi32>
      %lt3A_112 = arith.cmpi slt, %xor3A_97, %lt3A_111 : vector<16xi32>
      %add3A_113 = arith.constant 16 : i32
      %add3A_114 = vector.broadcast %add3A_113 : i32 to vector<16xi32>
      %add3A_115 = arith.addi %xor3A_97, %add3A_114 : vector<16xi32>
      %select_n3A_116 = arith.select %lt3A_112, %add3A_115, %xor3A_97 : vector<16xi1>, vector<16xi32>
      %broadcast_in_dim3A_117 = vector.shape_cast %select_n3A_116 : vector<16xi32> to vector<16x1xi32>
      %gather3A_118 = vector.shape_cast %broadcast_in_dim3A_117 : vector<16x1xi32> to vector<16xi32>
      %gather3A_119 = tpu.dynamic_gather %get3A_20[%gather3A_118] in [0] : vector<16xf32>, vector<16xi32> -> vector<16xf32>
      %and3A_120 = arith.constant 1 : i32
      %and3A_121 = vector.broadcast %and3A_120 : i32 to vector<16xi32>
      %and3A_122 = arith.andi %iota3A, %and3A_121 : vector<16xi32>
      %eq3A_123 = arith.constant 1 : i32
      %eq3A_124 = vector.broadcast %eq3A_123 : i32 to vector<16xi32>
      %eq3A_125 = arith.cmpi eq, %and3A_122, %eq3A_124 : vector<16xi32>
      %select_n3A_126 = arith.select %eq3A_125, %get3A_25, %gather3A_119 : vector<16xi1>, vector<16xf32>
      %lt3A_127 = arith.constant 0 : i32
      %lt3A_128 = vector.broadcast %lt3A_127 : i32 to vector<16xi32>
      %lt3A_129 = arith.cmpi slt, %xor3A_97, %lt3A_128 : vector<16xi32>
      %add3A_130 = arith.constant 16 : i32
      %add3A_131 = vector.broadcast %add3A_130 : i32 to vector<16xi32>
      %add3A_132 = arith.addi %xor3A_97, %add3A_131 : vector<16xi32>
      %select_n3A_133 = arith.select %lt3A_129, %add3A_132, %xor3A_97 : vector<16xi1>, vector<16xi32>
      %broadcast_in_dim3A_134 = vector.shape_cast %select_n3A_133 : vector<16xi32> to vector<16x1xi32>
      %gather3A_135 = vector.shape_cast %broadcast_in_dim3A_134 : vector<16x1xi32> to vector<16xi32>
      %gather3A_136 = tpu.dynamic_gather %get3A_35[%gather3A_135] in [0] : vector<16xf32>, vector<16xi32> -> vector<16xf32>
      %and3A_137 = arith.constant 1 : i32
      %and3A_138 = vector.broadcast %and3A_137 : i32 to vector<16xi32>
      %and3A_139 = arith.andi %iota3A, %and3A_138 : vector<16xi32>
      %eq3A_140 = arith.constant 0 : i32
      %eq3A_141 = vector.broadcast %eq3A_140 : i32 to vector<16xi32>
      %eq3A_142 = arith.cmpi eq, %and3A_139, %eq3A_141 : vector<16xi32>
      %select_n3A_143 = arith.select %eq3A_142, %get3A_30, %gather3A_136 : vector<16xi1>, vector<16xf32>
      %lt3A_144 = arith.constant 0 : i32
      %lt3A_145 = vector.broadcast %lt3A_144 : i32 to vector<16xi32>
      %lt3A_146 = arith.cmpi slt, %xor3A_97, %lt3A_145 : vector<16xi32>
      %add3A_147 = arith.constant 16 : i32
      %add3A_148 = vector.broadcast %add3A_147 : i32 to vector<16xi32>
      %add3A_149 = arith.addi %xor3A_97, %add3A_148 : vector<16xi32>
      %select_n3A_150 = arith.select %lt3A_146, %add3A_149, %xor3A_97 : vector<16xi1>, vector<16xi32>
      %broadcast_in_dim3A_151 = vector.shape_cast %select_n3A_150 : vector<16xi32> to vector<16x1xi32>
      %gather3A_152 = vector.shape_cast %broadcast_in_dim3A_151 : vector<16x1xi32> to vector<16xi32>
      %gather3A_153 = tpu.dynamic_gather %get3A_30[%gather3A_152] in [0] : vector<16xf32>, vector<16xi32> -> vector<16xf32>
      %and3A_154 = arith.constant 1 : i32
      %and3A_155 = vector.broadcast %and3A_154 : i32 to vector<16xi32>
      %and3A_156 = arith.andi %iota3A, %and3A_155 : vector<16xi32>
      %eq3A_157 = arith.constant 1 : i32
      %eq3A_158 = vector.broadcast %eq3A_157 : i32 to vector<16xi32>
      %eq3A_159 = arith.cmpi eq, %and3A_156, %eq3A_158 : vector<16xi32>
      %select_n3A_160 = arith.select %eq3A_159, %get3A_35, %gather3A_153 : vector<16xi1>, vector<16xf32>
      %lt3A_161 = arith.constant 0 : i32
      %lt3A_162 = vector.broadcast %lt3A_161 : i32 to vector<16xi32>
      %lt3A_163 = arith.cmpi slt, %xor3A_97, %lt3A_162 : vector<16xi32>
      %add3A_164 = arith.constant 16 : i32
      %add3A_165 = vector.broadcast %add3A_164 : i32 to vector<16xi32>
      %add3A_166 = arith.addi %xor3A_97, %add3A_165 : vector<16xi32>
      %select_n3A_167 = arith.select %lt3A_163, %add3A_166, %xor3A_97 : vector<16xi1>, vector<16xi32>
      %broadcast_in_dim3A_168 = vector.shape_cast %select_n3A_167 : vector<16xi32> to vector<16x1xi32>
      %gather3A_169 = vector.shape_cast %broadcast_in_dim3A_168 : vector<16x1xi32> to vector<16xi32>
      %gather3A_170 = tpu.dynamic_gather %get3A_45[%gather3A_169] in [0] : vector<16xf32>, vector<16xi32> -> vector<16xf32>
      %and3A_171 = arith.constant 1 : i32
      %and3A_172 = vector.broadcast %and3A_171 : i32 to vector<16xi32>
      %and3A_173 = arith.andi %iota3A, %and3A_172 : vector<16xi32>
      %eq3A_174 = arith.constant 0 : i32
      %eq3A_175 = vector.broadcast %eq3A_174 : i32 to vector<16xi32>
      %eq3A_176 = arith.cmpi eq, %and3A_173, %eq3A_175 : vector<16xi32>
      %select_n3A_177 = arith.select %eq3A_176, %get3A_40, %gather3A_170 : vector<16xi1>, vector<16xf32>
      %lt3A_178 = arith.constant 0 : i32
      %lt3A_179 = vector.broadcast %lt3A_178 : i32 to vector<16xi32>
      %lt3A_180 = arith.cmpi slt, %xor3A_97, %lt3A_179 : vector<16xi32>
      %add3A_181 = arith.constant 16 : i32
      %add3A_182 = vector.broadcast %add3A_181 : i32 to vector<16xi32>
      %add3A_183 = arith.addi %xor3A_97, %add3A_182 : vector<16xi32>
      %select_n3A_184 = arith.select %lt3A_180, %add3A_183, %xor3A_97 : vector<16xi1>, vector<16xi32>
      %broadcast_in_dim3A_185 = vector.shape_cast %select_n3A_184 : vector<16xi32> to vector<16x1xi32>
      %gather3A_186 = vector.shape_cast %broadcast_in_dim3A_185 : vector<16x1xi32> to vector<16xi32>
      %gather3A_187 = tpu.dynamic_gather %get3A_40[%gather3A_186] in [0] : vector<16xf32>, vector<16xi32> -> vector<16xf32>
      %and3A_188 = arith.constant 1 : i32
      %and3A_189 = vector.broadcast %and3A_188 : i32 to vector<16xi32>
      %and3A_190 = arith.andi %iota3A, %and3A_189 : vector<16xi32>
      %eq3A_191 = arith.constant 1 : i32
      %eq3A_192 = vector.broadcast %eq3A_191 : i32 to vector<16xi32>
      %eq3A_193 = arith.cmpi eq, %and3A_190, %eq3A_192 : vector<16xi32>
      %select_n3A_194 = arith.select %eq3A_193, %get3A_45, %gather3A_187 : vector<16xi1>, vector<16xf32>
      %lt3A_195 = arith.constant 0 : i32
      %lt3A_196 = vector.broadcast %lt3A_195 : i32 to vector<16xi32>
      %lt3A_197 = arith.cmpi slt, %xor3A_97, %lt3A_196 : vector<16xi32>
      %add3A_198 = arith.constant 16 : i32
      %add3A_199 = vector.broadcast %add3A_198 : i32 to vector<16xi32>
      %add3A_200 = arith.addi %xor3A_97, %add3A_199 : vector<16xi32>
      %select_n3A_201 = arith.select %lt3A_197, %add3A_200, %xor3A_97 : vector<16xi1>, vector<16xi32>
      %broadcast_in_dim3A_202 = vector.shape_cast %select_n3A_201 : vector<16xi32> to vector<16x1xi32>
      %gather3A_203 = vector.shape_cast %broadcast_in_dim3A_202 : vector<16x1xi32> to vector<16xi32>
      %gather3A_204 = tpu.dynamic_gather %get3A_55[%gather3A_203] in [0] : vector<16xf32>, vector<16xi32> -> vector<16xf32>
      %and3A_205 = arith.constant 1 : i32
      %and3A_206 = vector.broadcast %and3A_205 : i32 to vector<16xi32>
      %and3A_207 = arith.andi %iota3A, %and3A_206 : vector<16xi32>
      %eq3A_208 = arith.constant 0 : i32
      %eq3A_209 = vector.broadcast %eq3A_208 : i32 to vector<16xi32>
      %eq3A_210 = arith.cmpi eq, %and3A_207, %eq3A_209 : vector<16xi32>
      %select_n3A_211 = arith.select %eq3A_210, %get3A_50, %gather3A_204 : vector<16xi1>, vector<16xf32>
      %lt3A_212 = arith.constant 0 : i32
      %lt3A_213 = vector.broadcast %lt3A_212 : i32 to vector<16xi32>
      %lt3A_214 = arith.cmpi slt, %xor3A_97, %lt3A_213 : vector<16xi32>
      %add3A_215 = arith.constant 16 : i32
      %add3A_216 = vector.broadcast %add3A_215 : i32 to vector<16xi32>
      %add3A_217 = arith.addi %xor3A_97, %add3A_216 : vector<16xi32>
      %select_n3A_218 = arith.select %lt3A_214, %add3A_217, %xor3A_97 : vector<16xi1>, vector<16xi32>
      %broadcast_in_dim3A_219 = vector.shape_cast %select_n3A_218 : vector<16xi32> to vector<16x1xi32>
      %gather3A_220 = vector.shape_cast %broadcast_in_dim3A_219 : vector<16x1xi32> to vector<16xi32>
      %gather3A_221 = tpu.dynamic_gather %get3A_50[%gather3A_220] in [0] : vector<16xf32>, vector<16xi32> -> vector<16xf32>
      %and3A_222 = arith.constant 1 : i32
      %and3A_223 = vector.broadcast %and3A_222 : i32 to vector<16xi32>
      %and3A_224 = arith.andi %iota3A, %and3A_223 : vector<16xi32>
      %eq3A_225 = arith.constant 1 : i32
      %eq3A_226 = vector.broadcast %eq3A_225 : i32 to vector<16xi32>
      %eq3A_227 = arith.cmpi eq, %and3A_224, %eq3A_226 : vector<16xi32>
      %select_n3A_228 = arith.select %eq3A_227, %get3A_55, %gather3A_221 : vector<16xi1>, vector<16xf32>
      %lt3A_229 = arith.constant 0 : i32
      %lt3A_230 = vector.broadcast %lt3A_229 : i32 to vector<16xi32>
      %lt3A_231 = arith.cmpi slt, %xor3A_97, %lt3A_230 : vector<16xi32>
      %add3A_232 = arith.constant 16 : i32
      %add3A_233 = vector.broadcast %add3A_232 : i32 to vector<16xi32>
      %add3A_234 = arith.addi %xor3A_97, %add3A_233 : vector<16xi32>
      %select_n3A_235 = arith.select %lt3A_231, %add3A_234, %xor3A_97 : vector<16xi1>, vector<16xi32>
      %broadcast_in_dim3A_236 = vector.shape_cast %select_n3A_235 : vector<16xi32> to vector<16x1xi32>
      %gather3A_237 = vector.shape_cast %broadcast_in_dim3A_236 : vector<16x1xi32> to vector<16xi32>
      %gather3A_238 = tpu.dynamic_gather %get3A_65[%gather3A_237] in [0] : vector<16xf32>, vector<16xi32> -> vector<16xf32>
      %and3A_239 = arith.constant 1 : i32
      %and3A_240 = vector.broadcast %and3A_239 : i32 to vector<16xi32>
      %and3A_241 = arith.andi %iota3A, %and3A_240 : vector<16xi32>
      %eq3A_242 = arith.constant 0 : i32
      %eq3A_243 = vector.broadcast %eq3A_242 : i32 to vector<16xi32>
      %eq3A_244 = arith.cmpi eq, %and3A_241, %eq3A_243 : vector<16xi32>
      %select_n3A_245 = arith.select %eq3A_244, %get3A_60, %gather3A_238 : vector<16xi1>, vector<16xf32>
      %lt3A_246 = arith.constant 0 : i32
      %lt3A_247 = vector.broadcast %lt3A_246 : i32 to vector<16xi32>
      %lt3A_248 = arith.cmpi slt, %xor3A_97, %lt3A_247 : vector<16xi32>
      %add3A_249 = arith.constant 16 : i32
      %add3A_250 = vector.broadcast %add3A_249 : i32 to vector<16xi32>
      %add3A_251 = arith.addi %xor3A_97, %add3A_250 : vector<16xi32>
      %select_n3A_252 = arith.select %lt3A_248, %add3A_251, %xor3A_97 : vector<16xi1>, vector<16xi32>
      %broadcast_in_dim3A_253 = vector.shape_cast %select_n3A_252 : vector<16xi32> to vector<16x1xi32>
      %gather3A_254 = vector.shape_cast %broadcast_in_dim3A_253 : vector<16x1xi32> to vector<16xi32>
      %gather3A_255 = tpu.dynamic_gather %get3A_60[%gather3A_254] in [0] : vector<16xf32>, vector<16xi32> -> vector<16xf32>
      %and3A_256 = arith.constant 1 : i32
      %and3A_257 = vector.broadcast %and3A_256 : i32 to vector<16xi32>
      %and3A_258 = arith.andi %iota3A, %and3A_257 : vector<16xi32>
      %eq3A_259 = arith.constant 1 : i32
      %eq3A_260 = vector.broadcast %eq3A_259 : i32 to vector<16xi32>
      %eq3A_261 = arith.cmpi eq, %and3A_258, %eq3A_260 : vector<16xi32>
      %select_n3A_262 = arith.select %eq3A_261, %get3A_65, %gather3A_255 : vector<16xi1>, vector<16xf32>
      %lt3A_263 = arith.constant 0 : i32
      %lt3A_264 = vector.broadcast %lt3A_263 : i32 to vector<16xi32>
      %lt3A_265 = arith.cmpi slt, %xor3A_97, %lt3A_264 : vector<16xi32>
      %add3A_266 = arith.constant 16 : i32
      %add3A_267 = vector.broadcast %add3A_266 : i32 to vector<16xi32>
      %add3A_268 = arith.addi %xor3A_97, %add3A_267 : vector<16xi32>
      %select_n3A_269 = arith.select %lt3A_265, %add3A_268, %xor3A_97 : vector<16xi1>, vector<16xi32>
      %broadcast_in_dim3A_270 = vector.shape_cast %select_n3A_269 : vector<16xi32> to vector<16x1xi32>
      %gather3A_271 = vector.shape_cast %broadcast_in_dim3A_270 : vector<16x1xi32> to vector<16xi32>
      %gather3A_272 = tpu.dynamic_gather %get3A_75[%gather3A_271] in [0] : vector<16xf32>, vector<16xi32> -> vector<16xf32>
      %and3A_273 = arith.constant 1 : i32
      %and3A_274 = vector.broadcast %and3A_273 : i32 to vector<16xi32>
      %and3A_275 = arith.andi %iota3A, %and3A_274 : vector<16xi32>
      %eq3A_276 = arith.constant 0 : i32
      %eq3A_277 = vector.broadcast %eq3A_276 : i32 to vector<16xi32>
      %eq3A_278 = arith.cmpi eq, %and3A_275, %eq3A_277 : vector<16xi32>
      %select_n3A_279 = arith.select %eq3A_278, %get3A_70, %gather3A_272 : vector<16xi1>, vector<16xf32>
      %lt3A_280 = arith.constant 0 : i32
      %lt3A_281 = vector.broadcast %lt3A_280 : i32 to vector<16xi32>
      %lt3A_282 = arith.cmpi slt, %xor3A_97, %lt3A_281 : vector<16xi32>
      %add3A_283 = arith.constant 16 : i32
      %add3A_284 = vector.broadcast %add3A_283 : i32 to vector<16xi32>
      %add3A_285 = arith.addi %xor3A_97, %add3A_284 : vector<16xi32>
      %select_n3A_286 = arith.select %lt3A_282, %add3A_285, %xor3A_97 : vector<16xi1>, vector<16xi32>
      %broadcast_in_dim3A_287 = vector.shape_cast %select_n3A_286 : vector<16xi32> to vector<16x1xi32>
      %gather3A_288 = vector.shape_cast %broadcast_in_dim3A_287 : vector<16x1xi32> to vector<16xi32>
      %gather3A_289 = tpu.dynamic_gather %get3A_70[%gather3A_288] in [0] : vector<16xf32>, vector<16xi32> -> vector<16xf32>
      %and3A_290 = arith.constant 1 : i32
      %and3A_291 = vector.broadcast %and3A_290 : i32 to vector<16xi32>
      %and3A_292 = arith.andi %iota3A, %and3A_291 : vector<16xi32>
      %eq3A_293 = arith.constant 1 : i32
      %eq3A_294 = vector.broadcast %eq3A_293 : i32 to vector<16xi32>
      %eq3A_295 = arith.cmpi eq, %and3A_292, %eq3A_294 : vector<16xi32>
      %select_n3A_296 = arith.select %eq3A_295, %get3A_75, %gather3A_289 : vector<16xi1>, vector<16xf32>
      %lt3A_297 = arith.constant 0 : i32
      %lt3A_298 = vector.broadcast %lt3A_297 : i32 to vector<16xi32>
      %lt3A_299 = arith.cmpi slt, %xor3A_97, %lt3A_298 : vector<16xi32>
      %add3A_300 = arith.constant 16 : i32
      %add3A_301 = vector.broadcast %add3A_300 : i32 to vector<16xi32>
      %add3A_302 = arith.addi %xor3A_97, %add3A_301 : vector<16xi32>
      %select_n3A_303 = arith.select %lt3A_299, %add3A_302, %xor3A_97 : vector<16xi1>, vector<16xi32>
      %broadcast_in_dim3A_304 = vector.shape_cast %select_n3A_303 : vector<16xi32> to vector<16x1xi32>
      %gather3A_305 = vector.shape_cast %broadcast_in_dim3A_304 : vector<16x1xi32> to vector<16xi32>
      %gather3A_306 = tpu.dynamic_gather %get3A_85[%gather3A_305] in [0] : vector<16xf32>, vector<16xi32> -> vector<16xf32>
      %and3A_307 = arith.constant 1 : i32
      %and3A_308 = vector.broadcast %and3A_307 : i32 to vector<16xi32>
      %and3A_309 = arith.andi %iota3A, %and3A_308 : vector<16xi32>
      %eq3A_310 = arith.constant 0 : i32
      %eq3A_311 = vector.broadcast %eq3A_310 : i32 to vector<16xi32>
      %eq3A_312 = arith.cmpi eq, %and3A_309, %eq3A_311 : vector<16xi32>
      %select_n3A_313 = arith.select %eq3A_312, %get3A_80, %gather3A_306 : vector<16xi1>, vector<16xf32>
      %lt3A_314 = arith.constant 0 : i32
      %lt3A_315 = vector.broadcast %lt3A_314 : i32 to vector<16xi32>
      %lt3A_316 = arith.cmpi slt, %xor3A_97, %lt3A_315 : vector<16xi32>
      %add3A_317 = arith.constant 16 : i32
      %add3A_318 = vector.broadcast %add3A_317 : i32 to vector<16xi32>
      %add3A_319 = arith.addi %xor3A_97, %add3A_318 : vector<16xi32>
      %select_n3A_320 = arith.select %lt3A_316, %add3A_319, %xor3A_97 : vector<16xi1>, vector<16xi32>
      %broadcast_in_dim3A_321 = vector.shape_cast %select_n3A_320 : vector<16xi32> to vector<16x1xi32>
      %gather3A_322 = vector.shape_cast %broadcast_in_dim3A_321 : vector<16x1xi32> to vector<16xi32>
      %gather3A_323 = tpu.dynamic_gather %get3A_80[%gather3A_322] in [0] : vector<16xf32>, vector<16xi32> -> vector<16xf32>
      %and3A_324 = arith.constant 1 : i32
      %and3A_325 = vector.broadcast %and3A_324 : i32 to vector<16xi32>
      %and3A_326 = arith.andi %iota3A, %and3A_325 : vector<16xi32>
      %eq3A_327 = arith.constant 1 : i32
      %eq3A_328 = vector.broadcast %eq3A_327 : i32 to vector<16xi32>
      %eq3A_329 = arith.cmpi eq, %and3A_326, %eq3A_328 : vector<16xi32>
      %select_n3A_330 = arith.select %eq3A_329, %get3A_85, %gather3A_323 : vector<16xi1>, vector<16xf32>
      %lt3A_331 = arith.constant 0 : i32
      %lt3A_332 = vector.broadcast %lt3A_331 : i32 to vector<16xi32>
      %lt3A_333 = arith.cmpi slt, %xor3A_97, %lt3A_332 : vector<16xi32>
      %add3A_334 = arith.constant 16 : i32
      %add3A_335 = vector.broadcast %add3A_334 : i32 to vector<16xi32>
      %add3A_336 = arith.addi %xor3A_97, %add3A_335 : vector<16xi32>
      %select_n3A_337 = arith.select %lt3A_333, %add3A_336, %xor3A_97 : vector<16xi1>, vector<16xi32>
      %broadcast_in_dim3A_338 = vector.shape_cast %select_n3A_337 : vector<16xi32> to vector<16x1xi32>
      %gather3A_339 = vector.shape_cast %broadcast_in_dim3A_338 : vector<16x1xi32> to vector<16xi32>
      %gather3A_340 = tpu.dynamic_gather %get3A_95[%gather3A_339] in [0] : vector<16xf32>, vector<16xi32> -> vector<16xf32>
      %and3A_341 = arith.constant 1 : i32
      %and3A_342 = vector.broadcast %and3A_341 : i32 to vector<16xi32>
      %and3A_343 = arith.andi %iota3A, %and3A_342 : vector<16xi32>
      %eq3A_344 = arith.constant 0 : i32
      %eq3A_345 = vector.broadcast %eq3A_344 : i32 to vector<16xi32>
      %eq3A_346 = arith.cmpi eq, %and3A_343, %eq3A_345 : vector<16xi32>
      %select_n3A_347 = arith.select %eq3A_346, %get3A_90, %gather3A_340 : vector<16xi1>, vector<16xf32>
      %lt3A_348 = arith.constant 0 : i32
      %lt3A_349 = vector.broadcast %lt3A_348 : i32 to vector<16xi32>
      %lt3A_350 = arith.cmpi slt, %xor3A_97, %lt3A_349 : vector<16xi32>
      %add3A_351 = arith.constant 16 : i32
      %add3A_352 = vector.broadcast %add3A_351 : i32 to vector<16xi32>
      %add3A_353 = arith.addi %xor3A_97, %add3A_352 : vector<16xi32>
      %select_n3A_354 = arith.select %lt3A_350, %add3A_353, %xor3A_97 : vector<16xi1>, vector<16xi32>
      %broadcast_in_dim3A_355 = vector.shape_cast %select_n3A_354 : vector<16xi32> to vector<16x1xi32>
      %gather3A_356 = vector.shape_cast %broadcast_in_dim3A_355 : vector<16x1xi32> to vector<16xi32>
      %gather3A_357 = tpu.dynamic_gather %get3A_90[%gather3A_356] in [0] : vector<16xf32>, vector<16xi32> -> vector<16xf32>
      %and3A_358 = arith.constant 1 : i32
      %and3A_359 = vector.broadcast %and3A_358 : i32 to vector<16xi32>
      %and3A_360 = arith.andi %iota3A, %and3A_359 : vector<16xi32>
      %eq3A_361 = arith.constant 1 : i32
      %eq3A_362 = vector.broadcast %eq3A_361 : i32 to vector<16xi32>
      %eq3A_363 = arith.cmpi eq, %and3A_360, %eq3A_362 : vector<16xi32>
      %select_n3A_364 = arith.select %eq3A_363, %get3A_95, %gather3A_357 : vector<16xi1>, vector<16xf32>
      %xor3A_365 = arith.constant 2 : i32
      %xor3A_366 = vector.broadcast %xor3A_365 : i32 to vector<16xi32>
      %xor3A_367 = arith.xori %iota3A, %xor3A_366 : vector<16xi32>
      %lt3A_368 = arith.constant 0 : i32
      %lt3A_369 = vector.broadcast %lt3A_368 : i32 to vector<16xi32>
      %lt3A_370 = arith.cmpi slt, %xor3A_367, %lt3A_369 : vector<16xi32>
      %add3A_371 = arith.constant 16 : i32
      %add3A_372 = vector.broadcast %add3A_371 : i32 to vector<16xi32>
      %add3A_373 = arith.addi %xor3A_367, %add3A_372 : vector<16xi32>
      %select_n3A_374 = arith.select %lt3A_370, %add3A_373, %xor3A_367 : vector<16xi1>, vector<16xi32>
      %broadcast_in_dim3A_375 = vector.shape_cast %select_n3A_374 : vector<16xi32> to vector<16x1xi32>
      %gather3A_376 = vector.shape_cast %broadcast_in_dim3A_375 : vector<16x1xi32> to vector<16xi32>
      %gather3A_377 = tpu.dynamic_gather %select_n3A_143[%gather3A_376] in [0] : vector<16xf32>, vector<16xi32> -> vector<16xf32>
      %and3A_378 = arith.constant 2 : i32
      %and3A_379 = vector.broadcast %and3A_378 : i32 to vector<16xi32>
      %and3A_380 = arith.andi %iota3A, %and3A_379 : vector<16xi32>
      %eq3A_381 = arith.constant 0 : i32
      %eq3A_382 = vector.broadcast %eq3A_381 : i32 to vector<16xi32>
      %eq3A_383 = arith.cmpi eq, %and3A_380, %eq3A_382 : vector<16xi32>
      %select_n3A_384 = arith.select %eq3A_383, %select_n3A_109, %gather3A_377 : vector<16xi1>, vector<16xf32>
      %lt3A_385 = arith.constant 0 : i32
      %lt3A_386 = vector.broadcast %lt3A_385 : i32 to vector<16xi32>
      %lt3A_387 = arith.cmpi slt, %xor3A_367, %lt3A_386 : vector<16xi32>
      %add3A_388 = arith.constant 16 : i32
      %add3A_389 = vector.broadcast %add3A_388 : i32 to vector<16xi32>
      %add3A_390 = arith.addi %xor3A_367, %add3A_389 : vector<16xi32>
      %select_n3A_391 = arith.select %lt3A_387, %add3A_390, %xor3A_367 : vector<16xi1>, vector<16xi32>
      %broadcast_in_dim3A_392 = vector.shape_cast %select_n3A_391 : vector<16xi32> to vector<16x1xi32>
      %gather3A_393 = vector.shape_cast %broadcast_in_dim3A_392 : vector<16x1xi32> to vector<16xi32>
      %gather3A_394 = tpu.dynamic_gather %select_n3A_160[%gather3A_393] in [0] : vector<16xf32>, vector<16xi32> -> vector<16xf32>
      %and3A_395 = arith.constant 2 : i32
      %and3A_396 = vector.broadcast %and3A_395 : i32 to vector<16xi32>
      %and3A_397 = arith.andi %iota3A, %and3A_396 : vector<16xi32>
      %eq3A_398 = arith.constant 0 : i32
      %eq3A_399 = vector.broadcast %eq3A_398 : i32 to vector<16xi32>
      %eq3A_400 = arith.cmpi eq, %and3A_397, %eq3A_399 : vector<16xi32>
      %select_n3A_401 = arith.select %eq3A_400, %select_n3A_126, %gather3A_394 : vector<16xi1>, vector<16xf32>
      %lt3A_402 = arith.constant 0 : i32
      %lt3A_403 = vector.broadcast %lt3A_402 : i32 to vector<16xi32>
      %lt3A_404 = arith.cmpi slt, %xor3A_367, %lt3A_403 : vector<16xi32>
      %add3A_405 = arith.constant 16 : i32
      %add3A_406 = vector.broadcast %add3A_405 : i32 to vector<16xi32>
      %add3A_407 = arith.addi %xor3A_367, %add3A_406 : vector<16xi32>
      %select_n3A_408 = arith.select %lt3A_404, %add3A_407, %xor3A_367 : vector<16xi1>, vector<16xi32>
      %broadcast_in_dim3A_409 = vector.shape_cast %select_n3A_408 : vector<16xi32> to vector<16x1xi32>
      %gather3A_410 = vector.shape_cast %broadcast_in_dim3A_409 : vector<16x1xi32> to vector<16xi32>
      %gather3A_411 = tpu.dynamic_gather %select_n3A_109[%gather3A_410] in [0] : vector<16xf32>, vector<16xi32> -> vector<16xf32>
      %and3A_412 = arith.constant 2 : i32
      %and3A_413 = vector.broadcast %and3A_412 : i32 to vector<16xi32>
      %and3A_414 = arith.andi %iota3A, %and3A_413 : vector<16xi32>
      %eq3A_415 = arith.constant 2 : i32
      %eq3A_416 = vector.broadcast %eq3A_415 : i32 to vector<16xi32>
      %eq3A_417 = arith.cmpi eq, %and3A_414, %eq3A_416 : vector<16xi32>
      %select_n3A_418 = arith.select %eq3A_417, %select_n3A_143, %gather3A_411 : vector<16xi1>, vector<16xf32>
      %lt3A_419 = arith.constant 0 : i32
      %lt3A_420 = vector.broadcast %lt3A_419 : i32 to vector<16xi32>
      %lt3A_421 = arith.cmpi slt, %xor3A_367, %lt3A_420 : vector<16xi32>
      %add3A_422 = arith.constant 16 : i32
      %add3A_423 = vector.broadcast %add3A_422 : i32 to vector<16xi32>
      %add3A_424 = arith.addi %xor3A_367, %add3A_423 : vector<16xi32>
      %select_n3A_425 = arith.select %lt3A_421, %add3A_424, %xor3A_367 : vector<16xi1>, vector<16xi32>
      %broadcast_in_dim3A_426 = vector.shape_cast %select_n3A_425 : vector<16xi32> to vector<16x1xi32>
      %gather3A_427 = vector.shape_cast %broadcast_in_dim3A_426 : vector<16x1xi32> to vector<16xi32>
      %gather3A_428 = tpu.dynamic_gather %select_n3A_126[%gather3A_427] in [0] : vector<16xf32>, vector<16xi32> -> vector<16xf32>
      %and3A_429 = arith.constant 2 : i32
      %and3A_430 = vector.broadcast %and3A_429 : i32 to vector<16xi32>
      %and3A_431 = arith.andi %iota3A, %and3A_430 : vector<16xi32>
      %eq3A_432 = arith.constant 2 : i32
      %eq3A_433 = vector.broadcast %eq3A_432 : i32 to vector<16xi32>
      %eq3A_434 = arith.cmpi eq, %and3A_431, %eq3A_433 : vector<16xi32>
      %select_n3A_435 = arith.select %eq3A_434, %select_n3A_160, %gather3A_428 : vector<16xi1>, vector<16xf32>
      %lt3A_436 = arith.constant 0 : i32
      %lt3A_437 = vector.broadcast %lt3A_436 : i32 to vector<16xi32>
      %lt3A_438 = arith.cmpi slt, %xor3A_367, %lt3A_437 : vector<16xi32>
      %add3A_439 = arith.constant 16 : i32
      %add3A_440 = vector.broadcast %add3A_439 : i32 to vector<16xi32>
      %add3A_441 = arith.addi %xor3A_367, %add3A_440 : vector<16xi32>
      %select_n3A_442 = arith.select %lt3A_438, %add3A_441, %xor3A_367 : vector<16xi1>, vector<16xi32>
      %broadcast_in_dim3A_443 = vector.shape_cast %select_n3A_442 : vector<16xi32> to vector<16x1xi32>
      %gather3A_444 = vector.shape_cast %broadcast_in_dim3A_443 : vector<16x1xi32> to vector<16xi32>
      %gather3A_445 = tpu.dynamic_gather %select_n3A_211[%gather3A_444] in [0] : vector<16xf32>, vector<16xi32> -> vector<16xf32>
      %and3A_446 = arith.constant 2 : i32
      %and3A_447 = vector.broadcast %and3A_446 : i32 to vector<16xi32>
      %and3A_448 = arith.andi %iota3A, %and3A_447 : vector<16xi32>
      %eq3A_449 = arith.constant 0 : i32
      %eq3A_450 = vector.broadcast %eq3A_449 : i32 to vector<16xi32>
      %eq3A_451 = arith.cmpi eq, %and3A_448, %eq3A_450 : vector<16xi32>
      %select_n3A_452 = arith.select %eq3A_451, %select_n3A_177, %gather3A_445 : vector<16xi1>, vector<16xf32>
      %lt3A_453 = arith.constant 0 : i32
      %lt3A_454 = vector.broadcast %lt3A_453 : i32 to vector<16xi32>
      %lt3A_455 = arith.cmpi slt, %xor3A_367, %lt3A_454 : vector<16xi32>
      %add3A_456 = arith.constant 16 : i32
      %add3A_457 = vector.broadcast %add3A_456 : i32 to vector<16xi32>
      %add3A_458 = arith.addi %xor3A_367, %add3A_457 : vector<16xi32>
      %select_n3A_459 = arith.select %lt3A_455, %add3A_458, %xor3A_367 : vector<16xi1>, vector<16xi32>
      %broadcast_in_dim3A_460 = vector.shape_cast %select_n3A_459 : vector<16xi32> to vector<16x1xi32>
      %gather3A_461 = vector.shape_cast %broadcast_in_dim3A_460 : vector<16x1xi32> to vector<16xi32>
      %gather3A_462 = tpu.dynamic_gather %select_n3A_228[%gather3A_461] in [0] : vector<16xf32>, vector<16xi32> -> vector<16xf32>
      %and3A_463 = arith.constant 2 : i32
      %and3A_464 = vector.broadcast %and3A_463 : i32 to vector<16xi32>
      %and3A_465 = arith.andi %iota3A, %and3A_464 : vector<16xi32>
      %eq3A_466 = arith.constant 0 : i32
      %eq3A_467 = vector.broadcast %eq3A_466 : i32 to vector<16xi32>
      %eq3A_468 = arith.cmpi eq, %and3A_465, %eq3A_467 : vector<16xi32>
      %select_n3A_469 = arith.select %eq3A_468, %select_n3A_194, %gather3A_462 : vector<16xi1>, vector<16xf32>
      %lt3A_470 = arith.constant 0 : i32
      %lt3A_471 = vector.broadcast %lt3A_470 : i32 to vector<16xi32>
      %lt3A_472 = arith.cmpi slt, %xor3A_367, %lt3A_471 : vector<16xi32>
      %add3A_473 = arith.constant 16 : i32
      %add3A_474 = vector.broadcast %add3A_473 : i32 to vector<16xi32>
      %add3A_475 = arith.addi %xor3A_367, %add3A_474 : vector<16xi32>
      %select_n3A_476 = arith.select %lt3A_472, %add3A_475, %xor3A_367 : vector<16xi1>, vector<16xi32>
      %broadcast_in_dim3A_477 = vector.shape_cast %select_n3A_476 : vector<16xi32> to vector<16x1xi32>
      %gather3A_478 = vector.shape_cast %broadcast_in_dim3A_477 : vector<16x1xi32> to vector<16xi32>
      %gather3A_479 = tpu.dynamic_gather %select_n3A_177[%gather3A_478] in [0] : vector<16xf32>, vector<16xi32> -> vector<16xf32>
      %and3A_480 = arith.constant 2 : i32
      %and3A_481 = vector.broadcast %and3A_480 : i32 to vector<16xi32>
      %and3A_482 = arith.andi %iota3A, %and3A_481 : vector<16xi32>
      %eq3A_483 = arith.constant 2 : i32
      %eq3A_484 = vector.broadcast %eq3A_483 : i32 to vector<16xi32>
      %eq3A_485 = arith.cmpi eq, %and3A_482, %eq3A_484 : vector<16xi32>
      %select_n3A_486 = arith.select %eq3A_485, %select_n3A_211, %gather3A_479 : vector<16xi1>, vector<16xf32>
      %lt3A_487 = arith.constant 0 : i32
      %lt3A_488 = vector.broadcast %lt3A_487 : i32 to vector<16xi32>
      %lt3A_489 = arith.cmpi slt, %xor3A_367, %lt3A_488 : vector<16xi32>
      %add3A_490 = arith.constant 16 : i32
      %add3A_491 = vector.broadcast %add3A_490 : i32 to vector<16xi32>
      %add3A_492 = arith.addi %xor3A_367, %add3A_491 : vector<16xi32>
      %select_n3A_493 = arith.select %lt3A_489, %add3A_492, %xor3A_367 : vector<16xi1>, vector<16xi32>
      %broadcast_in_dim3A_494 = vector.shape_cast %select_n3A_493 : vector<16xi32> to vector<16x1xi32>
      %gather3A_495 = vector.shape_cast %broadcast_in_dim3A_494 : vector<16x1xi32> to vector<16xi32>
      %gather3A_496 = tpu.dynamic_gather %select_n3A_194[%gather3A_495] in [0] : vector<16xf32>, vector<16xi32> -> vector<16xf32>
      %and3A_497 = arith.constant 2 : i32
      %and3A_498 = vector.broadcast %and3A_497 : i32 to vector<16xi32>
      %and3A_499 = arith.andi %iota3A, %and3A_498 : vector<16xi32>
      %eq3A_500 = arith.constant 2 : i32
      %eq3A_501 = vector.broadcast %eq3A_500 : i32 to vector<16xi32>
      %eq3A_502 = arith.cmpi eq, %and3A_499, %eq3A_501 : vector<16xi32>
      %select_n3A_503 = arith.select %eq3A_502, %select_n3A_228, %gather3A_496 : vector<16xi1>, vector<16xf32>
      %lt3A_504 = arith.constant 0 : i32
      %lt3A_505 = vector.broadcast %lt3A_504 : i32 to vector<16xi32>
      %lt3A_506 = arith.cmpi slt, %xor3A_367, %lt3A_505 : vector<16xi32>
      %add3A_507 = arith.constant 16 : i32
      %add3A_508 = vector.broadcast %add3A_507 : i32 to vector<16xi32>
      %add3A_509 = arith.addi %xor3A_367, %add3A_508 : vector<16xi32>
      %select_n3A_510 = arith.select %lt3A_506, %add3A_509, %xor3A_367 : vector<16xi1>, vector<16xi32>
      %broadcast_in_dim3A_511 = vector.shape_cast %select_n3A_510 : vector<16xi32> to vector<16x1xi32>
      %gather3A_512 = vector.shape_cast %broadcast_in_dim3A_511 : vector<16x1xi32> to vector<16xi32>
      %gather3A_513 = tpu.dynamic_gather %select_n3A_279[%gather3A_512] in [0] : vector<16xf32>, vector<16xi32> -> vector<16xf32>
      %and3A_514 = arith.constant 2 : i32
      %and3A_515 = vector.broadcast %and3A_514 : i32 to vector<16xi32>
      %and3A_516 = arith.andi %iota3A, %and3A_515 : vector<16xi32>
      %eq3A_517 = arith.constant 0 : i32
      %eq3A_518 = vector.broadcast %eq3A_517 : i32 to vector<16xi32>
      %eq3A_519 = arith.cmpi eq, %and3A_516, %eq3A_518 : vector<16xi32>
      %select_n3A_520 = arith.select %eq3A_519, %select_n3A_245, %gather3A_513 : vector<16xi1>, vector<16xf32>
      %lt3A_521 = arith.constant 0 : i32
      %lt3A_522 = vector.broadcast %lt3A_521 : i32 to vector<16xi32>
      %lt3A_523 = arith.cmpi slt, %xor3A_367, %lt3A_522 : vector<16xi32>
      %add3A_524 = arith.constant 16 : i32
      %add3A_525 = vector.broadcast %add3A_524 : i32 to vector<16xi32>
      %add3A_526 = arith.addi %xor3A_367, %add3A_525 : vector<16xi32>
      %select_n3A_527 = arith.select %lt3A_523, %add3A_526, %xor3A_367 : vector<16xi1>, vector<16xi32>
      %broadcast_in_dim3A_528 = vector.shape_cast %select_n3A_527 : vector<16xi32> to vector<16x1xi32>
      %gather3A_529 = vector.shape_cast %broadcast_in_dim3A_528 : vector<16x1xi32> to vector<16xi32>
      %gather3A_530 = tpu.dynamic_gather %select_n3A_296[%gather3A_529] in [0] : vector<16xf32>, vector<16xi32> -> vector<16xf32>
      %and3A_531 = arith.constant 2 : i32
      %and3A_532 = vector.broadcast %and3A_531 : i32 to vector<16xi32>
      %and3A_533 = arith.andi %iota3A, %and3A_532 : vector<16xi32>
      %eq3A_534 = arith.constant 0 : i32
      %eq3A_535 = vector.broadcast %eq3A_534 : i32 to vector<16xi32>
      %eq3A_536 = arith.cmpi eq, %and3A_533, %eq3A_535 : vector<16xi32>
      %select_n3A_537 = arith.select %eq3A_536, %select_n3A_262, %gather3A_530 : vector<16xi1>, vector<16xf32>
      %lt3A_538 = arith.constant 0 : i32
      %lt3A_539 = vector.broadcast %lt3A_538 : i32 to vector<16xi32>
      %lt3A_540 = arith.cmpi slt, %xor3A_367, %lt3A_539 : vector<16xi32>
      %add3A_541 = arith.constant 16 : i32
      %add3A_542 = vector.broadcast %add3A_541 : i32 to vector<16xi32>
      %add3A_543 = arith.addi %xor3A_367, %add3A_542 : vector<16xi32>
      %select_n3A_544 = arith.select %lt3A_540, %add3A_543, %xor3A_367 : vector<16xi1>, vector<16xi32>
      %broadcast_in_dim3A_545 = vector.shape_cast %select_n3A_544 : vector<16xi32> to vector<16x1xi32>
      %gather3A_546 = vector.shape_cast %broadcast_in_dim3A_545 : vector<16x1xi32> to vector<16xi32>
      %gather3A_547 = tpu.dynamic_gather %select_n3A_245[%gather3A_546] in [0] : vector<16xf32>, vector<16xi32> -> vector<16xf32>
      %and3A_548 = arith.constant 2 : i32
      %and3A_549 = vector.broadcast %and3A_548 : i32 to vector<16xi32>
      %and3A_550 = arith.andi %iota3A, %and3A_549 : vector<16xi32>
      %eq3A_551 = arith.constant 2 : i32
      %eq3A_552 = vector.broadcast %eq3A_551 : i32 to vector<16xi32>
      %eq3A_553 = arith.cmpi eq, %and3A_550, %eq3A_552 : vector<16xi32>
      %select_n3A_554 = arith.select %eq3A_553, %select_n3A_279, %gather3A_547 : vector<16xi1>, vector<16xf32>
      %lt3A_555 = arith.constant 0 : i32
      %lt3A_556 = vector.broadcast %lt3A_555 : i32 to vector<16xi32>
      %lt3A_557 = arith.cmpi slt, %xor3A_367, %lt3A_556 : vector<16xi32>
      %add3A_558 = arith.constant 16 : i32
      %add3A_559 = vector.broadcast %add3A_558 : i32 to vector<16xi32>
      %add3A_560 = arith.addi %xor3A_367, %add3A_559 : vector<16xi32>
      %select_n3A_561 = arith.select %lt3A_557, %add3A_560, %xor3A_367 : vector<16xi1>, vector<16xi32>
      %broadcast_in_dim3A_562 = vector.shape_cast %select_n3A_561 : vector<16xi32> to vector<16x1xi32>
      %gather3A_563 = vector.shape_cast %broadcast_in_dim3A_562 : vector<16x1xi32> to vector<16xi32>
      %gather3A_564 = tpu.dynamic_gather %select_n3A_262[%gather3A_563] in [0] : vector<16xf32>, vector<16xi32> -> vector<16xf32>
      %and3A_565 = arith.constant 2 : i32
      %and3A_566 = vector.broadcast %and3A_565 : i32 to vector<16xi32>
      %and3A_567 = arith.andi %iota3A, %and3A_566 : vector<16xi32>
      %eq3A_568 = arith.constant 2 : i32
      %eq3A_569 = vector.broadcast %eq3A_568 : i32 to vector<16xi32>
      %eq3A_570 = arith.cmpi eq, %and3A_567, %eq3A_569 : vector<16xi32>
      %select_n3A_571 = arith.select %eq3A_570, %select_n3A_296, %gather3A_564 : vector<16xi1>, vector<16xf32>
      %lt3A_572 = arith.constant 0 : i32
      %lt3A_573 = vector.broadcast %lt3A_572 : i32 to vector<16xi32>
      %lt3A_574 = arith.cmpi slt, %xor3A_367, %lt3A_573 : vector<16xi32>
      %add3A_575 = arith.constant 16 : i32
      %add3A_576 = vector.broadcast %add3A_575 : i32 to vector<16xi32>
      %add3A_577 = arith.addi %xor3A_367, %add3A_576 : vector<16xi32>
      %select_n3A_578 = arith.select %lt3A_574, %add3A_577, %xor3A_367 : vector<16xi1>, vector<16xi32>
      %broadcast_in_dim3A_579 = vector.shape_cast %select_n3A_578 : vector<16xi32> to vector<16x1xi32>
      %gather3A_580 = vector.shape_cast %broadcast_in_dim3A_579 : vector<16x1xi32> to vector<16xi32>
      %gather3A_581 = tpu.dynamic_gather %select_n3A_347[%gather3A_580] in [0] : vector<16xf32>, vector<16xi32> -> vector<16xf32>
      %and3A_582 = arith.constant 2 : i32
      %and3A_583 = vector.broadcast %and3A_582 : i32 to vector<16xi32>
      %and3A_584 = arith.andi %iota3A, %and3A_583 : vector<16xi32>
      %eq3A_585 = arith.constant 0 : i32
      %eq3A_586 = vector.broadcast %eq3A_585 : i32 to vector<16xi32>
      %eq3A_587 = arith.cmpi eq, %and3A_584, %eq3A_586 : vector<16xi32>
      %select_n3A_588 = arith.select %eq3A_587, %select_n3A_313, %gather3A_581 : vector<16xi1>, vector<16xf32>
      %lt3A_589 = arith.constant 0 : i32
      %lt3A_590 = vector.broadcast %lt3A_589 : i32 to vector<16xi32>
      %lt3A_591 = arith.cmpi slt, %xor3A_367, %lt3A_590 : vector<16xi32>
      %add3A_592 = arith.constant 16 : i32
      %add3A_593 = vector.broadcast %add3A_592 : i32 to vector<16xi32>
      %add3A_594 = arith.addi %xor3A_367, %add3A_593 : vector<16xi32>
      %select_n3A_595 = arith.select %lt3A_591, %add3A_594, %xor3A_367 : vector<16xi1>, vector<16xi32>
      %broadcast_in_dim3A_596 = vector.shape_cast %select_n3A_595 : vector<16xi32> to vector<16x1xi32>
      %gather3A_597 = vector.shape_cast %broadcast_in_dim3A_596 : vector<16x1xi32> to vector<16xi32>
      %gather3A_598 = tpu.dynamic_gather %select_n3A_364[%gather3A_597] in [0] : vector<16xf32>, vector<16xi32> -> vector<16xf32>
      %and3A_599 = arith.constant 2 : i32
      %and3A_600 = vector.broadcast %and3A_599 : i32 to vector<16xi32>
      %and3A_601 = arith.andi %iota3A, %and3A_600 : vector<16xi32>
      %eq3A_602 = arith.constant 0 : i32
      %eq3A_603 = vector.broadcast %eq3A_602 : i32 to vector<16xi32>
      %eq3A_604 = arith.cmpi eq, %and3A_601, %eq3A_603 : vector<16xi32>
      %select_n3A_605 = arith.select %eq3A_604, %select_n3A_330, %gather3A_598 : vector<16xi1>, vector<16xf32>
      %lt3A_606 = arith.constant 0 : i32
      %lt3A_607 = vector.broadcast %lt3A_606 : i32 to vector<16xi32>
      %lt3A_608 = arith.cmpi slt, %xor3A_367, %lt3A_607 : vector<16xi32>
      %add3A_609 = arith.constant 16 : i32
      %add3A_610 = vector.broadcast %add3A_609 : i32 to vector<16xi32>
      %add3A_611 = arith.addi %xor3A_367, %add3A_610 : vector<16xi32>
      %select_n3A_612 = arith.select %lt3A_608, %add3A_611, %xor3A_367 : vector<16xi1>, vector<16xi32>
      %broadcast_in_dim3A_613 = vector.shape_cast %select_n3A_612 : vector<16xi32> to vector<16x1xi32>
      %gather3A_614 = vector.shape_cast %broadcast_in_dim3A_613 : vector<16x1xi32> to vector<16xi32>
      %gather3A_615 = tpu.dynamic_gather %select_n3A_313[%gather3A_614] in [0] : vector<16xf32>, vector<16xi32> -> vector<16xf32>
      %and3A_616 = arith.constant 2 : i32
      %and3A_617 = vector.broadcast %and3A_616 : i32 to vector<16xi32>
      %and3A_618 = arith.andi %iota3A, %and3A_617 : vector<16xi32>
      %eq3A_619 = arith.constant 2 : i32
      %eq3A_620 = vector.broadcast %eq3A_619 : i32 to vector<16xi32>
      %eq3A_621 = arith.cmpi eq, %and3A_618, %eq3A_620 : vector<16xi32>
      %select_n3A_622 = arith.select %eq3A_621, %select_n3A_347, %gather3A_615 : vector<16xi1>, vector<16xf32>
      %lt3A_623 = arith.constant 0 : i32
      %lt3A_624 = vector.broadcast %lt3A_623 : i32 to vector<16xi32>
      %lt3A_625 = arith.cmpi slt, %xor3A_367, %lt3A_624 : vector<16xi32>
      %add3A_626 = arith.constant 16 : i32
      %add3A_627 = vector.broadcast %add3A_626 : i32 to vector<16xi32>
      %add3A_628 = arith.addi %xor3A_367, %add3A_627 : vector<16xi32>
      %select_n3A_629 = arith.select %lt3A_625, %add3A_628, %xor3A_367 : vector<16xi1>, vector<16xi32>
      %broadcast_in_dim3A_630 = vector.shape_cast %select_n3A_629 : vector<16xi32> to vector<16x1xi32>
      %gather3A_631 = vector.shape_cast %broadcast_in_dim3A_630 : vector<16x1xi32> to vector<16xi32>
      %gather3A_632 = tpu.dynamic_gather %select_n3A_330[%gather3A_631] in [0] : vector<16xf32>, vector<16xi32> -> vector<16xf32>
      %and3A_633 = arith.constant 2 : i32
      %and3A_634 = vector.broadcast %and3A_633 : i32 to vector<16xi32>
      %and3A_635 = arith.andi %iota3A, %and3A_634 : vector<16xi32>
      %eq3A_636 = arith.constant 2 : i32
      %eq3A_637 = vector.broadcast %eq3A_636 : i32 to vector<16xi32>
      %eq3A_638 = arith.cmpi eq, %and3A_635, %eq3A_637 : vector<16xi32>
      %select_n3A_639 = arith.select %eq3A_638, %select_n3A_364, %gather3A_632 : vector<16xi1>, vector<16xf32>
      %xor3A_640 = arith.constant 4 : i32
      %xor3A_641 = vector.broadcast %xor3A_640 : i32 to vector<16xi32>
      %xor3A_642 = arith.xori %iota3A, %xor3A_641 : vector<16xi32>
      %lt3A_643 = arith.constant 0 : i32
      %lt3A_644 = vector.broadcast %lt3A_643 : i32 to vector<16xi32>
      %lt3A_645 = arith.cmpi slt, %xor3A_642, %lt3A_644 : vector<16xi32>
      %add3A_646 = arith.constant 16 : i32
      %add3A_647 = vector.broadcast %add3A_646 : i32 to vector<16xi32>
      %add3A_648 = arith.addi %xor3A_642, %add3A_647 : vector<16xi32>
      %select_n3A_649 = arith.select %lt3A_645, %add3A_648, %xor3A_642 : vector<16xi1>, vector<16xi32>
      %broadcast_in_dim3A_650 = vector.shape_cast %select_n3A_649 : vector<16xi32> to vector<16x1xi32>
      %gather3A_651 = vector.shape_cast %broadcast_in_dim3A_650 : vector<16x1xi32> to vector<16xi32>
      %gather3A_652 = tpu.dynamic_gather %select_n3A_452[%gather3A_651] in [0] : vector<16xf32>, vector<16xi32> -> vector<16xf32>
      %and3A_653 = arith.constant 4 : i32
      %and3A_654 = vector.broadcast %and3A_653 : i32 to vector<16xi32>
      %and3A_655 = arith.andi %iota3A, %and3A_654 : vector<16xi32>
      %eq3A_656 = arith.constant 0 : i32
      %eq3A_657 = vector.broadcast %eq3A_656 : i32 to vector<16xi32>
      %eq3A_658 = arith.cmpi eq, %and3A_655, %eq3A_657 : vector<16xi32>
      %select_n3A_659 = arith.select %eq3A_658, %select_n3A_384, %gather3A_652 : vector<16xi1>, vector<16xf32>
      %lt3A_660 = arith.constant 0 : i32
      %lt3A_661 = vector.broadcast %lt3A_660 : i32 to vector<16xi32>
      %lt3A_662 = arith.cmpi slt, %xor3A_642, %lt3A_661 : vector<16xi32>
      %add3A_663 = arith.constant 16 : i32
      %add3A_664 = vector.broadcast %add3A_663 : i32 to vector<16xi32>
      %add3A_665 = arith.addi %xor3A_642, %add3A_664 : vector<16xi32>
      %select_n3A_666 = arith.select %lt3A_662, %add3A_665, %xor3A_642 : vector<16xi1>, vector<16xi32>
      %broadcast_in_dim3A_667 = vector.shape_cast %select_n3A_666 : vector<16xi32> to vector<16x1xi32>
      %gather3A_668 = vector.shape_cast %broadcast_in_dim3A_667 : vector<16x1xi32> to vector<16xi32>
      %gather3A_669 = tpu.dynamic_gather %select_n3A_469[%gather3A_668] in [0] : vector<16xf32>, vector<16xi32> -> vector<16xf32>
      %and3A_670 = arith.constant 4 : i32
      %and3A_671 = vector.broadcast %and3A_670 : i32 to vector<16xi32>
      %and3A_672 = arith.andi %iota3A, %and3A_671 : vector<16xi32>
      %eq3A_673 = arith.constant 0 : i32
      %eq3A_674 = vector.broadcast %eq3A_673 : i32 to vector<16xi32>
      %eq3A_675 = arith.cmpi eq, %and3A_672, %eq3A_674 : vector<16xi32>
      %select_n3A_676 = arith.select %eq3A_675, %select_n3A_401, %gather3A_669 : vector<16xi1>, vector<16xf32>
      %lt3A_677 = arith.constant 0 : i32
      %lt3A_678 = vector.broadcast %lt3A_677 : i32 to vector<16xi32>
      %lt3A_679 = arith.cmpi slt, %xor3A_642, %lt3A_678 : vector<16xi32>
      %add3A_680 = arith.constant 16 : i32
      %add3A_681 = vector.broadcast %add3A_680 : i32 to vector<16xi32>
      %add3A_682 = arith.addi %xor3A_642, %add3A_681 : vector<16xi32>
      %select_n3A_683 = arith.select %lt3A_679, %add3A_682, %xor3A_642 : vector<16xi1>, vector<16xi32>
      %broadcast_in_dim3A_684 = vector.shape_cast %select_n3A_683 : vector<16xi32> to vector<16x1xi32>
      %gather3A_685 = vector.shape_cast %broadcast_in_dim3A_684 : vector<16x1xi32> to vector<16xi32>
      %gather3A_686 = tpu.dynamic_gather %select_n3A_486[%gather3A_685] in [0] : vector<16xf32>, vector<16xi32> -> vector<16xf32>
      %and3A_687 = arith.constant 4 : i32
      %and3A_688 = vector.broadcast %and3A_687 : i32 to vector<16xi32>
      %and3A_689 = arith.andi %iota3A, %and3A_688 : vector<16xi32>
      %eq3A_690 = arith.constant 0 : i32
      %eq3A_691 = vector.broadcast %eq3A_690 : i32 to vector<16xi32>
      %eq3A_692 = arith.cmpi eq, %and3A_689, %eq3A_691 : vector<16xi32>
      %select_n3A_693 = arith.select %eq3A_692, %select_n3A_418, %gather3A_686 : vector<16xi1>, vector<16xf32>
      %lt3A_694 = arith.constant 0 : i32
      %lt3A_695 = vector.broadcast %lt3A_694 : i32 to vector<16xi32>
      %lt3A_696 = arith.cmpi slt, %xor3A_642, %lt3A_695 : vector<16xi32>
      %add3A_697 = arith.constant 16 : i32
      %add3A_698 = vector.broadcast %add3A_697 : i32 to vector<16xi32>
      %add3A_699 = arith.addi %xor3A_642, %add3A_698 : vector<16xi32>
      %select_n3A_700 = arith.select %lt3A_696, %add3A_699, %xor3A_642 : vector<16xi1>, vector<16xi32>
      %broadcast_in_dim3A_701 = vector.shape_cast %select_n3A_700 : vector<16xi32> to vector<16x1xi32>
      %gather3A_702 = vector.shape_cast %broadcast_in_dim3A_701 : vector<16x1xi32> to vector<16xi32>
      %gather3A_703 = tpu.dynamic_gather %select_n3A_503[%gather3A_702] in [0] : vector<16xf32>, vector<16xi32> -> vector<16xf32>
      %and3A_704 = arith.constant 4 : i32
      %and3A_705 = vector.broadcast %and3A_704 : i32 to vector<16xi32>
      %and3A_706 = arith.andi %iota3A, %and3A_705 : vector<16xi32>
      %eq3A_707 = arith.constant 0 : i32
      %eq3A_708 = vector.broadcast %eq3A_707 : i32 to vector<16xi32>
      %eq3A_709 = arith.cmpi eq, %and3A_706, %eq3A_708 : vector<16xi32>
      %select_n3A_710 = arith.select %eq3A_709, %select_n3A_435, %gather3A_703 : vector<16xi1>, vector<16xf32>
      %lt3A_711 = arith.constant 0 : i32
      %lt3A_712 = vector.broadcast %lt3A_711 : i32 to vector<16xi32>
      %lt3A_713 = arith.cmpi slt, %xor3A_642, %lt3A_712 : vector<16xi32>
      %add3A_714 = arith.constant 16 : i32
      %add3A_715 = vector.broadcast %add3A_714 : i32 to vector<16xi32>
      %add3A_716 = arith.addi %xor3A_642, %add3A_715 : vector<16xi32>
      %select_n3A_717 = arith.select %lt3A_713, %add3A_716, %xor3A_642 : vector<16xi1>, vector<16xi32>
      %broadcast_in_dim3A_718 = vector.shape_cast %select_n3A_717 : vector<16xi32> to vector<16x1xi32>
      %gather3A_719 = vector.shape_cast %broadcast_in_dim3A_718 : vector<16x1xi32> to vector<16xi32>
      %gather3A_720 = tpu.dynamic_gather %select_n3A_384[%gather3A_719] in [0] : vector<16xf32>, vector<16xi32> -> vector<16xf32>
      %and3A_721 = arith.constant 4 : i32
      %and3A_722 = vector.broadcast %and3A_721 : i32 to vector<16xi32>
      %and3A_723 = arith.andi %iota3A, %and3A_722 : vector<16xi32>
      %eq3A_724 = arith.constant 4 : i32
      %eq3A_725 = vector.broadcast %eq3A_724 : i32 to vector<16xi32>
      %eq3A_726 = arith.cmpi eq, %and3A_723, %eq3A_725 : vector<16xi32>
      %select_n3A_727 = arith.select %eq3A_726, %select_n3A_452, %gather3A_720 : vector<16xi1>, vector<16xf32>
      %lt3A_728 = arith.constant 0 : i32
      %lt3A_729 = vector.broadcast %lt3A_728 : i32 to vector<16xi32>
      %lt3A_730 = arith.cmpi slt, %xor3A_642, %lt3A_729 : vector<16xi32>
      %add3A_731 = arith.constant 16 : i32
      %add3A_732 = vector.broadcast %add3A_731 : i32 to vector<16xi32>
      %add3A_733 = arith.addi %xor3A_642, %add3A_732 : vector<16xi32>
      %select_n3A_734 = arith.select %lt3A_730, %add3A_733, %xor3A_642 : vector<16xi1>, vector<16xi32>
      %broadcast_in_dim3A_735 = vector.shape_cast %select_n3A_734 : vector<16xi32> to vector<16x1xi32>
      %gather3A_736 = vector.shape_cast %broadcast_in_dim3A_735 : vector<16x1xi32> to vector<16xi32>
      %gather3A_737 = tpu.dynamic_gather %select_n3A_401[%gather3A_736] in [0] : vector<16xf32>, vector<16xi32> -> vector<16xf32>
      %and3A_738 = arith.constant 4 : i32
      %and3A_739 = vector.broadcast %and3A_738 : i32 to vector<16xi32>
      %and3A_740 = arith.andi %iota3A, %and3A_739 : vector<16xi32>
      %eq3A_741 = arith.constant 4 : i32
      %eq3A_742 = vector.broadcast %eq3A_741 : i32 to vector<16xi32>
      %eq3A_743 = arith.cmpi eq, %and3A_740, %eq3A_742 : vector<16xi32>
      %select_n3A_744 = arith.select %eq3A_743, %select_n3A_469, %gather3A_737 : vector<16xi1>, vector<16xf32>
      %lt3A_745 = arith.constant 0 : i32
      %lt3A_746 = vector.broadcast %lt3A_745 : i32 to vector<16xi32>
      %lt3A_747 = arith.cmpi slt, %xor3A_642, %lt3A_746 : vector<16xi32>
      %add3A_748 = arith.constant 16 : i32
      %add3A_749 = vector.broadcast %add3A_748 : i32 to vector<16xi32>
      %add3A_750 = arith.addi %xor3A_642, %add3A_749 : vector<16xi32>
      %select_n3A_751 = arith.select %lt3A_747, %add3A_750, %xor3A_642 : vector<16xi1>, vector<16xi32>
      %broadcast_in_dim3A_752 = vector.shape_cast %select_n3A_751 : vector<16xi32> to vector<16x1xi32>
      %gather3A_753 = vector.shape_cast %broadcast_in_dim3A_752 : vector<16x1xi32> to vector<16xi32>
      %gather3A_754 = tpu.dynamic_gather %select_n3A_418[%gather3A_753] in [0] : vector<16xf32>, vector<16xi32> -> vector<16xf32>
      %and3A_755 = arith.constant 4 : i32
      %and3A_756 = vector.broadcast %and3A_755 : i32 to vector<16xi32>
      %and3A_757 = arith.andi %iota3A, %and3A_756 : vector<16xi32>
      %eq3A_758 = arith.constant 4 : i32
      %eq3A_759 = vector.broadcast %eq3A_758 : i32 to vector<16xi32>
      %eq3A_760 = arith.cmpi eq, %and3A_757, %eq3A_759 : vector<16xi32>
      %select_n3A_761 = arith.select %eq3A_760, %select_n3A_486, %gather3A_754 : vector<16xi1>, vector<16xf32>
      %lt3A_762 = arith.constant 0 : i32
      %lt3A_763 = vector.broadcast %lt3A_762 : i32 to vector<16xi32>
      %lt3A_764 = arith.cmpi slt, %xor3A_642, %lt3A_763 : vector<16xi32>
      %add3A_765 = arith.constant 16 : i32
      %add3A_766 = vector.broadcast %add3A_765 : i32 to vector<16xi32>
      %add3A_767 = arith.addi %xor3A_642, %add3A_766 : vector<16xi32>
      %select_n3A_768 = arith.select %lt3A_764, %add3A_767, %xor3A_642 : vector<16xi1>, vector<16xi32>
      %broadcast_in_dim3A_769 = vector.shape_cast %select_n3A_768 : vector<16xi32> to vector<16x1xi32>
      %gather3A_770 = vector.shape_cast %broadcast_in_dim3A_769 : vector<16x1xi32> to vector<16xi32>
      %gather3A_771 = tpu.dynamic_gather %select_n3A_435[%gather3A_770] in [0] : vector<16xf32>, vector<16xi32> -> vector<16xf32>
      %and3A_772 = arith.constant 4 : i32
      %and3A_773 = vector.broadcast %and3A_772 : i32 to vector<16xi32>
      %and3A_774 = arith.andi %iota3A, %and3A_773 : vector<16xi32>
      %eq3A_775 = arith.constant 4 : i32
      %eq3A_776 = vector.broadcast %eq3A_775 : i32 to vector<16xi32>
      %eq3A_777 = arith.cmpi eq, %and3A_774, %eq3A_776 : vector<16xi32>
      %select_n3A_778 = arith.select %eq3A_777, %select_n3A_503, %gather3A_771 : vector<16xi1>, vector<16xf32>
      %lt3A_779 = arith.constant 0 : i32
      %lt3A_780 = vector.broadcast %lt3A_779 : i32 to vector<16xi32>
      %lt3A_781 = arith.cmpi slt, %xor3A_642, %lt3A_780 : vector<16xi32>
      %add3A_782 = arith.constant 16 : i32
      %add3A_783 = vector.broadcast %add3A_782 : i32 to vector<16xi32>
      %add3A_784 = arith.addi %xor3A_642, %add3A_783 : vector<16xi32>
      %select_n3A_785 = arith.select %lt3A_781, %add3A_784, %xor3A_642 : vector<16xi1>, vector<16xi32>
      %broadcast_in_dim3A_786 = vector.shape_cast %select_n3A_785 : vector<16xi32> to vector<16x1xi32>
      %gather3A_787 = vector.shape_cast %broadcast_in_dim3A_786 : vector<16x1xi32> to vector<16xi32>
      %gather3A_788 = tpu.dynamic_gather %select_n3A_588[%gather3A_787] in [0] : vector<16xf32>, vector<16xi32> -> vector<16xf32>
      %and3A_789 = arith.constant 4 : i32
      %and3A_790 = vector.broadcast %and3A_789 : i32 to vector<16xi32>
      %and3A_791 = arith.andi %iota3A, %and3A_790 : vector<16xi32>
      %eq3A_792 = arith.constant 0 : i32
      %eq3A_793 = vector.broadcast %eq3A_792 : i32 to vector<16xi32>
      %eq3A_794 = arith.cmpi eq, %and3A_791, %eq3A_793 : vector<16xi32>
      %select_n3A_795 = arith.select %eq3A_794, %select_n3A_520, %gather3A_788 : vector<16xi1>, vector<16xf32>
      %lt3A_796 = arith.constant 0 : i32
      %lt3A_797 = vector.broadcast %lt3A_796 : i32 to vector<16xi32>
      %lt3A_798 = arith.cmpi slt, %xor3A_642, %lt3A_797 : vector<16xi32>
      %add3A_799 = arith.constant 16 : i32
      %add3A_800 = vector.broadcast %add3A_799 : i32 to vector<16xi32>
      %add3A_801 = arith.addi %xor3A_642, %add3A_800 : vector<16xi32>
      %select_n3A_802 = arith.select %lt3A_798, %add3A_801, %xor3A_642 : vector<16xi1>, vector<16xi32>
      %broadcast_in_dim3A_803 = vector.shape_cast %select_n3A_802 : vector<16xi32> to vector<16x1xi32>
      %gather3A_804 = vector.shape_cast %broadcast_in_dim3A_803 : vector<16x1xi32> to vector<16xi32>
      %gather3A_805 = tpu.dynamic_gather %select_n3A_605[%gather3A_804] in [0] : vector<16xf32>, vector<16xi32> -> vector<16xf32>
      %and3A_806 = arith.constant 4 : i32
      %and3A_807 = vector.broadcast %and3A_806 : i32 to vector<16xi32>
      %and3A_808 = arith.andi %iota3A, %and3A_807 : vector<16xi32>
      %eq3A_809 = arith.constant 0 : i32
      %eq3A_810 = vector.broadcast %eq3A_809 : i32 to vector<16xi32>
      %eq3A_811 = arith.cmpi eq, %and3A_808, %eq3A_810 : vector<16xi32>
      %select_n3A_812 = arith.select %eq3A_811, %select_n3A_537, %gather3A_805 : vector<16xi1>, vector<16xf32>
      %lt3A_813 = arith.constant 0 : i32
      %lt3A_814 = vector.broadcast %lt3A_813 : i32 to vector<16xi32>
      %lt3A_815 = arith.cmpi slt, %xor3A_642, %lt3A_814 : vector<16xi32>
      %add3A_816 = arith.constant 16 : i32
      %add3A_817 = vector.broadcast %add3A_816 : i32 to vector<16xi32>
      %add3A_818 = arith.addi %xor3A_642, %add3A_817 : vector<16xi32>
      %select_n3A_819 = arith.select %lt3A_815, %add3A_818, %xor3A_642 : vector<16xi1>, vector<16xi32>
      %broadcast_in_dim3A_820 = vector.shape_cast %select_n3A_819 : vector<16xi32> to vector<16x1xi32>
      %gather3A_821 = vector.shape_cast %broadcast_in_dim3A_820 : vector<16x1xi32> to vector<16xi32>
      %gather3A_822 = tpu.dynamic_gather %select_n3A_622[%gather3A_821] in [0] : vector<16xf32>, vector<16xi32> -> vector<16xf32>
      %and3A_823 = arith.constant 4 : i32
      %and3A_824 = vector.broadcast %and3A_823 : i32 to vector<16xi32>
      %and3A_825 = arith.andi %iota3A, %and3A_824 : vector<16xi32>
      %eq3A_826 = arith.constant 0 : i32
      %eq3A_827 = vector.broadcast %eq3A_826 : i32 to vector<16xi32>
      %eq3A_828 = arith.cmpi eq, %and3A_825, %eq3A_827 : vector<16xi32>
      %select_n3A_829 = arith.select %eq3A_828, %select_n3A_554, %gather3A_822 : vector<16xi1>, vector<16xf32>
      %lt3A_830 = arith.constant 0 : i32
      %lt3A_831 = vector.broadcast %lt3A_830 : i32 to vector<16xi32>
      %lt3A_832 = arith.cmpi slt, %xor3A_642, %lt3A_831 : vector<16xi32>
      %add3A_833 = arith.constant 16 : i32
      %add3A_834 = vector.broadcast %add3A_833 : i32 to vector<16xi32>
      %add3A_835 = arith.addi %xor3A_642, %add3A_834 : vector<16xi32>
      %select_n3A_836 = arith.select %lt3A_832, %add3A_835, %xor3A_642 : vector<16xi1>, vector<16xi32>
      %broadcast_in_dim3A_837 = vector.shape_cast %select_n3A_836 : vector<16xi32> to vector<16x1xi32>
      %gather3A_838 = vector.shape_cast %broadcast_in_dim3A_837 : vector<16x1xi32> to vector<16xi32>
      %gather3A_839 = tpu.dynamic_gather %select_n3A_639[%gather3A_838] in [0] : vector<16xf32>, vector<16xi32> -> vector<16xf32>
      %and3A_840 = arith.constant 4 : i32
      %and3A_841 = vector.broadcast %and3A_840 : i32 to vector<16xi32>
      %and3A_842 = arith.andi %iota3A, %and3A_841 : vector<16xi32>
      %eq3A_843 = arith.constant 0 : i32
      %eq3A_844 = vector.broadcast %eq3A_843 : i32 to vector<16xi32>
      %eq3A_845 = arith.cmpi eq, %and3A_842, %eq3A_844 : vector<16xi32>
      %select_n3A_846 = arith.select %eq3A_845, %select_n3A_571, %gather3A_839 : vector<16xi1>, vector<16xf32>
      %lt3A_847 = arith.constant 0 : i32
      %lt3A_848 = vector.broadcast %lt3A_847 : i32 to vector<16xi32>
      %lt3A_849 = arith.cmpi slt, %xor3A_642, %lt3A_848 : vector<16xi32>
      %add3A_850 = arith.constant 16 : i32
      %add3A_851 = vector.broadcast %add3A_850 : i32 to vector<16xi32>
      %add3A_852 = arith.addi %xor3A_642, %add3A_851 : vector<16xi32>
      %select_n3A_853 = arith.select %lt3A_849, %add3A_852, %xor3A_642 : vector<16xi1>, vector<16xi32>
      %broadcast_in_dim3A_854 = vector.shape_cast %select_n3A_853 : vector<16xi32> to vector<16x1xi32>
      %gather3A_855 = vector.shape_cast %broadcast_in_dim3A_854 : vector<16x1xi32> to vector<16xi32>
      %gather3A_856 = tpu.dynamic_gather %select_n3A_520[%gather3A_855] in [0] : vector<16xf32>, vector<16xi32> -> vector<16xf32>
      %and3A_857 = arith.constant 4 : i32
      %and3A_858 = vector.broadcast %and3A_857 : i32 to vector<16xi32>
      %and3A_859 = arith.andi %iota3A, %and3A_858 : vector<16xi32>
      %eq3A_860 = arith.constant 4 : i32
      %eq3A_861 = vector.broadcast %eq3A_860 : i32 to vector<16xi32>
      %eq3A_862 = arith.cmpi eq, %and3A_859, %eq3A_861 : vector<16xi32>
      %select_n3A_863 = arith.select %eq3A_862, %select_n3A_588, %gather3A_856 : vector<16xi1>, vector<16xf32>
      %lt3A_864 = arith.constant 0 : i32
      %lt3A_865 = vector.broadcast %lt3A_864 : i32 to vector<16xi32>
      %lt3A_866 = arith.cmpi slt, %xor3A_642, %lt3A_865 : vector<16xi32>
      %add3A_867 = arith.constant 16 : i32
      %add3A_868 = vector.broadcast %add3A_867 : i32 to vector<16xi32>
      %add3A_869 = arith.addi %xor3A_642, %add3A_868 : vector<16xi32>
      %select_n3A_870 = arith.select %lt3A_866, %add3A_869, %xor3A_642 : vector<16xi1>, vector<16xi32>
      %broadcast_in_dim3A_871 = vector.shape_cast %select_n3A_870 : vector<16xi32> to vector<16x1xi32>
      %gather3A_872 = vector.shape_cast %broadcast_in_dim3A_871 : vector<16x1xi32> to vector<16xi32>
      %gather3A_873 = tpu.dynamic_gather %select_n3A_537[%gather3A_872] in [0] : vector<16xf32>, vector<16xi32> -> vector<16xf32>
      %and3A_874 = arith.constant 4 : i32
      %and3A_875 = vector.broadcast %and3A_874 : i32 to vector<16xi32>
      %and3A_876 = arith.andi %iota3A, %and3A_875 : vector<16xi32>
      %eq3A_877 = arith.constant 4 : i32
      %eq3A_878 = vector.broadcast %eq3A_877 : i32 to vector<16xi32>
      %eq3A_879 = arith.cmpi eq, %and3A_876, %eq3A_878 : vector<16xi32>
      %select_n3A_880 = arith.select %eq3A_879, %select_n3A_605, %gather3A_873 : vector<16xi1>, vector<16xf32>
      %lt3A_881 = arith.constant 0 : i32
      %lt3A_882 = vector.broadcast %lt3A_881 : i32 to vector<16xi32>
      %lt3A_883 = arith.cmpi slt, %xor3A_642, %lt3A_882 : vector<16xi32>
      %add3A_884 = arith.constant 16 : i32
      %add3A_885 = vector.broadcast %add3A_884 : i32 to vector<16xi32>
      %add3A_886 = arith.addi %xor3A_642, %add3A_885 : vector<16xi32>
      %select_n3A_887 = arith.select %lt3A_883, %add3A_886, %xor3A_642 : vector<16xi1>, vector<16xi32>
      %broadcast_in_dim3A_888 = vector.shape_cast %select_n3A_887 : vector<16xi32> to vector<16x1xi32>
      %gather3A_889 = vector.shape_cast %broadcast_in_dim3A_888 : vector<16x1xi32> to vector<16xi32>
      %gather3A_890 = tpu.dynamic_gather %select_n3A_554[%gather3A_889] in [0] : vector<16xf32>, vector<16xi32> -> vector<16xf32>
      %and3A_891 = arith.constant 4 : i32
      %and3A_892 = vector.broadcast %and3A_891 : i32 to vector<16xi32>
      %and3A_893 = arith.andi %iota3A, %and3A_892 : vector<16xi32>
      %eq3A_894 = arith.constant 4 : i32
      %eq3A_895 = vector.broadcast %eq3A_894 : i32 to vector<16xi32>
      %eq3A_896 = arith.cmpi eq, %and3A_893, %eq3A_895 : vector<16xi32>
      %select_n3A_897 = arith.select %eq3A_896, %select_n3A_622, %gather3A_890 : vector<16xi1>, vector<16xf32>
      %lt3A_898 = arith.constant 0 : i32
      %lt3A_899 = vector.broadcast %lt3A_898 : i32 to vector<16xi32>
      %lt3A_900 = arith.cmpi slt, %xor3A_642, %lt3A_899 : vector<16xi32>
      %add3A_901 = arith.constant 16 : i32
      %add3A_902 = vector.broadcast %add3A_901 : i32 to vector<16xi32>
      %add3A_903 = arith.addi %xor3A_642, %add3A_902 : vector<16xi32>
      %select_n3A_904 = arith.select %lt3A_900, %add3A_903, %xor3A_642 : vector<16xi1>, vector<16xi32>
      %broadcast_in_dim3A_905 = vector.shape_cast %select_n3A_904 : vector<16xi32> to vector<16x1xi32>
      %gather3A_906 = vector.shape_cast %broadcast_in_dim3A_905 : vector<16x1xi32> to vector<16xi32>
      %gather3A_907 = tpu.dynamic_gather %select_n3A_571[%gather3A_906] in [0] : vector<16xf32>, vector<16xi32> -> vector<16xf32>
      %and3A_908 = arith.constant 4 : i32
      %and3A_909 = vector.broadcast %and3A_908 : i32 to vector<16xi32>
      %and3A_910 = arith.andi %iota3A, %and3A_909 : vector<16xi32>
      %eq3A_911 = arith.constant 4 : i32
      %eq3A_912 = vector.broadcast %eq3A_911 : i32 to vector<16xi32>
      %eq3A_913 = arith.cmpi eq, %and3A_910, %eq3A_912 : vector<16xi32>
      %select_n3A_914 = arith.select %eq3A_913, %select_n3A_639, %gather3A_907 : vector<16xi1>, vector<16xf32>
      %xor3A_915 = arith.constant 8 : i32
      %xor3A_916 = vector.broadcast %xor3A_915 : i32 to vector<16xi32>
      %xor3A_917 = arith.xori %iota3A, %xor3A_916 : vector<16xi32>
      %lt3A_918 = arith.constant 0 : i32
      %lt3A_919 = vector.broadcast %lt3A_918 : i32 to vector<16xi32>
      %lt3A_920 = arith.cmpi slt, %xor3A_917, %lt3A_919 : vector<16xi32>
      %add3A_921 = arith.constant 16 : i32
      %add3A_922 = vector.broadcast %add3A_921 : i32 to vector<16xi32>
      %add3A_923 = arith.addi %xor3A_917, %add3A_922 : vector<16xi32>
      %select_n3A_924 = arith.select %lt3A_920, %add3A_923, %xor3A_917 : vector<16xi1>, vector<16xi32>
      %broadcast_in_dim3A_925 = vector.shape_cast %select_n3A_924 : vector<16xi32> to vector<16x1xi32>
      %gather3A_926 = vector.shape_cast %broadcast_in_dim3A_925 : vector<16x1xi32> to vector<16xi32>
      %gather3A_927 = tpu.dynamic_gather %select_n3A_795[%gather3A_926] in [0] : vector<16xf32>, vector<16xi32> -> vector<16xf32>
      %and3A_928 = arith.constant 8 : i32
      %and3A_929 = vector.broadcast %and3A_928 : i32 to vector<16xi32>
      %and3A_930 = arith.andi %iota3A, %and3A_929 : vector<16xi32>
      %eq3A_931 = arith.constant 0 : i32
      %eq3A_932 = vector.broadcast %eq3A_931 : i32 to vector<16xi32>
      %eq3A_933 = arith.cmpi eq, %and3A_930, %eq3A_932 : vector<16xi32>
      %select_n3A_934 = arith.select %eq3A_933, %select_n3A_659, %gather3A_927 : vector<16xi1>, vector<16xf32>
      %lt3A_935 = arith.constant 0 : i32
      %lt3A_936 = vector.broadcast %lt3A_935 : i32 to vector<16xi32>
      %lt3A_937 = arith.cmpi slt, %xor3A_917, %lt3A_936 : vector<16xi32>
      %add3A_938 = arith.constant 16 : i32
      %add3A_939 = vector.broadcast %add3A_938 : i32 to vector<16xi32>
      %add3A_940 = arith.addi %xor3A_917, %add3A_939 : vector<16xi32>
      %select_n3A_941 = arith.select %lt3A_937, %add3A_940, %xor3A_917 : vector<16xi1>, vector<16xi32>
      %broadcast_in_dim3A_942 = vector.shape_cast %select_n3A_941 : vector<16xi32> to vector<16x1xi32>
      %gather3A_943 = vector.shape_cast %broadcast_in_dim3A_942 : vector<16x1xi32> to vector<16xi32>
      %gather3A_944 = tpu.dynamic_gather %select_n3A_812[%gather3A_943] in [0] : vector<16xf32>, vector<16xi32> -> vector<16xf32>
      %and3A_945 = arith.constant 8 : i32
      %and3A_946 = vector.broadcast %and3A_945 : i32 to vector<16xi32>
      %and3A_947 = arith.andi %iota3A, %and3A_946 : vector<16xi32>
      %eq3A_948 = arith.constant 0 : i32
      %eq3A_949 = vector.broadcast %eq3A_948 : i32 to vector<16xi32>
      %eq3A_950 = arith.cmpi eq, %and3A_947, %eq3A_949 : vector<16xi32>
      %select_n3A_951 = arith.select %eq3A_950, %select_n3A_676, %gather3A_944 : vector<16xi1>, vector<16xf32>
      %lt3A_952 = arith.constant 0 : i32
      %lt3A_953 = vector.broadcast %lt3A_952 : i32 to vector<16xi32>
      %lt3A_954 = arith.cmpi slt, %xor3A_917, %lt3A_953 : vector<16xi32>
      %add3A_955 = arith.constant 16 : i32
      %add3A_956 = vector.broadcast %add3A_955 : i32 to vector<16xi32>
      %add3A_957 = arith.addi %xor3A_917, %add3A_956 : vector<16xi32>
      %select_n3A_958 = arith.select %lt3A_954, %add3A_957, %xor3A_917 : vector<16xi1>, vector<16xi32>
      %broadcast_in_dim3A_959 = vector.shape_cast %select_n3A_958 : vector<16xi32> to vector<16x1xi32>
      %gather3A_960 = vector.shape_cast %broadcast_in_dim3A_959 : vector<16x1xi32> to vector<16xi32>
      %gather3A_961 = tpu.dynamic_gather %select_n3A_829[%gather3A_960] in [0] : vector<16xf32>, vector<16xi32> -> vector<16xf32>
      %and3A_962 = arith.constant 8 : i32
      %and3A_963 = vector.broadcast %and3A_962 : i32 to vector<16xi32>
      %and3A_964 = arith.andi %iota3A, %and3A_963 : vector<16xi32>
      %eq3A_965 = arith.constant 0 : i32
      %eq3A_966 = vector.broadcast %eq3A_965 : i32 to vector<16xi32>
      %eq3A_967 = arith.cmpi eq, %and3A_964, %eq3A_966 : vector<16xi32>
      %select_n3A_968 = arith.select %eq3A_967, %select_n3A_693, %gather3A_961 : vector<16xi1>, vector<16xf32>
      %lt3A_969 = arith.constant 0 : i32
      %lt3A_970 = vector.broadcast %lt3A_969 : i32 to vector<16xi32>
      %lt3A_971 = arith.cmpi slt, %xor3A_917, %lt3A_970 : vector<16xi32>
      %add3A_972 = arith.constant 16 : i32
      %add3A_973 = vector.broadcast %add3A_972 : i32 to vector<16xi32>
      %add3A_974 = arith.addi %xor3A_917, %add3A_973 : vector<16xi32>
      %select_n3A_975 = arith.select %lt3A_971, %add3A_974, %xor3A_917 : vector<16xi1>, vector<16xi32>
      %broadcast_in_dim3A_976 = vector.shape_cast %select_n3A_975 : vector<16xi32> to vector<16x1xi32>
      %gather3A_977 = vector.shape_cast %broadcast_in_dim3A_976 : vector<16x1xi32> to vector<16xi32>
      %gather3A_978 = tpu.dynamic_gather %select_n3A_846[%gather3A_977] in [0] : vector<16xf32>, vector<16xi32> -> vector<16xf32>
      %and3A_979 = arith.constant 8 : i32
      %and3A_980 = vector.broadcast %and3A_979 : i32 to vector<16xi32>
      %and3A_981 = arith.andi %iota3A, %and3A_980 : vector<16xi32>
      %eq3A_982 = arith.constant 0 : i32
      %eq3A_983 = vector.broadcast %eq3A_982 : i32 to vector<16xi32>
      %eq3A_984 = arith.cmpi eq, %and3A_981, %eq3A_983 : vector<16xi32>
      %select_n3A_985 = arith.select %eq3A_984, %select_n3A_710, %gather3A_978 : vector<16xi1>, vector<16xf32>
      %lt3A_986 = arith.constant 0 : i32
      %lt3A_987 = vector.broadcast %lt3A_986 : i32 to vector<16xi32>
      %lt3A_988 = arith.cmpi slt, %xor3A_917, %lt3A_987 : vector<16xi32>
      %add3A_989 = arith.constant 16 : i32
      %add3A_990 = vector.broadcast %add3A_989 : i32 to vector<16xi32>
      %add3A_991 = arith.addi %xor3A_917, %add3A_990 : vector<16xi32>
      %select_n3A_992 = arith.select %lt3A_988, %add3A_991, %xor3A_917 : vector<16xi1>, vector<16xi32>
      %broadcast_in_dim3A_993 = vector.shape_cast %select_n3A_992 : vector<16xi32> to vector<16x1xi32>
      %gather3A_994 = vector.shape_cast %broadcast_in_dim3A_993 : vector<16x1xi32> to vector<16xi32>
      %gather3A_995 = tpu.dynamic_gather %select_n3A_863[%gather3A_994] in [0] : vector<16xf32>, vector<16xi32> -> vector<16xf32>
      %and3A_996 = arith.constant 8 : i32
      %and3A_997 = vector.broadcast %and3A_996 : i32 to vector<16xi32>
      %and3A_998 = arith.andi %iota3A, %and3A_997 : vector<16xi32>
      %eq3A_999 = arith.constant 0 : i32
      %eq3A_1000 = vector.broadcast %eq3A_999 : i32 to vector<16xi32>
      %eq3A_1001 = arith.cmpi eq, %and3A_998, %eq3A_1000 : vector<16xi32>
      %select_n3A_1002 = arith.select %eq3A_1001, %select_n3A_727, %gather3A_995 : vector<16xi1>, vector<16xf32>
      %lt3A_1003 = arith.constant 0 : i32
      %lt3A_1004 = vector.broadcast %lt3A_1003 : i32 to vector<16xi32>
      %lt3A_1005 = arith.cmpi slt, %xor3A_917, %lt3A_1004 : vector<16xi32>
      %add3A_1006 = arith.constant 16 : i32
      %add3A_1007 = vector.broadcast %add3A_1006 : i32 to vector<16xi32>
      %add3A_1008 = arith.addi %xor3A_917, %add3A_1007 : vector<16xi32>
      %select_n3A_1009 = arith.select %lt3A_1005, %add3A_1008, %xor3A_917 : vector<16xi1>, vector<16xi32>
      %broadcast_in_dim3A_1010 = vector.shape_cast %select_n3A_1009 : vector<16xi32> to vector<16x1xi32>
      %gather3A_1011 = vector.shape_cast %broadcast_in_dim3A_1010 : vector<16x1xi32> to vector<16xi32>
      %gather3A_1012 = tpu.dynamic_gather %select_n3A_880[%gather3A_1011] in [0] : vector<16xf32>, vector<16xi32> -> vector<16xf32>
      %and3A_1013 = arith.constant 8 : i32
      %and3A_1014 = vector.broadcast %and3A_1013 : i32 to vector<16xi32>
      %and3A_1015 = arith.andi %iota3A, %and3A_1014 : vector<16xi32>
      %eq3A_1016 = arith.constant 0 : i32
      %eq3A_1017 = vector.broadcast %eq3A_1016 : i32 to vector<16xi32>
      %eq3A_1018 = arith.cmpi eq, %and3A_1015, %eq3A_1017 : vector<16xi32>
      %select_n3A_1019 = arith.select %eq3A_1018, %select_n3A_744, %gather3A_1012 : vector<16xi1>, vector<16xf32>
      %lt3A_1020 = arith.constant 0 : i32
      %lt3A_1021 = vector.broadcast %lt3A_1020 : i32 to vector<16xi32>
      %lt3A_1022 = arith.cmpi slt, %xor3A_917, %lt3A_1021 : vector<16xi32>
      %add3A_1023 = arith.constant 16 : i32
      %add3A_1024 = vector.broadcast %add3A_1023 : i32 to vector<16xi32>
      %add3A_1025 = arith.addi %xor3A_917, %add3A_1024 : vector<16xi32>
      %select_n3A_1026 = arith.select %lt3A_1022, %add3A_1025, %xor3A_917 : vector<16xi1>, vector<16xi32>
      %broadcast_in_dim3A_1027 = vector.shape_cast %select_n3A_1026 : vector<16xi32> to vector<16x1xi32>
      %gather3A_1028 = vector.shape_cast %broadcast_in_dim3A_1027 : vector<16x1xi32> to vector<16xi32>
      %gather3A_1029 = tpu.dynamic_gather %select_n3A_897[%gather3A_1028] in [0] : vector<16xf32>, vector<16xi32> -> vector<16xf32>
      %and3A_1030 = arith.constant 8 : i32
      %and3A_1031 = vector.broadcast %and3A_1030 : i32 to vector<16xi32>
      %and3A_1032 = arith.andi %iota3A, %and3A_1031 : vector<16xi32>
      %eq3A_1033 = arith.constant 0 : i32
      %eq3A_1034 = vector.broadcast %eq3A_1033 : i32 to vector<16xi32>
      %eq3A_1035 = arith.cmpi eq, %and3A_1032, %eq3A_1034 : vector<16xi32>
      %select_n3A_1036 = arith.select %eq3A_1035, %select_n3A_761, %gather3A_1029 : vector<16xi1>, vector<16xf32>
      %lt3A_1037 = arith.constant 0 : i32
      %lt3A_1038 = vector.broadcast %lt3A_1037 : i32 to vector<16xi32>
      %lt3A_1039 = arith.cmpi slt, %xor3A_917, %lt3A_1038 : vector<16xi32>
      %add3A_1040 = arith.constant 16 : i32
      %add3A_1041 = vector.broadcast %add3A_1040 : i32 to vector<16xi32>
      %add3A_1042 = arith.addi %xor3A_917, %add3A_1041 : vector<16xi32>
      %select_n3A_1043 = arith.select %lt3A_1039, %add3A_1042, %xor3A_917 : vector<16xi1>, vector<16xi32>
      %broadcast_in_dim3A_1044 = vector.shape_cast %select_n3A_1043 : vector<16xi32> to vector<16x1xi32>
      %gather3A_1045 = vector.shape_cast %broadcast_in_dim3A_1044 : vector<16x1xi32> to vector<16xi32>
      %gather3A_1046 = tpu.dynamic_gather %select_n3A_914[%gather3A_1045] in [0] : vector<16xf32>, vector<16xi32> -> vector<16xf32>
      %and3A_1047 = arith.constant 8 : i32
      %and3A_1048 = vector.broadcast %and3A_1047 : i32 to vector<16xi32>
      %and3A_1049 = arith.andi %iota3A, %and3A_1048 : vector<16xi32>
      %eq3A_1050 = arith.constant 0 : i32
      %eq3A_1051 = vector.broadcast %eq3A_1050 : i32 to vector<16xi32>
      %eq3A_1052 = arith.cmpi eq, %and3A_1049, %eq3A_1051 : vector<16xi32>
      %select_n3A_1053 = arith.select %eq3A_1052, %select_n3A_778, %gather3A_1046 : vector<16xi1>, vector<16xf32>
      %lt3A_1054 = arith.constant 0 : i32
      %lt3A_1055 = vector.broadcast %lt3A_1054 : i32 to vector<16xi32>
      %lt3A_1056 = arith.cmpi slt, %xor3A_917, %lt3A_1055 : vector<16xi32>
      %add3A_1057 = arith.constant 16 : i32
      %add3A_1058 = vector.broadcast %add3A_1057 : i32 to vector<16xi32>
      %add3A_1059 = arith.addi %xor3A_917, %add3A_1058 : vector<16xi32>
      %select_n3A_1060 = arith.select %lt3A_1056, %add3A_1059, %xor3A_917 : vector<16xi1>, vector<16xi32>
      %broadcast_in_dim3A_1061 = vector.shape_cast %select_n3A_1060 : vector<16xi32> to vector<16x1xi32>
      %gather3A_1062 = vector.shape_cast %broadcast_in_dim3A_1061 : vector<16x1xi32> to vector<16xi32>
      %gather3A_1063 = tpu.dynamic_gather %select_n3A_659[%gather3A_1062] in [0] : vector<16xf32>, vector<16xi32> -> vector<16xf32>
      %and3A_1064 = arith.constant 8 : i32
      %and3A_1065 = vector.broadcast %and3A_1064 : i32 to vector<16xi32>
      %and3A_1066 = arith.andi %iota3A, %and3A_1065 : vector<16xi32>
      %eq3A_1067 = arith.constant 8 : i32
      %eq3A_1068 = vector.broadcast %eq3A_1067 : i32 to vector<16xi32>
      %eq3A_1069 = arith.cmpi eq, %and3A_1066, %eq3A_1068 : vector<16xi32>
      %select_n3A_1070 = arith.select %eq3A_1069, %select_n3A_795, %gather3A_1063 : vector<16xi1>, vector<16xf32>
      %lt3A_1071 = arith.constant 0 : i32
      %lt3A_1072 = vector.broadcast %lt3A_1071 : i32 to vector<16xi32>
      %lt3A_1073 = arith.cmpi slt, %xor3A_917, %lt3A_1072 : vector<16xi32>
      %add3A_1074 = arith.constant 16 : i32
      %add3A_1075 = vector.broadcast %add3A_1074 : i32 to vector<16xi32>
      %add3A_1076 = arith.addi %xor3A_917, %add3A_1075 : vector<16xi32>
      %select_n3A_1077 = arith.select %lt3A_1073, %add3A_1076, %xor3A_917 : vector<16xi1>, vector<16xi32>
      %broadcast_in_dim3A_1078 = vector.shape_cast %select_n3A_1077 : vector<16xi32> to vector<16x1xi32>
      %gather3A_1079 = vector.shape_cast %broadcast_in_dim3A_1078 : vector<16x1xi32> to vector<16xi32>
      %gather3A_1080 = tpu.dynamic_gather %select_n3A_676[%gather3A_1079] in [0] : vector<16xf32>, vector<16xi32> -> vector<16xf32>
      %and3A_1081 = arith.constant 8 : i32
      %and3A_1082 = vector.broadcast %and3A_1081 : i32 to vector<16xi32>
      %and3A_1083 = arith.andi %iota3A, %and3A_1082 : vector<16xi32>
      %eq3A_1084 = arith.constant 8 : i32
      %eq3A_1085 = vector.broadcast %eq3A_1084 : i32 to vector<16xi32>
      %eq3A_1086 = arith.cmpi eq, %and3A_1083, %eq3A_1085 : vector<16xi32>
      %select_n3A_1087 = arith.select %eq3A_1086, %select_n3A_812, %gather3A_1080 : vector<16xi1>, vector<16xf32>
      %lt3A_1088 = arith.constant 0 : i32
      %lt3A_1089 = vector.broadcast %lt3A_1088 : i32 to vector<16xi32>
      %lt3A_1090 = arith.cmpi slt, %xor3A_917, %lt3A_1089 : vector<16xi32>
      %add3A_1091 = arith.constant 16 : i32
      %add3A_1092 = vector.broadcast %add3A_1091 : i32 to vector<16xi32>
      %add3A_1093 = arith.addi %xor3A_917, %add3A_1092 : vector<16xi32>
      %select_n3A_1094 = arith.select %lt3A_1090, %add3A_1093, %xor3A_917 : vector<16xi1>, vector<16xi32>
      %broadcast_in_dim3A_1095 = vector.shape_cast %select_n3A_1094 : vector<16xi32> to vector<16x1xi32>
      %gather3A_1096 = vector.shape_cast %broadcast_in_dim3A_1095 : vector<16x1xi32> to vector<16xi32>
      %gather3A_1097 = tpu.dynamic_gather %select_n3A_693[%gather3A_1096] in [0] : vector<16xf32>, vector<16xi32> -> vector<16xf32>
      %and3A_1098 = arith.constant 8 : i32
      %and3A_1099 = vector.broadcast %and3A_1098 : i32 to vector<16xi32>
      %and3A_1100 = arith.andi %iota3A, %and3A_1099 : vector<16xi32>
      %eq3A_1101 = arith.constant 8 : i32
      %eq3A_1102 = vector.broadcast %eq3A_1101 : i32 to vector<16xi32>
      %eq3A_1103 = arith.cmpi eq, %and3A_1100, %eq3A_1102 : vector<16xi32>
      %select_n3A_1104 = arith.select %eq3A_1103, %select_n3A_829, %gather3A_1097 : vector<16xi1>, vector<16xf32>
      %lt3A_1105 = arith.constant 0 : i32
      %lt3A_1106 = vector.broadcast %lt3A_1105 : i32 to vector<16xi32>
      %lt3A_1107 = arith.cmpi slt, %xor3A_917, %lt3A_1106 : vector<16xi32>
      %add3A_1108 = arith.constant 16 : i32
      %add3A_1109 = vector.broadcast %add3A_1108 : i32 to vector<16xi32>
      %add3A_1110 = arith.addi %xor3A_917, %add3A_1109 : vector<16xi32>
      %select_n3A_1111 = arith.select %lt3A_1107, %add3A_1110, %xor3A_917 : vector<16xi1>, vector<16xi32>
      %broadcast_in_dim3A_1112 = vector.shape_cast %select_n3A_1111 : vector<16xi32> to vector<16x1xi32>
      %gather3A_1113 = vector.shape_cast %broadcast_in_dim3A_1112 : vector<16x1xi32> to vector<16xi32>
      %gather3A_1114 = tpu.dynamic_gather %select_n3A_710[%gather3A_1113] in [0] : vector<16xf32>, vector<16xi32> -> vector<16xf32>
      %and3A_1115 = arith.constant 8 : i32
      %and3A_1116 = vector.broadcast %and3A_1115 : i32 to vector<16xi32>
      %and3A_1117 = arith.andi %iota3A, %and3A_1116 : vector<16xi32>
      %eq3A_1118 = arith.constant 8 : i32
      %eq3A_1119 = vector.broadcast %eq3A_1118 : i32 to vector<16xi32>
      %eq3A_1120 = arith.cmpi eq, %and3A_1117, %eq3A_1119 : vector<16xi32>
      %select_n3A_1121 = arith.select %eq3A_1120, %select_n3A_846, %gather3A_1114 : vector<16xi1>, vector<16xf32>
      %lt3A_1122 = arith.constant 0 : i32
      %lt3A_1123 = vector.broadcast %lt3A_1122 : i32 to vector<16xi32>
      %lt3A_1124 = arith.cmpi slt, %xor3A_917, %lt3A_1123 : vector<16xi32>
      %add3A_1125 = arith.constant 16 : i32
      %add3A_1126 = vector.broadcast %add3A_1125 : i32 to vector<16xi32>
      %add3A_1127 = arith.addi %xor3A_917, %add3A_1126 : vector<16xi32>
      %select_n3A_1128 = arith.select %lt3A_1124, %add3A_1127, %xor3A_917 : vector<16xi1>, vector<16xi32>
      %broadcast_in_dim3A_1129 = vector.shape_cast %select_n3A_1128 : vector<16xi32> to vector<16x1xi32>
      %gather3A_1130 = vector.shape_cast %broadcast_in_dim3A_1129 : vector<16x1xi32> to vector<16xi32>
      %gather3A_1131 = tpu.dynamic_gather %select_n3A_727[%gather3A_1130] in [0] : vector<16xf32>, vector<16xi32> -> vector<16xf32>
      %and3A_1132 = arith.constant 8 : i32
      %and3A_1133 = vector.broadcast %and3A_1132 : i32 to vector<16xi32>
      %and3A_1134 = arith.andi %iota3A, %and3A_1133 : vector<16xi32>
      %eq3A_1135 = arith.constant 8 : i32
      %eq3A_1136 = vector.broadcast %eq3A_1135 : i32 to vector<16xi32>
      %eq3A_1137 = arith.cmpi eq, %and3A_1134, %eq3A_1136 : vector<16xi32>
      %select_n3A_1138 = arith.select %eq3A_1137, %select_n3A_863, %gather3A_1131 : vector<16xi1>, vector<16xf32>
      %lt3A_1139 = arith.constant 0 : i32
      %lt3A_1140 = vector.broadcast %lt3A_1139 : i32 to vector<16xi32>
      %lt3A_1141 = arith.cmpi slt, %xor3A_917, %lt3A_1140 : vector<16xi32>
      %add3A_1142 = arith.constant 16 : i32
      %add3A_1143 = vector.broadcast %add3A_1142 : i32 to vector<16xi32>
      %add3A_1144 = arith.addi %xor3A_917, %add3A_1143 : vector<16xi32>
      %select_n3A_1145 = arith.select %lt3A_1141, %add3A_1144, %xor3A_917 : vector<16xi1>, vector<16xi32>
      %broadcast_in_dim3A_1146 = vector.shape_cast %select_n3A_1145 : vector<16xi32> to vector<16x1xi32>
      %gather3A_1147 = vector.shape_cast %broadcast_in_dim3A_1146 : vector<16x1xi32> to vector<16xi32>
      %gather3A_1148 = tpu.dynamic_gather %select_n3A_744[%gather3A_1147] in [0] : vector<16xf32>, vector<16xi32> -> vector<16xf32>
      %and3A_1149 = arith.constant 8 : i32
      %and3A_1150 = vector.broadcast %and3A_1149 : i32 to vector<16xi32>
      %and3A_1151 = arith.andi %iota3A, %and3A_1150 : vector<16xi32>
      %eq3A_1152 = arith.constant 8 : i32
      %eq3A_1153 = vector.broadcast %eq3A_1152 : i32 to vector<16xi32>
      %eq3A_1154 = arith.cmpi eq, %and3A_1151, %eq3A_1153 : vector<16xi32>
      %select_n3A_1155 = arith.select %eq3A_1154, %select_n3A_880, %gather3A_1148 : vector<16xi1>, vector<16xf32>
      %lt3A_1156 = arith.constant 0 : i32
      %lt3A_1157 = vector.broadcast %lt3A_1156 : i32 to vector<16xi32>
      %lt3A_1158 = arith.cmpi slt, %xor3A_917, %lt3A_1157 : vector<16xi32>
      %add3A_1159 = arith.constant 16 : i32
      %add3A_1160 = vector.broadcast %add3A_1159 : i32 to vector<16xi32>
      %add3A_1161 = arith.addi %xor3A_917, %add3A_1160 : vector<16xi32>
      %select_n3A_1162 = arith.select %lt3A_1158, %add3A_1161, %xor3A_917 : vector<16xi1>, vector<16xi32>
      %broadcast_in_dim3A_1163 = vector.shape_cast %select_n3A_1162 : vector<16xi32> to vector<16x1xi32>
      %gather3A_1164 = vector.shape_cast %broadcast_in_dim3A_1163 : vector<16x1xi32> to vector<16xi32>
      %gather3A_1165 = tpu.dynamic_gather %select_n3A_761[%gather3A_1164] in [0] : vector<16xf32>, vector<16xi32> -> vector<16xf32>
      %and3A_1166 = arith.constant 8 : i32
      %and3A_1167 = vector.broadcast %and3A_1166 : i32 to vector<16xi32>
      %and3A_1168 = arith.andi %iota3A, %and3A_1167 : vector<16xi32>
      %eq3A_1169 = arith.constant 8 : i32
      %eq3A_1170 = vector.broadcast %eq3A_1169 : i32 to vector<16xi32>
      %eq3A_1171 = arith.cmpi eq, %and3A_1168, %eq3A_1170 : vector<16xi32>
      %select_n3A_1172 = arith.select %eq3A_1171, %select_n3A_897, %gather3A_1165 : vector<16xi1>, vector<16xf32>
      %lt3A_1173 = arith.constant 0 : i32
      %lt3A_1174 = vector.broadcast %lt3A_1173 : i32 to vector<16xi32>
      %lt3A_1175 = arith.cmpi slt, %xor3A_917, %lt3A_1174 : vector<16xi32>
      %add3A_1176 = arith.constant 16 : i32
      %add3A_1177 = vector.broadcast %add3A_1176 : i32 to vector<16xi32>
      %add3A_1178 = arith.addi %xor3A_917, %add3A_1177 : vector<16xi32>
      %select_n3A_1179 = arith.select %lt3A_1175, %add3A_1178, %xor3A_917 : vector<16xi1>, vector<16xi32>
      %broadcast_in_dim3A_1180 = vector.shape_cast %select_n3A_1179 : vector<16xi32> to vector<16x1xi32>
      %gather3A_1181 = vector.shape_cast %broadcast_in_dim3A_1180 : vector<16x1xi32> to vector<16xi32>
      %gather3A_1182 = tpu.dynamic_gather %select_n3A_778[%gather3A_1181] in [0] : vector<16xf32>, vector<16xi32> -> vector<16xf32>
      %and3A_1183 = arith.constant 8 : i32
      %and3A_1184 = vector.broadcast %and3A_1183 : i32 to vector<16xi32>
      %and3A_1185 = arith.andi %iota3A, %and3A_1184 : vector<16xi32>
      %eq3A_1186 = arith.constant 8 : i32
      %eq3A_1187 = vector.broadcast %eq3A_1186 : i32 to vector<16xi32>
      %eq3A_1188 = arith.cmpi eq, %and3A_1185, %eq3A_1187 : vector<16xi32>
      %select_n3A_1189 = arith.select %eq3A_1188, %select_n3A_914, %gather3A_1182 : vector<16xi1>, vector<16xf32>
      %swap3A = arith.constant 0 : i32
      %swap3A_1190 = arith.index_cast %swap3A : i32 to index
      %swap3A_1191 = arith.constant 0 : index
      %swap3A_1192 = tpu.vector_load %arg7[%swap3A_1190, %swap3A_1191] {strides = array<i32>} : memref<16x32xf32, #tpu.memory_space<vmem>>, vector<1x16xf32>,
      %swap3A_1193 = vector.shape_cast %swap3A_1192 : vector<1x16xf32> to vector<16xf32>
      %swap3A_1194 = vector.shape_cast %select_n3A_934 : vector<16xf32> to vector<1x16xf32>
      tpu.vector_store %arg7[%swap3A_1190, %swap3A_1191], %swap3A_1194 {strides = array<i32>} : memref<16x32xf32, #tpu.memory_space<vmem>>, vector<1x16xf32>,
      %swap3A_1195 = arith.constant 1 : i32
      %swap3A_1196 = arith.index_cast %swap3A_1195 : i32 to index
      %swap3A_1197 = arith.constant 0 : index
      %swap3A_1198 = tpu.vector_load %arg7[%swap3A_1196, %swap3A_1197] {strides = array<i32>} : memref<16x32xf32, #tpu.memory_space<vmem>>, vector<1x16xf32>,
      %swap3A_1199 = vector.shape_cast %swap3A_1198 : vector<1x16xf32> to vector<16xf32>
      %swap3A_1200 = vector.shape_cast %select_n3A_951 : vector<16xf32> to vector<1x16xf32>
      tpu.vector_store %arg7[%swap3A_1196, %swap3A_1197], %swap3A_1200 {strides = array<i32>} : memref<16x32xf32, #tpu.memory_space<vmem>>, vector<1x16xf32>,
      %swap3A_1201 = arith.constant 2 : i32
      %swap3A_1202 = arith.index_cast %swap3A_1201 : i32 to index
      %swap3A_1203 = arith.constant 0 : index
      %swap3A_1204 = tpu.vector_load %arg7[%swap3A_1202, %swap3A_1203] {strides = array<i32>} : memref<16x32xf32, #tpu.memory_space<vmem>>, vector<1x16xf32>,
      %swap3A_1205 = vector.shape_cast %swap3A_1204 : vector<1x16xf32> to vector<16xf32>
      %swap3A_1206 = vector.shape_cast %select_n3A_968 : vector<16xf32> to vector<1x16xf32>
      tpu.vector_store %arg7[%swap3A_1202, %swap3A_1203], %swap3A_1206 {strides = array<i32>} : memref<16x32xf32, #tpu.memory_space<vmem>>, vector<1x16xf32>,
      %swap3A_1207 = arith.constant 3 : i32
      %swap3A_1208 = arith.index_cast %swap3A_1207 : i32 to index
      %swap3A_1209 = arith.constant 0 : index
      %swap3A_1210 = tpu.vector_load %arg7[%swap3A_1208, %swap3A_1209] {strides = array<i32>} : memref<16x32xf32, #tpu.memory_space<vmem>>, vector<1x16xf32>,
      %swap3A_1211 = vector.shape_cast %swap3A_1210 : vector<1x16xf32> to vector<16xf32>
      %swap3A_1212 = vector.shape_cast %select_n3A_985 : vector<16xf32> to vector<1x16xf32>
      tpu.vector_store %arg7[%swap3A_1208, %swap3A_1209], %swap3A_1212 {strides = array<i32>} : memref<16x32xf32, #tpu.memory_space<vmem>>, vector<1x16xf32>,
      %swap3A_1213 = arith.constant 4 : i32
      %swap3A_1214 = arith.index_cast %swap3A_1213 : i32 to index
      %swap3A_1215 = arith.constant 0 : index
      %swap3A_1216 = tpu.vector_load %arg7[%swap3A_1214, %swap3A_1215] {strides = array<i32>} : memref<16x32xf32, #tpu.memory_space<vmem>>, vector<1x16xf32>,
      %swap3A_1217 = vector.shape_cast %swap3A_1216 : vector<1x16xf32> to vector<16xf32>
      %swap3A_1218 = vector.shape_cast %select_n3A_1002 : vector<16xf32> to vector<1x16xf32>
      tpu.vector_store %arg7[%swap3A_1214, %swap3A_1215], %swap3A_1218 {strides = array<i32>} : memref<16x32xf32, #tpu.memory_space<vmem>>, vector<1x16xf32>,
      %swap3A_1219 = arith.constant 5 : i32
      %swap3A_1220 = arith.index_cast %swap3A_1219 : i32 to index
      %swap3A_1221 = arith.constant 0 : index
      %swap3A_1222 = tpu.vector_load %arg7[%swap3A_1220, %swap3A_1221] {strides = array<i32>} : memref<16x32xf32, #tpu.memory_space<vmem>>, vector<1x16xf32>,
      %swap3A_1223 = vector.shape_cast %swap3A_1222 : vector<1x16xf32> to vector<16xf32>
      %swap3A_1224 = vector.shape_cast %select_n3A_1019 : vector<16xf32> to vector<1x16xf32>
      tpu.vector_store %arg7[%swap3A_1220, %swap3A_1221], %swap3A_1224 {strides = array<i32>} : memref<16x32xf32, #tpu.memory_space<vmem>>, vector<1x16xf32>,
      %swap3A_1225 = arith.constant 6 : i32
      %swap3A_1226 = arith.index_cast %swap3A_1225 : i32 to index
      %swap3A_1227 = arith.constant 0 : index
      %swap3A_1228 = tpu.vector_load %arg7[%swap3A_1226, %swap3A_1227] {strides = array<i32>} : memref<16x32xf32, #tpu.memory_space<vmem>>, vector<1x16xf32>,
      %swap3A_1229 = vector.shape_cast %swap3A_1228 : vector<1x16xf32> to vector<16xf32>
      %swap3A_1230 = vector.shape_cast %select_n3A_1036 : vector<16xf32> to vector<1x16xf32>
      tpu.vector_store %arg7[%swap3A_1226, %swap3A_1227], %swap3A_1230 {strides = array<i32>} : memref<16x32xf32, #tpu.memory_space<vmem>>, vector<1x16xf32>,
      %swap3A_1231 = arith.constant 7 : i32
      %swap3A_1232 = arith.index_cast %swap3A_1231 : i32 to index
      %swap3A_1233 = arith.constant 0 : index
      %swap3A_1234 = tpu.vector_load %arg7[%swap3A_1232, %swap3A_1233] {strides = array<i32>} : memref<16x32xf32, #tpu.memory_space<vmem>>, vector<1x16xf32>,
      %swap3A_1235 = vector.shape_cast %swap3A_1234 : vector<1x16xf32> to vector<16xf32>
      %swap3A_1236 = vector.shape_cast %select_n3A_1053 : vector<16xf32> to vector<1x16xf32>
      tpu.vector_store %arg7[%swap3A_1232, %swap3A_1233], %swap3A_1236 {strides = array<i32>} : memref<16x32xf32, #tpu.memory_space<vmem>>, vector<1x16xf32>,
      %swap3A_1237 = arith.constant 8 : i32
      %swap3A_1238 = arith.index_cast %swap3A_1237 : i32 to index
      %swap3A_1239 = arith.constant 0 : index
      %swap3A_1240 = tpu.vector_load %arg7[%swap3A_1238, %swap3A_1239] {strides = array<i32>} : memref<16x32xf32, #tpu.memory_space<vmem>>, vector<1x16xf32>,
      %swap3A_1241 = vector.shape_cast %swap3A_1240 : vector<1x16xf32> to vector<16xf32>
      %swap3A_1242 = vector.shape_cast %select_n3A_1070 : vector<16xf32> to vector<1x16xf32>
      tpu.vector_store %arg7[%swap3A_1238, %swap3A_1239], %swap3A_1242 {strides = array<i32>} : memref<16x32xf32, #tpu.memory_space<vmem>>, vector<1x16xf32>,
      %swap3A_1243 = arith.constant 9 : i32
      %swap3A_1244 = arith.index_cast %swap3A_1243 : i32 to index
      %swap3A_1245 = arith.constant 0 : index
      %swap3A_1246 = tpu.vector_load %arg7[%swap3A_1244, %swap3A_1245] {strides = array<i32>} : memref<16x32xf32, #tpu.memory_space<vmem>>, vector<1x16xf32>,
      %swap3A_1247 = vector.shape_cast %swap3A_1246 : vector<1x16xf32> to vector<16xf32>
      %swap3A_1248 = vector.shape_cast %select_n3A_1087 : vector<16xf32> to vector<1x16xf32>
      tpu.vector_store %arg7[%swap3A_1244, %swap3A_1245], %swap3A_1248 {strides = array<i32>} : memref<16x32xf32, #tpu.memory_space<vmem>>, vector<1x16xf32>,
      %swap3A_1249 = arith.constant 10 : i32
      %swap3A_1250 = arith.index_cast %swap3A_1249 : i32 to index
      %swap3A_1251 = arith.constant 0 : index
      %swap3A_1252 = tpu.vector_load %arg7[%swap3A_1250, %swap3A_1251] {strides = array<i32>} : memref<16x32xf32, #tpu.memory_space<vmem>>, vector<1x16xf32>,
      %swap3A_1253 = vector.shape_cast %swap3A_1252 : vector<1x16xf32> to vector<16xf32>
      %swap3A_1254 = vector.shape_cast %select_n3A_1104 : vector<16xf32> to vector<1x16xf32>
      tpu.vector_store %arg7[%swap3A_1250, %swap3A_1251], %swap3A_1254 {strides = array<i32>} : memref<16x32xf32, #tpu.memory_space<vmem>>, vector<1x16xf32>,
      %swap3A_1255 = arith.constant 11 : i32
      %swap3A_1256 = arith.index_cast %swap3A_1255 : i32 to index
      %swap3A_1257 = arith.constant 0 : index
      %swap3A_1258 = tpu.vector_load %arg7[%swap3A_1256, %swap3A_1257] {strides = array<i32>} : memref<16x32xf32, #tpu.memory_space<vmem>>, vector<1x16xf32>,
      %swap3A_1259 = vector.shape_cast %swap3A_1258 : vector<1x16xf32> to vector<16xf32>
      %swap3A_1260 = vector.shape_cast %select_n3A_1121 : vector<16xf32> to vector<1x16xf32>
      tpu.vector_store %arg7[%swap3A_1256, %swap3A_1257], %swap3A_1260 {strides = array<i32>} : memref<16x32xf32, #tpu.memory_space<vmem>>, vector<1x16xf32>,
      %swap3A_1261 = arith.constant 12 : i32
      %swap3A_1262 = arith.index_cast %swap3A_1261 : i32 to index
      %swap3A_1263 = arith.constant 0 : index
      %swap3A_1264 = tpu.vector_load %arg7[%swap3A_1262, %swap3A_1263] {strides = array<i32>} : memref<16x32xf32, #tpu.memory_space<vmem>>, vector<1x16xf32>,
      %swap3A_1265 = vector.shape_cast %swap3A_1264 : vector<1x16xf32> to vector<16xf32>
      %swap3A_1266 = vector.shape_cast %select_n3A_1138 : vector<16xf32> to vector<1x16xf32>
      tpu.vector_store %arg7[%swap3A_1262, %swap3A_1263], %swap3A_1266 {strides = array<i32>} : memref<16x32xf32, #tpu.memory_space<vmem>>, vector<1x16xf32>,
      %swap3A_1267 = arith.constant 13 : i32
      %swap3A_1268 = arith.index_cast %swap3A_1267 : i32 to index
      %swap3A_1269 = arith.constant 0 : index
      %swap3A_1270 = tpu.vector_load %arg7[%swap3A_1268, %swap3A_1269] {strides = array<i32>} : memref<16x32xf32, #tpu.memory_space<vmem>>, vector<1x16xf32>,
      %swap3A_1271 = vector.shape_cast %swap3A_1270 : vector<1x16xf32> to vector<16xf32>
      %swap3A_1272 = vector.shape_cast %select_n3A_1155 : vector<16xf32> to vector<1x16xf32>
      tpu.vector_store %arg7[%swap3A_1268, %swap3A_1269], %swap3A_1272 {strides = array<i32>} : memref<16x32xf32, #tpu.memory_space<vmem>>, vector<1x16xf32>,
      %swap3A_1273 = arith.constant 14 : i32
      %swap3A_1274 = arith.index_cast %swap3A_1273 : i32 to index
      %swap3A_1275 = arith.constant 0 : index
      %swap3A_1276 = tpu.vector_load %arg7[%swap3A_1274, %swap3A_1275] {strides = array<i32>} : memref<16x32xf32, #tpu.memory_space<vmem>>, vector<1x16xf32>,
      %swap3A_1277 = vector.shape_cast %swap3A_1276 : vector<1x16xf32> to vector<16xf32>
      %swap3A_1278 = vector.shape_cast %select_n3A_1172 : vector<16xf32> to vector<1x16xf32>
      tpu.vector_store %arg7[%swap3A_1274, %swap3A_1275], %swap3A_1278 {strides = array<i32>} : memref<16x32xf32, #tpu.memory_space<vmem>>, vector<1x16xf32>,
      %swap3A_1279 = arith.constant 15 : i32
      %swap3A_1280 = arith.index_cast %swap3A_1279 : i32 to index
      %swap3A_1281 = arith.constant 0 : index
      %swap3A_1282 = tpu.vector_load %arg7[%swap3A_1280, %swap3A_1281] {strides = array<i32>} : memref<16x32xf32, #tpu.memory_space<vmem>>, vector<1x16xf32>,
      %swap3A_1283 = vector.shape_cast %swap3A_1282 : vector<1x16xf32> to vector<16xf32>
      %swap3A_1284 = vector.shape_cast %select_n3A_1189 : vector<16xf32> to vector<1x16xf32>
      tpu.vector_store %arg7[%swap3A_1280, %swap3A_1281], %swap3A_1284 {strides = array<i32>} : memref<16x32xf32, #tpu.memory_space<vmem>>, vector<1x16xf32>,
      %get3A_1285 = arith.constant 16 : i32
      %get3A_1286 = arith.index_cast %get3A_1285 : i32 to index
      %get3A_1287 = arith.index_cast %mul3A_16 : i32 to index
      %get3A_1288 = tpu.vector_load %arg5[%get3A_1286, %get3A_1287] {strides = array<i32>} : memref<32x256xf32, #tpu.memory_space<vmem>>, vector<1x16xf32>,
      %get3A_1289 = vector.shape_cast %get3A_1288 : vector<1x16xf32> to vector<16xf32>
      %get3A_1290 = arith.constant 17 : i32
      %get3A_1291 = arith.index_cast %get3A_1290 : i32 to index
      %get3A_1292 = arith.index_cast %mul3A_16 : i32 to index
      %get3A_1293 = tpu.vector_load %arg5[%get3A_1291, %get3A_1292] {strides = array<i32>} : memref<32x256xf32, #tpu.memory_space<vmem>>, vector<1x16xf32>,
      %get3A_1294 = vector.shape_cast %get3A_1293 : vector<1x16xf32> to vector<16xf32>
      %get3A_1295 = arith.constant 18 : i32
      %get3A_1296 = arith.index_cast %get3A_1295 : i32 to index
      %get3A_1297 = arith.index_cast %mul3A_16 : i32 to index
      %get3A_1298 = tpu.vector_load %arg5[%get3A_1296, %get3A_1297] {strides = array<i32>} : memref<32x256xf32, #tpu.memory_space<vmem>>, vector<1x16xf32>,
      %get3A_1299 = vector.shape_cast %get3A_1298 : vector<1x16xf32> to vector<16xf32>
      %get3A_1300 = arith.constant 19 : i32
      %get3A_1301 = arith.index_cast %get3A_1300 : i32 to index
      %get3A_1302 = arith.index_cast %mul3A_16 : i32 to index
      %get3A_1303 = tpu.vector_load %arg5[%get3A_1301, %get3A_1302] {strides = array<i32>} : memref<32x256xf32, #tpu.memory_space<vmem>>, vector<1x16xf32>,
      %get3A_1304 = vector.shape_cast %get3A_1303 : vector<1x16xf32> to vector<16xf32>
      %get3A_1305 = arith.constant 20 : i32
      %get3A_1306 = arith.index_cast %get3A_1305 : i32 to index
      %get3A_1307 = arith.index_cast %mul3A_16 : i32 to index
      %get3A_1308 = tpu.vector_load %arg5[%get3A_1306, %get3A_1307] {strides = array<i32>} : memref<32x256xf32, #tpu.memory_space<vmem>>, vector<1x16xf32>,
      %get3A_1309 = vector.shape_cast %get3A_1308 : vector<1x16xf32> to vector<16xf32>
      %get3A_1310 = arith.constant 21 : i32
      %get3A_1311 = arith.index_cast %get3A_1310 : i32 to index
      %get3A_1312 = arith.index_cast %mul3A_16 : i32 to index
      %get3A_1313 = tpu.vector_load %arg5[%get3A_1311, %get3A_1312] {strides = array<i32>} : memref<32x256xf32, #tpu.memory_space<vmem>>, vector<1x16xf32>,
      %get3A_1314 = vector.shape_cast %get3A_1313 : vector<1x16xf32> to vector<16xf32>
      %get3A_1315 = arith.constant 22 : i32
      %get3A_1316 = arith.index_cast %get3A_1315 : i32 to index
      %get3A_1317 = arith.index_cast %mul3A_16 : i32 to index
      %get3A_1318 = tpu.vector_load %arg5[%get3A_1316, %get3A_1317] {strides = array<i32>} : memref<32x256xf32, #tpu.memory_space<vmem>>, vector<1x16xf32>,
      %get3A_1319 = vector.shape_cast %get3A_1318 : vector<1x16xf32> to vector<16xf32>
      %get3A_1320 = arith.constant 23 : i32
      %get3A_1321 = arith.index_cast %get3A_1320 : i32 to index
      %get3A_1322 = arith.index_cast %mul3A_16 : i32 to index
      %get3A_1323 = tpu.vector_load %arg5[%get3A_1321, %get3A_1322] {strides = array<i32>} : memref<32x256xf32, #tpu.memory_space<vmem>>, vector<1x16xf32>,
      %get3A_1324 = vector.shape_cast %get3A_1323 : vector<1x16xf32> to vector<16xf32>
      %get3A_1325 = arith.constant 24 : i32
      %get3A_1326 = arith.index_cast %get3A_1325 : i32 to index
      %get3A_1327 = arith.index_cast %mul3A_16 : i32 to index
      %get3A_1328 = tpu.vector_load %arg5[%get3A_1326, %get3A_1327] {strides = array<i32>} : memref<32x256xf32, #tpu.memory_space<vmem>>, vector<1x16xf32>,
      %get3A_1329 = vector.shape_cast %get3A_1328 : vector<1x16xf32> to vector<16xf32>
      %get3A_1330 = arith.constant 25 : i32
      %get3A_1331 = arith.index_cast %get3A_1330 : i32 to index
      %get3A_1332 = arith.index_cast %mul3A_16 : i32 to index
      %get3A_1333 = tpu.vector_load %arg5[%get3A_1331, %get3A_1332] {strides = array<i32>} : memref<32x256xf32, #tpu.memory_space<vmem>>, vector<1x16xf32>,
      %get3A_1334 = vector.shape_cast %get3A_1333 : vector<1x16xf32> to vector<16xf32>
      %get3A_1335 = arith.constant 26 : i32
      %get3A_1336 = arith.index_cast %get3A_1335 : i32 to index
      %get3A_1337 = arith.index_cast %mul3A_16 : i32 to index
      %get3A_1338 = tpu.vector_load %arg5[%get3A_1336, %get3A_1337] {strides = array<i32>} : memref<32x256xf32, #tpu.memory_space<vmem>>, vector<1x16xf32>,
      %get3A_1339 = vector.shape_cast %get3A_1338 : vector<1x16xf32> to vector<16xf32>
      %get3A_1340 = arith.constant 27 : i32
      %get3A_1341 = arith.index_cast %get3A_1340 : i32 to index
      %get3A_1342 = arith.index_cast %mul3A_16 : i32 to index
      %get3A_1343 = tpu.vector_load %arg5[%get3A_1341, %get3A_1342] {strides = array<i32>} : memref<32x256xf32, #tpu.memory_space<vmem>>, vector<1x16xf32>,
      %get3A_1344 = vector.shape_cast %get3A_1343 : vector<1x16xf32> to vector<16xf32>
      %get3A_1345 = arith.constant 28 : i32
      %get3A_1346 = arith.index_cast %get3A_1345 : i32 to index
      %get3A_1347 = arith.index_cast %mul3A_16 : i32 to index
      %get3A_1348 = tpu.vector_load %arg5[%get3A_1346, %get3A_1347] {strides = array<i32>} : memref<32x256xf32, #tpu.memory_space<vmem>>, vector<1x16xf32>,
      %get3A_1349 = vector.shape_cast %get3A_1348 : vector<1x16xf32> to vector<16xf32>
      %get3A_1350 = arith.constant 29 : i32
      %get3A_1351 = arith.index_cast %get3A_1350 : i32 to index
      %get3A_1352 = arith.index_cast %mul3A_16 : i32 to index
      %get3A_1353 = tpu.vector_load %arg5[%get3A_1351, %get3A_1352] {strides = array<i32>} : memref<32x256xf32, #tpu.memory_space<vmem>>, vector<1x16xf32>,
      %get3A_1354 = vector.shape_cast %get3A_1353 : vector<1x16xf32> to vector<16xf32>
      %get3A_1355 = arith.constant 30 : i32
      %get3A_1356 = arith.index_cast %get3A_1355 : i32 to index
      %get3A_1357 = arith.index_cast %mul3A_16 : i32 to index
      %get3A_1358 = tpu.vector_load %arg5[%get3A_1356, %get3A_1357] {strides = array<i32>} : memref<32x256xf32, #tpu.memory_space<vmem>>, vector<1x16xf32>,
      %get3A_1359 = vector.shape_cast %get3A_1358 : vector<1x16xf32> to vector<16xf32>
      %get3A_1360 = arith.constant 31 : i32
      %get3A_1361 = arith.index_cast %get3A_1360 : i32 to index
      %get3A_1362 = arith.index_cast %mul3A_16 : i32 to index
      %get3A_1363 = tpu.vector_load %arg5[%get3A_1361, %get3A_1362] {strides = array<i32>} : memref<32x256xf32, #tpu.memory_space<vmem>>, vector<1x16xf32>,
      %get3A_1364 = vector.shape_cast %get3A_1363 : vector<1x16xf32> to vector<16xf32>
      %xor3A_1365 = arith.constant 1 : i32
      %xor3A_1366 = vector.broadcast %xor3A_1365 : i32 to vector<16xi32>
      %xor3A_1367 = arith.xori %iota3A, %xor3A_1366 : vector<16xi32>
      %lt3A_1368 = arith.constant 0 : i32
      %lt3A_1369 = vector.broadcast %lt3A_1368 : i32 to vector<16xi32>
      %lt3A_1370 = arith.cmpi slt, %xor3A_1367, %lt3A_1369 : vector<16xi32>
      %add3A_1371 = arith.constant 16 : i32
      %add3A_1372 = vector.broadcast %add3A_1371 : i32 to vector<16xi32>
      %add3A_1373 = arith.addi %xor3A_1367, %add3A_1372 : vector<16xi32>
      %select_n3A_1374 = arith.select %lt3A_1370, %add3A_1373, %xor3A_1367 : vector<16xi1>, vector<16xi32>
      %broadcast_in_dim3A_1375 = vector.shape_cast %select_n3A_1374 : vector<16xi32> to vector<16x1xi32>
      %gather3A_1376 = vector.shape_cast %broadcast_in_dim3A_1375 : vector<16x1xi32> to vector<16xi32>
      %gather3A_1377 = tpu.dynamic_gather %get3A_1294[%gather3A_1376] in [0] : vector<16xf32>, vector<16xi32> -> vector<16xf32>
      %and3A_1378 = arith.constant 1 : i32
      %and3A_1379 = vector.broadcast %and3A_1378 : i32 to vector<16xi32>
      %and3A_1380 = arith.andi %iota3A, %and3A_1379 : vector<16xi32>
      %eq3A_1381 = arith.constant 0 : i32
      %eq3A_1382 = vector.broadcast %eq3A_1381 : i32 to vector<16xi32>
      %eq3A_1383 = arith.cmpi eq, %and3A_1380, %eq3A_1382 : vector<16xi32>
      %select_n3A_1384 = arith.select %eq3A_1383, %get3A_1289, %gather3A_1377 : vector<16xi1>, vector<16xf32>
      %lt3A_1385 = arith.constant 0 : i32
      %lt3A_1386 = vector.broadcast %lt3A_1385 : i32 to vector<16xi32>
      %lt3A_1387 = arith.cmpi slt, %xor3A_1367, %lt3A_1386 : vector<16xi32>
      %add3A_1388 = arith.constant 16 : i32
      %add3A_1389 = vector.broadcast %add3A_1388 : i32 to vector<16xi32>
      %add3A_1390 = arith.addi %xor3A_1367, %add3A_1389 : vector<16xi32>
      %select_n3A_1391 = arith.select %lt3A_1387, %add3A_1390, %xor3A_1367 : vector<16xi1>, vector<16xi32>
      %broadcast_in_dim3A_1392 = vector.shape_cast %select_n3A_1391 : vector<16xi32> to vector<16x1xi32>
      %gather3A_1393 = vector.shape_cast %broadcast_in_dim3A_1392 : vector<16x1xi32> to vector<16xi32>
      %gather3A_1394 = tpu.dynamic_gather %get3A_1289[%gather3A_1393] in [0] : vector<16xf32>, vector<16xi32> -> vector<16xf32>
      %and3A_1395 = arith.constant 1 : i32
      %and3A_1396 = vector.broadcast %and3A_1395 : i32 to vector<16xi32>
      %and3A_1397 = arith.andi %iota3A, %and3A_1396 : vector<16xi32>
      %eq3A_1398 = arith.constant 1 : i32
      %eq3A_1399 = vector.broadcast %eq3A_1398 : i32 to vector<16xi32>
      %eq3A_1400 = arith.cmpi eq, %and3A_1397, %eq3A_1399 : vector<16xi32>
      %select_n3A_1401 = arith.select %eq3A_1400, %get3A_1294, %gather3A_1394 : vector<16xi1>, vector<16xf32>
      %lt3A_1402 = arith.constant 0 : i32
      %lt3A_1403 = vector.broadcast %lt3A_1402 : i32 to vector<16xi32>
      %lt3A_1404 = arith.cmpi slt, %xor3A_1367, %lt3A_1403 : vector<16xi32>
      %add3A_1405 = arith.constant 16 : i32
      %add3A_1406 = vector.broadcast %add3A_1405 : i32 to vector<16xi32>
      %add3A_1407 = arith.addi %xor3A_1367, %add3A_1406 : vector<16xi32>
      %select_n3A_1408 = arith.select %lt3A_1404, %add3A_1407, %xor3A_1367 : vector<16xi1>, vector<16xi32>
      %broadcast_in_dim3A_1409 = vector.shape_cast %select_n3A_1408 : vector<16xi32> to vector<16x1xi32>
      %gather3A_1410 = vector.shape_cast %broadcast_in_dim3A_1409 : vector<16x1xi32> to vector<16xi32>
      %gather3A_1411 = tpu.dynamic_gather %get3A_1304[%gather3A_1410] in [0] : vector<16xf32>, vector<16xi32> -> vector<16xf32>
      %and3A_1412 = arith.constant 1 : i32
      %and3A_1413 = vector.broadcast %and3A_1412 : i32 to vector<16xi32>
      %and3A_1414 = arith.andi %iota3A, %and3A_1413 : vector<16xi32>
      %eq3A_1415 = arith.constant 0 : i32
      %eq3A_1416 = vector.broadcast %eq3A_1415 : i32 to vector<16xi32>
      %eq3A_1417 = arith.cmpi eq, %and3A_1414, %eq3A_1416 : vector<16xi32>
      %select_n3A_1418 = arith.select %eq3A_1417, %get3A_1299, %gather3A_1411 : vector<16xi1>, vector<16xf32>
      %lt3A_1419 = arith.constant 0 : i32
      %lt3A_1420 = vector.broadcast %lt3A_1419 : i32 to vector<16xi32>
      %lt3A_1421 = arith.cmpi slt, %xor3A_1367, %lt3A_1420 : vector<16xi32>
      %add3A_1422 = arith.constant 16 : i32
      %add3A_1423 = vector.broadcast %add3A_1422 : i32 to vector<16xi32>
      %add3A_1424 = arith.addi %xor3A_1367, %add3A_1423 : vector<16xi32>
      %select_n3A_1425 = arith.select %lt3A_1421, %add3A_1424, %xor3A_1367 : vector<16xi1>, vector<16xi32>
      %broadcast_in_dim3A_1426 = vector.shape_cast %select_n3A_1425 : vector<16xi32> to vector<16x1xi32>
      %gather3A_1427 = vector.shape_cast %broadcast_in_dim3A_1426 : vector<16x1xi32> to vector<16xi32>
      %gather3A_1428 = tpu.dynamic_gather %get3A_1299[%gather3A_1427] in [0] : vector<16xf32>, vector<16xi32> -> vector<16xf32>
      %and3A_1429 = arith.constant 1 : i32
      %and3A_1430 = vector.broadcast %and3A_1429 : i32 to vector<16xi32>
      %and3A_1431 = arith.andi %iota3A, %and3A_1430 : vector<16xi32>
      %eq3A_1432 = arith.constant 1 : i32
      %eq3A_1433 = vector.broadcast %eq3A_1432 : i32 to vector<16xi32>
      %eq3A_1434 = arith.cmpi eq, %and3A_1431, %eq3A_1433 : vector<16xi32>
      %select_n3A_1435 = arith.select %eq3A_1434, %get3A_1304, %gather3A_1428 : vector<16xi1>, vector<16xf32>
      %lt3A_1436 = arith.constant 0 : i32
      %lt3A_1437 = vector.broadcast %lt3A_1436 : i32 to vector<16xi32>
      %lt3A_1438 = arith.cmpi slt, %xor3A_1367, %lt3A_1437 : vector<16xi32>
      %add3A_1439 = arith.constant 16 : i32
      %add3A_1440 = vector.broadcast %add3A_1439 : i32 to vector<16xi32>
      %add3A_1441 = arith.addi %xor3A_1367, %add3A_1440 : vector<16xi32>
      %select_n3A_1442 = arith.select %lt3A_1438, %add3A_1441, %xor3A_1367 : vector<16xi1>, vector<16xi32>
      %broadcast_in_dim3A_1443 = vector.shape_cast %select_n3A_1442 : vector<16xi32> to vector<16x1xi32>
      %gather3A_1444 = vector.shape_cast %broadcast_in_dim3A_1443 : vector<16x1xi32> to vector<16xi32>
      %gather3A_1445 = tpu.dynamic_gather %get3A_1314[%gather3A_1444] in [0] : vector<16xf32>, vector<16xi32> -> vector<16xf32>
      %and3A_1446 = arith.constant 1 : i32
      %and3A_1447 = vector.broadcast %and3A_1446 : i32 to vector<16xi32>
      %and3A_1448 = arith.andi %iota3A, %and3A_1447 : vector<16xi32>
      %eq3A_1449 = arith.constant 0 : i32
      %eq3A_1450 = vector.broadcast %eq3A_1449 : i32 to vector<16xi32>
      %eq3A_1451 = arith.cmpi eq, %and3A_1448, %eq3A_1450 : vector<16xi32>
      %select_n3A_1452 = arith.select %eq3A_1451, %get3A_1309, %gather3A_1445 : vector<16xi1>, vector<16xf32>
      %lt3A_1453 = arith.constant 0 : i32
      %lt3A_1454 = vector.broadcast %lt3A_1453 : i32 to vector<16xi32>
      %lt3A_1455 = arith.cmpi slt, %xor3A_1367, %lt3A_1454 : vector<16xi32>
      %add3A_1456 = arith.constant 16 : i32
      %add3A_1457 = vector.broadcast %add3A_1456 : i32 to vector<16xi32>
      %add3A_1458 = arith.addi %xor3A_1367, %add3A_1457 : vector<16xi32>
      %select_n3A_1459 = arith.select %lt3A_1455, %add3A_1458, %xor3A_1367 : vector<16xi1>, vector<16xi32>
      %broadcast_in_dim3A_1460 = vector.shape_cast %select_n3A_1459 : vector<16xi32> to vector<16x1xi32>
      %gather3A_1461 = vector.shape_cast %broadcast_in_dim3A_1460 : vector<16x1xi32> to vector<16xi32>
      %gather3A_1462 = tpu.dynamic_gather %get3A_1309[%gather3A_1461] in [0] : vector<16xf32>, vector<16xi32> -> vector<16xf32>
      %and3A_1463 = arith.constant 1 : i32
      %and3A_1464 = vector.broadcast %and3A_1463 : i32 to vector<16xi32>
      %and3A_1465 = arith.andi %iota3A, %and3A_1464 : vector<16xi32>
      %eq3A_1466 = arith.constant 1 : i32
      %eq3A_1467 = vector.broadcast %eq3A_1466 : i32 to vector<16xi32>
      %eq3A_1468 = arith.cmpi eq, %and3A_1465, %eq3A_1467 : vector<16xi32>
      %select_n3A_1469 = arith.select %eq3A_1468, %get3A_1314, %gather3A_1462 : vector<16xi1>, vector<16xf32>
      %lt3A_1470 = arith.constant 0 : i32
      %lt3A_1471 = vector.broadcast %lt3A_1470 : i32 to vector<16xi32>
      %lt3A_1472 = arith.cmpi slt, %xor3A_1367, %lt3A_1471 : vector<16xi32>
      %add3A_1473 = arith.constant 16 : i32
      %add3A_1474 = vector.broadcast %add3A_1473 : i32 to vector<16xi32>
      %add3A_1475 = arith.addi %xor3A_1367, %add3A_1474 : vector<16xi32>
      %select_n3A_1476 = arith.select %lt3A_1472, %add3A_1475, %xor3A_1367 : vector<16xi1>, vector<16xi32>
      %broadcast_in_dim3A_1477 = vector.shape_cast %select_n3A_1476 : vector<16xi32> to vector<16x1xi32>
      %gather3A_1478 = vector.shape_cast %broadcast_in_dim3A_1477 : vector<16x1xi32> to vector<16xi32>
      %gather3A_1479 = tpu.dynamic_gather %get3A_1324[%gather3A_1478] in [0] : vector<16xf32>, vector<16xi32> -> vector<16xf32>
      %and3A_1480 = arith.constant 1 : i32
      %and3A_1481 = vector.broadcast %and3A_1480 : i32 to vector<16xi32>
      %and3A_1482 = arith.andi %iota3A, %and3A_1481 : vector<16xi32>
      %eq3A_1483 = arith.constant 0 : i32
      %eq3A_1484 = vector.broadcast %eq3A_1483 : i32 to vector<16xi32>
      %eq3A_1485 = arith.cmpi eq, %and3A_1482, %eq3A_1484 : vector<16xi32>
      %select_n3A_1486 = arith.select %eq3A_1485, %get3A_1319, %gather3A_1479 : vector<16xi1>, vector<16xf32>
      %lt3A_1487 = arith.constant 0 : i32
      %lt3A_1488 = vector.broadcast %lt3A_1487 : i32 to vector<16xi32>
      %lt3A_1489 = arith.cmpi slt, %xor3A_1367, %lt3A_1488 : vector<16xi32>
      %add3A_1490 = arith.constant 16 : i32
      %add3A_1491 = vector.broadcast %add3A_1490 : i32 to vector<16xi32>
      %add3A_1492 = arith.addi %xor3A_1367, %add3A_1491 : vector<16xi32>
      %select_n3A_1493 = arith.select %lt3A_1489, %add3A_1492, %xor3A_1367 : vector<16xi1>, vector<16xi32>
      %broadcast_in_dim3A_1494 = vector.shape_cast %select_n3A_1493 : vector<16xi32> to vector<16x1xi32>
      %gather3A_1495 = vector.shape_cast %broadcast_in_dim3A_1494 : vector<16x1xi32> to vector<16xi32>
      %gather3A_1496 = tpu.dynamic_gather %get3A_1319[%gather3A_1495] in [0] : vector<16xf32>, vector<16xi32> -> vector<16xf32>
      %and3A_1497 = arith.constant 1 : i32
      %and3A_1498 = vector.broadcast %and3A_1497 : i32 to vector<16xi32>
      %and3A_1499 = arith.andi %iota3A, %and3A_1498 : vector<16xi32>
      %eq3A_1500 = arith.constant 1 : i32
      %eq3A_1501 = vector.broadcast %eq3A_1500 : i32 to vector<16xi32>
      %eq3A_1502 = arith.cmpi eq, %and3A_1499, %eq3A_1501 : vector<16xi32>
      %select_n3A_1503 = arith.select %eq3A_1502, %get3A_1324, %gather3A_1496 : vector<16xi1>, vector<16xf32>
      %lt3A_1504 = arith.constant 0 : i32
      %lt3A_1505 = vector.broadcast %lt3A_1504 : i32 to vector<16xi32>
      %lt3A_1506 = arith.cmpi slt, %xor3A_1367, %lt3A_1505 : vector<16xi32>
      %add3A_1507 = arith.constant 16 : i32
      %add3A_1508 = vector.broadcast %add3A_1507 : i32 to vector<16xi32>
      %add3A_1509 = arith.addi %xor3A_1367, %add3A_1508 : vector<16xi32>
      %select_n3A_1510 = arith.select %lt3A_1506, %add3A_1509, %xor3A_1367 : vector<16xi1>, vector<16xi32>
      %broadcast_in_dim3A_1511 = vector.shape_cast %select_n3A_1510 : vector<16xi32> to vector<16x1xi32>
      %gather3A_1512 = vector.shape_cast %broadcast_in_dim3A_1511 : vector<16x1xi32> to vector<16xi32>
      %gather3A_1513 = tpu.dynamic_gather %get3A_1334[%gather3A_1512] in [0] : vector<16xf32>, vector<16xi32> -> vector<16xf32>
      %and3A_1514 = arith.constant 1 : i32
      %and3A_1515 = vector.broadcast %and3A_1514 : i32 to vector<16xi32>
      %and3A_1516 = arith.andi %iota3A, %and3A_1515 : vector<16xi32>
      %eq3A_1517 = arith.constant 0 : i32
      %eq3A_1518 = vector.broadcast %eq3A_1517 : i32 to vector<16xi32>
      %eq3A_1519 = arith.cmpi eq, %and3A_1516, %eq3A_1518 : vector<16xi32>
      %select_n3A_1520 = arith.select %eq3A_1519, %get3A_1329, %gather3A_1513 : vector<16xi1>, vector<16xf32>
      %lt3A_1521 = arith.constant 0 : i32
      %lt3A_1522 = vector.broadcast %lt3A_1521 : i32 to vector<16xi32>
      %lt3A_1523 = arith.cmpi slt, %xor3A_1367, %lt3A_1522 : vector<16xi32>
      %add3A_1524 = arith.constant 16 : i32
      %add3A_1525 = vector.broadcast %add3A_1524 : i32 to vector<16xi32>
      %add3A_1526 = arith.addi %xor3A_1367, %add3A_1525 : vector<16xi32>
      %select_n3A_1527 = arith.select %lt3A_1523, %add3A_1526, %xor3A_1367 : vector<16xi1>, vector<16xi32>
      %broadcast_in_dim3A_1528 = vector.shape_cast %select_n3A_1527 : vector<16xi32> to vector<16x1xi32>
      %gather3A_1529 = vector.shape_cast %broadcast_in_dim3A_1528 : vector<16x1xi32> to vector<16xi32>
      %gather3A_1530 = tpu.dynamic_gather %get3A_1329[%gather3A_1529] in [0] : vector<16xf32>, vector<16xi32> -> vector<16xf32>
      %and3A_1531 = arith.constant 1 : i32
      %and3A_1532 = vector.broadcast %and3A_1531 : i32 to vector<16xi32>
      %and3A_1533 = arith.andi %iota3A, %and3A_1532 : vector<16xi32>
      %eq3A_1534 = arith.constant 1 : i32
      %eq3A_1535 = vector.broadcast %eq3A_1534 : i32 to vector<16xi32>
      %eq3A_1536 = arith.cmpi eq, %and3A_1533, %eq3A_1535 : vector<16xi32>
      %select_n3A_1537 = arith.select %eq3A_1536, %get3A_1334, %gather3A_1530 : vector<16xi1>, vector<16xf32>
      %lt3A_1538 = arith.constant 0 : i32
      %lt3A_1539 = vector.broadcast %lt3A_1538 : i32 to vector<16xi32>
      %lt3A_1540 = arith.cmpi slt, %xor3A_1367, %lt3A_1539 : vector<16xi32>
      %add3A_1541 = arith.constant 16 : i32
      %add3A_1542 = vector.broadcast %add3A_1541 : i32 to vector<16xi32>
      %add3A_1543 = arith.addi %xor3A_1367, %add3A_1542 : vector<16xi32>
      %select_n3A_1544 = arith.select %lt3A_1540, %add3A_1543, %xor3A_1367 : vector<16xi1>, vector<16xi32>
      %broadcast_in_dim3A_1545 = vector.shape_cast %select_n3A_1544 : vector<16xi32> to vector<16x1xi32>
      %gather3A_1546 = vector.shape_cast %broadcast_in_dim3A_1545 : vector<16x1xi32> to vector<16xi32>
      %gather3A_1547 = tpu.dynamic_gather %get3A_1344[%gather3A_1546] in [0] : vector<16xf32>, vector<16xi32> -> vector<16xf32>
      %and3A_1548 = arith.constant 1 : i32
      %and3A_1549 = vector.broadcast %and3A_1548 : i32 to vector<16xi32>
      %and3A_1550 = arith.andi %iota3A, %and3A_1549 : vector<16xi32>
      %eq3A_1551 = arith.constant 0 : i32
      %eq3A_1552 = vector.broadcast %eq3A_1551 : i32 to vector<16xi32>
      %eq3A_1553 = arith.cmpi eq, %and3A_1550, %eq3A_1552 : vector<16xi32>
      %select_n3A_1554 = arith.select %eq3A_1553, %get3A_1339, %gather3A_1547 : vector<16xi1>, vector<16xf32>
      %lt3A_1555 = arith.constant 0 : i32
      %lt3A_1556 = vector.broadcast %lt3A_1555 : i32 to vector<16xi32>
      %lt3A_1557 = arith.cmpi slt, %xor3A_1367, %lt3A_1556 : vector<16xi32>
      %add3A_1558 = arith.constant 16 : i32
      %add3A_1559 = vector.broadcast %add3A_1558 : i32 to vector<16xi32>
      %add3A_1560 = arith.addi %xor3A_1367, %add3A_1559 : vector<16xi32>
      %select_n3A_1561 = arith.select %lt3A_1557, %add3A_1560, %xor3A_1367 : vector<16xi1>, vector<16xi32>
      %broadcast_in_dim3A_1562 = vector.shape_cast %select_n3A_1561 : vector<16xi32> to vector<16x1xi32>
      %gather3A_1563 = vector.shape_cast %broadcast_in_dim3A_1562 : vector<16x1xi32> to vector<16xi32>
      %gather3A_1564 = tpu.dynamic_gather %get3A_1339[%gather3A_1563] in [0] : vector<16xf32>, vector<16xi32> -> vector<16xf32>
      %and3A_1565 = arith.constant 1 : i32
      %and3A_1566 = vector.broadcast %and3A_1565 : i32 to vector<16xi32>
      %and3A_1567 = arith.andi %iota3A, %and3A_1566 : vector<16xi32>
      %eq3A_1568 = arith.constant 1 : i32
      %eq3A_1569 = vector.broadcast %eq3A_1568 : i32 to vector<16xi32>
      %eq3A_1570 = arith.cmpi eq, %and3A_1567, %eq3A_1569 : vector<16xi32>
      %select_n3A_1571 = arith.select %eq3A_1570, %get3A_1344, %gather3A_1564 : vector<16xi1>, vector<16xf32>
      %lt3A_1572 = arith.constant 0 : i32
      %lt3A_1573 = vector.broadcast %lt3A_1572 : i32 to vector<16xi32>
      %lt3A_1574 = arith.cmpi slt, %xor3A_1367, %lt3A_1573 : vector<16xi32>
      %add3A_1575 = arith.constant 16 : i32
      %add3A_1576 = vector.broadcast %add3A_1575 : i32 to vector<16xi32>
      %add3A_1577 = arith.addi %xor3A_1367, %add3A_1576 : vector<16xi32>
      %select_n3A_1578 = arith.select %lt3A_1574, %add3A_1577, %xor3A_1367 : vector<16xi1>, vector<16xi32>
      %broadcast_in_dim3A_1579 = vector.shape_cast %select_n3A_1578 : vector<16xi32> to vector<16x1xi32>
      %gather3A_1580 = vector.shape_cast %broadcast_in_dim3A_1579 : vector<16x1xi32> to vector<16xi32>
      %gather3A_1581 = tpu.dynamic_gather %get3A_1354[%gather3A_1580] in [0] : vector<16xf32>, vector<16xi32> -> vector<16xf32>
      %and3A_1582 = arith.constant 1 : i32
      %and3A_1583 = vector.broadcast %and3A_1582 : i32 to vector<16xi32>
      %and3A_1584 = arith.andi %iota3A, %and3A_1583 : vector<16xi32>
      %eq3A_1585 = arith.constant 0 : i32
      %eq3A_1586 = vector.broadcast %eq3A_1585 : i32 to vector<16xi32>
      %eq3A_1587 = arith.cmpi eq, %and3A_1584, %eq3A_1586 : vector<16xi32>
      %select_n3A_1588 = arith.select %eq3A_1587, %get3A_1349, %gather3A_1581 : vector<16xi1>, vector<16xf32>
      %lt3A_1589 = arith.constant 0 : i32
      %lt3A_1590 = vector.broadcast %lt3A_1589 : i32 to vector<16xi32>
      %lt3A_1591 = arith.cmpi slt, %xor3A_1367, %lt3A_1590 : vector<16xi32>
      %add3A_1592 = arith.constant 16 : i32
      %add3A_1593 = vector.broadcast %add3A_1592 : i32 to vector<16xi32>
      %add3A_1594 = arith.addi %xor3A_1367, %add3A_1593 : vector<16xi32>
      %select_n3A_1595 = arith.select %lt3A_1591, %add3A_1594, %xor3A_1367 : vector<16xi1>, vector<16xi32>
      %broadcast_in_dim3A_1596 = vector.shape_cast %select_n3A_1595 : vector<16xi32> to vector<16x1xi32>
      %gather3A_1597 = vector.shape_cast %broadcast_in_dim3A_1596 : vector<16x1xi32> to vector<16xi32>
      %gather3A_1598 = tpu.dynamic_gather %get3A_1349[%gather3A_1597] in [0] : vector<16xf32>, vector<16xi32> -> vector<16xf32>
      %and3A_1599 = arith.constant 1 : i32
      %and3A_1600 = vector.broadcast %and3A_1599 : i32 to vector<16xi32>
      %and3A_1601 = arith.andi %iota3A, %and3A_1600 : vector<16xi32>
      %eq3A_1602 = arith.constant 1 : i32
      %eq3A_1603 = vector.broadcast %eq3A_1602 : i32 to vector<16xi32>
      %eq3A_1604 = arith.cmpi eq, %and3A_1601, %eq3A_1603 : vector<16xi32>
      %select_n3A_1605 = arith.select %eq3A_1604, %get3A_1354, %gather3A_1598 : vector<16xi1>, vector<16xf32>
      %lt3A_1606 = arith.constant 0 : i32
      %lt3A_1607 = vector.broadcast %lt3A_1606 : i32 to vector<16xi32>
      %lt3A_1608 = arith.cmpi slt, %xor3A_1367, %lt3A_1607 : vector<16xi32>
      %add3A_1609 = arith.constant 16 : i32
      %add3A_1610 = vector.broadcast %add3A_1609 : i32 to vector<16xi32>
      %add3A_1611 = arith.addi %xor3A_1367, %add3A_1610 : vector<16xi32>
      %select_n3A_1612 = arith.select %lt3A_1608, %add3A_1611, %xor3A_1367 : vector<16xi1>, vector<16xi32>
      %broadcast_in_dim3A_1613 = vector.shape_cast %select_n3A_1612 : vector<16xi32> to vector<16x1xi32>
      %gather3A_1614 = vector.shape_cast %broadcast_in_dim3A_1613 : vector<16x1xi32> to vector<16xi32>
      %gather3A_1615 = tpu.dynamic_gather %get3A_1364[%gather3A_1614] in [0] : vector<16xf32>, vector<16xi32> -> vector<16xf32>
      %and3A_1616 = arith.constant 1 : i32
      %and3A_1617 = vector.broadcast %and3A_1616 : i32 to vector<16xi32>
      %and3A_1618 = arith.andi %iota3A, %and3A_1617 : vector<16xi32>
      %eq3A_1619 = arith.constant 0 : i32
      %eq3A_1620 = vector.broadcast %eq3A_1619 : i32 to vector<16xi32>
      %eq3A_1621 = arith.cmpi eq, %and3A_1618, %eq3A_1620 : vector<16xi32>
      %select_n3A_1622 = arith.select %eq3A_1621, %get3A_1359, %gather3A_1615 : vector<16xi1>, vector<16xf32>
      %lt3A_1623 = arith.constant 0 : i32
      %lt3A_1624 = vector.broadcast %lt3A_1623 : i32 to vector<16xi32>
      %lt3A_1625 = arith.cmpi slt, %xor3A_1367, %lt3A_1624 : vector<16xi32>
      %add3A_1626 = arith.constant 16 : i32
      %add3A_1627 = vector.broadcast %add3A_1626 : i32 to vector<16xi32>
      %add3A_1628 = arith.addi %xor3A_1367, %add3A_1627 : vector<16xi32>
      %select_n3A_1629 = arith.select %lt3A_1625, %add3A_1628, %xor3A_1367 : vector<16xi1>, vector<16xi32>
      %broadcast_in_dim3A_1630 = vector.shape_cast %select_n3A_1629 : vector<16xi32> to vector<16x1xi32>
      %gather3A_1631 = vector.shape_cast %broadcast_in_dim3A_1630 : vector<16x1xi32> to vector<16xi32>
      %gather3A_1632 = tpu.dynamic_gather %get3A_1359[%gather3A_1631] in [0] : vector<16xf32>, vector<16xi32> -> vector<16xf32>
      %and3A_1633 = arith.constant 1 : i32
      %and3A_1634 = vector.broadcast %and3A_1633 : i32 to vector<16xi32>
      %and3A_1635 = arith.andi %iota3A, %and3A_1634 : vector<16xi32>
      %eq3A_1636 = arith.constant 1 : i32
      %eq3A_1637 = vector.broadcast %eq3A_1636 : i32 to vector<16xi32>
      %eq3A_1638 = arith.cmpi eq, %and3A_1635, %eq3A_1637 : vector<16xi32>
      %select_n3A_1639 = arith.select %eq3A_1638, %get3A_1364, %gather3A_1632 : vector<16xi1>, vector<16xf32>
      %xor3A_1640 = arith.constant 2 : i32
      %xor3A_1641 = vector.broadcast %xor3A_1640 : i32 to vector<16xi32>
      %xor3A_1642 = arith.xori %iota3A, %xor3A_1641 : vector<16xi32>
      %lt3A_1643 = arith.constant 0 : i32
      %lt3A_1644 = vector.broadcast %lt3A_1643 : i32 to vector<16xi32>
      %lt3A_1645 = arith.cmpi slt, %xor3A_1642, %lt3A_1644 : vector<16xi32>
      %add3A_1646 = arith.constant 16 : i32
      %add3A_1647 = vector.broadcast %add3A_1646 : i32 to vector<16xi32>
      %add3A_1648 = arith.addi %xor3A_1642, %add3A_1647 : vector<16xi32>
      %select_n3A_1649 = arith.select %lt3A_1645, %add3A_1648, %xor3A_1642 : vector<16xi1>, vector<16xi32>
      %broadcast_in_dim3A_1650 = vector.shape_cast %select_n3A_1649 : vector<16xi32> to vector<16x1xi32>
      %gather3A_1651 = vector.shape_cast %broadcast_in_dim3A_1650 : vector<16x1xi32> to vector<16xi32>
      %gather3A_1652 = tpu.dynamic_gather %select_n3A_1418[%gather3A_1651] in [0] : vector<16xf32>, vector<16xi32> -> vector<16xf32>
      %and3A_1653 = arith.constant 2 : i32
      %and3A_1654 = vector.broadcast %and3A_1653 : i32 to vector<16xi32>
      %and3A_1655 = arith.andi %iota3A, %and3A_1654 : vector<16xi32>
      %eq3A_1656 = arith.constant 0 : i32
      %eq3A_1657 = vector.broadcast %eq3A_1656 : i32 to vector<16xi32>
      %eq3A_1658 = arith.cmpi eq, %and3A_1655, %eq3A_1657 : vector<16xi32>
      %select_n3A_1659 = arith.select %eq3A_1658, %select_n3A_1384, %gather3A_1652 : vector<16xi1>, vector<16xf32>
      %lt3A_1660 = arith.constant 0 : i32
      %lt3A_1661 = vector.broadcast %lt3A_1660 : i32 to vector<16xi32>
      %lt3A_1662 = arith.cmpi slt, %xor3A_1642, %lt3A_1661 : vector<16xi32>
      %add3A_1663 = arith.constant 16 : i32
      %add3A_1664 = vector.broadcast %add3A_1663 : i32 to vector<16xi32>
      %add3A_1665 = arith.addi %xor3A_1642, %add3A_1664 : vector<16xi32>
      %select_n3A_1666 = arith.select %lt3A_1662, %add3A_1665, %xor3A_1642 : vector<16xi1>, vector<16xi32>
      %broadcast_in_dim3A_1667 = vector.shape_cast %select_n3A_1666 : vector<16xi32> to vector<16x1xi32>
      %gather3A_1668 = vector.shape_cast %broadcast_in_dim3A_1667 : vector<16x1xi32> to vector<16xi32>
      %gather3A_1669 = tpu.dynamic_gather %select_n3A_1435[%gather3A_1668] in [0] : vector<16xf32>, vector<16xi32> -> vector<16xf32>
      %and3A_1670 = arith.constant 2 : i32
      %and3A_1671 = vector.broadcast %and3A_1670 : i32 to vector<16xi32>
      %and3A_1672 = arith.andi %iota3A, %and3A_1671 : vector<16xi32>
      %eq3A_1673 = arith.constant 0 : i32
      %eq3A_1674 = vector.broadcast %eq3A_1673 : i32 to vector<16xi32>
      %eq3A_1675 = arith.cmpi eq, %and3A_1672, %eq3A_1674 : vector<16xi32>
      %select_n3A_1676 = arith.select %eq3A_1675, %select_n3A_1401, %gather3A_1669 : vector<16xi1>, vector<16xf32>
      %lt3A_1677 = arith.constant 0 : i32
      %lt3A_1678 = vector.broadcast %lt3A_1677 : i32 to vector<16xi32>
      %lt3A_1679 = arith.cmpi slt, %xor3A_1642, %lt3A_1678 : vector<16xi32>
      %add3A_1680 = arith.constant 16 : i32
      %add3A_1681 = vector.broadcast %add3A_1680 : i32 to vector<16xi32>
      %add3A_1682 = arith.addi %xor3A_1642, %add3A_1681 : vector<16xi32>
      %select_n3A_1683 = arith.select %lt3A_1679, %add3A_1682, %xor3A_1642 : vector<16xi1>, vector<16xi32>
      %broadcast_in_dim3A_1684 = vector.shape_cast %select_n3A_1683 : vector<16xi32> to vector<16x1xi32>
      %gather3A_1685 = vector.shape_cast %broadcast_in_dim3A_1684 : vector<16x1xi32> to vector<16xi32>
      %gather3A_1686 = tpu.dynamic_gather %select_n3A_1384[%gather3A_1685] in [0] : vector<16xf32>, vector<16xi32> -> vector<16xf32>
      %and3A_1687 = arith.constant 2 : i32
      %and3A_1688 = vector.broadcast %and3A_1687 : i32 to vector<16xi32>
      %and3A_1689 = arith.andi %iota3A, %and3A_1688 : vector<16xi32>
      %eq3A_1690 = arith.constant 2 : i32
      %eq3A_1691 = vector.broadcast %eq3A_1690 : i32 to vector<16xi32>
      %eq3A_1692 = arith.cmpi eq, %and3A_1689, %eq3A_1691 : vector<16xi32>
      %select_n3A_1693 = arith.select %eq3A_1692, %select_n3A_1418, %gather3A_1686 : vector<16xi1>, vector<16xf32>
      %lt3A_1694 = arith.constant 0 : i32
      %lt3A_1695 = vector.broadcast %lt3A_1694 : i32 to vector<16xi32>
      %lt3A_1696 = arith.cmpi slt, %xor3A_1642, %lt3A_1695 : vector<16xi32>
      %add3A_1697 = arith.constant 16 : i32
      %add3A_1698 = vector.broadcast %add3A_1697 : i32 to vector<16xi32>
      %add3A_1699 = arith.addi %xor3A_1642, %add3A_1698 : vector<16xi32>
      %select_n3A_1700 = arith.select %lt3A_1696, %add3A_1699, %xor3A_1642 : vector<16xi1>, vector<16xi32>
      %broadcast_in_dim3A_1701 = vector.shape_cast %select_n3A_1700 : vector<16xi32> to vector<16x1xi32>
      %gather3A_1702 = vector.shape_cast %broadcast_in_dim3A_1701 : vector<16x1xi32> to vector<16xi32>
      %gather3A_1703 = tpu.dynamic_gather %select_n3A_1401[%gather3A_1702] in [0] : vector<16xf32>, vector<16xi32> -> vector<16xf32>
      %and3A_1704 = arith.constant 2 : i32
      %and3A_1705 = vector.broadcast %and3A_1704 : i32 to vector<16xi32>
      %and3A_1706 = arith.andi %iota3A, %and3A_1705 : vector<16xi32>
      %eq3A_1707 = arith.constant 2 : i32
      %eq3A_1708 = vector.broadcast %eq3A_1707 : i32 to vector<16xi32>
      %eq3A_1709 = arith.cmpi eq, %and3A_1706, %eq3A_1708 : vector<16xi32>
      %select_n3A_1710 = arith.select %eq3A_1709, %select_n3A_1435, %gather3A_1703 : vector<16xi1>, vector<16xf32>
      %lt3A_1711 = arith.constant 0 : i32
      %lt3A_1712 = vector.broadcast %lt3A_1711 : i32 to vector<16xi32>
      %lt3A_1713 = arith.cmpi slt, %xor3A_1642, %lt3A_1712 : vector<16xi32>
      %add3A_1714 = arith.constant 16 : i32
      %add3A_1715 = vector.broadcast %add3A_1714 : i32 to vector<16xi32>
      %add3A_1716 = arith.addi %xor3A_1642, %add3A_1715 : vector<16xi32>
      %select_n3A_1717 = arith.select %lt3A_1713, %add3A_1716, %xor3A_1642 : vector<16xi1>, vector<16xi32>
      %broadcast_in_dim3A_1718 = vector.shape_cast %select_n3A_1717 : vector<16xi32> to vector<16x1xi32>
      %gather3A_1719 = vector.shape_cast %broadcast_in_dim3A_1718 : vector<16x1xi32> to vector<16xi32>
      %gather3A_1720 = tpu.dynamic_gather %select_n3A_1486[%gather3A_1719] in [0] : vector<16xf32>, vector<16xi32> -> vector<16xf32>
      %and3A_1721 = arith.constant 2 : i32
      %and3A_1722 = vector.broadcast %and3A_1721 : i32 to vector<16xi32>
      %and3A_1723 = arith.andi %iota3A, %and3A_1722 : vector<16xi32>
      %eq3A_1724 = arith.constant 0 : i32
      %eq3A_1725 = vector.broadcast %eq3A_1724 : i32 to vector<16xi32>
      %eq3A_1726 = arith.cmpi eq, %and3A_1723, %eq3A_1725 : vector<16xi32>
      %select_n3A_1727 = arith.select %eq3A_1726, %select_n3A_1452, %gather3A_1720 : vector<16xi1>, vector<16xf32>
      %lt3A_1728 = arith.constant 0 : i32
      %lt3A_1729 = vector.broadcast %lt3A_1728 : i32 to vector<16xi32>
      %lt3A_1730 = arith.cmpi slt, %xor3A_1642, %lt3A_1729 : vector<16xi32>
      %add3A_1731 = arith.constant 16 : i32
      %add3A_1732 = vector.broadcast %add3A_1731 : i32 to vector<16xi32>
      %add3A_1733 = arith.addi %xor3A_1642, %add3A_1732 : vector<16xi32>
      %select_n3A_1734 = arith.select %lt3A_1730, %add3A_1733, %xor3A_1642 : vector<16xi1>, vector<16xi32>
      %broadcast_in_dim3A_1735 = vector.shape_cast %select_n3A_1734 : vector<16xi32> to vector<16x1xi32>
      %gather3A_1736 = vector.shape_cast %broadcast_in_dim3A_1735 : vector<16x1xi32> to vector<16xi32>
      %gather3A_1737 = tpu.dynamic_gather %select_n3A_1503[%gather3A_1736] in [0] : vector<16xf32>, vector<16xi32> -> vector<16xf32>
      %and3A_1738 = arith.constant 2 : i32
      %and3A_1739 = vector.broadcast %and3A_1738 : i32 to vector<16xi32>
      %and3A_1740 = arith.andi %iota3A, %and3A_1739 : vector<16xi32>
      %eq3A_1741 = arith.constant 0 : i32
      %eq3A_1742 = vector.broadcast %eq3A_1741 : i32 to vector<16xi32>
      %eq3A_1743 = arith.cmpi eq, %and3A_1740, %eq3A_1742 : vector<16xi32>
      %select_n3A_1744 = arith.select %eq3A_1743, %select_n3A_1469, %gather3A_1737 : vector<16xi1>, vector<16xf32>
      %lt3A_1745 = arith.constant 0 : i32
      %lt3A_1746 = vector.broadcast %lt3A_1745 : i32 to vector<16xi32>
      %lt3A_1747 = arith.cmpi slt, %xor3A_1642, %lt3A_1746 : vector<16xi32>
      %add3A_1748 = arith.constant 16 : i32
      %add3A_1749 = vector.broadcast %add3A_1748 : i32 to vector<16xi32>
      %add3A_1750 = arith.addi %xor3A_1642, %add3A_1749 : vector<16xi32>
      %select_n3A_1751 = arith.select %lt3A_1747, %add3A_1750, %xor3A_1642 : vector<16xi1>, vector<16xi32>
      %broadcast_in_dim3A_1752 = vector.shape_cast %select_n3A_1751 : vector<16xi32> to vector<16x1xi32>
      %gather3A_1753 = vector.shape_cast %broadcast_in_dim3A_1752 : vector<16x1xi32> to vector<16xi32>
      %gather3A_1754 = tpu.dynamic_gather %select_n3A_1452[%gather3A_1753] in [0] : vector<16xf32>, vector<16xi32> -> vector<16xf32>
      %and3A_1755 = arith.constant 2 : i32
      %and3A_1756 = vector.broadcast %and3A_1755 : i32 to vector<16xi32>
      %and3A_1757 = arith.andi %iota3A, %and3A_1756 : vector<16xi32>
      %eq3A_1758 = arith.constant 2 : i32
      %eq3A_1759 = vector.broadcast %eq3A_1758 : i32 to vector<16xi32>
      %eq3A_1760 = arith.cmpi eq, %and3A_1757, %eq3A_1759 : vector<16xi32>
      %select_n3A_1761 = arith.select %eq3A_1760, %select_n3A_1486, %gather3A_1754 : vector<16xi1>, vector<16xf32>
      %lt3A_1762 = arith.constant 0 : i32
      %lt3A_1763 = vector.broadcast %lt3A_1762 : i32 to vector<16xi32>
      %lt3A_1764 = arith.cmpi slt, %xor3A_1642, %lt3A_1763 : vector<16xi32>
      %add3A_1765 = arith.constant 16 : i32
      %add3A_1766 = vector.broadcast %add3A_1765 : i32 to vector<16xi32>
      %add3A_1767 = arith.addi %xor3A_1642, %add3A_1766 : vector<16xi32>
      %select_n3A_1768 = arith.select %lt3A_1764, %add3A_1767, %xor3A_1642 : vector<16xi1>, vector<16xi32>
      %broadcast_in_dim3A_1769 = vector.shape_cast %select_n3A_1768 : vector<16xi32> to vector<16x1xi32>
      %gather3A_1770 = vector.shape_cast %broadcast_in_dim3A_1769 : vector<16x1xi32> to vector<16xi32>
      %gather3A_1771 = tpu.dynamic_gather %select_n3A_1469[%gather3A_1770] in [0] : vector<16xf32>, vector<16xi32> -> vector<16xf32>
      %and3A_1772 = arith.constant 2 : i32
      %and3A_1773 = vector.broadcast %and3A_1772 : i32 to vector<16xi32>
      %and3A_1774 = arith.andi %iota3A, %and3A_1773 : vector<16xi32>
      %eq3A_1775 = arith.constant 2 : i32
      %eq3A_1776 = vector.broadcast %eq3A_1775 : i32 to vector<16xi32>
      %eq3A_1777 = arith.cmpi eq, %and3A_1774, %eq3A_1776 : vector<16xi32>
      %select_n3A_1778 = arith.select %eq3A_1777, %select_n3A_1503, %gather3A_1771 : vector<16xi1>, vector<16xf32>
      %lt3A_1779 = arith.constant 0 : i32
      %lt3A_1780 = vector.broadcast %lt3A_1779 : i32 to vector<16xi32>
      %lt3A_1781 = arith.cmpi slt, %xor3A_1642, %lt3A_1780 : vector<16xi32>
      %add3A_1782 = arith.constant 16 : i32
      %add3A_1783 = vector.broadcast %add3A_1782 : i32 to vector<16xi32>
      %add3A_1784 = arith.addi %xor3A_1642, %add3A_1783 : vector<16xi32>
      %select_n3A_1785 = arith.select %lt3A_1781, %add3A_1784, %xor3A_1642 : vector<16xi1>, vector<16xi32>
      %broadcast_in_dim3A_1786 = vector.shape_cast %select_n3A_1785 : vector<16xi32> to vector<16x1xi32>
      %gather3A_1787 = vector.shape_cast %broadcast_in_dim3A_1786 : vector<16x1xi32> to vector<16xi32>
      %gather3A_1788 = tpu.dynamic_gather %select_n3A_1554[%gather3A_1787] in [0] : vector<16xf32>, vector<16xi32> -> vector<16xf32>
      %and3A_1789 = arith.constant 2 : i32
      %and3A_1790 = vector.broadcast %and3A_1789 : i32 to vector<16xi32>
      %and3A_1791 = arith.andi %iota3A, %and3A_1790 : vector<16xi32>
      %eq3A_1792 = arith.constant 0 : i32
      %eq3A_1793 = vector.broadcast %eq3A_1792 : i32 to vector<16xi32>
      %eq3A_1794 = arith.cmpi eq, %and3A_1791, %eq3A_1793 : vector<16xi32>
      %select_n3A_1795 = arith.select %eq3A_1794, %select_n3A_1520, %gather3A_1788 : vector<16xi1>, vector<16xf32>
      %lt3A_1796 = arith.constant 0 : i32
      %lt3A_1797 = vector.broadcast %lt3A_1796 : i32 to vector<16xi32>
      %lt3A_1798 = arith.cmpi slt, %xor3A_1642, %lt3A_1797 : vector<16xi32>
      %add3A_1799 = arith.constant 16 : i32
      %add3A_1800 = vector.broadcast %add3A_1799 : i32 to vector<16xi32>
      %add3A_1801 = arith.addi %xor3A_1642, %add3A_1800 : vector<16xi32>
      %select_n3A_1802 = arith.select %lt3A_1798, %add3A_1801, %xor3A_1642 : vector<16xi1>, vector<16xi32>
      %broadcast_in_dim3A_1803 = vector.shape_cast %select_n3A_1802 : vector<16xi32> to vector<16x1xi32>
      %gather3A_1804 = vector.shape_cast %broadcast_in_dim3A_1803 : vector<16x1xi32> to vector<16xi32>
      %gather3A_1805 = tpu.dynamic_gather %select_n3A_1571[%gather3A_1804] in [0] : vector<16xf32>, vector<16xi32> -> vector<16xf32>
      %and3A_1806 = arith.constant 2 : i32
      %and3A_1807 = vector.broadcast %and3A_1806 : i32 to vector<16xi32>
      %and3A_1808 = arith.andi %iota3A, %and3A_1807 : vector<16xi32>
      %eq3A_1809 = arith.constant 0 : i32
      %eq3A_1810 = vector.broadcast %eq3A_1809 : i32 to vector<16xi32>
      %eq3A_1811 = arith.cmpi eq, %and3A_1808, %eq3A_1810 : vector<16xi32>
      %select_n3A_1812 = arith.select %eq3A_1811, %select_n3A_1537, %gather3A_1805 : vector<16xi1>, vector<16xf32>
      %lt3A_1813 = arith.constant 0 : i32
      %lt3A_1814 = vector.broadcast %lt3A_1813 : i32 to vector<16xi32>
      %lt3A_1815 = arith.cmpi slt, %xor3A_1642, %lt3A_1814 : vector<16xi32>
      %add3A_1816 = arith.constant 16 : i32
      %add3A_1817 = vector.broadcast %add3A_1816 : i32 to vector<16xi32>
      %add3A_1818 = arith.addi %xor3A_1642, %add3A_1817 : vector<16xi32>
      %select_n3A_1819 = arith.select %lt3A_1815, %add3A_1818, %xor3A_1642 : vector<16xi1>, vector<16xi32>
      %broadcast_in_dim3A_1820 = vector.shape_cast %select_n3A_1819 : vector<16xi32> to vector<16x1xi32>
      %gather3A_1821 = vector.shape_cast %broadcast_in_dim3A_1820 : vector<16x1xi32> to vector<16xi32>
      %gather3A_1822 = tpu.dynamic_gather %select_n3A_1520[%gather3A_1821] in [0] : vector<16xf32>, vector<16xi32> -> vector<16xf32>
      %and3A_1823 = arith.constant 2 : i32
      %and3A_1824 = vector.broadcast %and3A_1823 : i32 to vector<16xi32>
      %and3A_1825 = arith.andi %iota3A, %and3A_1824 : vector<16xi32>
      %eq3A_1826 = arith.constant 2 : i32
      %eq3A_1827 = vector.broadcast %eq3A_1826 : i32 to vector<16xi32>
      %eq3A_1828 = arith.cmpi eq, %and3A_1825, %eq3A_1827 : vector<16xi32>
      %select_n3A_1829 = arith.select %eq3A_1828, %select_n3A_1554, %gather3A_1822 : vector<16xi1>, vector<16xf32>
      %lt3A_1830 = arith.constant 0 : i32
      %lt3A_1831 = vector.broadcast %lt3A_1830 : i32 to vector<16xi32>
      %lt3A_1832 = arith.cmpi slt, %xor3A_1642, %lt3A_1831 : vector<16xi32>
      %add3A_1833 = arith.constant 16 : i32
      %add3A_1834 = vector.broadcast %add3A_1833 : i32 to vector<16xi32>
      %add3A_1835 = arith.addi %xor3A_1642, %add3A_1834 : vector<16xi32>
      %select_n3A_1836 = arith.select %lt3A_1832, %add3A_1835, %xor3A_1642 : vector<16xi1>, vector<16xi32>
      %broadcast_in_dim3A_1837 = vector.shape_cast %select_n3A_1836 : vector<16xi32> to vector<16x1xi32>
      %gather3A_1838 = vector.shape_cast %broadcast_in_dim3A_1837 : vector<16x1xi32> to vector<16xi32>
      %gather3A_1839 = tpu.dynamic_gather %select_n3A_1537[%gather3A_1838] in [0] : vector<16xf32>, vector<16xi32> -> vector<16xf32>
      %and3A_1840 = arith.constant 2 : i32
      %and3A_1841 = vector.broadcast %and3A_1840 : i32 to vector<16xi32>
      %and3A_1842 = arith.andi %iota3A, %and3A_1841 : vector<16xi32>
      %eq3A_1843 = arith.constant 2 : i32
      %eq3A_1844 = vector.broadcast %eq3A_1843 : i32 to vector<16xi32>
      %eq3A_1845 = arith.cmpi eq, %and3A_1842, %eq3A_1844 : vector<16xi32>
      %select_n3A_1846 = arith.select %eq3A_1845, %select_n3A_1571, %gather3A_1839 : vector<16xi1>, vector<16xf32>
      %lt3A_1847 = arith.constant 0 : i32
      %lt3A_1848 = vector.broadcast %lt3A_1847 : i32 to vector<16xi32>
      %lt3A_1849 = arith.cmpi slt, %xor3A_1642, %lt3A_1848 : vector<16xi32>
      %add3A_1850 = arith.constant 16 : i32
      %add3A_1851 = vector.broadcast %add3A_1850 : i32 to vector<16xi32>
      %add3A_1852 = arith.addi %xor3A_1642, %add3A_1851 : vector<16xi32>
      %select_n3A_1853 = arith.select %lt3A_1849, %add3A_1852, %xor3A_1642 : vector<16xi1>, vector<16xi32>
      %broadcast_in_dim3A_1854 = vector.shape_cast %select_n3A_1853 : vector<16xi32> to vector<16x1xi32>
      %gather3A_1855 = vector.shape_cast %broadcast_in_dim3A_1854 : vector<16x1xi32> to vector<16xi32>
      %gather3A_1856 = tpu.dynamic_gather %select_n3A_1622[%gather3A_1855] in [0] : vector<16xf32>, vector<16xi32> -> vector<16xf32>
      %and3A_1857 = arith.constant 2 : i32
      %and3A_1858 = vector.broadcast %and3A_1857 : i32 to vector<16xi32>
      %and3A_1859 = arith.andi %iota3A, %and3A_1858 : vector<16xi32>
      %eq3A_1860 = arith.constant 0 : i32
      %eq3A_1861 = vector.broadcast %eq3A_1860 : i32 to vector<16xi32>
      %eq3A_1862 = arith.cmpi eq, %and3A_1859, %eq3A_1861 : vector<16xi32>
      %select_n3A_1863 = arith.select %eq3A_1862, %select_n3A_1588, %gather3A_1856 : vector<16xi1>, vector<16xf32>
      %lt3A_1864 = arith.constant 0 : i32
      %lt3A_1865 = vector.broadcast %lt3A_1864 : i32 to vector<16xi32>
      %lt3A_1866 = arith.cmpi slt, %xor3A_1642, %lt3A_1865 : vector<16xi32>
      %add3A_1867 = arith.constant 16 : i32
      %add3A_1868 = vector.broadcast %add3A_1867 : i32 to vector<16xi32>
      %add3A_1869 = arith.addi %xor3A_1642, %add3A_1868 : vector<16xi32>
      %select_n3A_1870 = arith.select %lt3A_1866, %add3A_1869, %xor3A_1642 : vector<16xi1>, vector<16xi32>
      %broadcast_in_dim3A_1871 = vector.shape_cast %select_n3A_1870 : vector<16xi32> to vector<16x1xi32>
      %gather3A_1872 = vector.shape_cast %broadcast_in_dim3A_1871 : vector<16x1xi32> to vector<16xi32>
      %gather3A_1873 = tpu.dynamic_gather %select_n3A_1639[%gather3A_1872] in [0] : vector<16xf32>, vector<16xi32> -> vector<16xf32>
      %and3A_1874 = arith.constant 2 : i32
      %and3A_1875 = vector.broadcast %and3A_1874 : i32 to vector<16xi32>
      %and3A_1876 = arith.andi %iota3A, %and3A_1875 : vector<16xi32>
      %eq3A_1877 = arith.constant 0 : i32
      %eq3A_1878 = vector.broadcast %eq3A_1877 : i32 to vector<16xi32>
      %eq3A_1879 = arith.cmpi eq, %and3A_1876, %eq3A_1878 : vector<16xi32>
      %select_n3A_1880 = arith.select %eq3A_1879, %select_n3A_1605, %gather3A_1873 : vector<16xi1>, vector<16xf32>
      %lt3A_1881 = arith.constant 0 : i32
      %lt3A_1882 = vector.broadcast %lt3A_1881 : i32 to vector<16xi32>
      %lt3A_1883 = arith.cmpi slt, %xor3A_1642, %lt3A_1882 : vector<16xi32>
      %add3A_1884 = arith.constant 16 : i32
      %add3A_1885 = vector.broadcast %add3A_1884 : i32 to vector<16xi32>
      %add3A_1886 = arith.addi %xor3A_1642, %add3A_1885 : vector<16xi32>
      %select_n3A_1887 = arith.select %lt3A_1883, %add3A_1886, %xor3A_1642 : vector<16xi1>, vector<16xi32>
      %broadcast_in_dim3A_1888 = vector.shape_cast %select_n3A_1887 : vector<16xi32> to vector<16x1xi32>
      %gather3A_1889 = vector.shape_cast %broadcast_in_dim3A_1888 : vector<16x1xi32> to vector<16xi32>
      %gather3A_1890 = tpu.dynamic_gather %select_n3A_1588[%gather3A_1889] in [0] : vector<16xf32>, vector<16xi32> -> vector<16xf32>
      %and3A_1891 = arith.constant 2 : i32
      %and3A_1892 = vector.broadcast %and3A_1891 : i32 to vector<16xi32>
      %and3A_1893 = arith.andi %iota3A, %and3A_1892 : vector<16xi32>
      %eq3A_1894 = arith.constant 2 : i32
      %eq3A_1895 = vector.broadcast %eq3A_1894 : i32 to vector<16xi32>
      %eq3A_1896 = arith.cmpi eq, %and3A_1893, %eq3A_1895 : vector<16xi32>
      %select_n3A_1897 = arith.select %eq3A_1896, %select_n3A_1622, %gather3A_1890 : vector<16xi1>, vector<16xf32>
      %lt3A_1898 = arith.constant 0 : i32
      %lt3A_1899 = vector.broadcast %lt3A_1898 : i32 to vector<16xi32>
      %lt3A_1900 = arith.cmpi slt, %xor3A_1642, %lt3A_1899 : vector<16xi32>
      %add3A_1901 = arith.constant 16 : i32
      %add3A_1902 = vector.broadcast %add3A_1901 : i32 to vector<16xi32>
      %add3A_1903 = arith.addi %xor3A_1642, %add3A_1902 : vector<16xi32>
      %select_n3A_1904 = arith.select %lt3A_1900, %add3A_1903, %xor3A_1642 : vector<16xi1>, vector<16xi32>
      %broadcast_in_dim3A_1905 = vector.shape_cast %select_n3A_1904 : vector<16xi32> to vector<16x1xi32>
      %gather3A_1906 = vector.shape_cast %broadcast_in_dim3A_1905 : vector<16x1xi32> to vector<16xi32>
      %gather3A_1907 = tpu.dynamic_gather %select_n3A_1605[%gather3A_1906] in [0] : vector<16xf32>, vector<16xi32> -> vector<16xf32>
      %and3A_1908 = arith.constant 2 : i32
      %and3A_1909 = vector.broadcast %and3A_1908 : i32 to vector<16xi32>
      %and3A_1910 = arith.andi %iota3A, %and3A_1909 : vector<16xi32>
      %eq3A_1911 = arith.constant 2 : i32
      %eq3A_1912 = vector.broadcast %eq3A_1911 : i32 to vector<16xi32>
      %eq3A_1913 = arith.cmpi eq, %and3A_1910, %eq3A_1912 : vector<16xi32>
      %select_n3A_1914 = arith.select %eq3A_1913, %select_n3A_1639, %gather3A_1907 : vector<16xi1>, vector<16xf32>
      %xor3A_1915 = arith.constant 4 : i32
      %xor3A_1916 = vector.broadcast %xor3A_1915 : i32 to vector<16xi32>
      %xor3A_1917 = arith.xori %iota3A, %xor3A_1916 : vector<16xi32>
      %lt3A_1918 = arith.constant 0 : i32
      %lt3A_1919 = vector.broadcast %lt3A_1918 : i32 to vector<16xi32>
      %lt3A_1920 = arith.cmpi slt, %xor3A_1917, %lt3A_1919 : vector<16xi32>
      %add3A_1921 = arith.constant 16 : i32
      %add3A_1922 = vector.broadcast %add3A_1921 : i32 to vector<16xi32>
      %add3A_1923 = arith.addi %xor3A_1917, %add3A_1922 : vector<16xi32>
      %select_n3A_1924 = arith.select %lt3A_1920, %add3A_1923, %xor3A_1917 : vector<16xi1>, vector<16xi32>
      %broadcast_in_dim3A_1925 = vector.shape_cast %select_n3A_1924 : vector<16xi32> to vector<16x1xi32>
      %gather3A_1926 = vector.shape_cast %broadcast_in_dim3A_1925 : vector<16x1xi32> to vector<16xi32>
      %gather3A_1927 = tpu.dynamic_gather %select_n3A_1727[%gather3A_1926] in [0] : vector<16xf32>, vector<16xi32> -> vector<16xf32>
      %and3A_1928 = arith.constant 4 : i32
      %and3A_1929 = vector.broadcast %and3A_1928 : i32 to vector<16xi32>
      %and3A_1930 = arith.andi %iota3A, %and3A_1929 : vector<16xi32>
      %eq3A_1931 = arith.constant 0 : i32
      %eq3A_1932 = vector.broadcast %eq3A_1931 : i32 to vector<16xi32>
      %eq3A_1933 = arith.cmpi eq, %and3A_1930, %eq3A_1932 : vector<16xi32>
      %select_n3A_1934 = arith.select %eq3A_1933, %select_n3A_1659, %gather3A_1927 : vector<16xi1>, vector<16xf32>
      %lt3A_1935 = arith.constant 0 : i32
      %lt3A_1936 = vector.broadcast %lt3A_1935 : i32 to vector<16xi32>
      %lt3A_1937 = arith.cmpi slt, %xor3A_1917, %lt3A_1936 : vector<16xi32>
      %add3A_1938 = arith.constant 16 : i32
      %add3A_1939 = vector.broadcast %add3A_1938 : i32 to vector<16xi32>
      %add3A_1940 = arith.addi %xor3A_1917, %add3A_1939 : vector<16xi32>
      %select_n3A_1941 = arith.select %lt3A_1937, %add3A_1940, %xor3A_1917 : vector<16xi1>, vector<16xi32>
      %broadcast_in_dim3A_1942 = vector.shape_cast %select_n3A_1941 : vector<16xi32> to vector<16x1xi32>
      %gather3A_1943 = vector.shape_cast %broadcast_in_dim3A_1942 : vector<16x1xi32> to vector<16xi32>
      %gather3A_1944 = tpu.dynamic_gather %select_n3A_1744[%gather3A_1943] in [0] : vector<16xf32>, vector<16xi32> -> vector<16xf32>
      %and3A_1945 = arith.constant 4 : i32
      %and3A_1946 = vector.broadcast %and3A_1945 : i32 to vector<16xi32>
      %and3A_1947 = arith.andi %iota3A, %and3A_1946 : vector<16xi32>
      %eq3A_1948 = arith.constant 0 : i32
      %eq3A_1949 = vector.broadcast %eq3A_1948 : i32 to vector<16xi32>
      %eq3A_1950 = arith.cmpi eq, %and3A_1947, %eq3A_1949 : vector<16xi32>
      %select_n3A_1951 = arith.select %eq3A_1950, %select_n3A_1676, %gather3A_1944 : vector<16xi1>, vector<16xf32>
      %lt3A_1952 = arith.constant 0 : i32
      %lt3A_1953 = vector.broadcast %lt3A_1952 : i32 to vector<16xi32>
      %lt3A_1954 = arith.cmpi slt, %xor3A_1917, %lt3A_1953 : vector<16xi32>
      %add3A_1955 = arith.constant 16 : i32
      %add3A_1956 = vector.broadcast %add3A_1955 : i32 to vector<16xi32>
      %add3A_1957 = arith.addi %xor3A_1917, %add3A_1956 : vector<16xi32>
      %select_n3A_1958 = arith.select %lt3A_1954, %add3A_1957, %xor3A_1917 : vector<16xi1>, vector<16xi32>
      %broadcast_in_dim3A_1959 = vector.shape_cast %select_n3A_1958 : vector<16xi32> to vector<16x1xi32>
      %gather3A_1960 = vector.shape_cast %broadcast_in_dim3A_1959 : vector<16x1xi32> to vector<16xi32>
      %gather3A_1961 = tpu.dynamic_gather %select_n3A_1761[%gather3A_1960] in [0] : vector<16xf32>, vector<16xi32> -> vector<16xf32>
      %and3A_1962 = arith.constant 4 : i32
      %and3A_1963 = vector.broadcast %and3A_1962 : i32 to vector<16xi32>
      %and3A_1964 = arith.andi %iota3A, %and3A_1963 : vector<16xi32>
      %eq3A_1965 = arith.constant 0 : i32
      %eq3A_1966 = vector.broadcast %eq3A_1965 : i32 to vector<16xi32>
      %eq3A_1967 = arith.cmpi eq, %and3A_1964, %eq3A_1966 : vector<16xi32>
      %select_n3A_1968 = arith.select %eq3A_1967, %select_n3A_1693, %gather3A_1961 : vector<16xi1>, vector<16xf32>
      %lt3A_1969 = arith.constant 0 : i32
      %lt3A_1970 = vector.broadcast %lt3A_1969 : i32 to vector<16xi32>
      %lt3A_1971 = arith.cmpi slt, %xor3A_1917, %lt3A_1970 : vector<16xi32>
      %add3A_1972 = arith.constant 16 : i32
      %add3A_1973 = vector.broadcast %add3A_1972 : i32 to vector<16xi32>
      %add3A_1974 = arith.addi %xor3A_1917, %add3A_1973 : vector<16xi32>
      %select_n3A_1975 = arith.select %lt3A_1971, %add3A_1974, %xor3A_1917 : vector<16xi1>, vector<16xi32>
      %broadcast_in_dim3A_1976 = vector.shape_cast %select_n3A_1975 : vector<16xi32> to vector<16x1xi32>
      %gather3A_1977 = vector.shape_cast %broadcast_in_dim3A_1976 : vector<16x1xi32> to vector<16xi32>
      %gather3A_1978 = tpu.dynamic_gather %select_n3A_1778[%gather3A_1977] in [0] : vector<16xf32>, vector<16xi32> -> vector<16xf32>
      %and3A_1979 = arith.constant 4 : i32
      %and3A_1980 = vector.broadcast %and3A_1979 : i32 to vector<16xi32>
      %and3A_1981 = arith.andi %iota3A, %and3A_1980 : vector<16xi32>
      %eq3A_1982 = arith.constant 0 : i32
      %eq3A_1983 = vector.broadcast %eq3A_1982 : i32 to vector<16xi32>
      %eq3A_1984 = arith.cmpi eq, %and3A_1981, %eq3A_1983 : vector<16xi32>
      %select_n3A_1985 = arith.select %eq3A_1984, %select_n3A_1710, %gather3A_1978 : vector<16xi1>, vector<16xf32>
      %lt3A_1986 = arith.constant 0 : i32
      %lt3A_1987 = vector.broadcast %lt3A_1986 : i32 to vector<16xi32>
      %lt3A_1988 = arith.cmpi slt, %xor3A_1917, %lt3A_1987 : vector<16xi32>
      %add3A_1989 = arith.constant 16 : i32
      %add3A_1990 = vector.broadcast %add3A_1989 : i32 to vector<16xi32>
      %add3A_1991 = arith.addi %xor3A_1917, %add3A_1990 : vector<16xi32>
      %select_n3A_1992 = arith.select %lt3A_1988, %add3A_1991, %xor3A_1917 : vector<16xi1>, vector<16xi32>
      %broadcast_in_dim3A_1993 = vector.shape_cast %select_n3A_1992 : vector<16xi32> to vector<16x1xi32>
      %gather3A_1994 = vector.shape_cast %broadcast_in_dim3A_1993 : vector<16x1xi32> to vector<16xi32>
      %gather3A_1995 = tpu.dynamic_gather %select_n3A_1659[%gather3A_1994] in [0] : vector<16xf32>, vector<16xi32> -> vector<16xf32>
      %and3A_1996 = arith.constant 4 : i32
      %and3A_1997 = vector.broadcast %and3A_1996 : i32 to vector<16xi32>
      %and3A_1998 = arith.andi %iota3A, %and3A_1997 : vector<16xi32>
      %eq3A_1999 = arith.constant 4 : i32
      %eq3A_2000 = vector.broadcast %eq3A_1999 : i32 to vector<16xi32>
      %eq3A_2001 = arith.cmpi eq, %and3A_1998, %eq3A_2000 : vector<16xi32>
      %select_n3A_2002 = arith.select %eq3A_2001, %select_n3A_1727, %gather3A_1995 : vector<16xi1>, vector<16xf32>
      %lt3A_2003 = arith.constant 0 : i32
      %lt3A_2004 = vector.broadcast %lt3A_2003 : i32 to vector<16xi32>
      %lt3A_2005 = arith.cmpi slt, %xor3A_1917, %lt3A_2004 : vector<16xi32>
      %add3A_2006 = arith.constant 16 : i32
      %add3A_2007 = vector.broadcast %add3A_2006 : i32 to vector<16xi32>
      %add3A_2008 = arith.addi %xor3A_1917, %add3A_2007 : vector<16xi32>
      %select_n3A_2009 = arith.select %lt3A_2005, %add3A_2008, %xor3A_1917 : vector<16xi1>, vector<16xi32>
      %broadcast_in_dim3A_2010 = vector.shape_cast %select_n3A_2009 : vector<16xi32> to vector<16x1xi32>
      %gather3A_2011 = vector.shape_cast %broadcast_in_dim3A_2010 : vector<16x1xi32> to vector<16xi32>
      %gather3A_2012 = tpu.dynamic_gather %select_n3A_1676[%gather3A_2011] in [0] : vector<16xf32>, vector<16xi32> -> vector<16xf32>
      %and3A_2013 = arith.constant 4 : i32
      %and3A_2014 = vector.broadcast %and3A_2013 : i32 to vector<16xi32>
      %and3A_2015 = arith.andi %iota3A, %and3A_2014 : vector<16xi32>
      %eq3A_2016 = arith.constant 4 : i32
      %eq3A_2017 = vector.broadcast %eq3A_2016 : i32 to vector<16xi32>
      %eq3A_2018 = arith.cmpi eq, %and3A_2015, %eq3A_2017 : vector<16xi32>
      %select_n3A_2019 = arith.select %eq3A_2018, %select_n3A_1744, %gather3A_2012 : vector<16xi1>, vector<16xf32>
      %lt3A_2020 = arith.constant 0 : i32
      %lt3A_2021 = vector.broadcast %lt3A_2020 : i32 to vector<16xi32>
      %lt3A_2022 = arith.cmpi slt, %xor3A_1917, %lt3A_2021 : vector<16xi32>
      %add3A_2023 = arith.constant 16 : i32
      %add3A_2024 = vector.broadcast %add3A_2023 : i32 to vector<16xi32>
      %add3A_2025 = arith.addi %xor3A_1917, %add3A_2024 : vector<16xi32>
      %select_n3A_2026 = arith.select %lt3A_2022, %add3A_2025, %xor3A_1917 : vector<16xi1>, vector<16xi32>
      %broadcast_in_dim3A_2027 = vector.shape_cast %select_n3A_2026 : vector<16xi32> to vector<16x1xi32>
      %gather3A_2028 = vector.shape_cast %broadcast_in_dim3A_2027 : vector<16x1xi32> to vector<16xi32>
      %gather3A_2029 = tpu.dynamic_gather %select_n3A_1693[%gather3A_2028] in [0] : vector<16xf32>, vector<16xi32> -> vector<16xf32>
      %and3A_2030 = arith.constant 4 : i32
      %and3A_2031 = vector.broadcast %and3A_2030 : i32 to vector<16xi32>
      %and3A_2032 = arith.andi %iota3A, %and3A_2031 : vector<16xi32>
      %eq3A_2033 = arith.constant 4 : i32
      %eq3A_2034 = vector.broadcast %eq3A_2033 : i32 to vector<16xi32>
      %eq3A_2035 = arith.cmpi eq, %and3A_2032, %eq3A_2034 : vector<16xi32>
      %select_n3A_2036 = arith.select %eq3A_2035, %select_n3A_1761, %gather3A_2029 : vector<16xi1>, vector<16xf32>
      %lt3A_2037 = arith.constant 0 : i32
      %lt3A_2038 = vector.broadcast %lt3A_2037 : i32 to vector<16xi32>
      %lt3A_2039 = arith.cmpi slt, %xor3A_1917, %lt3A_2038 : vector<16xi32>
      %add3A_2040 = arith.constant 16 : i32
      %add3A_2041 = vector.broadcast %add3A_2040 : i32 to vector<16xi32>
      %add3A_2042 = arith.addi %xor3A_1917, %add3A_2041 : vector<16xi32>
      %select_n3A_2043 = arith.select %lt3A_2039, %add3A_2042, %xor3A_1917 : vector<16xi1>, vector<16xi32>
      %broadcast_in_dim3A_2044 = vector.shape_cast %select_n3A_2043 : vector<16xi32> to vector<16x1xi32>
      %gather3A_2045 = vector.shape_cast %broadcast_in_dim3A_2044 : vector<16x1xi32> to vector<16xi32>
      %gather3A_2046 = tpu.dynamic_gather %select_n3A_1710[%gather3A_2045] in [0] : vector<16xf32>, vector<16xi32> -> vector<16xf32>
      %and3A_2047 = arith.constant 4 : i32
      %and3A_2048 = vector.broadcast %and3A_2047 : i32 to vector<16xi32>
      %and3A_2049 = arith.andi %iota3A, %and3A_2048 : vector<16xi32>
      %eq3A_2050 = arith.constant 4 : i32
      %eq3A_2051 = vector.broadcast %eq3A_2050 : i32 to vector<16xi32>
      %eq3A_2052 = arith.cmpi eq, %and3A_2049, %eq3A_2051 : vector<16xi32>
      %select_n3A_2053 = arith.select %eq3A_2052, %select_n3A_1778, %gather3A_2046 : vector<16xi1>, vector<16xf32>
      %lt3A_2054 = arith.constant 0 : i32
      %lt3A_2055 = vector.broadcast %lt3A_2054 : i32 to vector<16xi32>
      %lt3A_2056 = arith.cmpi slt, %xor3A_1917, %lt3A_2055 : vector<16xi32>
      %add3A_2057 = arith.constant 16 : i32
      %add3A_2058 = vector.broadcast %add3A_2057 : i32 to vector<16xi32>
      %add3A_2059 = arith.addi %xor3A_1917, %add3A_2058 : vector<16xi32>
      %select_n3A_2060 = arith.select %lt3A_2056, %add3A_2059, %xor3A_1917 : vector<16xi1>, vector<16xi32>
      %broadcast_in_dim3A_2061 = vector.shape_cast %select_n3A_2060 : vector<16xi32> to vector<16x1xi32>
      %gather3A_2062 = vector.shape_cast %broadcast_in_dim3A_2061 : vector<16x1xi32> to vector<16xi32>
      %gather3A_2063 = tpu.dynamic_gather %select_n3A_1863[%gather3A_2062] in [0] : vector<16xf32>, vector<16xi32> -> vector<16xf32>
      %and3A_2064 = arith.constant 4 : i32
      %and3A_2065 = vector.broadcast %and3A_2064 : i32 to vector<16xi32>
      %and3A_2066 = arith.andi %iota3A, %and3A_2065 : vector<16xi32>
      %eq3A_2067 = arith.constant 0 : i32
      %eq3A_2068 = vector.broadcast %eq3A_2067 : i32 to vector<16xi32>
      %eq3A_2069 = arith.cmpi eq, %and3A_2066, %eq3A_2068 : vector<16xi32>
      %select_n3A_2070 = arith.select %eq3A_2069, %select_n3A_1795, %gather3A_2063 : vector<16xi1>, vector<16xf32>
      %lt3A_2071 = arith.constant 0 : i32
      %lt3A_2072 = vector.broadcast %lt3A_2071 : i32 to vector<16xi32>
      %lt3A_2073 = arith.cmpi slt, %xor3A_1917, %lt3A_2072 : vector<16xi32>
      %add3A_2074 = arith.constant 16 : i32
      %add3A_2075 = vector.broadcast %add3A_2074 : i32 to vector<16xi32>
      %add3A_2076 = arith.addi %xor3A_1917, %add3A_2075 : vector<16xi32>
      %select_n3A_2077 = arith.select %lt3A_2073, %add3A_2076, %xor3A_1917 : vector<16xi1>, vector<16xi32>
      %broadcast_in_dim3A_2078 = vector.shape_cast %select_n3A_2077 : vector<16xi32> to vector<16x1xi32>
      %gather3A_2079 = vector.shape_cast %broadcast_in_dim3A_2078 : vector<16x1xi32> to vector<16xi32>
      %gather3A_2080 = tpu.dynamic_gather %select_n3A_1880[%gather3A_2079] in [0] : vector<16xf32>, vector<16xi32> -> vector<16xf32>
      %and3A_2081 = arith.constant 4 : i32
      %and3A_2082 = vector.broadcast %and3A_2081 : i32 to vector<16xi32>
      %and3A_2083 = arith.andi %iota3A, %and3A_2082 : vector<16xi32>
      %eq3A_2084 = arith.constant 0 : i32
      %eq3A_2085 = vector.broadcast %eq3A_2084 : i32 to vector<16xi32>
      %eq3A_2086 = arith.cmpi eq, %and3A_2083, %eq3A_2085 : vector<16xi32>
      %select_n3A_2087 = arith.select %eq3A_2086, %select_n3A_1812, %gather3A_2080 : vector<16xi1>, vector<16xf32>
      %lt3A_2088 = arith.constant 0 : i32
      %lt3A_2089 = vector.broadcast %lt3A_2088 : i32 to vector<16xi32>
      %lt3A_2090 = arith.cmpi slt, %xor3A_1917, %lt3A_2089 : vector<16xi32>
      %add3A_2091 = arith.constant 16 : i32
      %add3A_2092 = vector.broadcast %add3A_2091 : i32 to vector<16xi32>
      %add3A_2093 = arith.addi %xor3A_1917, %add3A_2092 : vector<16xi32>
      %select_n3A_2094 = arith.select %lt3A_2090, %add3A_2093, %xor3A_1917 : vector<16xi1>, vector<16xi32>
      %broadcast_in_dim3A_2095 = vector.shape_cast %select_n3A_2094 : vector<16xi32> to vector<16x1xi32>
      %gather3A_2096 = vector.shape_cast %broadcast_in_dim3A_2095 : vector<16x1xi32> to vector<16xi32>
      %gather3A_2097 = tpu.dynamic_gather %select_n3A_1897[%gather3A_2096] in [0] : vector<16xf32>, vector<16xi32> -> vector<16xf32>
      %and3A_2098 = arith.constant 4 : i32
      %and3A_2099 = vector.broadcast %and3A_2098 : i32 to vector<16xi32>
      %and3A_2100 = arith.andi %iota3A, %and3A_2099 : vector<16xi32>
      %eq3A_2101 = arith.constant 0 : i32
      %eq3A_2102 = vector.broadcast %eq3A_2101 : i32 to vector<16xi32>
      %eq3A_2103 = arith.cmpi eq, %and3A_2100, %eq3A_2102 : vector<16xi32>
      %select_n3A_2104 = arith.select %eq3A_2103, %select_n3A_1829, %gather3A_2097 : vector<16xi1>, vector<16xf32>
      %lt3A_2105 = arith.constant 0 : i32
      %lt3A_2106 = vector.broadcast %lt3A_2105 : i32 to vector<16xi32>
      %lt3A_2107 = arith.cmpi slt, %xor3A_1917, %lt3A_2106 : vector<16xi32>
      %add3A_2108 = arith.constant 16 : i32
      %add3A_2109 = vector.broadcast %add3A_2108 : i32 to vector<16xi32>
      %add3A_2110 = arith.addi %xor3A_1917, %add3A_2109 : vector<16xi32>
      %select_n3A_2111 = arith.select %lt3A_2107, %add3A_2110, %xor3A_1917 : vector<16xi1>, vector<16xi32>
      %broadcast_in_dim3A_2112 = vector.shape_cast %select_n3A_2111 : vector<16xi32> to vector<16x1xi32>
      %gather3A_2113 = vector.shape_cast %broadcast_in_dim3A_2112 : vector<16x1xi32> to vector<16xi32>
      %gather3A_2114 = tpu.dynamic_gather %select_n3A_1914[%gather3A_2113] in [0] : vector<16xf32>, vector<16xi32> -> vector<16xf32>
      %and3A_2115 = arith.constant 4 : i32
      %and3A_2116 = vector.broadcast %and3A_2115 : i32 to vector<16xi32>
      %and3A_2117 = arith.andi %iota3A, %and3A_2116 : vector<16xi32>
      %eq3A_2118 = arith.constant 0 : i32
      %eq3A_2119 = vector.broadcast %eq3A_2118 : i32 to vector<16xi32>
      %eq3A_2120 = arith.cmpi eq, %and3A_2117, %eq3A_2119 : vector<16xi32>
      %select_n3A_2121 = arith.select %eq3A_2120, %select_n3A_1846, %gather3A_2114 : vector<16xi1>, vector<16xf32>
      %lt3A_2122 = arith.constant 0 : i32
      %lt3A_2123 = vector.broadcast %lt3A_2122 : i32 to vector<16xi32>
      %lt3A_2124 = arith.cmpi slt, %xor3A_1917, %lt3A_2123 : vector<16xi32>
      %add3A_2125 = arith.constant 16 : i32
      %add3A_2126 = vector.broadcast %add3A_2125 : i32 to vector<16xi32>
      %add3A_2127 = arith.addi %xor3A_1917, %add3A_2126 : vector<16xi32>
      %select_n3A_2128 = arith.select %lt3A_2124, %add3A_2127, %xor3A_1917 : vector<16xi1>, vector<16xi32>
      %broadcast_in_dim3A_2129 = vector.shape_cast %select_n3A_2128 : vector<16xi32> to vector<16x1xi32>
      %gather3A_2130 = vector.shape_cast %broadcast_in_dim3A_2129 : vector<16x1xi32> to vector<16xi32>
      %gather3A_2131 = tpu.dynamic_gather %select_n3A_1795[%gather3A_2130] in [0] : vector<16xf32>, vector<16xi32> -> vector<16xf32>
      %and3A_2132 = arith.constant 4 : i32
      %and3A_2133 = vector.broadcast %and3A_2132 : i32 to vector<16xi32>
      %and3A_2134 = arith.andi %iota3A, %and3A_2133 : vector<16xi32>
      %eq3A_2135 = arith.constant 4 : i32
      %eq3A_2136 = vector.broadcast %eq3A_2135 : i32 to vector<16xi32>
      %eq3A_2137 = arith.cmpi eq, %and3A_2134, %eq3A_2136 : vector<16xi32>
      %select_n3A_2138 = arith.select %eq3A_2137, %select_n3A_1863, %gather3A_2131 : vector<16xi1>, vector<16xf32>
      %lt3A_2139 = arith.constant 0 : i32
      %lt3A_2140 = vector.broadcast %lt3A_2139 : i32 to vector<16xi32>
      %lt3A_2141 = arith.cmpi slt, %xor3A_1917, %lt3A_2140 : vector<16xi32>
      %add3A_2142 = arith.constant 16 : i32
      %add3A_2143 = vector.broadcast %add3A_2142 : i32 to vector<16xi32>
      %add3A_2144 = arith.addi %xor3A_1917, %add3A_2143 : vector<16xi32>
      %select_n3A_2145 = arith.select %lt3A_2141, %add3A_2144, %xor3A_1917 : vector<16xi1>, vector<16xi32>
      %broadcast_in_dim3A_2146 = vector.shape_cast %select_n3A_2145 : vector<16xi32> to vector<16x1xi32>
      %gather3A_2147 = vector.shape_cast %broadcast_in_dim3A_2146 : vector<16x1xi32> to vector<16xi32>
      %gather3A_2148 = tpu.dynamic_gather %select_n3A_1812[%gather3A_2147] in [0] : vector<16xf32>, vector<16xi32> -> vector<16xf32>
      %and3A_2149 = arith.constant 4 : i32
      %and3A_2150 = vector.broadcast %and3A_2149 : i32 to vector<16xi32>
      %and3A_2151 = arith.andi %iota3A, %and3A_2150 : vector<16xi32>
      %eq3A_2152 = arith.constant 4 : i32
      %eq3A_2153 = vector.broadcast %eq3A_2152 : i32 to vector<16xi32>
      %eq3A_2154 = arith.cmpi eq, %and3A_2151, %eq3A_2153 : vector<16xi32>
      %select_n3A_2155 = arith.select %eq3A_2154, %select_n3A_1880, %gather3A_2148 : vector<16xi1>, vector<16xf32>
      %lt3A_2156 = arith.constant 0 : i32
      %lt3A_2157 = vector.broadcast %lt3A_2156 : i32 to vector<16xi32>
      %lt3A_2158 = arith.cmpi slt, %xor3A_1917, %lt3A_2157 : vector<16xi32>
      %add3A_2159 = arith.constant 16 : i32
      %add3A_2160 = vector.broadcast %add3A_2159 : i32 to vector<16xi32>
      %add3A_2161 = arith.addi %xor3A_1917, %add3A_2160 : vector<16xi32>
      %select_n3A_2162 = arith.select %lt3A_2158, %add3A_2161, %xor3A_1917 : vector<16xi1>, vector<16xi32>
      %broadcast_in_dim3A_2163 = vector.shape_cast %select_n3A_2162 : vector<16xi32> to vector<16x1xi32>
      %gather3A_2164 = vector.shape_cast %broadcast_in_dim3A_2163 : vector<16x1xi32> to vector<16xi32>
      %gather3A_2165 = tpu.dynamic_gather %select_n3A_1829[%gather3A_2164] in [0] : vector<16xf32>, vector<16xi32> -> vector<16xf32>
      %and3A_2166 = arith.constant 4 : i32
      %and3A_2167 = vector.broadcast %and3A_2166 : i32 to vector<16xi32>
      %and3A_2168 = arith.andi %iota3A, %and3A_2167 : vector<16xi32>
      %eq3A_2169 = arith.constant 4 : i32
      %eq3A_2170 = vector.broadcast %eq3A_2169 : i32 to vector<16xi32>
      %eq3A_2171 = arith.cmpi eq, %and3A_2168, %eq3A_2170 : vector<16xi32>
      %select_n3A_2172 = arith.select %eq3A_2171, %select_n3A_1897, %gather3A_2165 : vector<16xi1>, vector<16xf32>
      %lt3A_2173 = arith.constant 0 : i32
      %lt3A_2174 = vector.broadcast %lt3A_2173 : i32 to vector<16xi32>
      %lt3A_2175 = arith.cmpi slt, %xor3A_1917, %lt3A_2174 : vector<16xi32>
      %add3A_2176 = arith.constant 16 : i32
      %add3A_2177 = vector.broadcast %add3A_2176 : i32 to vector<16xi32>
      %add3A_2178 = arith.addi %xor3A_1917, %add3A_2177 : vector<16xi32>
      %select_n3A_2179 = arith.select %lt3A_2175, %add3A_2178, %xor3A_1917 : vector<16xi1>, vector<16xi32>
      %broadcast_in_dim3A_2180 = vector.shape_cast %select_n3A_2179 : vector<16xi32> to vector<16x1xi32>
      %gather3A_2181 = vector.shape_cast %broadcast_in_dim3A_2180 : vector<16x1xi32> to vector<16xi32>
      %gather3A_2182 = tpu.dynamic_gather %select_n3A_1846[%gather3A_2181] in [0] : vector<16xf32>, vector<16xi32> -> vector<16xf32>
      %and3A_2183 = arith.constant 4 : i32
      %and3A_2184 = vector.broadcast %and3A_2183 : i32 to vector<16xi32>
      %and3A_2185 = arith.andi %iota3A, %and3A_2184 : vector<16xi32>
      %eq3A_2186 = arith.constant 4 : i32
      %eq3A_2187 = vector.broadcast %eq3A_2186 : i32 to vector<16xi32>
      %eq3A_2188 = arith.cmpi eq, %and3A_2185, %eq3A_2187 : vector<16xi32>
      %select_n3A_2189 = arith.select %eq3A_2188, %select_n3A_1914, %gather3A_2182 : vector<16xi1>, vector<16xf32>
      %xor3A_2190 = arith.constant 8 : i32
      %xor3A_2191 = vector.broadcast %xor3A_2190 : i32 to vector<16xi32>
      %xor3A_2192 = arith.xori %iota3A, %xor3A_2191 : vector<16xi32>
      %lt3A_2193 = arith.constant 0 : i32
      %lt3A_2194 = vector.broadcast %lt3A_2193 : i32 to vector<16xi32>
      %lt3A_2195 = arith.cmpi slt, %xor3A_2192, %lt3A_2194 : vector<16xi32>
      %add3A_2196 = arith.constant 16 : i32
      %add3A_2197 = vector.broadcast %add3A_2196 : i32 to vector<16xi32>
      %add3A_2198 = arith.addi %xor3A_2192, %add3A_2197 : vector<16xi32>
      %select_n3A_2199 = arith.select %lt3A_2195, %add3A_2198, %xor3A_2192 : vector<16xi1>, vector<16xi32>
      %broadcast_in_dim3A_2200 = vector.shape_cast %select_n3A_2199 : vector<16xi32> to vector<16x1xi32>
      %gather3A_2201 = vector.shape_cast %broadcast_in_dim3A_2200 : vector<16x1xi32> to vector<16xi32>
      %gather3A_2202 = tpu.dynamic_gather %select_n3A_2070[%gather3A_2201] in [0] : vector<16xf32>, vector<16xi32> -> vector<16xf32>
      %and3A_2203 = arith.constant 8 : i32
      %and3A_2204 = vector.broadcast %and3A_2203 : i32 to vector<16xi32>
      %and3A_2205 = arith.andi %iota3A, %and3A_2204 : vector<16xi32>
      %eq3A_2206 = arith.constant 0 : i32
      %eq3A_2207 = vector.broadcast %eq3A_2206 : i32 to vector<16xi32>
      %eq3A_2208 = arith.cmpi eq, %and3A_2205, %eq3A_2207 : vector<16xi32>
      %select_n3A_2209 = arith.select %eq3A_2208, %select_n3A_1934, %gather3A_2202 : vector<16xi1>, vector<16xf32>
      %lt3A_2210 = arith.constant 0 : i32
      %lt3A_2211 = vector.broadcast %lt3A_2210 : i32 to vector<16xi32>
      %lt3A_2212 = arith.cmpi slt, %xor3A_2192, %lt3A_2211 : vector<16xi32>
      %add3A_2213 = arith.constant 16 : i32
      %add3A_2214 = vector.broadcast %add3A_2213 : i32 to vector<16xi32>
      %add3A_2215 = arith.addi %xor3A_2192, %add3A_2214 : vector<16xi32>
      %select_n3A_2216 = arith.select %lt3A_2212, %add3A_2215, %xor3A_2192 : vector<16xi1>, vector<16xi32>
      %broadcast_in_dim3A_2217 = vector.shape_cast %select_n3A_2216 : vector<16xi32> to vector<16x1xi32>
      %gather3A_2218 = vector.shape_cast %broadcast_in_dim3A_2217 : vector<16x1xi32> to vector<16xi32>
      %gather3A_2219 = tpu.dynamic_gather %select_n3A_2087[%gather3A_2218] in [0] : vector<16xf32>, vector<16xi32> -> vector<16xf32>
      %and3A_2220 = arith.constant 8 : i32
      %and3A_2221 = vector.broadcast %and3A_2220 : i32 to vector<16xi32>
      %and3A_2222 = arith.andi %iota3A, %and3A_2221 : vector<16xi32>
      %eq3A_2223 = arith.constant 0 : i32
      %eq3A_2224 = vector.broadcast %eq3A_2223 : i32 to vector<16xi32>
      %eq3A_2225 = arith.cmpi eq, %and3A_2222, %eq3A_2224 : vector<16xi32>
      %select_n3A_2226 = arith.select %eq3A_2225, %select_n3A_1951, %gather3A_2219 : vector<16xi1>, vector<16xf32>
      %lt3A_2227 = arith.constant 0 : i32
      %lt3A_2228 = vector.broadcast %lt3A_2227 : i32 to vector<16xi32>
      %lt3A_2229 = arith.cmpi slt, %xor3A_2192, %lt3A_2228 : vector<16xi32>
      %add3A_2230 = arith.constant 16 : i32
      %add3A_2231 = vector.broadcast %add3A_2230 : i32 to vector<16xi32>
      %add3A_2232 = arith.addi %xor3A_2192, %add3A_2231 : vector<16xi32>
      %select_n3A_2233 = arith.select %lt3A_2229, %add3A_2232, %xor3A_2192 : vector<16xi1>, vector<16xi32>
      %broadcast_in_dim3A_2234 = vector.shape_cast %select_n3A_2233 : vector<16xi32> to vector<16x1xi32>
      %gather3A_2235 = vector.shape_cast %broadcast_in_dim3A_2234 : vector<16x1xi32> to vector<16xi32>
      %gather3A_2236 = tpu.dynamic_gather %select_n3A_2104[%gather3A_2235] in [0] : vector<16xf32>, vector<16xi32> -> vector<16xf32>
      %and3A_2237 = arith.constant 8 : i32
      %and3A_2238 = vector.broadcast %and3A_2237 : i32 to vector<16xi32>
      %and3A_2239 = arith.andi %iota3A, %and3A_2238 : vector<16xi32>
      %eq3A_2240 = arith.constant 0 : i32
      %eq3A_2241 = vector.broadcast %eq3A_2240 : i32 to vector<16xi32>
      %eq3A_2242 = arith.cmpi eq, %and3A_2239, %eq3A_2241 : vector<16xi32>
      %select_n3A_2243 = arith.select %eq3A_2242, %select_n3A_1968, %gather3A_2236 : vector<16xi1>, vector<16xf32>
      %lt3A_2244 = arith.constant 0 : i32
      %lt3A_2245 = vector.broadcast %lt3A_2244 : i32 to vector<16xi32>
      %lt3A_2246 = arith.cmpi slt, %xor3A_2192, %lt3A_2245 : vector<16xi32>
      %add3A_2247 = arith.constant 16 : i32
      %add3A_2248 = vector.broadcast %add3A_2247 : i32 to vector<16xi32>
      %add3A_2249 = arith.addi %xor3A_2192, %add3A_2248 : vector<16xi32>
      %select_n3A_2250 = arith.select %lt3A_2246, %add3A_2249, %xor3A_2192 : vector<16xi1>, vector<16xi32>
      %broadcast_in_dim3A_2251 = vector.shape_cast %select_n3A_2250 : vector<16xi32> to vector<16x1xi32>
      %gather3A_2252 = vector.shape_cast %broadcast_in_dim3A_2251 : vector<16x1xi32> to vector<16xi32>
      %gather3A_2253 = tpu.dynamic_gather %select_n3A_2121[%gather3A_2252] in [0] : vector<16xf32>, vector<16xi32> -> vector<16xf32>
      %and3A_2254 = arith.constant 8 : i32
      %and3A_2255 = vector.broadcast %and3A_2254 : i32 to vector<16xi32>
      %and3A_2256 = arith.andi %iota3A, %and3A_2255 : vector<16xi32>
      %eq3A_2257 = arith.constant 0 : i32
      %eq3A_2258 = vector.broadcast %eq3A_2257 : i32 to vector<16xi32>
      %eq3A_2259 = arith.cmpi eq, %and3A_2256, %eq3A_2258 : vector<16xi32>
      %select_n3A_2260 = arith.select %eq3A_2259, %select_n3A_1985, %gather3A_2253 : vector<16xi1>, vector<16xf32>
      %lt3A_2261 = arith.constant 0 : i32
      %lt3A_2262 = vector.broadcast %lt3A_2261 : i32 to vector<16xi32>
      %lt3A_2263 = arith.cmpi slt, %xor3A_2192, %lt3A_2262 : vector<16xi32>
      %add3A_2264 = arith.constant 16 : i32
      %add3A_2265 = vector.broadcast %add3A_2264 : i32 to vector<16xi32>
      %add3A_2266 = arith.addi %xor3A_2192, %add3A_2265 : vector<16xi32>
      %select_n3A_2267 = arith.select %lt3A_2263, %add3A_2266, %xor3A_2192 : vector<16xi1>, vector<16xi32>
      %broadcast_in_dim3A_2268 = vector.shape_cast %select_n3A_2267 : vector<16xi32> to vector<16x1xi32>
      %gather3A_2269 = vector.shape_cast %broadcast_in_dim3A_2268 : vector<16x1xi32> to vector<16xi32>
      %gather3A_2270 = tpu.dynamic_gather %select_n3A_2138[%gather3A_2269] in [0] : vector<16xf32>, vector<16xi32> -> vector<16xf32>
      %and3A_2271 = arith.constant 8 : i32
      %and3A_2272 = vector.broadcast %and3A_2271 : i32 to vector<16xi32>
      %and3A_2273 = arith.andi %iota3A, %and3A_2272 : vector<16xi32>
      %eq3A_2274 = arith.constant 0 : i32
      %eq3A_2275 = vector.broadcast %eq3A_2274 : i32 to vector<16xi32>
      %eq3A_2276 = arith.cmpi eq, %and3A_2273, %eq3A_2275 : vector<16xi32>
      %select_n3A_2277 = arith.select %eq3A_2276, %select_n3A_2002, %gather3A_2270 : vector<16xi1>, vector<16xf32>
      %lt3A_2278 = arith.constant 0 : i32
      %lt3A_2279 = vector.broadcast %lt3A_2278 : i32 to vector<16xi32>
      %lt3A_2280 = arith.cmpi slt, %xor3A_2192, %lt3A_2279 : vector<16xi32>
      %add3A_2281 = arith.constant 16 : i32
      %add3A_2282 = vector.broadcast %add3A_2281 : i32 to vector<16xi32>
      %add3A_2283 = arith.addi %xor3A_2192, %add3A_2282 : vector<16xi32>
      %select_n3A_2284 = arith.select %lt3A_2280, %add3A_2283, %xor3A_2192 : vector<16xi1>, vector<16xi32>
      %broadcast_in_dim3A_2285 = vector.shape_cast %select_n3A_2284 : vector<16xi32> to vector<16x1xi32>
      %gather3A_2286 = vector.shape_cast %broadcast_in_dim3A_2285 : vector<16x1xi32> to vector<16xi32>
      %gather3A_2287 = tpu.dynamic_gather %select_n3A_2155[%gather3A_2286] in [0] : vector<16xf32>, vector<16xi32> -> vector<16xf32>
      %and3A_2288 = arith.constant 8 : i32
      %and3A_2289 = vector.broadcast %and3A_2288 : i32 to vector<16xi32>
      %and3A_2290 = arith.andi %iota3A, %and3A_2289 : vector<16xi32>
      %eq3A_2291 = arith.constant 0 : i32
      %eq3A_2292 = vector.broadcast %eq3A_2291 : i32 to vector<16xi32>
      %eq3A_2293 = arith.cmpi eq, %and3A_2290, %eq3A_2292 : vector<16xi32>
      %select_n3A_2294 = arith.select %eq3A_2293, %select_n3A_2019, %gather3A_2287 : vector<16xi1>, vector<16xf32>
      %lt3A_2295 = arith.constant 0 : i32
      %lt3A_2296 = vector.broadcast %lt3A_2295 : i32 to vector<16xi32>
      %lt3A_2297 = arith.cmpi slt, %xor3A_2192, %lt3A_2296 : vector<16xi32>
      %add3A_2298 = arith.constant 16 : i32
      %add3A_2299 = vector.broadcast %add3A_2298 : i32 to vector<16xi32>
      %add3A_2300 = arith.addi %xor3A_2192, %add3A_2299 : vector<16xi32>
      %select_n3A_2301 = arith.select %lt3A_2297, %add3A_2300, %xor3A_2192 : vector<16xi1>, vector<16xi32>
      %broadcast_in_dim3A_2302 = vector.shape_cast %select_n3A_2301 : vector<16xi32> to vector<16x1xi32>
      %gather3A_2303 = vector.shape_cast %broadcast_in_dim3A_2302 : vector<16x1xi32> to vector<16xi32>
      %gather3A_2304 = tpu.dynamic_gather %select_n3A_2172[%gather3A_2303] in [0] : vector<16xf32>, vector<16xi32> -> vector<16xf32>
      %and3A_2305 = arith.constant 8 : i32
      %and3A_2306 = vector.broadcast %and3A_2305 : i32 to vector<16xi32>
      %and3A_2307 = arith.andi %iota3A, %and3A_2306 : vector<16xi32>
      %eq3A_2308 = arith.constant 0 : i32
      %eq3A_2309 = vector.broadcast %eq3A_2308 : i32 to vector<16xi32>
      %eq3A_2310 = arith.cmpi eq, %and3A_2307, %eq3A_2309 : vector<16xi32>
      %select_n3A_2311 = arith.select %eq3A_2310, %select_n3A_2036, %gather3A_2304 : vector<16xi1>, vector<16xf32>
      %lt3A_2312 = arith.constant 0 : i32
      %lt3A_2313 = vector.broadcast %lt3A_2312 : i32 to vector<16xi32>
      %lt3A_2314 = arith.cmpi slt, %xor3A_2192, %lt3A_2313 : vector<16xi32>
      %add3A_2315 = arith.constant 16 : i32
      %add3A_2316 = vector.broadcast %add3A_2315 : i32 to vector<16xi32>
      %add3A_2317 = arith.addi %xor3A_2192, %add3A_2316 : vector<16xi32>
      %select_n3A_2318 = arith.select %lt3A_2314, %add3A_2317, %xor3A_2192 : vector<16xi1>, vector<16xi32>
      %broadcast_in_dim3A_2319 = vector.shape_cast %select_n3A_2318 : vector<16xi32> to vector<16x1xi32>
      %gather3A_2320 = vector.shape_cast %broadcast_in_dim3A_2319 : vector<16x1xi32> to vector<16xi32>
      %gather3A_2321 = tpu.dynamic_gather %select_n3A_2189[%gather3A_2320] in [0] : vector<16xf32>, vector<16xi32> -> vector<16xf32>
      %and3A_2322 = arith.constant 8 : i32
      %and3A_2323 = vector.broadcast %and3A_2322 : i32 to vector<16xi32>
      %and3A_2324 = arith.andi %iota3A, %and3A_2323 : vector<16xi32>
      %eq3A_2325 = arith.constant 0 : i32
      %eq3A_2326 = vector.broadcast %eq3A_2325 : i32 to vector<16xi32>
      %eq3A_2327 = arith.cmpi eq, %and3A_2324, %eq3A_2326 : vector<16xi32>
      %select_n3A_2328 = arith.select %eq3A_2327, %select_n3A_2053, %gather3A_2321 : vector<16xi1>, vector<16xf32>
      %lt3A_2329 = arith.constant 0 : i32
      %lt3A_2330 = vector.broadcast %lt3A_2329 : i32 to vector<16xi32>
      %lt3A_2331 = arith.cmpi slt, %xor3A_2192, %lt3A_2330 : vector<16xi32>
      %add3A_2332 = arith.constant 16 : i32
      %add3A_2333 = vector.broadcast %add3A_2332 : i32 to vector<16xi32>
      %add3A_2334 = arith.addi %xor3A_2192, %add3A_2333 : vector<16xi32>
      %select_n3A_2335 = arith.select %lt3A_2331, %add3A_2334, %xor3A_2192 : vector<16xi1>, vector<16xi32>
      %broadcast_in_dim3A_2336 = vector.shape_cast %select_n3A_2335 : vector<16xi32> to vector<16x1xi32>
      %gather3A_2337 = vector.shape_cast %broadcast_in_dim3A_2336 : vector<16x1xi32> to vector<16xi32>
      %gather3A_2338 = tpu.dynamic_gather %select_n3A_1934[%gather3A_2337] in [0] : vector<16xf32>, vector<16xi32> -> vector<16xf32>
      %and3A_2339 = arith.constant 8 : i32
      %and3A_2340 = vector.broadcast %and3A_2339 : i32 to vector<16xi32>
      %and3A_2341 = arith.andi %iota3A, %and3A_2340 : vector<16xi32>
      %eq3A_2342 = arith.constant 8 : i32
      %eq3A_2343 = vector.broadcast %eq3A_2342 : i32 to vector<16xi32>
      %eq3A_2344 = arith.cmpi eq, %and3A_2341, %eq3A_2343 : vector<16xi32>
      %select_n3A_2345 = arith.select %eq3A_2344, %select_n3A_2070, %gather3A_2338 : vector<16xi1>, vector<16xf32>
      %lt3A_2346 = arith.constant 0 : i32
      %lt3A_2347 = vector.broadcast %lt3A_2346 : i32 to vector<16xi32>
      %lt3A_2348 = arith.cmpi slt, %xor3A_2192, %lt3A_2347 : vector<16xi32>
      %add3A_2349 = arith.constant 16 : i32
      %add3A_2350 = vector.broadcast %add3A_2349 : i32 to vector<16xi32>
      %add3A_2351 = arith.addi %xor3A_2192, %add3A_2350 : vector<16xi32>
      %select_n3A_2352 = arith.select %lt3A_2348, %add3A_2351, %xor3A_2192 : vector<16xi1>, vector<16xi32>
      %broadcast_in_dim3A_2353 = vector.shape_cast %select_n3A_2352 : vector<16xi32> to vector<16x1xi32>
      %gather3A_2354 = vector.shape_cast %broadcast_in_dim3A_2353 : vector<16x1xi32> to vector<16xi32>
      %gather3A_2355 = tpu.dynamic_gather %select_n3A_1951[%gather3A_2354] in [0] : vector<16xf32>, vector<16xi32> -> vector<16xf32>
      %and3A_2356 = arith.constant 8 : i32
      %and3A_2357 = vector.broadcast %and3A_2356 : i32 to vector<16xi32>
      %and3A_2358 = arith.andi %iota3A, %and3A_2357 : vector<16xi32>
      %eq3A_2359 = arith.constant 8 : i32
      %eq3A_2360 = vector.broadcast %eq3A_2359 : i32 to vector<16xi32>
      %eq3A_2361 = arith.cmpi eq, %and3A_2358, %eq3A_2360 : vector<16xi32>
      %select_n3A_2362 = arith.select %eq3A_2361, %select_n3A_2087, %gather3A_2355 : vector<16xi1>, vector<16xf32>
      %lt3A_2363 = arith.constant 0 : i32
      %lt3A_2364 = vector.broadcast %lt3A_2363 : i32 to vector<16xi32>
      %lt3A_2365 = arith.cmpi slt, %xor3A_2192, %lt3A_2364 : vector<16xi32>
      %add3A_2366 = arith.constant 16 : i32
      %add3A_2367 = vector.broadcast %add3A_2366 : i32 to vector<16xi32>
      %add3A_2368 = arith.addi %xor3A_2192, %add3A_2367 : vector<16xi32>
      %select_n3A_2369 = arith.select %lt3A_2365, %add3A_2368, %xor3A_2192 : vector<16xi1>, vector<16xi32>
      %broadcast_in_dim3A_2370 = vector.shape_cast %select_n3A_2369 : vector<16xi32> to vector<16x1xi32>
      %gather3A_2371 = vector.shape_cast %broadcast_in_dim3A_2370 : vector<16x1xi32> to vector<16xi32>
      %gather3A_2372 = tpu.dynamic_gather %select_n3A_1968[%gather3A_2371] in [0] : vector<16xf32>, vector<16xi32> -> vector<16xf32>
      %and3A_2373 = arith.constant 8 : i32
      %and3A_2374 = vector.broadcast %and3A_2373 : i32 to vector<16xi32>
      %and3A_2375 = arith.andi %iota3A, %and3A_2374 : vector<16xi32>
      %eq3A_2376 = arith.constant 8 : i32
      %eq3A_2377 = vector.broadcast %eq3A_2376 : i32 to vector<16xi32>
      %eq3A_2378 = arith.cmpi eq, %and3A_2375, %eq3A_2377 : vector<16xi32>
      %select_n3A_2379 = arith.select %eq3A_2378, %select_n3A_2104, %gather3A_2372 : vector<16xi1>, vector<16xf32>
      %lt3A_2380 = arith.constant 0 : i32
      %lt3A_2381 = vector.broadcast %lt3A_2380 : i32 to vector<16xi32>
      %lt3A_2382 = arith.cmpi slt, %xor3A_2192, %lt3A_2381 : vector<16xi32>
      %add3A_2383 = arith.constant 16 : i32
      %add3A_2384 = vector.broadcast %add3A_2383 : i32 to vector<16xi32>
      %add3A_2385 = arith.addi %xor3A_2192, %add3A_2384 : vector<16xi32>
      %select_n3A_2386 = arith.select %lt3A_2382, %add3A_2385, %xor3A_2192 : vector<16xi1>, vector<16xi32>
      %broadcast_in_dim3A_2387 = vector.shape_cast %select_n3A_2386 : vector<16xi32> to vector<16x1xi32>
      %gather3A_2388 = vector.shape_cast %broadcast_in_dim3A_2387 : vector<16x1xi32> to vector<16xi32>
      %gather3A_2389 = tpu.dynamic_gather %select_n3A_1985[%gather3A_2388] in [0] : vector<16xf32>, vector<16xi32> -> vector<16xf32>
      %and3A_2390 = arith.constant 8 : i32
      %and3A_2391 = vector.broadcast %and3A_2390 : i32 to vector<16xi32>
      %and3A_2392 = arith.andi %iota3A, %and3A_2391 : vector<16xi32>
      %eq3A_2393 = arith.constant 8 : i32
      %eq3A_2394 = vector.broadcast %eq3A_2393 : i32 to vector<16xi32>
      %eq3A_2395 = arith.cmpi eq, %and3A_2392, %eq3A_2394 : vector<16xi32>
      %select_n3A_2396 = arith.select %eq3A_2395, %select_n3A_2121, %gather3A_2389 : vector<16xi1>, vector<16xf32>
      %lt3A_2397 = arith.constant 0 : i32
      %lt3A_2398 = vector.broadcast %lt3A_2397 : i32 to vector<16xi32>
      %lt3A_2399 = arith.cmpi slt, %xor3A_2192, %lt3A_2398 : vector<16xi32>
      %add3A_2400 = arith.constant 16 : i32
      %add3A_2401 = vector.broadcast %add3A_2400 : i32 to vector<16xi32>
      %add3A_2402 = arith.addi %xor3A_2192, %add3A_2401 : vector<16xi32>
      %select_n3A_2403 = arith.select %lt3A_2399, %add3A_2402, %xor3A_2192 : vector<16xi1>, vector<16xi32>
      %broadcast_in_dim3A_2404 = vector.shape_cast %select_n3A_2403 : vector<16xi32> to vector<16x1xi32>
      %gather3A_2405 = vector.shape_cast %broadcast_in_dim3A_2404 : vector<16x1xi32> to vector<16xi32>
      %gather3A_2406 = tpu.dynamic_gather %select_n3A_2002[%gather3A_2405] in [0] : vector<16xf32>, vector<16xi32> -> vector<16xf32>
      %and3A_2407 = arith.constant 8 : i32
      %and3A_2408 = vector.broadcast %and3A_2407 : i32 to vector<16xi32>
      %and3A_2409 = arith.andi %iota3A, %and3A_2408 : vector<16xi32>
      %eq3A_2410 = arith.constant 8 : i32
      %eq3A_2411 = vector.broadcast %eq3A_2410 : i32 to vector<16xi32>
      %eq3A_2412 = arith.cmpi eq, %and3A_2409, %eq3A_2411 : vector<16xi32>
      %select_n3A_2413 = arith.select %eq3A_2412, %select_n3A_2138, %gather3A_2406 : vector<16xi1>, vector<16xf32>
      %lt3A_2414 = arith.constant 0 : i32
      %lt3A_2415 = vector.broadcast %lt3A_2414 : i32 to vector<16xi32>
      %lt3A_2416 = arith.cmpi slt, %xor3A_2192, %lt3A_2415 : vector<16xi32>
      %add3A_2417 = arith.constant 16 : i32
      %add3A_2418 = vector.broadcast %add3A_2417 : i32 to vector<16xi32>
      %add3A_2419 = arith.addi %xor3A_2192, %add3A_2418 : vector<16xi32>
      %select_n3A_2420 = arith.select %lt3A_2416, %add3A_2419, %xor3A_2192 : vector<16xi1>, vector<16xi32>
      %broadcast_in_dim3A_2421 = vector.shape_cast %select_n3A_2420 : vector<16xi32> to vector<16x1xi32>
      %gather3A_2422 = vector.shape_cast %broadcast_in_dim3A_2421 : vector<16x1xi32> to vector<16xi32>
      %gather3A_2423 = tpu.dynamic_gather %select_n3A_2019[%gather3A_2422] in [0] : vector<16xf32>, vector<16xi32> -> vector<16xf32>
      %and3A_2424 = arith.constant 8 : i32
      %and3A_2425 = vector.broadcast %and3A_2424 : i32 to vector<16xi32>
      %and3A_2426 = arith.andi %iota3A, %and3A_2425 : vector<16xi32>
      %eq3A_2427 = arith.constant 8 : i32
      %eq3A_2428 = vector.broadcast %eq3A_2427 : i32 to vector<16xi32>
      %eq3A_2429 = arith.cmpi eq, %and3A_2426, %eq3A_2428 : vector<16xi32>
      %select_n3A_2430 = arith.select %eq3A_2429, %select_n3A_2155, %gather3A_2423 : vector<16xi1>, vector<16xf32>
      %lt3A_2431 = arith.constant 0 : i32
      %lt3A_2432 = vector.broadcast %lt3A_2431 : i32 to vector<16xi32>
      %lt3A_2433 = arith.cmpi slt, %xor3A_2192, %lt3A_2432 : vector<16xi32>
      %add3A_2434 = arith.constant 16 : i32
      %add3A_2435 = vector.broadcast %add3A_2434 : i32 to vector<16xi32>
      %add3A_2436 = arith.addi %xor3A_2192, %add3A_2435 : vector<16xi32>
      %select_n3A_2437 = arith.select %lt3A_2433, %add3A_2436, %xor3A_2192 : vector<16xi1>, vector<16xi32>
      %broadcast_in_dim3A_2438 = vector.shape_cast %select_n3A_2437 : vector<16xi32> to vector<16x1xi32>
      %gather3A_2439 = vector.shape_cast %broadcast_in_dim3A_2438 : vector<16x1xi32> to vector<16xi32>
      %gather3A_2440 = tpu.dynamic_gather %select_n3A_2036[%gather3A_2439] in [0] : vector<16xf32>, vector<16xi32> -> vector<16xf32>
      %and3A_2441 = arith.constant 8 : i32
      %and3A_2442 = vector.broadcast %and3A_2441 : i32 to vector<16xi32>
      %and3A_2443 = arith.andi %iota3A, %and3A_2442 : vector<16xi32>
      %eq3A_2444 = arith.constant 8 : i32
      %eq3A_2445 = vector.broadcast %eq3A_2444 : i32 to vector<16xi32>
      %eq3A_2446 = arith.cmpi eq, %and3A_2443, %eq3A_2445 : vector<16xi32>
      %select_n3A_2447 = arith.select %eq3A_2446, %select_n3A_2172, %gather3A_2440 : vector<16xi1>, vector<16xf32>
      %lt3A_2448 = arith.constant 0 : i32
      %lt3A_2449 = vector.broadcast %lt3A_2448 : i32 to vector<16xi32>
      %lt3A_2450 = arith.cmpi slt, %xor3A_2192, %lt3A_2449 : vector<16xi32>
      %add3A_2451 = arith.constant 16 : i32
      %add3A_2452 = vector.broadcast %add3A_2451 : i32 to vector<16xi32>
      %add3A_2453 = arith.addi %xor3A_2192, %add3A_2452 : vector<16xi32>
      %select_n3A_2454 = arith.select %lt3A_2450, %add3A_2453, %xor3A_2192 : vector<16xi1>, vector<16xi32>
      %broadcast_in_dim3A_2455 = vector.shape_cast %select_n3A_2454 : vector<16xi32> to vector<16x1xi32>
      %gather3A_2456 = vector.shape_cast %broadcast_in_dim3A_2455 : vector<16x1xi32> to vector<16xi32>
      %gather3A_2457 = tpu.dynamic_gather %select_n3A_2053[%gather3A_2456] in [0] : vector<16xf32>, vector<16xi32> -> vector<16xf32>
      %and3A_2458 = arith.constant 8 : i32
      %and3A_2459 = vector.broadcast %and3A_2458 : i32 to vector<16xi32>
      %and3A_2460 = arith.andi %iota3A, %and3A_2459 : vector<16xi32>
      %eq3A_2461 = arith.constant 8 : i32
      %eq3A_2462 = vector.broadcast %eq3A_2461 : i32 to vector<16xi32>
      %eq3A_2463 = arith.cmpi eq, %and3A_2460, %eq3A_2462 : vector<16xi32>
      %select_n3A_2464 = arith.select %eq3A_2463, %select_n3A_2189, %gather3A_2457 : vector<16xi1>, vector<16xf32>
      %swap3A_2465 = arith.constant 0 : i32
      %swap3A_2466 = arith.index_cast %swap3A_2465 : i32 to index
      %swap3A_2467 = arith.constant 16 : index
      %swap3A_2468 = tpu.vector_load %arg7[%swap3A_2466, %swap3A_2467] {strides = array<i32>} : memref<16x32xf32, #tpu.memory_space<vmem>>, vector<1x16xf32>,
      %swap3A_2469 = vector.shape_cast %swap3A_2468 : vector<1x16xf32> to vector<16xf32>
      %swap3A_2470 = vector.shape_cast %select_n3A_2209 : vector<16xf32> to vector<1x16xf32>
      tpu.vector_store %arg7[%swap3A_2466, %swap3A_2467], %swap3A_2470 {strides = array<i32>} : memref<16x32xf32, #tpu.memory_space<vmem>>, vector<1x16xf32>,
      %swap3A_2471 = arith.constant 1 : i32
      %swap3A_2472 = arith.index_cast %swap3A_2471 : i32 to index
      %swap3A_2473 = arith.constant 16 : index
      %swap3A_2474 = tpu.vector_load %arg7[%swap3A_2472, %swap3A_2473] {strides = array<i32>} : memref<16x32xf32, #tpu.memory_space<vmem>>, vector<1x16xf32>,
      %swap3A_2475 = vector.shape_cast %swap3A_2474 : vector<1x16xf32> to vector<16xf32>
      %swap3A_2476 = vector.shape_cast %select_n3A_2226 : vector<16xf32> to vector<1x16xf32>
      tpu.vector_store %arg7[%swap3A_2472, %swap3A_2473], %swap3A_2476 {strides = array<i32>} : memref<16x32xf32, #tpu.memory_space<vmem>>, vector<1x16xf32>,
      %swap3A_2477 = arith.constant 2 : i32
      %swap3A_2478 = arith.index_cast %swap3A_2477 : i32 to index
      %swap3A_2479 = arith.constant 16 : index
      %swap3A_2480 = tpu.vector_load %arg7[%swap3A_2478, %swap3A_2479] {strides = array<i32>} : memref<16x32xf32, #tpu.memory_space<vmem>>, vector<1x16xf32>,
      %swap3A_2481 = vector.shape_cast %swap3A_2480 : vector<1x16xf32> to vector<16xf32>
      %swap3A_2482 = vector.shape_cast %select_n3A_2243 : vector<16xf32> to vector<1x16xf32>
      tpu.vector_store %arg7[%swap3A_2478, %swap3A_2479], %swap3A_2482 {strides = array<i32>} : memref<16x32xf32, #tpu.memory_space<vmem>>, vector<1x16xf32>,
      %swap3A_2483 = arith.constant 3 : i32
      %swap3A_2484 = arith.index_cast %swap3A_2483 : i32 to index
      %swap3A_2485 = arith.constant 16 : index
      %swap3A_2486 = tpu.vector_load %arg7[%swap3A_2484, %swap3A_2485] {strides = array<i32>} : memref<16x32xf32, #tpu.memory_space<vmem>>, vector<1x16xf32>,
      %swap3A_2487 = vector.shape_cast %swap3A_2486 : vector<1x16xf32> to vector<16xf32>
      %swap3A_2488 = vector.shape_cast %select_n3A_2260 : vector<16xf32> to vector<1x16xf32>
      tpu.vector_store %arg7[%swap3A_2484, %swap3A_2485], %swap3A_2488 {strides = array<i32>} : memref<16x32xf32, #tpu.memory_space<vmem>>, vector<1x16xf32>,
      %swap3A_2489 = arith.constant 4 : i32
      %swap3A_2490 = arith.index_cast %swap3A_2489 : i32 to index
      %swap3A_2491 = arith.constant 16 : index
      %swap3A_2492 = tpu.vector_load %arg7[%swap3A_2490, %swap3A_2491] {strides = array<i32>} : memref<16x32xf32, #tpu.memory_space<vmem>>, vector<1x16xf32>,
      %swap3A_2493 = vector.shape_cast %swap3A_2492 : vector<1x16xf32> to vector<16xf32>
      %swap3A_2494 = vector.shape_cast %select_n3A_2277 : vector<16xf32> to vector<1x16xf32>
      tpu.vector_store %arg7[%swap3A_2490, %swap3A_2491], %swap3A_2494 {strides = array<i32>} : memref<16x32xf32, #tpu.memory_space<vmem>>, vector<1x16xf32>,
      %swap3A_2495 = arith.constant 5 : i32
      %swap3A_2496 = arith.index_cast %swap3A_2495 : i32 to index
      %swap3A_2497 = arith.constant 16 : index
      %swap3A_2498 = tpu.vector_load %arg7[%swap3A_2496, %swap3A_2497] {strides = array<i32>} : memref<16x32xf32, #tpu.memory_space<vmem>>, vector<1x16xf32>,
      %swap3A_2499 = vector.shape_cast %swap3A_2498 : vector<1x16xf32> to vector<16xf32>
      %swap3A_2500 = vector.shape_cast %select_n3A_2294 : vector<16xf32> to vector<1x16xf32>
      tpu.vector_store %arg7[%swap3A_2496, %swap3A_2497], %swap3A_2500 {strides = array<i32>} : memref<16x32xf32, #tpu.memory_space<vmem>>, vector<1x16xf32>,
      %swap3A_2501 = arith.constant 6 : i32
      %swap3A_2502 = arith.index_cast %swap3A_2501 : i32 to index
      %swap3A_2503 = arith.constant 16 : index
      %swap3A_2504 = tpu.vector_load %arg7[%swap3A_2502, %swap3A_2503] {strides = array<i32>} : memref<16x32xf32, #tpu.memory_space<vmem>>, vector<1x16xf32>,
      %swap3A_2505 = vector.shape_cast %swap3A_2504 : vector<1x16xf32> to vector<16xf32>
      %swap3A_2506 = vector.shape_cast %select_n3A_2311 : vector<16xf32> to vector<1x16xf32>
      tpu.vector_store %arg7[%swap3A_2502, %swap3A_2503], %swap3A_2506 {strides = array<i32>} : memref<16x32xf32, #tpu.memory_space<vmem>>, vector<1x16xf32>,
      %swap3A_2507 = arith.constant 7 : i32
      %swap3A_2508 = arith.index_cast %swap3A_2507 : i32 to index
      %swap3A_2509 = arith.constant 16 : index
      %swap3A_2510 = tpu.vector_load %arg7[%swap3A_2508, %swap3A_2509] {strides = array<i32>} : memref<16x32xf32, #tpu.memory_space<vmem>>, vector<1x16xf32>,
      %swap3A_2511 = vector.shape_cast %swap3A_2510 : vector<1x16xf32> to vector<16xf32>
      %swap3A_2512 = vector.shape_cast %select_n3A_2328 : vector<16xf32> to vector<1x16xf32>
      tpu.vector_store %arg7[%swap3A_2508, %swap3A_2509], %swap3A_2512 {strides = array<i32>} : memref<16x32xf32, #tpu.memory_space<vmem>>, vector<1x16xf32>,
      %swap3A_2513 = arith.constant 8 : i32
      %swap3A_2514 = arith.index_cast %swap3A_2513 : i32 to index
      %swap3A_2515 = arith.constant 16 : index
      %swap3A_2516 = tpu.vector_load %arg7[%swap3A_2514, %swap3A_2515] {strides = array<i32>} : memref<16x32xf32, #tpu.memory_space<vmem>>, vector<1x16xf32>,
      %swap3A_2517 = vector.shape_cast %swap3A_2516 : vector<1x16xf32> to vector<16xf32>
      %swap3A_2518 = vector.shape_cast %select_n3A_2345 : vector<16xf32> to vector<1x16xf32>
      tpu.vector_store %arg7[%swap3A_2514, %swap3A_2515], %swap3A_2518 {strides = array<i32>} : memref<16x32xf32, #tpu.memory_space<vmem>>, vector<1x16xf32>,
      %swap3A_2519 = arith.constant 9 : i32
      %swap3A_2520 = arith.index_cast %swap3A_2519 : i32 to index
      %swap3A_2521 = arith.constant 16 : index
      %swap3A_2522 = tpu.vector_load %arg7[%swap3A_2520, %swap3A_2521] {strides = array<i32>} : memref<16x32xf32, #tpu.memory_space<vmem>>, vector<1x16xf32>,
      %swap3A_2523 = vector.shape_cast %swap3A_2522 : vector<1x16xf32> to vector<16xf32>
      %swap3A_2524 = vector.shape_cast %select_n3A_2362 : vector<16xf32> to vector<1x16xf32>
      tpu.vector_store %arg7[%swap3A_2520, %swap3A_2521], %swap3A_2524 {strides = array<i32>} : memref<16x32xf32, #tpu.memory_space<vmem>>, vector<1x16xf32>,
      %swap3A_2525 = arith.constant 10 : i32
      %swap3A_2526 = arith.index_cast %swap3A_2525 : i32 to index
      %swap3A_2527 = arith.constant 16 : index
      %swap3A_2528 = tpu.vector_load %arg7[%swap3A_2526, %swap3A_2527] {strides = array<i32>} : memref<16x32xf32, #tpu.memory_space<vmem>>, vector<1x16xf32>,
      %swap3A_2529 = vector.shape_cast %swap3A_2528 : vector<1x16xf32> to vector<16xf32>
      %swap3A_2530 = vector.shape_cast %select_n3A_2379 : vector<16xf32> to vector<1x16xf32>
      tpu.vector_store %arg7[%swap3A_2526, %swap3A_2527], %swap3A_2530 {strides = array<i32>} : memref<16x32xf32, #tpu.memory_space<vmem>>, vector<1x16xf32>,
      %swap3A_2531 = arith.constant 11 : i32
      %swap3A_2532 = arith.index_cast %swap3A_2531 : i32 to index
      %swap3A_2533 = arith.constant 16 : index
      %swap3A_2534 = tpu.vector_load %arg7[%swap3A_2532, %swap3A_2533] {strides = array<i32>} : memref<16x32xf32, #tpu.memory_space<vmem>>, vector<1x16xf32>,
      %swap3A_2535 = vector.shape_cast %swap3A_2534 : vector<1x16xf32> to vector<16xf32>
      %swap3A_2536 = vector.shape_cast %select_n3A_2396 : vector<16xf32> to vector<1x16xf32>
      tpu.vector_store %arg7[%swap3A_2532, %swap3A_2533], %swap3A_2536 {strides = array<i32>} : memref<16x32xf32, #tpu.memory_space<vmem>>, vector<1x16xf32>,
      %swap3A_2537 = arith.constant 12 : i32
      %swap3A_2538 = arith.index_cast %swap3A_2537 : i32 to index
      %swap3A_2539 = arith.constant 16 : index
      %swap3A_2540 = tpu.vector_load %arg7[%swap3A_2538, %swap3A_2539] {strides = array<i32>} : memref<16x32xf32, #tpu.memory_space<vmem>>, vector<1x16xf32>,
      %swap3A_2541 = vector.shape_cast %swap3A_2540 : vector<1x16xf32> to vector<16xf32>
      %swap3A_2542 = vector.shape_cast %select_n3A_2413 : vector<16xf32> to vector<1x16xf32>
      tpu.vector_store %arg7[%swap3A_2538, %swap3A_2539], %swap3A_2542 {strides = array<i32>} : memref<16x32xf32, #tpu.memory_space<vmem>>, vector<1x16xf32>,
      %swap3A_2543 = arith.constant 13 : i32
      %swap3A_2544 = arith.index_cast %swap3A_2543 : i32 to index
      %swap3A_2545 = arith.constant 16 : index
      %swap3A_2546 = tpu.vector_load %arg7[%swap3A_2544, %swap3A_2545] {strides = array<i32>} : memref<16x32xf32, #tpu.memory_space<vmem>>, vector<1x16xf32>,
      %swap3A_2547 = vector.shape_cast %swap3A_2546 : vector<1x16xf32> to vector<16xf32>
      %swap3A_2548 = vector.shape_cast %select_n3A_2430 : vector<16xf32> to vector<1x16xf32>
      tpu.vector_store %arg7[%swap3A_2544, %swap3A_2545], %swap3A_2548 {strides = array<i32>} : memref<16x32xf32, #tpu.memory_space<vmem>>, vector<1x16xf32>,
      %swap3A_2549 = arith.constant 14 : i32
      %swap3A_2550 = arith.index_cast %swap3A_2549 : i32 to index
      %swap3A_2551 = arith.constant 16 : index
      %swap3A_2552 = tpu.vector_load %arg7[%swap3A_2550, %swap3A_2551] {strides = array<i32>} : memref<16x32xf32, #tpu.memory_space<vmem>>, vector<1x16xf32>,
      %swap3A_2553 = vector.shape_cast %swap3A_2552 : vector<1x16xf32> to vector<16xf32>
      %swap3A_2554 = vector.shape_cast %select_n3A_2447 : vector<16xf32> to vector<1x16xf32>
      tpu.vector_store %arg7[%swap3A_2550, %swap3A_2551], %swap3A_2554 {strides = array<i32>} : memref<16x32xf32, #tpu.memory_space<vmem>>, vector<1x16xf32>,
      %swap3A_2555 = arith.constant 15 : i32
      %swap3A_2556 = arith.index_cast %swap3A_2555 : i32 to index
      %swap3A_2557 = arith.constant 16 : index
      %swap3A_2558 = tpu.vector_load %arg7[%swap3A_2556, %swap3A_2557] {strides = array<i32>} : memref<16x32xf32, #tpu.memory_space<vmem>>, vector<1x16xf32>,
      %swap3A_2559 = vector.shape_cast %swap3A_2558 : vector<1x16xf32> to vector<16xf32>
      %swap3A_2560 = vector.shape_cast %select_n3A_2464 : vector<16xf32> to vector<1x16xf32>
      tpu.vector_store %arg7[%swap3A_2556, %swap3A_2557], %swap3A_2560 {strides = array<i32>} : memref<16x32xf32, #tpu.memory_space<vmem>>, vector<1x16xf32>,
    } else {
    }
    %ge3A = arith.constant 16 : i32
    %ge3A_3 = arith.cmpi sge, %add3A, %ge3A : i32
    %convert_element_type3A_4 = arith.extui %ge3A_3 : i1 to i32
    %cond3A_5 = arith.constant 0 : i32
    %cond3A_6 = arith.cmpi ne, %convert_element_type3A_4, %cond3A_5 : i32
    scf.if %cond3A_6 {
      %mul3A_15 = arith.constant 16 : i32
      %mul3A_16 = arith.muli %add3A, %mul3A_15 : i32
      %sub3A = arith.constant 256 : i32
      %sub3A_17 = arith.subi %mul3A_16, %sub3A : i32
      %get3A = arith.constant 0 : i32
      %get3A_18 = arith.index_cast %get3A : i32 to index
      %get3A_19 = arith.index_cast %sub3A_17 : i32 to index
      %get3A_20 = tpu.vector_load %arg6[%get3A_18, %get3A_19] {strides = array<i32>} : memref<32x256xf32, #tpu.memory_space<vmem>>, vector<1x16xf32>,
      %get3A_21 = vector.shape_cast %get3A_20 : vector<1x16xf32> to vector<16xf32>
      %get3A_22 = arith.constant 1 : i32
      %get3A_23 = arith.index_cast %get3A_22 : i32 to index
      %get3A_24 = arith.index_cast %sub3A_17 : i32 to index
      %get3A_25 = tpu.vector_load %arg6[%get3A_23, %get3A_24] {strides = array<i32>} : memref<32x256xf32, #tpu.memory_space<vmem>>, vector<1x16xf32>,
      %get3A_26 = vector.shape_cast %get3A_25 : vector<1x16xf32> to vector<16xf32>
      %get3A_27 = arith.constant 2 : i32
      %get3A_28 = arith.index_cast %get3A_27 : i32 to index
      %get3A_29 = arith.index_cast %sub3A_17 : i32 to index
      %get3A_30 = tpu.vector_load %arg6[%get3A_28, %get3A_29] {strides = array<i32>} : memref<32x256xf32, #tpu.memory_space<vmem>>, vector<1x16xf32>,
      %get3A_31 = vector.shape_cast %get3A_30 : vector<1x16xf32> to vector<16xf32>
      %get3A_32 = arith.constant 3 : i32
      %get3A_33 = arith.index_cast %get3A_32 : i32 to index
      %get3A_34 = arith.index_cast %sub3A_17 : i32 to index
      %get3A_35 = tpu.vector_load %arg6[%get3A_33, %get3A_34] {strides = array<i32>} : memref<32x256xf32, #tpu.memory_space<vmem>>, vector<1x16xf32>,
      %get3A_36 = vector.shape_cast %get3A_35 : vector<1x16xf32> to vector<16xf32>
      %get3A_37 = arith.constant 4 : i32
      %get3A_38 = arith.index_cast %get3A_37 : i32 to index
      %get3A_39 = arith.index_cast %sub3A_17 : i32 to index
      %get3A_40 = tpu.vector_load %arg6[%get3A_38, %get3A_39] {strides = array<i32>} : memref<32x256xf32, #tpu.memory_space<vmem>>, vector<1x16xf32>,
      %get3A_41 = vector.shape_cast %get3A_40 : vector<1x16xf32> to vector<16xf32>
      %get3A_42 = arith.constant 5 : i32
      %get3A_43 = arith.index_cast %get3A_42 : i32 to index
      %get3A_44 = arith.index_cast %sub3A_17 : i32 to index
      %get3A_45 = tpu.vector_load %arg6[%get3A_43, %get3A_44] {strides = array<i32>} : memref<32x256xf32, #tpu.memory_space<vmem>>, vector<1x16xf32>,
      %get3A_46 = vector.shape_cast %get3A_45 : vector<1x16xf32> to vector<16xf32>
      %get3A_47 = arith.constant 6 : i32
      %get3A_48 = arith.index_cast %get3A_47 : i32 to index
      %get3A_49 = arith.index_cast %sub3A_17 : i32 to index
      %get3A_50 = tpu.vector_load %arg6[%get3A_48, %get3A_49] {strides = array<i32>} : memref<32x256xf32, #tpu.memory_space<vmem>>, vector<1x16xf32>,
      %get3A_51 = vector.shape_cast %get3A_50 : vector<1x16xf32> to vector<16xf32>
      %get3A_52 = arith.constant 7 : i32
      %get3A_53 = arith.index_cast %get3A_52 : i32 to index
      %get3A_54 = arith.index_cast %sub3A_17 : i32 to index
      %get3A_55 = tpu.vector_load %arg6[%get3A_53, %get3A_54] {strides = array<i32>} : memref<32x256xf32, #tpu.memory_space<vmem>>, vector<1x16xf32>,
      %get3A_56 = vector.shape_cast %get3A_55 : vector<1x16xf32> to vector<16xf32>
      %get3A_57 = arith.constant 8 : i32
      %get3A_58 = arith.index_cast %get3A_57 : i32 to index
      %get3A_59 = arith.index_cast %sub3A_17 : i32 to index
      %get3A_60 = tpu.vector_load %arg6[%get3A_58, %get3A_59] {strides = array<i32>} : memref<32x256xf32, #tpu.memory_space<vmem>>, vector<1x16xf32>,
      %get3A_61 = vector.shape_cast %get3A_60 : vector<1x16xf32> to vector<16xf32>
      %get3A_62 = arith.constant 9 : i32
      %get3A_63 = arith.index_cast %get3A_62 : i32 to index
      %get3A_64 = arith.index_cast %sub3A_17 : i32 to index
      %get3A_65 = tpu.vector_load %arg6[%get3A_63, %get3A_64] {strides = array<i32>} : memref<32x256xf32, #tpu.memory_space<vmem>>, vector<1x16xf32>,
      %get3A_66 = vector.shape_cast %get3A_65 : vector<1x16xf32> to vector<16xf32>
      %get3A_67 = arith.constant 10 : i32
      %get3A_68 = arith.index_cast %get3A_67 : i32 to index
      %get3A_69 = arith.index_cast %sub3A_17 : i32 to index
      %get3A_70 = tpu.vector_load %arg6[%get3A_68, %get3A_69] {strides = array<i32>} : memref<32x256xf32, #tpu.memory_space<vmem>>, vector<1x16xf32>,
      %get3A_71 = vector.shape_cast %get3A_70 : vector<1x16xf32> to vector<16xf32>
      %get3A_72 = arith.constant 11 : i32
      %get3A_73 = arith.index_cast %get3A_72 : i32 to index
      %get3A_74 = arith.index_cast %sub3A_17 : i32 to index
      %get3A_75 = tpu.vector_load %arg6[%get3A_73, %get3A_74] {strides = array<i32>} : memref<32x256xf32, #tpu.memory_space<vmem>>, vector<1x16xf32>,
      %get3A_76 = vector.shape_cast %get3A_75 : vector<1x16xf32> to vector<16xf32>
      %get3A_77 = arith.constant 12 : i32
      %get3A_78 = arith.index_cast %get3A_77 : i32 to index
      %get3A_79 = arith.index_cast %sub3A_17 : i32 to index
      %get3A_80 = tpu.vector_load %arg6[%get3A_78, %get3A_79] {strides = array<i32>} : memref<32x256xf32, #tpu.memory_space<vmem>>, vector<1x16xf32>,
      %get3A_81 = vector.shape_cast %get3A_80 : vector<1x16xf32> to vector<16xf32>
      %get3A_82 = arith.constant 13 : i32
      %get3A_83 = arith.index_cast %get3A_82 : i32 to index
      %get3A_84 = arith.index_cast %sub3A_17 : i32 to index
      %get3A_85 = tpu.vector_load %arg6[%get3A_83, %get3A_84] {strides = array<i32>} : memref<32x256xf32, #tpu.memory_space<vmem>>, vector<1x16xf32>,
      %get3A_86 = vector.shape_cast %get3A_85 : vector<1x16xf32> to vector<16xf32>
      %get3A_87 = arith.constant 14 : i32
      %get3A_88 = arith.index_cast %get3A_87 : i32 to index
      %get3A_89 = arith.index_cast %sub3A_17 : i32 to index
      %get3A_90 = tpu.vector_load %arg6[%get3A_88, %get3A_89] {strides = array<i32>} : memref<32x256xf32, #tpu.memory_space<vmem>>, vector<1x16xf32>,
      %get3A_91 = vector.shape_cast %get3A_90 : vector<1x16xf32> to vector<16xf32>
      %get3A_92 = arith.constant 15 : i32
      %get3A_93 = arith.index_cast %get3A_92 : i32 to index
      %get3A_94 = arith.index_cast %sub3A_17 : i32 to index
      %get3A_95 = tpu.vector_load %arg6[%get3A_93, %get3A_94] {strides = array<i32>} : memref<32x256xf32, #tpu.memory_space<vmem>>, vector<1x16xf32>,
      %get3A_96 = vector.shape_cast %get3A_95 : vector<1x16xf32> to vector<16xf32>
      %xor3A = arith.constant 1 : i32
      %xor3A_97 = vector.broadcast %xor3A : i32 to vector<16xi32>
      %xor3A_98 = arith.xori %iota3A, %xor3A_97 : vector<16xi32>
      %lt3A_99 = arith.constant 0 : i32
      %lt3A_100 = vector.broadcast %lt3A_99 : i32 to vector<16xi32>
      %lt3A_101 = arith.cmpi slt, %xor3A_98, %lt3A_100 : vector<16xi32>
      %add3A_102 = arith.constant 16 : i32
      %add3A_103 = vector.broadcast %add3A_102 : i32 to vector<16xi32>
      %add3A_104 = arith.addi %xor3A_98, %add3A_103 : vector<16xi32>
      %select_n3A = arith.select %lt3A_101, %add3A_104, %xor3A_98 : vector<16xi1>, vector<16xi32>
      %broadcast_in_dim3A = vector.shape_cast %select_n3A : vector<16xi32> to vector<16x1xi32>
      %gather3A = vector.shape_cast %broadcast_in_dim3A : vector<16x1xi32> to vector<16xi32>
      %gather3A_105 = tpu.dynamic_gather %get3A_26[%gather3A] in [0] : vector<16xf32>, vector<16xi32> -> vector<16xf32>
      %and3A = arith.constant 1 : i32
      %and3A_106 = vector.broadcast %and3A : i32 to vector<16xi32>
      %and3A_107 = arith.andi %iota3A, %and3A_106 : vector<16xi32>
      %eq3A = arith.constant 0 : i32
      %eq3A_108 = vector.broadcast %eq3A : i32 to vector<16xi32>
      %eq3A_109 = arith.cmpi eq, %and3A_107, %eq3A_108 : vector<16xi32>
      %select_n3A_110 = arith.select %eq3A_109, %get3A_21, %gather3A_105 : vector<16xi1>, vector<16xf32>
      %lt3A_111 = arith.constant 0 : i32
      %lt3A_112 = vector.broadcast %lt3A_111 : i32 to vector<16xi32>
      %lt3A_113 = arith.cmpi slt, %xor3A_98, %lt3A_112 : vector<16xi32>
      %add3A_114 = arith.constant 16 : i32
      %add3A_115 = vector.broadcast %add3A_114 : i32 to vector<16xi32>
      %add3A_116 = arith.addi %xor3A_98, %add3A_115 : vector<16xi32>
      %select_n3A_117 = arith.select %lt3A_113, %add3A_116, %xor3A_98 : vector<16xi1>, vector<16xi32>
      %broadcast_in_dim3A_118 = vector.shape_cast %select_n3A_117 : vector<16xi32> to vector<16x1xi32>
      %gather3A_119 = vector.shape_cast %broadcast_in_dim3A_118 : vector<16x1xi32> to vector<16xi32>
      %gather3A_120 = tpu.dynamic_gather %get3A_21[%gather3A_119] in [0] : vector<16xf32>, vector<16xi32> -> vector<16xf32>
      %and3A_121 = arith.constant 1 : i32
      %and3A_122 = vector.broadcast %and3A_121 : i32 to vector<16xi32>
      %and3A_123 = arith.andi %iota3A, %and3A_122 : vector<16xi32>
      %eq3A_124 = arith.constant 1 : i32
      %eq3A_125 = vector.broadcast %eq3A_124 : i32 to vector<16xi32>
      %eq3A_126 = arith.cmpi eq, %and3A_123, %eq3A_125 : vector<16xi32>
      %select_n3A_127 = arith.select %eq3A_126, %get3A_26, %gather3A_120 : vector<16xi1>, vector<16xf32>
      %lt3A_128 = arith.constant 0 : i32
      %lt3A_129 = vector.broadcast %lt3A_128 : i32 to vector<16xi32>
      %lt3A_130 = arith.cmpi slt, %xor3A_98, %lt3A_129 : vector<16xi32>
      %add3A_131 = arith.constant 16 : i32
      %add3A_132 = vector.broadcast %add3A_131 : i32 to vector<16xi32>
      %add3A_133 = arith.addi %xor3A_98, %add3A_132 : vector<16xi32>
      %select_n3A_134 = arith.select %lt3A_130, %add3A_133, %xor3A_98 : vector<16xi1>, vector<16xi32>
      %broadcast_in_dim3A_135 = vector.shape_cast %select_n3A_134 : vector<16xi32> to vector<16x1xi32>
      %gather3A_136 = vector.shape_cast %broadcast_in_dim3A_135 : vector<16x1xi32> to vector<16xi32>
      %gather3A_137 = tpu.dynamic_gather %get3A_36[%gather3A_136] in [0] : vector<16xf32>, vector<16xi32> -> vector<16xf32>
      %and3A_138 = arith.constant 1 : i32
      %and3A_139 = vector.broadcast %and3A_138 : i32 to vector<16xi32>
      %and3A_140 = arith.andi %iota3A, %and3A_139 : vector<16xi32>
      %eq3A_141 = arith.constant 0 : i32
      %eq3A_142 = vector.broadcast %eq3A_141 : i32 to vector<16xi32>
      %eq3A_143 = arith.cmpi eq, %and3A_140, %eq3A_142 : vector<16xi32>
      %select_n3A_144 = arith.select %eq3A_143, %get3A_31, %gather3A_137 : vector<16xi1>, vector<16xf32>
      %lt3A_145 = arith.constant 0 : i32
      %lt3A_146 = vector.broadcast %lt3A_145 : i32 to vector<16xi32>
      %lt3A_147 = arith.cmpi slt, %xor3A_98, %lt3A_146 : vector<16xi32>
      %add3A_148 = arith.constant 16 : i32
      %add3A_149 = vector.broadcast %add3A_148 : i32 to vector<16xi32>
      %add3A_150 = arith.addi %xor3A_98, %add3A_149 : vector<16xi32>
      %select_n3A_151 = arith.select %lt3A_147, %add3A_150, %xor3A_98 : vector<16xi1>, vector<16xi32>
      %broadcast_in_dim3A_152 = vector.shape_cast %select_n3A_151 : vector<16xi32> to vector<16x1xi32>
      %gather3A_153 = vector.shape_cast %broadcast_in_dim3A_152 : vector<16x1xi32> to vector<16xi32>
      %gather3A_154 = tpu.dynamic_gather %get3A_31[%gather3A_153] in [0] : vector<16xf32>, vector<16xi32> -> vector<16xf32>
      %and3A_155 = arith.constant 1 : i32
      %and3A_156 = vector.broadcast %and3A_155 : i32 to vector<16xi32>
      %and3A_157 = arith.andi %iota3A, %and3A_156 : vector<16xi32>
      %eq3A_158 = arith.constant 1 : i32
      %eq3A_159 = vector.broadcast %eq3A_158 : i32 to vector<16xi32>
      %eq3A_160 = arith.cmpi eq, %and3A_157, %eq3A_159 : vector<16xi32>
      %select_n3A_161 = arith.select %eq3A_160, %get3A_36, %gather3A_154 : vector<16xi1>, vector<16xf32>
      %lt3A_162 = arith.constant 0 : i32
      %lt3A_163 = vector.broadcast %lt3A_162 : i32 to vector<16xi32>
      %lt3A_164 = arith.cmpi slt, %xor3A_98, %lt3A_163 : vector<16xi32>
      %add3A_165 = arith.constant 16 : i32
      %add3A_166 = vector.broadcast %add3A_165 : i32 to vector<16xi32>
      %add3A_167 = arith.addi %xor3A_98, %add3A_166 : vector<16xi32>
      %select_n3A_168 = arith.select %lt3A_164, %add3A_167, %xor3A_98 : vector<16xi1>, vector<16xi32>
      %broadcast_in_dim3A_169 = vector.shape_cast %select_n3A_168 : vector<16xi32> to vector<16x1xi32>
      %gather3A_170 = vector.shape_cast %broadcast_in_dim3A_169 : vector<16x1xi32> to vector<16xi32>
      %gather3A_171 = tpu.dynamic_gather %get3A_46[%gather3A_170] in [0] : vector<16xf32>, vector<16xi32> -> vector<16xf32>
      %and3A_172 = arith.constant 1 : i32
      %and3A_173 = vector.broadcast %and3A_172 : i32 to vector<16xi32>
      %and3A_174 = arith.andi %iota3A, %and3A_173 : vector<16xi32>
      %eq3A_175 = arith.constant 0 : i32
      %eq3A_176 = vector.broadcast %eq3A_175 : i32 to vector<16xi32>
      %eq3A_177 = arith.cmpi eq, %and3A_174, %eq3A_176 : vector<16xi32>
      %select_n3A_178 = arith.select %eq3A_177, %get3A_41, %gather3A_171 : vector<16xi1>, vector<16xf32>
      %lt3A_179 = arith.constant 0 : i32
      %lt3A_180 = vector.broadcast %lt3A_179 : i32 to vector<16xi32>
      %lt3A_181 = arith.cmpi slt, %xor3A_98, %lt3A_180 : vector<16xi32>
      %add3A_182 = arith.constant 16 : i32
      %add3A_183 = vector.broadcast %add3A_182 : i32 to vector<16xi32>
      %add3A_184 = arith.addi %xor3A_98, %add3A_183 : vector<16xi32>
      %select_n3A_185 = arith.select %lt3A_181, %add3A_184, %xor3A_98 : vector<16xi1>, vector<16xi32>
      %broadcast_in_dim3A_186 = vector.shape_cast %select_n3A_185 : vector<16xi32> to vector<16x1xi32>
      %gather3A_187 = vector.shape_cast %broadcast_in_dim3A_186 : vector<16x1xi32> to vector<16xi32>
      %gather3A_188 = tpu.dynamic_gather %get3A_41[%gather3A_187] in [0] : vector<16xf32>, vector<16xi32> -> vector<16xf32>
      %and3A_189 = arith.constant 1 : i32
      %and3A_190 = vector.broadcast %and3A_189 : i32 to vector<16xi32>
      %and3A_191 = arith.andi %iota3A, %and3A_190 : vector<16xi32>
      %eq3A_192 = arith.constant 1 : i32
      %eq3A_193 = vector.broadcast %eq3A_192 : i32 to vector<16xi32>
      %eq3A_194 = arith.cmpi eq, %and3A_191, %eq3A_193 : vector<16xi32>
      %select_n3A_195 = arith.select %eq3A_194, %get3A_46, %gather3A_188 : vector<16xi1>, vector<16xf32>
      %lt3A_196 = arith.constant 0 : i32
      %lt3A_197 = vector.broadcast %lt3A_196 : i32 to vector<16xi32>
      %lt3A_198 = arith.cmpi slt, %xor3A_98, %lt3A_197 : vector<16xi32>
      %add3A_199 = arith.constant 16 : i32
      %add3A_200 = vector.broadcast %add3A_199 : i32 to vector<16xi32>
      %add3A_201 = arith.addi %xor3A_98, %add3A_200 : vector<16xi32>
      %select_n3A_202 = arith.select %lt3A_198, %add3A_201, %xor3A_98 : vector<16xi1>, vector<16xi32>
      %broadcast_in_dim3A_203 = vector.shape_cast %select_n3A_202 : vector<16xi32> to vector<16x1xi32>
      %gather3A_204 = vector.shape_cast %broadcast_in_dim3A_203 : vector<16x1xi32> to vector<16xi32>
      %gather3A_205 = tpu.dynamic_gather %get3A_56[%gather3A_204] in [0] : vector<16xf32>, vector<16xi32> -> vector<16xf32>
      %and3A_206 = arith.constant 1 : i32
      %and3A_207 = vector.broadcast %and3A_206 : i32 to vector<16xi32>
      %and3A_208 = arith.andi %iota3A, %and3A_207 : vector<16xi32>
      %eq3A_209 = arith.constant 0 : i32
      %eq3A_210 = vector.broadcast %eq3A_209 : i32 to vector<16xi32>
      %eq3A_211 = arith.cmpi eq, %and3A_208, %eq3A_210 : vector<16xi32>
      %select_n3A_212 = arith.select %eq3A_211, %get3A_51, %gather3A_205 : vector<16xi1>, vector<16xf32>
      %lt3A_213 = arith.constant 0 : i32
      %lt3A_214 = vector.broadcast %lt3A_213 : i32 to vector<16xi32>
      %lt3A_215 = arith.cmpi slt, %xor3A_98, %lt3A_214 : vector<16xi32>
      %add3A_216 = arith.constant 16 : i32
      %add3A_217 = vector.broadcast %add3A_216 : i32 to vector<16xi32>
      %add3A_218 = arith.addi %xor3A_98, %add3A_217 : vector<16xi32>
      %select_n3A_219 = arith.select %lt3A_215, %add3A_218, %xor3A_98 : vector<16xi1>, vector<16xi32>
      %broadcast_in_dim3A_220 = vector.shape_cast %select_n3A_219 : vector<16xi32> to vector<16x1xi32>
      %gather3A_221 = vector.shape_cast %broadcast_in_dim3A_220 : vector<16x1xi32> to vector<16xi32>
      %gather3A_222 = tpu.dynamic_gather %get3A_51[%gather3A_221] in [0] : vector<16xf32>, vector<16xi32> -> vector<16xf32>
      %and3A_223 = arith.constant 1 : i32
      %and3A_224 = vector.broadcast %and3A_223 : i32 to vector<16xi32>
      %and3A_225 = arith.andi %iota3A, %and3A_224 : vector<16xi32>
      %eq3A_226 = arith.constant 1 : i32
      %eq3A_227 = vector.broadcast %eq3A_226 : i32 to vector<16xi32>
      %eq3A_228 = arith.cmpi eq, %and3A_225, %eq3A_227 : vector<16xi32>
      %select_n3A_229 = arith.select %eq3A_228, %get3A_56, %gather3A_222 : vector<16xi1>, vector<16xf32>
      %lt3A_230 = arith.constant 0 : i32
      %lt3A_231 = vector.broadcast %lt3A_230 : i32 to vector<16xi32>
      %lt3A_232 = arith.cmpi slt, %xor3A_98, %lt3A_231 : vector<16xi32>
      %add3A_233 = arith.constant 16 : i32
      %add3A_234 = vector.broadcast %add3A_233 : i32 to vector<16xi32>
      %add3A_235 = arith.addi %xor3A_98, %add3A_234 : vector<16xi32>
      %select_n3A_236 = arith.select %lt3A_232, %add3A_235, %xor3A_98 : vector<16xi1>, vector<16xi32>
      %broadcast_in_dim3A_237 = vector.shape_cast %select_n3A_236 : vector<16xi32> to vector<16x1xi32>
      %gather3A_238 = vector.shape_cast %broadcast_in_dim3A_237 : vector<16x1xi32> to vector<16xi32>
      %gather3A_239 = tpu.dynamic_gather %get3A_66[%gather3A_238] in [0] : vector<16xf32>, vector<16xi32> -> vector<16xf32>
      %and3A_240 = arith.constant 1 : i32
      %and3A_241 = vector.broadcast %and3A_240 : i32 to vector<16xi32>
      %and3A_242 = arith.andi %iota3A, %and3A_241 : vector<16xi32>
      %eq3A_243 = arith.constant 0 : i32
      %eq3A_244 = vector.broadcast %eq3A_243 : i32 to vector<16xi32>
      %eq3A_245 = arith.cmpi eq, %and3A_242, %eq3A_244 : vector<16xi32>
      %select_n3A_246 = arith.select %eq3A_245, %get3A_61, %gather3A_239 : vector<16xi1>, vector<16xf32>
      %lt3A_247 = arith.constant 0 : i32
      %lt3A_248 = vector.broadcast %lt3A_247 : i32 to vector<16xi32>
      %lt3A_249 = arith.cmpi slt, %xor3A_98, %lt3A_248 : vector<16xi32>
      %add3A_250 = arith.constant 16 : i32
      %add3A_251 = vector.broadcast %add3A_250 : i32 to vector<16xi32>
      %add3A_252 = arith.addi %xor3A_98, %add3A_251 : vector<16xi32>
      %select_n3A_253 = arith.select %lt3A_249, %add3A_252, %xor3A_98 : vector<16xi1>, vector<16xi32>
      %broadcast_in_dim3A_254 = vector.shape_cast %select_n3A_253 : vector<16xi32> to vector<16x1xi32>
      %gather3A_255 = vector.shape_cast %broadcast_in_dim3A_254 : vector<16x1xi32> to vector<16xi32>
      %gather3A_256 = tpu.dynamic_gather %get3A_61[%gather3A_255] in [0] : vector<16xf32>, vector<16xi32> -> vector<16xf32>
      %and3A_257 = arith.constant 1 : i32
      %and3A_258 = vector.broadcast %and3A_257 : i32 to vector<16xi32>
      %and3A_259 = arith.andi %iota3A, %and3A_258 : vector<16xi32>
      %eq3A_260 = arith.constant 1 : i32
      %eq3A_261 = vector.broadcast %eq3A_260 : i32 to vector<16xi32>
      %eq3A_262 = arith.cmpi eq, %and3A_259, %eq3A_261 : vector<16xi32>
      %select_n3A_263 = arith.select %eq3A_262, %get3A_66, %gather3A_256 : vector<16xi1>, vector<16xf32>
      %lt3A_264 = arith.constant 0 : i32
      %lt3A_265 = vector.broadcast %lt3A_264 : i32 to vector<16xi32>
      %lt3A_266 = arith.cmpi slt, %xor3A_98, %lt3A_265 : vector<16xi32>
      %add3A_267 = arith.constant 16 : i32
      %add3A_268 = vector.broadcast %add3A_267 : i32 to vector<16xi32>
      %add3A_269 = arith.addi %xor3A_98, %add3A_268 : vector<16xi32>
      %select_n3A_270 = arith.select %lt3A_266, %add3A_269, %xor3A_98 : vector<16xi1>, vector<16xi32>
      %broadcast_in_dim3A_271 = vector.shape_cast %select_n3A_270 : vector<16xi32> to vector<16x1xi32>
      %gather3A_272 = vector.shape_cast %broadcast_in_dim3A_271 : vector<16x1xi32> to vector<16xi32>
      %gather3A_273 = tpu.dynamic_gather %get3A_76[%gather3A_272] in [0] : vector<16xf32>, vector<16xi32> -> vector<16xf32>
      %and3A_274 = arith.constant 1 : i32
      %and3A_275 = vector.broadcast %and3A_274 : i32 to vector<16xi32>
      %and3A_276 = arith.andi %iota3A, %and3A_275 : vector<16xi32>
      %eq3A_277 = arith.constant 0 : i32
      %eq3A_278 = vector.broadcast %eq3A_277 : i32 to vector<16xi32>
      %eq3A_279 = arith.cmpi eq, %and3A_276, %eq3A_278 : vector<16xi32>
      %select_n3A_280 = arith.select %eq3A_279, %get3A_71, %gather3A_273 : vector<16xi1>, vector<16xf32>
      %lt3A_281 = arith.constant 0 : i32
      %lt3A_282 = vector.broadcast %lt3A_281 : i32 to vector<16xi32>
      %lt3A_283 = arith.cmpi slt, %xor3A_98, %lt3A_282 : vector<16xi32>
      %add3A_284 = arith.constant 16 : i32
      %add3A_285 = vector.broadcast %add3A_284 : i32 to vector<16xi32>
      %add3A_286 = arith.addi %xor3A_98, %add3A_285 : vector<16xi32>
      %select_n3A_287 = arith.select %lt3A_283, %add3A_286, %xor3A_98 : vector<16xi1>, vector<16xi32>
      %broadcast_in_dim3A_288 = vector.shape_cast %select_n3A_287 : vector<16xi32> to vector<16x1xi32>
      %gather3A_289 = vector.shape_cast %broadcast_in_dim3A_288 : vector<16x1xi32> to vector<16xi32>
      %gather3A_290 = tpu.dynamic_gather %get3A_71[%gather3A_289] in [0] : vector<16xf32>, vector<16xi32> -> vector<16xf32>
      %and3A_291 = arith.constant 1 : i32
      %and3A_292 = vector.broadcast %and3A_291 : i32 to vector<16xi32>
      %and3A_293 = arith.andi %iota3A, %and3A_292 : vector<16xi32>
      %eq3A_294 = arith.constant 1 : i32
      %eq3A_295 = vector.broadcast %eq3A_294 : i32 to vector<16xi32>
      %eq3A_296 = arith.cmpi eq, %and3A_293, %eq3A_295 : vector<16xi32>
      %select_n3A_297 = arith.select %eq3A_296, %get3A_76, %gather3A_290 : vector<16xi1>, vector<16xf32>
      %lt3A_298 = arith.constant 0 : i32
      %lt3A_299 = vector.broadcast %lt3A_298 : i32 to vector<16xi32>
      %lt3A_300 = arith.cmpi slt, %xor3A_98, %lt3A_299 : vector<16xi32>
      %add3A_301 = arith.constant 16 : i32
      %add3A_302 = vector.broadcast %add3A_301 : i32 to vector<16xi32>
      %add3A_303 = arith.addi %xor3A_98, %add3A_302 : vector<16xi32>
      %select_n3A_304 = arith.select %lt3A_300, %add3A_303, %xor3A_98 : vector<16xi1>, vector<16xi32>
      %broadcast_in_dim3A_305 = vector.shape_cast %select_n3A_304 : vector<16xi32> to vector<16x1xi32>
      %gather3A_306 = vector.shape_cast %broadcast_in_dim3A_305 : vector<16x1xi32> to vector<16xi32>
      %gather3A_307 = tpu.dynamic_gather %get3A_86[%gather3A_306] in [0] : vector<16xf32>, vector<16xi32> -> vector<16xf32>
      %and3A_308 = arith.constant 1 : i32
      %and3A_309 = vector.broadcast %and3A_308 : i32 to vector<16xi32>
      %and3A_310 = arith.andi %iota3A, %and3A_309 : vector<16xi32>
      %eq3A_311 = arith.constant 0 : i32
      %eq3A_312 = vector.broadcast %eq3A_311 : i32 to vector<16xi32>
      %eq3A_313 = arith.cmpi eq, %and3A_310, %eq3A_312 : vector<16xi32>
      %select_n3A_314 = arith.select %eq3A_313, %get3A_81, %gather3A_307 : vector<16xi1>, vector<16xf32>
      %lt3A_315 = arith.constant 0 : i32
      %lt3A_316 = vector.broadcast %lt3A_315 : i32 to vector<16xi32>
      %lt3A_317 = arith.cmpi slt, %xor3A_98, %lt3A_316 : vector<16xi32>
      %add3A_318 = arith.constant 16 : i32
      %add3A_319 = vector.broadcast %add3A_318 : i32 to vector<16xi32>
      %add3A_320 = arith.addi %xor3A_98, %add3A_319 : vector<16xi32>
      %select_n3A_321 = arith.select %lt3A_317, %add3A_320, %xor3A_98 : vector<16xi1>, vector<16xi32>
      %broadcast_in_dim3A_322 = vector.shape_cast %select_n3A_321 : vector<16xi32> to vector<16x1xi32>
      %gather3A_323 = vector.shape_cast %broadcast_in_dim3A_322 : vector<16x1xi32> to vector<16xi32>
      %gather3A_324 = tpu.dynamic_gather %get3A_81[%gather3A_323] in [0] : vector<16xf32>, vector<16xi32> -> vector<16xf32>
      %and3A_325 = arith.constant 1 : i32
      %and3A_326 = vector.broadcast %and3A_325 : i32 to vector<16xi32>
      %and3A_327 = arith.andi %iota3A, %and3A_326 : vector<16xi32>
      %eq3A_328 = arith.constant 1 : i32
      %eq3A_329 = vector.broadcast %eq3A_328 : i32 to vector<16xi32>
      %eq3A_330 = arith.cmpi eq, %and3A_327, %eq3A_329 : vector<16xi32>
      %select_n3A_331 = arith.select %eq3A_330, %get3A_86, %gather3A_324 : vector<16xi1>, vector<16xf32>
      %lt3A_332 = arith.constant 0 : i32
      %lt3A_333 = vector.broadcast %lt3A_332 : i32 to vector<16xi32>
      %lt3A_334 = arith.cmpi slt, %xor3A_98, %lt3A_333 : vector<16xi32>
      %add3A_335 = arith.constant 16 : i32
      %add3A_336 = vector.broadcast %add3A_335 : i32 to vector<16xi32>
      %add3A_337 = arith.addi %xor3A_98, %add3A_336 : vector<16xi32>
      %select_n3A_338 = arith.select %lt3A_334, %add3A_337, %xor3A_98 : vector<16xi1>, vector<16xi32>
      %broadcast_in_dim3A_339 = vector.shape_cast %select_n3A_338 : vector<16xi32> to vector<16x1xi32>
      %gather3A_340 = vector.shape_cast %broadcast_in_dim3A_339 : vector<16x1xi32> to vector<16xi32>
      %gather3A_341 = tpu.dynamic_gather %get3A_96[%gather3A_340] in [0] : vector<16xf32>, vector<16xi32> -> vector<16xf32>
      %and3A_342 = arith.constant 1 : i32
      %and3A_343 = vector.broadcast %and3A_342 : i32 to vector<16xi32>
      %and3A_344 = arith.andi %iota3A, %and3A_343 : vector<16xi32>
      %eq3A_345 = arith.constant 0 : i32
      %eq3A_346 = vector.broadcast %eq3A_345 : i32 to vector<16xi32>
      %eq3A_347 = arith.cmpi eq, %and3A_344, %eq3A_346 : vector<16xi32>
      %select_n3A_348 = arith.select %eq3A_347, %get3A_91, %gather3A_341 : vector<16xi1>, vector<16xf32>
      %lt3A_349 = arith.constant 0 : i32
      %lt3A_350 = vector.broadcast %lt3A_349 : i32 to vector<16xi32>
      %lt3A_351 = arith.cmpi slt, %xor3A_98, %lt3A_350 : vector<16xi32>
      %add3A_352 = arith.constant 16 : i32
      %add3A_353 = vector.broadcast %add3A_352 : i32 to vector<16xi32>
      %add3A_354 = arith.addi %xor3A_98, %add3A_353 : vector<16xi32>
      %select_n3A_355 = arith.select %lt3A_351, %add3A_354, %xor3A_98 : vector<16xi1>, vector<16xi32>
      %broadcast_in_dim3A_356 = vector.shape_cast %select_n3A_355 : vector<16xi32> to vector<16x1xi32>
      %gather3A_357 = vector.shape_cast %broadcast_in_dim3A_356 : vector<16x1xi32> to vector<16xi32>
      %gather3A_358 = tpu.dynamic_gather %get3A_91[%gather3A_357] in [0] : vector<16xf32>, vector<16xi32> -> vector<16xf32>
      %and3A_359 = arith.constant 1 : i32
      %and3A_360 = vector.broadcast %and3A_359 : i32 to vector<16xi32>
      %and3A_361 = arith.andi %iota3A, %and3A_360 : vector<16xi32>
      %eq3A_362 = arith.constant 1 : i32
      %eq3A_363 = vector.broadcast %eq3A_362 : i32 to vector<16xi32>
      %eq3A_364 = arith.cmpi eq, %and3A_361, %eq3A_363 : vector<16xi32>
      %select_n3A_365 = arith.select %eq3A_364, %get3A_96, %gather3A_358 : vector<16xi1>, vector<16xf32>
      %xor3A_366 = arith.constant 2 : i32
      %xor3A_367 = vector.broadcast %xor3A_366 : i32 to vector<16xi32>
      %xor3A_368 = arith.xori %iota3A, %xor3A_367 : vector<16xi32>
      %lt3A_369 = arith.constant 0 : i32
      %lt3A_370 = vector.broadcast %lt3A_369 : i32 to vector<16xi32>
      %lt3A_371 = arith.cmpi slt, %xor3A_368, %lt3A_370 : vector<16xi32>
      %add3A_372 = arith.constant 16 : i32
      %add3A_373 = vector.broadcast %add3A_372 : i32 to vector<16xi32>
      %add3A_374 = arith.addi %xor3A_368, %add3A_373 : vector<16xi32>
      %select_n3A_375 = arith.select %lt3A_371, %add3A_374, %xor3A_368 : vector<16xi1>, vector<16xi32>
      %broadcast_in_dim3A_376 = vector.shape_cast %select_n3A_375 : vector<16xi32> to vector<16x1xi32>
      %gather3A_377 = vector.shape_cast %broadcast_in_dim3A_376 : vector<16x1xi32> to vector<16xi32>
      %gather3A_378 = tpu.dynamic_gather %select_n3A_144[%gather3A_377] in [0] : vector<16xf32>, vector<16xi32> -> vector<16xf32>
      %and3A_379 = arith.constant 2 : i32
      %and3A_380 = vector.broadcast %and3A_379 : i32 to vector<16xi32>
      %and3A_381 = arith.andi %iota3A, %and3A_380 : vector<16xi32>
      %eq3A_382 = arith.constant 0 : i32
      %eq3A_383 = vector.broadcast %eq3A_382 : i32 to vector<16xi32>
      %eq3A_384 = arith.cmpi eq, %and3A_381, %eq3A_383 : vector<16xi32>
      %select_n3A_385 = arith.select %eq3A_384, %select_n3A_110, %gather3A_378 : vector<16xi1>, vector<16xf32>
      %lt3A_386 = arith.constant 0 : i32
      %lt3A_387 = vector.broadcast %lt3A_386 : i32 to vector<16xi32>
      %lt3A_388 = arith.cmpi slt, %xor3A_368, %lt3A_387 : vector<16xi32>
      %add3A_389 = arith.constant 16 : i32
      %add3A_390 = vector.broadcast %add3A_389 : i32 to vector<16xi32>
      %add3A_391 = arith.addi %xor3A_368, %add3A_390 : vector<16xi32>
      %select_n3A_392 = arith.select %lt3A_388, %add3A_391, %xor3A_368 : vector<16xi1>, vector<16xi32>
      %broadcast_in_dim3A_393 = vector.shape_cast %select_n3A_392 : vector<16xi32> to vector<16x1xi32>
      %gather3A_394 = vector.shape_cast %broadcast_in_dim3A_393 : vector<16x1xi32> to vector<16xi32>
      %gather3A_395 = tpu.dynamic_gather %select_n3A_161[%gather3A_394] in [0] : vector<16xf32>, vector<16xi32> -> vector<16xf32>
      %and3A_396 = arith.constant 2 : i32
      %and3A_397 = vector.broadcast %and3A_396 : i32 to vector<16xi32>
      %and3A_398 = arith.andi %iota3A, %and3A_397 : vector<16xi32>
      %eq3A_399 = arith.constant 0 : i32
      %eq3A_400 = vector.broadcast %eq3A_399 : i32 to vector<16xi32>
      %eq3A_401 = arith.cmpi eq, %and3A_398, %eq3A_400 : vector<16xi32>
      %select_n3A_402 = arith.select %eq3A_401, %select_n3A_127, %gather3A_395 : vector<16xi1>, vector<16xf32>
      %lt3A_403 = arith.constant 0 : i32
      %lt3A_404 = vector.broadcast %lt3A_403 : i32 to vector<16xi32>
      %lt3A_405 = arith.cmpi slt, %xor3A_368, %lt3A_404 : vector<16xi32>
      %add3A_406 = arith.constant 16 : i32
      %add3A_407 = vector.broadcast %add3A_406 : i32 to vector<16xi32>
      %add3A_408 = arith.addi %xor3A_368, %add3A_407 : vector<16xi32>
      %select_n3A_409 = arith.select %lt3A_405, %add3A_408, %xor3A_368 : vector<16xi1>, vector<16xi32>
      %broadcast_in_dim3A_410 = vector.shape_cast %select_n3A_409 : vector<16xi32> to vector<16x1xi32>
      %gather3A_411 = vector.shape_cast %broadcast_in_dim3A_410 : vector<16x1xi32> to vector<16xi32>
      %gather3A_412 = tpu.dynamic_gather %select_n3A_110[%gather3A_411] in [0] : vector<16xf32>, vector<16xi32> -> vector<16xf32>
      %and3A_413 = arith.constant 2 : i32
      %and3A_414 = vector.broadcast %and3A_413 : i32 to vector<16xi32>
      %and3A_415 = arith.andi %iota3A, %and3A_414 : vector<16xi32>
      %eq3A_416 = arith.constant 2 : i32
      %eq3A_417 = vector.broadcast %eq3A_416 : i32 to vector<16xi32>
      %eq3A_418 = arith.cmpi eq, %and3A_415, %eq3A_417 : vector<16xi32>
      %select_n3A_419 = arith.select %eq3A_418, %select_n3A_144, %gather3A_412 : vector<16xi1>, vector<16xf32>
      %lt3A_420 = arith.constant 0 : i32
      %lt3A_421 = vector.broadcast %lt3A_420 : i32 to vector<16xi32>
      %lt3A_422 = arith.cmpi slt, %xor3A_368, %lt3A_421 : vector<16xi32>
      %add3A_423 = arith.constant 16 : i32
      %add3A_424 = vector.broadcast %add3A_423 : i32 to vector<16xi32>
      %add3A_425 = arith.addi %xor3A_368, %add3A_424 : vector<16xi32>
      %select_n3A_426 = arith.select %lt3A_422, %add3A_425, %xor3A_368 : vector<16xi1>, vector<16xi32>
      %broadcast_in_dim3A_427 = vector.shape_cast %select_n3A_426 : vector<16xi32> to vector<16x1xi32>
      %gather3A_428 = vector.shape_cast %broadcast_in_dim3A_427 : vector<16x1xi32> to vector<16xi32>
      %gather3A_429 = tpu.dynamic_gather %select_n3A_127[%gather3A_428] in [0] : vector<16xf32>, vector<16xi32> -> vector<16xf32>
      %and3A_430 = arith.constant 2 : i32
      %and3A_431 = vector.broadcast %and3A_430 : i32 to vector<16xi32>
      %and3A_432 = arith.andi %iota3A, %and3A_431 : vector<16xi32>
      %eq3A_433 = arith.constant 2 : i32
      %eq3A_434 = vector.broadcast %eq3A_433 : i32 to vector<16xi32>
      %eq3A_435 = arith.cmpi eq, %and3A_432, %eq3A_434 : vector<16xi32>
      %select_n3A_436 = arith.select %eq3A_435, %select_n3A_161, %gather3A_429 : vector<16xi1>, vector<16xf32>
      %lt3A_437 = arith.constant 0 : i32
      %lt3A_438 = vector.broadcast %lt3A_437 : i32 to vector<16xi32>
      %lt3A_439 = arith.cmpi slt, %xor3A_368, %lt3A_438 : vector<16xi32>
      %add3A_440 = arith.constant 16 : i32
      %add3A_441 = vector.broadcast %add3A_440 : i32 to vector<16xi32>
      %add3A_442 = arith.addi %xor3A_368, %add3A_441 : vector<16xi32>
      %select_n3A_443 = arith.select %lt3A_439, %add3A_442, %xor3A_368 : vector<16xi1>, vector<16xi32>
      %broadcast_in_dim3A_444 = vector.shape_cast %select_n3A_443 : vector<16xi32> to vector<16x1xi32>
      %gather3A_445 = vector.shape_cast %broadcast_in_dim3A_444 : vector<16x1xi32> to vector<16xi32>
      %gather3A_446 = tpu.dynamic_gather %select_n3A_212[%gather3A_445] in [0] : vector<16xf32>, vector<16xi32> -> vector<16xf32>
      %and3A_447 = arith.constant 2 : i32
      %and3A_448 = vector.broadcast %and3A_447 : i32 to vector<16xi32>
      %and3A_449 = arith.andi %iota3A, %and3A_448 : vector<16xi32>
      %eq3A_450 = arith.constant 0 : i32
      %eq3A_451 = vector.broadcast %eq3A_450 : i32 to vector<16xi32>
      %eq3A_452 = arith.cmpi eq, %and3A_449, %eq3A_451 : vector<16xi32>
      %select_n3A_453 = arith.select %eq3A_452, %select_n3A_178, %gather3A_446 : vector<16xi1>, vector<16xf32>
      %lt3A_454 = arith.constant 0 : i32
      %lt3A_455 = vector.broadcast %lt3A_454 : i32 to vector<16xi32>
      %lt3A_456 = arith.cmpi slt, %xor3A_368, %lt3A_455 : vector<16xi32>
      %add3A_457 = arith.constant 16 : i32
      %add3A_458 = vector.broadcast %add3A_457 : i32 to vector<16xi32>
      %add3A_459 = arith.addi %xor3A_368, %add3A_458 : vector<16xi32>
      %select_n3A_460 = arith.select %lt3A_456, %add3A_459, %xor3A_368 : vector<16xi1>, vector<16xi32>
      %broadcast_in_dim3A_461 = vector.shape_cast %select_n3A_460 : vector<16xi32> to vector<16x1xi32>
      %gather3A_462 = vector.shape_cast %broadcast_in_dim3A_461 : vector<16x1xi32> to vector<16xi32>
      %gather3A_463 = tpu.dynamic_gather %select_n3A_229[%gather3A_462] in [0] : vector<16xf32>, vector<16xi32> -> vector<16xf32>
      %and3A_464 = arith.constant 2 : i32
      %and3A_465 = vector.broadcast %and3A_464 : i32 to vector<16xi32>
      %and3A_466 = arith.andi %iota3A, %and3A_465 : vector<16xi32>
      %eq3A_467 = arith.constant 0 : i32
      %eq3A_468 = vector.broadcast %eq3A_467 : i32 to vector<16xi32>
      %eq3A_469 = arith.cmpi eq, %and3A_466, %eq3A_468 : vector<16xi32>
      %select_n3A_470 = arith.select %eq3A_469, %select_n3A_195, %gather3A_463 : vector<16xi1>, vector<16xf32>
      %lt3A_471 = arith.constant 0 : i32
      %lt3A_472 = vector.broadcast %lt3A_471 : i32 to vector<16xi32>
      %lt3A_473 = arith.cmpi slt, %xor3A_368, %lt3A_472 : vector<16xi32>
      %add3A_474 = arith.constant 16 : i32
      %add3A_475 = vector.broadcast %add3A_474 : i32 to vector<16xi32>
      %add3A_476 = arith.addi %xor3A_368, %add3A_475 : vector<16xi32>
      %select_n3A_477 = arith.select %lt3A_473, %add3A_476, %xor3A_368 : vector<16xi1>, vector<16xi32>
      %broadcast_in_dim3A_478 = vector.shape_cast %select_n3A_477 : vector<16xi32> to vector<16x1xi32>
      %gather3A_479 = vector.shape_cast %broadcast_in_dim3A_478 : vector<16x1xi32> to vector<16xi32>
      %gather3A_480 = tpu.dynamic_gather %select_n3A_178[%gather3A_479] in [0] : vector<16xf32>, vector<16xi32> -> vector<16xf32>
      %and3A_481 = arith.constant 2 : i32
      %and3A_482 = vector.broadcast %and3A_481 : i32 to vector<16xi32>
      %and3A_483 = arith.andi %iota3A, %and3A_482 : vector<16xi32>
      %eq3A_484 = arith.constant 2 : i32
      %eq3A_485 = vector.broadcast %eq3A_484 : i32 to vector<16xi32>
      %eq3A_486 = arith.cmpi eq, %and3A_483, %eq3A_485 : vector<16xi32>
      %select_n3A_487 = arith.select %eq3A_486, %select_n3A_212, %gather3A_480 : vector<16xi1>, vector<16xf32>
      %lt3A_488 = arith.constant 0 : i32
      %lt3A_489 = vector.broadcast %lt3A_488 : i32 to vector<16xi32>
      %lt3A_490 = arith.cmpi slt, %xor3A_368, %lt3A_489 : vector<16xi32>
      %add3A_491 = arith.constant 16 : i32
      %add3A_492 = vector.broadcast %add3A_491 : i32 to vector<16xi32>
      %add3A_493 = arith.addi %xor3A_368, %add3A_492 : vector<16xi32>
      %select_n3A_494 = arith.select %lt3A_490, %add3A_493, %xor3A_368 : vector<16xi1>, vector<16xi32>
      %broadcast_in_dim3A_495 = vector.shape_cast %select_n3A_494 : vector<16xi32> to vector<16x1xi32>
      %gather3A_496 = vector.shape_cast %broadcast_in_dim3A_495 : vector<16x1xi32> to vector<16xi32>
      %gather3A_497 = tpu.dynamic_gather %select_n3A_195[%gather3A_496] in [0] : vector<16xf32>, vector<16xi32> -> vector<16xf32>
      %and3A_498 = arith.constant 2 : i32
      %and3A_499 = vector.broadcast %and3A_498 : i32 to vector<16xi32>
      %and3A_500 = arith.andi %iota3A, %and3A_499 : vector<16xi32>
      %eq3A_501 = arith.constant 2 : i32
      %eq3A_502 = vector.broadcast %eq3A_501 : i32 to vector<16xi32>
      %eq3A_503 = arith.cmpi eq, %and3A_500, %eq3A_502 : vector<16xi32>
      %select_n3A_504 = arith.select %eq3A_503, %select_n3A_229, %gather3A_497 : vector<16xi1>, vector<16xf32>
      %lt3A_505 = arith.constant 0 : i32
      %lt3A_506 = vector.broadcast %lt3A_505 : i32 to vector<16xi32>
      %lt3A_507 = arith.cmpi slt, %xor3A_368, %lt3A_506 : vector<16xi32>
      %add3A_508 = arith.constant 16 : i32
      %add3A_509 = vector.broadcast %add3A_508 : i32 to vector<16xi32>
      %add3A_510 = arith.addi %xor3A_368, %add3A_509 : vector<16xi32>
      %select_n3A_511 = arith.select %lt3A_507, %add3A_510, %xor3A_368 : vector<16xi1>, vector<16xi32>
      %broadcast_in_dim3A_512 = vector.shape_cast %select_n3A_511 : vector<16xi32> to vector<16x1xi32>
      %gather3A_513 = vector.shape_cast %broadcast_in_dim3A_512 : vector<16x1xi32> to vector<16xi32>
      %gather3A_514 = tpu.dynamic_gather %select_n3A_280[%gather3A_513] in [0] : vector<16xf32>, vector<16xi32> -> vector<16xf32>
      %and3A_515 = arith.constant 2 : i32
      %and3A_516 = vector.broadcast %and3A_515 : i32 to vector<16xi32>
      %and3A_517 = arith.andi %iota3A, %and3A_516 : vector<16xi32>
      %eq3A_518 = arith.constant 0 : i32
      %eq3A_519 = vector.broadcast %eq3A_518 : i32 to vector<16xi32>
      %eq3A_520 = arith.cmpi eq, %and3A_517, %eq3A_519 : vector<16xi32>
      %select_n3A_521 = arith.select %eq3A_520, %select_n3A_246, %gather3A_514 : vector<16xi1>, vector<16xf32>
      %lt3A_522 = arith.constant 0 : i32
      %lt3A_523 = vector.broadcast %lt3A_522 : i32 to vector<16xi32>
      %lt3A_524 = arith.cmpi slt, %xor3A_368, %lt3A_523 : vector<16xi32>
      %add3A_525 = arith.constant 16 : i32
      %add3A_526 = vector.broadcast %add3A_525 : i32 to vector<16xi32>
      %add3A_527 = arith.addi %xor3A_368, %add3A_526 : vector<16xi32>
      %select_n3A_528 = arith.select %lt3A_524, %add3A_527, %xor3A_368 : vector<16xi1>, vector<16xi32>
      %broadcast_in_dim3A_529 = vector.shape_cast %select_n3A_528 : vector<16xi32> to vector<16x1xi32>
      %gather3A_530 = vector.shape_cast %broadcast_in_dim3A_529 : vector<16x1xi32> to vector<16xi32>
      %gather3A_531 = tpu.dynamic_gather %select_n3A_297[%gather3A_530] in [0] : vector<16xf32>, vector<16xi32> -> vector<16xf32>
      %and3A_532 = arith.constant 2 : i32
      %and3A_533 = vector.broadcast %and3A_532 : i32 to vector<16xi32>
      %and3A_534 = arith.andi %iota3A, %and3A_533 : vector<16xi32>
      %eq3A_535 = arith.constant 0 : i32
      %eq3A_536 = vector.broadcast %eq3A_535 : i32 to vector<16xi32>
      %eq3A_537 = arith.cmpi eq, %and3A_534, %eq3A_536 : vector<16xi32>
      %select_n3A_538 = arith.select %eq3A_537, %select_n3A_263, %gather3A_531 : vector<16xi1>, vector<16xf32>
      %lt3A_539 = arith.constant 0 : i32
      %lt3A_540 = vector.broadcast %lt3A_539 : i32 to vector<16xi32>
      %lt3A_541 = arith.cmpi slt, %xor3A_368, %lt3A_540 : vector<16xi32>
      %add3A_542 = arith.constant 16 : i32
      %add3A_543 = vector.broadcast %add3A_542 : i32 to vector<16xi32>
      %add3A_544 = arith.addi %xor3A_368, %add3A_543 : vector<16xi32>
      %select_n3A_545 = arith.select %lt3A_541, %add3A_544, %xor3A_368 : vector<16xi1>, vector<16xi32>
      %broadcast_in_dim3A_546 = vector.shape_cast %select_n3A_545 : vector<16xi32> to vector<16x1xi32>
      %gather3A_547 = vector.shape_cast %broadcast_in_dim3A_546 : vector<16x1xi32> to vector<16xi32>
      %gather3A_548 = tpu.dynamic_gather %select_n3A_246[%gather3A_547] in [0] : vector<16xf32>, vector<16xi32> -> vector<16xf32>
      %and3A_549 = arith.constant 2 : i32
      %and3A_550 = vector.broadcast %and3A_549 : i32 to vector<16xi32>
      %and3A_551 = arith.andi %iota3A, %and3A_550 : vector<16xi32>
      %eq3A_552 = arith.constant 2 : i32
      %eq3A_553 = vector.broadcast %eq3A_552 : i32 to vector<16xi32>
      %eq3A_554 = arith.cmpi eq, %and3A_551, %eq3A_553 : vector<16xi32>
      %select_n3A_555 = arith.select %eq3A_554, %select_n3A_280, %gather3A_548 : vector<16xi1>, vector<16xf32>
      %lt3A_556 = arith.constant 0 : i32
      %lt3A_557 = vector.broadcast %lt3A_556 : i32 to vector<16xi32>
      %lt3A_558 = arith.cmpi slt, %xor3A_368, %lt3A_557 : vector<16xi32>
      %add3A_559 = arith.constant 16 : i32
      %add3A_560 = vector.broadcast %add3A_559 : i32 to vector<16xi32>
      %add3A_561 = arith.addi %xor3A_368, %add3A_560 : vector<16xi32>
      %select_n3A_562 = arith.select %lt3A_558, %add3A_561, %xor3A_368 : vector<16xi1>, vector<16xi32>
      %broadcast_in_dim3A_563 = vector.shape_cast %select_n3A_562 : vector<16xi32> to vector<16x1xi32>
      %gather3A_564 = vector.shape_cast %broadcast_in_dim3A_563 : vector<16x1xi32> to vector<16xi32>
      %gather3A_565 = tpu.dynamic_gather %select_n3A_263[%gather3A_564] in [0] : vector<16xf32>, vector<16xi32> -> vector<16xf32>
      %and3A_566 = arith.constant 2 : i32
      %and3A_567 = vector.broadcast %and3A_566 : i32 to vector<16xi32>
      %and3A_568 = arith.andi %iota3A, %and3A_567 : vector<16xi32>
      %eq3A_569 = arith.constant 2 : i32
      %eq3A_570 = vector.broadcast %eq3A_569 : i32 to vector<16xi32>
      %eq3A_571 = arith.cmpi eq, %and3A_568, %eq3A_570 : vector<16xi32>
      %select_n3A_572 = arith.select %eq3A_571, %select_n3A_297, %gather3A_565 : vector<16xi1>, vector<16xf32>
      %lt3A_573 = arith.constant 0 : i32
      %lt3A_574 = vector.broadcast %lt3A_573 : i32 to vector<16xi32>
      %lt3A_575 = arith.cmpi slt, %xor3A_368, %lt3A_574 : vector<16xi32>
      %add3A_576 = arith.constant 16 : i32
      %add3A_577 = vector.broadcast %add3A_576 : i32 to vector<16xi32>
      %add3A_578 = arith.addi %xor3A_368, %add3A_577 : vector<16xi32>
      %select_n3A_579 = arith.select %lt3A_575, %add3A_578, %xor3A_368 : vector<16xi1>, vector<16xi32>
      %broadcast_in_dim3A_580 = vector.shape_cast %select_n3A_579 : vector<16xi32> to vector<16x1xi32>
      %gather3A_581 = vector.shape_cast %broadcast_in_dim3A_580 : vector<16x1xi32> to vector<16xi32>
      %gather3A_582 = tpu.dynamic_gather %select_n3A_348[%gather3A_581] in [0] : vector<16xf32>, vector<16xi32> -> vector<16xf32>
      %and3A_583 = arith.constant 2 : i32
      %and3A_584 = vector.broadcast %and3A_583 : i32 to vector<16xi32>
      %and3A_585 = arith.andi %iota3A, %and3A_584 : vector<16xi32>
      %eq3A_586 = arith.constant 0 : i32
      %eq3A_587 = vector.broadcast %eq3A_586 : i32 to vector<16xi32>
      %eq3A_588 = arith.cmpi eq, %and3A_585, %eq3A_587 : vector<16xi32>
      %select_n3A_589 = arith.select %eq3A_588, %select_n3A_314, %gather3A_582 : vector<16xi1>, vector<16xf32>
      %lt3A_590 = arith.constant 0 : i32
      %lt3A_591 = vector.broadcast %lt3A_590 : i32 to vector<16xi32>
      %lt3A_592 = arith.cmpi slt, %xor3A_368, %lt3A_591 : vector<16xi32>
      %add3A_593 = arith.constant 16 : i32
      %add3A_594 = vector.broadcast %add3A_593 : i32 to vector<16xi32>
      %add3A_595 = arith.addi %xor3A_368, %add3A_594 : vector<16xi32>
      %select_n3A_596 = arith.select %lt3A_592, %add3A_595, %xor3A_368 : vector<16xi1>, vector<16xi32>
      %broadcast_in_dim3A_597 = vector.shape_cast %select_n3A_596 : vector<16xi32> to vector<16x1xi32>
      %gather3A_598 = vector.shape_cast %broadcast_in_dim3A_597 : vector<16x1xi32> to vector<16xi32>
      %gather3A_599 = tpu.dynamic_gather %select_n3A_365[%gather3A_598] in [0] : vector<16xf32>, vector<16xi32> -> vector<16xf32>
      %and3A_600 = arith.constant 2 : i32
      %and3A_601 = vector.broadcast %and3A_600 : i32 to vector<16xi32>
      %and3A_602 = arith.andi %iota3A, %and3A_601 : vector<16xi32>
      %eq3A_603 = arith.constant 0 : i32
      %eq3A_604 = vector.broadcast %eq3A_603 : i32 to vector<16xi32>
      %eq3A_605 = arith.cmpi eq, %and3A_602, %eq3A_604 : vector<16xi32>
      %select_n3A_606 = arith.select %eq3A_605, %select_n3A_331, %gather3A_599 : vector<16xi1>, vector<16xf32>
      %lt3A_607 = arith.constant 0 : i32
      %lt3A_608 = vector.broadcast %lt3A_607 : i32 to vector<16xi32>
      %lt3A_609 = arith.cmpi slt, %xor3A_368, %lt3A_608 : vector<16xi32>
      %add3A_610 = arith.constant 16 : i32
      %add3A_611 = vector.broadcast %add3A_610 : i32 to vector<16xi32>
      %add3A_612 = arith.addi %xor3A_368, %add3A_611 : vector<16xi32>
      %select_n3A_613 = arith.select %lt3A_609, %add3A_612, %xor3A_368 : vector<16xi1>, vector<16xi32>
      %broadcast_in_dim3A_614 = vector.shape_cast %select_n3A_613 : vector<16xi32> to vector<16x1xi32>
      %gather3A_615 = vector.shape_cast %broadcast_in_dim3A_614 : vector<16x1xi32> to vector<16xi32>
      %gather3A_616 = tpu.dynamic_gather %select_n3A_314[%gather3A_615] in [0] : vector<16xf32>, vector<16xi32> -> vector<16xf32>
      %and3A_617 = arith.constant 2 : i32
      %and3A_618 = vector.broadcast %and3A_617 : i32 to vector<16xi32>
      %and3A_619 = arith.andi %iota3A, %and3A_618 : vector<16xi32>
      %eq3A_620 = arith.constant 2 : i32
      %eq3A_621 = vector.broadcast %eq3A_620 : i32 to vector<16xi32>
      %eq3A_622 = arith.cmpi eq, %and3A_619, %eq3A_621 : vector<16xi32>
      %select_n3A_623 = arith.select %eq3A_622, %select_n3A_348, %gather3A_616 : vector<16xi1>, vector<16xf32>
      %lt3A_624 = arith.constant 0 : i32
      %lt3A_625 = vector.broadcast %lt3A_624 : i32 to vector<16xi32>
      %lt3A_626 = arith.cmpi slt, %xor3A_368, %lt3A_625 : vector<16xi32>
      %add3A_627 = arith.constant 16 : i32
      %add3A_628 = vector.broadcast %add3A_627 : i32 to vector<16xi32>
      %add3A_629 = arith.addi %xor3A_368, %add3A_628 : vector<16xi32>
      %select_n3A_630 = arith.select %lt3A_626, %add3A_629, %xor3A_368 : vector<16xi1>, vector<16xi32>
      %broadcast_in_dim3A_631 = vector.shape_cast %select_n3A_630 : vector<16xi32> to vector<16x1xi32>
      %gather3A_632 = vector.shape_cast %broadcast_in_dim3A_631 : vector<16x1xi32> to vector<16xi32>
      %gather3A_633 = tpu.dynamic_gather %select_n3A_331[%gather3A_632] in [0] : vector<16xf32>, vector<16xi32> -> vector<16xf32>
      %and3A_634 = arith.constant 2 : i32
      %and3A_635 = vector.broadcast %and3A_634 : i32 to vector<16xi32>
      %and3A_636 = arith.andi %iota3A, %and3A_635 : vector<16xi32>
      %eq3A_637 = arith.constant 2 : i32
      %eq3A_638 = vector.broadcast %eq3A_637 : i32 to vector<16xi32>
      %eq3A_639 = arith.cmpi eq, %and3A_636, %eq3A_638 : vector<16xi32>
      %select_n3A_640 = arith.select %eq3A_639, %select_n3A_365, %gather3A_633 : vector<16xi1>, vector<16xf32>
      %xor3A_641 = arith.constant 4 : i32
      %xor3A_642 = vector.broadcast %xor3A_641 : i32 to vector<16xi32>
      %xor3A_643 = arith.xori %iota3A, %xor3A_642 : vector<16xi32>
      %lt3A_644 = arith.constant 0 : i32
      %lt3A_645 = vector.broadcast %lt3A_644 : i32 to vector<16xi32>
      %lt3A_646 = arith.cmpi slt, %xor3A_643, %lt3A_645 : vector<16xi32>
      %add3A_647 = arith.constant 16 : i32
      %add3A_648 = vector.broadcast %add3A_647 : i32 to vector<16xi32>
      %add3A_649 = arith.addi %xor3A_643, %add3A_648 : vector<16xi32>
      %select_n3A_650 = arith.select %lt3A_646, %add3A_649, %xor3A_643 : vector<16xi1>, vector<16xi32>
      %broadcast_in_dim3A_651 = vector.shape_cast %select_n3A_650 : vector<16xi32> to vector<16x1xi32>
      %gather3A_652 = vector.shape_cast %broadcast_in_dim3A_651 : vector<16x1xi32> to vector<16xi32>
      %gather3A_653 = tpu.dynamic_gather %select_n3A_453[%gather3A_652] in [0] : vector<16xf32>, vector<16xi32> -> vector<16xf32>
      %and3A_654 = arith.constant 4 : i32
      %and3A_655 = vector.broadcast %and3A_654 : i32 to vector<16xi32>
      %and3A_656 = arith.andi %iota3A, %and3A_655 : vector<16xi32>
      %eq3A_657 = arith.constant 0 : i32
      %eq3A_658 = vector.broadcast %eq3A_657 : i32 to vector<16xi32>
      %eq3A_659 = arith.cmpi eq, %and3A_656, %eq3A_658 : vector<16xi32>
      %select_n3A_660 = arith.select %eq3A_659, %select_n3A_385, %gather3A_653 : vector<16xi1>, vector<16xf32>
      %lt3A_661 = arith.constant 0 : i32
      %lt3A_662 = vector.broadcast %lt3A_661 : i32 to vector<16xi32>
      %lt3A_663 = arith.cmpi slt, %xor3A_643, %lt3A_662 : vector<16xi32>
      %add3A_664 = arith.constant 16 : i32
      %add3A_665 = vector.broadcast %add3A_664 : i32 to vector<16xi32>
      %add3A_666 = arith.addi %xor3A_643, %add3A_665 : vector<16xi32>
      %select_n3A_667 = arith.select %lt3A_663, %add3A_666, %xor3A_643 : vector<16xi1>, vector<16xi32>
      %broadcast_in_dim3A_668 = vector.shape_cast %select_n3A_667 : vector<16xi32> to vector<16x1xi32>
      %gather3A_669 = vector.shape_cast %broadcast_in_dim3A_668 : vector<16x1xi32> to vector<16xi32>
      %gather3A_670 = tpu.dynamic_gather %select_n3A_470[%gather3A_669] in [0] : vector<16xf32>, vector<16xi32> -> vector<16xf32>
      %and3A_671 = arith.constant 4 : i32
      %and3A_672 = vector.broadcast %and3A_671 : i32 to vector<16xi32>
      %and3A_673 = arith.andi %iota3A, %and3A_672 : vector<16xi32>
      %eq3A_674 = arith.constant 0 : i32
      %eq3A_675 = vector.broadcast %eq3A_674 : i32 to vector<16xi32>
      %eq3A_676 = arith.cmpi eq, %and3A_673, %eq3A_675 : vector<16xi32>
      %select_n3A_677 = arith.select %eq3A_676, %select_n3A_402, %gather3A_670 : vector<16xi1>, vector<16xf32>
      %lt3A_678 = arith.constant 0 : i32
      %lt3A_679 = vector.broadcast %lt3A_678 : i32 to vector<16xi32>
      %lt3A_680 = arith.cmpi slt, %xor3A_643, %lt3A_679 : vector<16xi32>
      %add3A_681 = arith.constant 16 : i32
      %add3A_682 = vector.broadcast %add3A_681 : i32 to vector<16xi32>
      %add3A_683 = arith.addi %xor3A_643, %add3A_682 : vector<16xi32>
      %select_n3A_684 = arith.select %lt3A_680, %add3A_683, %xor3A_643 : vector<16xi1>, vector<16xi32>
      %broadcast_in_dim3A_685 = vector.shape_cast %select_n3A_684 : vector<16xi32> to vector<16x1xi32>
      %gather3A_686 = vector.shape_cast %broadcast_in_dim3A_685 : vector<16x1xi32> to vector<16xi32>
      %gather3A_687 = tpu.dynamic_gather %select_n3A_487[%gather3A_686] in [0] : vector<16xf32>, vector<16xi32> -> vector<16xf32>
      %and3A_688 = arith.constant 4 : i32
      %and3A_689 = vector.broadcast %and3A_688 : i32 to vector<16xi32>
      %and3A_690 = arith.andi %iota3A, %and3A_689 : vector<16xi32>
      %eq3A_691 = arith.constant 0 : i32
      %eq3A_692 = vector.broadcast %eq3A_691 : i32 to vector<16xi32>
      %eq3A_693 = arith.cmpi eq, %and3A_690, %eq3A_692 : vector<16xi32>
      %select_n3A_694 = arith.select %eq3A_693, %select_n3A_419, %gather3A_687 : vector<16xi1>, vector<16xf32>
      %lt3A_695 = arith.constant 0 : i32
      %lt3A_696 = vector.broadcast %lt3A_695 : i32 to vector<16xi32>
      %lt3A_697 = arith.cmpi slt, %xor3A_643, %lt3A_696 : vector<16xi32>
      %add3A_698 = arith.constant 16 : i32
      %add3A_699 = vector.broadcast %add3A_698 : i32 to vector<16xi32>
      %add3A_700 = arith.addi %xor3A_643, %add3A_699 : vector<16xi32>
      %select_n3A_701 = arith.select %lt3A_697, %add3A_700, %xor3A_643 : vector<16xi1>, vector<16xi32>
      %broadcast_in_dim3A_702 = vector.shape_cast %select_n3A_701 : vector<16xi32> to vector<16x1xi32>
      %gather3A_703 = vector.shape_cast %broadcast_in_dim3A_702 : vector<16x1xi32> to vector<16xi32>
      %gather3A_704 = tpu.dynamic_gather %select_n3A_504[%gather3A_703] in [0] : vector<16xf32>, vector<16xi32> -> vector<16xf32>
      %and3A_705 = arith.constant 4 : i32
      %and3A_706 = vector.broadcast %and3A_705 : i32 to vector<16xi32>
      %and3A_707 = arith.andi %iota3A, %and3A_706 : vector<16xi32>
      %eq3A_708 = arith.constant 0 : i32
      %eq3A_709 = vector.broadcast %eq3A_708 : i32 to vector<16xi32>
      %eq3A_710 = arith.cmpi eq, %and3A_707, %eq3A_709 : vector<16xi32>
      %select_n3A_711 = arith.select %eq3A_710, %select_n3A_436, %gather3A_704 : vector<16xi1>, vector<16xf32>
      %lt3A_712 = arith.constant 0 : i32
      %lt3A_713 = vector.broadcast %lt3A_712 : i32 to vector<16xi32>
      %lt3A_714 = arith.cmpi slt, %xor3A_643, %lt3A_713 : vector<16xi32>
      %add3A_715 = arith.constant 16 : i32
      %add3A_716 = vector.broadcast %add3A_715 : i32 to vector<16xi32>
      %add3A_717 = arith.addi %xor3A_643, %add3A_716 : vector<16xi32>
      %select_n3A_718 = arith.select %lt3A_714, %add3A_717, %xor3A_643 : vector<16xi1>, vector<16xi32>
      %broadcast_in_dim3A_719 = vector.shape_cast %select_n3A_718 : vector<16xi32> to vector<16x1xi32>
      %gather3A_720 = vector.shape_cast %broadcast_in_dim3A_719 : vector<16x1xi32> to vector<16xi32>
      %gather3A_721 = tpu.dynamic_gather %select_n3A_385[%gather3A_720] in [0] : vector<16xf32>, vector<16xi32> -> vector<16xf32>
      %and3A_722 = arith.constant 4 : i32
      %and3A_723 = vector.broadcast %and3A_722 : i32 to vector<16xi32>
      %and3A_724 = arith.andi %iota3A, %and3A_723 : vector<16xi32>
      %eq3A_725 = arith.constant 4 : i32
      %eq3A_726 = vector.broadcast %eq3A_725 : i32 to vector<16xi32>
      %eq3A_727 = arith.cmpi eq, %and3A_724, %eq3A_726 : vector<16xi32>
      %select_n3A_728 = arith.select %eq3A_727, %select_n3A_453, %gather3A_721 : vector<16xi1>, vector<16xf32>
      %lt3A_729 = arith.constant 0 : i32
      %lt3A_730 = vector.broadcast %lt3A_729 : i32 to vector<16xi32>
      %lt3A_731 = arith.cmpi slt, %xor3A_643, %lt3A_730 : vector<16xi32>
      %add3A_732 = arith.constant 16 : i32
      %add3A_733 = vector.broadcast %add3A_732 : i32 to vector<16xi32>
      %add3A_734 = arith.addi %xor3A_643, %add3A_733 : vector<16xi32>
      %select_n3A_735 = arith.select %lt3A_731, %add3A_734, %xor3A_643 : vector<16xi1>, vector<16xi32>
      %broadcast_in_dim3A_736 = vector.shape_cast %select_n3A_735 : vector<16xi32> to vector<16x1xi32>
      %gather3A_737 = vector.shape_cast %broadcast_in_dim3A_736 : vector<16x1xi32> to vector<16xi32>
      %gather3A_738 = tpu.dynamic_gather %select_n3A_402[%gather3A_737] in [0] : vector<16xf32>, vector<16xi32> -> vector<16xf32>
      %and3A_739 = arith.constant 4 : i32
      %and3A_740 = vector.broadcast %and3A_739 : i32 to vector<16xi32>
      %and3A_741 = arith.andi %iota3A, %and3A_740 : vector<16xi32>
      %eq3A_742 = arith.constant 4 : i32
      %eq3A_743 = vector.broadcast %eq3A_742 : i32 to vector<16xi32>
      %eq3A_744 = arith.cmpi eq, %and3A_741, %eq3A_743 : vector<16xi32>
      %select_n3A_745 = arith.select %eq3A_744, %select_n3A_470, %gather3A_738 : vector<16xi1>, vector<16xf32>
      %lt3A_746 = arith.constant 0 : i32
      %lt3A_747 = vector.broadcast %lt3A_746 : i32 to vector<16xi32>
      %lt3A_748 = arith.cmpi slt, %xor3A_643, %lt3A_747 : vector<16xi32>
      %add3A_749 = arith.constant 16 : i32
      %add3A_750 = vector.broadcast %add3A_749 : i32 to vector<16xi32>
      %add3A_751 = arith.addi %xor3A_643, %add3A_750 : vector<16xi32>
      %select_n3A_752 = arith.select %lt3A_748, %add3A_751, %xor3A_643 : vector<16xi1>, vector<16xi32>
      %broadcast_in_dim3A_753 = vector.shape_cast %select_n3A_752 : vector<16xi32> to vector<16x1xi32>
      %gather3A_754 = vector.shape_cast %broadcast_in_dim3A_753 : vector<16x1xi32> to vector<16xi32>
      %gather3A_755 = tpu.dynamic_gather %select_n3A_419[%gather3A_754] in [0] : vector<16xf32>, vector<16xi32> -> vector<16xf32>
      %and3A_756 = arith.constant 4 : i32
      %and3A_757 = vector.broadcast %and3A_756 : i32 to vector<16xi32>
      %and3A_758 = arith.andi %iota3A, %and3A_757 : vector<16xi32>
      %eq3A_759 = arith.constant 4 : i32
      %eq3A_760 = vector.broadcast %eq3A_759 : i32 to vector<16xi32>
      %eq3A_761 = arith.cmpi eq, %and3A_758, %eq3A_760 : vector<16xi32>
      %select_n3A_762 = arith.select %eq3A_761, %select_n3A_487, %gather3A_755 : vector<16xi1>, vector<16xf32>
      %lt3A_763 = arith.constant 0 : i32
      %lt3A_764 = vector.broadcast %lt3A_763 : i32 to vector<16xi32>
      %lt3A_765 = arith.cmpi slt, %xor3A_643, %lt3A_764 : vector<16xi32>
      %add3A_766 = arith.constant 16 : i32
      %add3A_767 = vector.broadcast %add3A_766 : i32 to vector<16xi32>
      %add3A_768 = arith.addi %xor3A_643, %add3A_767 : vector<16xi32>
      %select_n3A_769 = arith.select %lt3A_765, %add3A_768, %xor3A_643 : vector<16xi1>, vector<16xi32>
      %broadcast_in_dim3A_770 = vector.shape_cast %select_n3A_769 : vector<16xi32> to vector<16x1xi32>
      %gather3A_771 = vector.shape_cast %broadcast_in_dim3A_770 : vector<16x1xi32> to vector<16xi32>
      %gather3A_772 = tpu.dynamic_gather %select_n3A_436[%gather3A_771] in [0] : vector<16xf32>, vector<16xi32> -> vector<16xf32>
      %and3A_773 = arith.constant 4 : i32
      %and3A_774 = vector.broadcast %and3A_773 : i32 to vector<16xi32>
      %and3A_775 = arith.andi %iota3A, %and3A_774 : vector<16xi32>
      %eq3A_776 = arith.constant 4 : i32
      %eq3A_777 = vector.broadcast %eq3A_776 : i32 to vector<16xi32>
      %eq3A_778 = arith.cmpi eq, %and3A_775, %eq3A_777 : vector<16xi32>
      %select_n3A_779 = arith.select %eq3A_778, %select_n3A_504, %gather3A_772 : vector<16xi1>, vector<16xf32>
      %lt3A_780 = arith.constant 0 : i32
      %lt3A_781 = vector.broadcast %lt3A_780 : i32 to vector<16xi32>
      %lt3A_782 = arith.cmpi slt, %xor3A_643, %lt3A_781 : vector<16xi32>
      %add3A_783 = arith.constant 16 : i32
      %add3A_784 = vector.broadcast %add3A_783 : i32 to vector<16xi32>
      %add3A_785 = arith.addi %xor3A_643, %add3A_784 : vector<16xi32>
      %select_n3A_786 = arith.select %lt3A_782, %add3A_785, %xor3A_643 : vector<16xi1>, vector<16xi32>
      %broadcast_in_dim3A_787 = vector.shape_cast %select_n3A_786 : vector<16xi32> to vector<16x1xi32>
      %gather3A_788 = vector.shape_cast %broadcast_in_dim3A_787 : vector<16x1xi32> to vector<16xi32>
      %gather3A_789 = tpu.dynamic_gather %select_n3A_589[%gather3A_788] in [0] : vector<16xf32>, vector<16xi32> -> vector<16xf32>
      %and3A_790 = arith.constant 4 : i32
      %and3A_791 = vector.broadcast %and3A_790 : i32 to vector<16xi32>
      %and3A_792 = arith.andi %iota3A, %and3A_791 : vector<16xi32>
      %eq3A_793 = arith.constant 0 : i32
      %eq3A_794 = vector.broadcast %eq3A_793 : i32 to vector<16xi32>
      %eq3A_795 = arith.cmpi eq, %and3A_792, %eq3A_794 : vector<16xi32>
      %select_n3A_796 = arith.select %eq3A_795, %select_n3A_521, %gather3A_789 : vector<16xi1>, vector<16xf32>
      %lt3A_797 = arith.constant 0 : i32
      %lt3A_798 = vector.broadcast %lt3A_797 : i32 to vector<16xi32>
      %lt3A_799 = arith.cmpi slt, %xor3A_643, %lt3A_798 : vector<16xi32>
      %add3A_800 = arith.constant 16 : i32
      %add3A_801 = vector.broadcast %add3A_800 : i32 to vector<16xi32>
      %add3A_802 = arith.addi %xor3A_643, %add3A_801 : vector<16xi32>
      %select_n3A_803 = arith.select %lt3A_799, %add3A_802, %xor3A_643 : vector<16xi1>, vector<16xi32>
      %broadcast_in_dim3A_804 = vector.shape_cast %select_n3A_803 : vector<16xi32> to vector<16x1xi32>
      %gather3A_805 = vector.shape_cast %broadcast_in_dim3A_804 : vector<16x1xi32> to vector<16xi32>
      %gather3A_806 = tpu.dynamic_gather %select_n3A_606[%gather3A_805] in [0] : vector<16xf32>, vector<16xi32> -> vector<16xf32>
      %and3A_807 = arith.constant 4 : i32
      %and3A_808 = vector.broadcast %and3A_807 : i32 to vector<16xi32>
      %and3A_809 = arith.andi %iota3A, %and3A_808 : vector<16xi32>
      %eq3A_810 = arith.constant 0 : i32
      %eq3A_811 = vector.broadcast %eq3A_810 : i32 to vector<16xi32>
      %eq3A_812 = arith.cmpi eq, %and3A_809, %eq3A_811 : vector<16xi32>
      %select_n3A_813 = arith.select %eq3A_812, %select_n3A_538, %gather3A_806 : vector<16xi1>, vector<16xf32>
      %lt3A_814 = arith.constant 0 : i32
      %lt3A_815 = vector.broadcast %lt3A_814 : i32 to vector<16xi32>
      %lt3A_816 = arith.cmpi slt, %xor3A_643, %lt3A_815 : vector<16xi32>
      %add3A_817 = arith.constant 16 : i32
      %add3A_818 = vector.broadcast %add3A_817 : i32 to vector<16xi32>
      %add3A_819 = arith.addi %xor3A_643, %add3A_818 : vector<16xi32>
      %select_n3A_820 = arith.select %lt3A_816, %add3A_819, %xor3A_643 : vector<16xi1>, vector<16xi32>
      %broadcast_in_dim3A_821 = vector.shape_cast %select_n3A_820 : vector<16xi32> to vector<16x1xi32>
      %gather3A_822 = vector.shape_cast %broadcast_in_dim3A_821 : vector<16x1xi32> to vector<16xi32>
      %gather3A_823 = tpu.dynamic_gather %select_n3A_623[%gather3A_822] in [0] : vector<16xf32>, vector<16xi32> -> vector<16xf32>
      %and3A_824 = arith.constant 4 : i32
      %and3A_825 = vector.broadcast %and3A_824 : i32 to vector<16xi32>
      %and3A_826 = arith.andi %iota3A, %and3A_825 : vector<16xi32>
      %eq3A_827 = arith.constant 0 : i32
      %eq3A_828 = vector.broadcast %eq3A_827 : i32 to vector<16xi32>
      %eq3A_829 = arith.cmpi eq, %and3A_826, %eq3A_828 : vector<16xi32>
      %select_n3A_830 = arith.select %eq3A_829, %select_n3A_555, %gather3A_823 : vector<16xi1>, vector<16xf32>
      %lt3A_831 = arith.constant 0 : i32
      %lt3A_832 = vector.broadcast %lt3A_831 : i32 to vector<16xi32>
      %lt3A_833 = arith.cmpi slt, %xor3A_643, %lt3A_832 : vector<16xi32>
      %add3A_834 = arith.constant 16 : i32
      %add3A_835 = vector.broadcast %add3A_834 : i32 to vector<16xi32>
      %add3A_836 = arith.addi %xor3A_643, %add3A_835 : vector<16xi32>
      %select_n3A_837 = arith.select %lt3A_833, %add3A_836, %xor3A_643 : vector<16xi1>, vector<16xi32>
      %broadcast_in_dim3A_838 = vector.shape_cast %select_n3A_837 : vector<16xi32> to vector<16x1xi32>
      %gather3A_839 = vector.shape_cast %broadcast_in_dim3A_838 : vector<16x1xi32> to vector<16xi32>
      %gather3A_840 = tpu.dynamic_gather %select_n3A_640[%gather3A_839] in [0] : vector<16xf32>, vector<16xi32> -> vector<16xf32>
      %and3A_841 = arith.constant 4 : i32
      %and3A_842 = vector.broadcast %and3A_841 : i32 to vector<16xi32>
      %and3A_843 = arith.andi %iota3A, %and3A_842 : vector<16xi32>
      %eq3A_844 = arith.constant 0 : i32
      %eq3A_845 = vector.broadcast %eq3A_844 : i32 to vector<16xi32>
      %eq3A_846 = arith.cmpi eq, %and3A_843, %eq3A_845 : vector<16xi32>
      %select_n3A_847 = arith.select %eq3A_846, %select_n3A_572, %gather3A_840 : vector<16xi1>, vector<16xf32>
      %lt3A_848 = arith.constant 0 : i32
      %lt3A_849 = vector.broadcast %lt3A_848 : i32 to vector<16xi32>
      %lt3A_850 = arith.cmpi slt, %xor3A_643, %lt3A_849 : vector<16xi32>
      %add3A_851 = arith.constant 16 : i32
      %add3A_852 = vector.broadcast %add3A_851 : i32 to vector<16xi32>
      %add3A_853 = arith.addi %xor3A_643, %add3A_852 : vector<16xi32>
      %select_n3A_854 = arith.select %lt3A_850, %add3A_853, %xor3A_643 : vector<16xi1>, vector<16xi32>
      %broadcast_in_dim3A_855 = vector.shape_cast %select_n3A_854 : vector<16xi32> to vector<16x1xi32>
      %gather3A_856 = vector.shape_cast %broadcast_in_dim3A_855 : vector<16x1xi32> to vector<16xi32>
      %gather3A_857 = tpu.dynamic_gather %select_n3A_521[%gather3A_856] in [0] : vector<16xf32>, vector<16xi32> -> vector<16xf32>
      %and3A_858 = arith.constant 4 : i32
      %and3A_859 = vector.broadcast %and3A_858 : i32 to vector<16xi32>
      %and3A_860 = arith.andi %iota3A, %and3A_859 : vector<16xi32>
      %eq3A_861 = arith.constant 4 : i32
      %eq3A_862 = vector.broadcast %eq3A_861 : i32 to vector<16xi32>
      %eq3A_863 = arith.cmpi eq, %and3A_860, %eq3A_862 : vector<16xi32>
      %select_n3A_864 = arith.select %eq3A_863, %select_n3A_589, %gather3A_857 : vector<16xi1>, vector<16xf32>
      %lt3A_865 = arith.constant 0 : i32
      %lt3A_866 = vector.broadcast %lt3A_865 : i32 to vector<16xi32>
      %lt3A_867 = arith.cmpi slt, %xor3A_643, %lt3A_866 : vector<16xi32>
      %add3A_868 = arith.constant 16 : i32
      %add3A_869 = vector.broadcast %add3A_868 : i32 to vector<16xi32>
      %add3A_870 = arith.addi %xor3A_643, %add3A_869 : vector<16xi32>
      %select_n3A_871 = arith.select %lt3A_867, %add3A_870, %xor3A_643 : vector<16xi1>, vector<16xi32>
      %broadcast_in_dim3A_872 = vector.shape_cast %select_n3A_871 : vector<16xi32> to vector<16x1xi32>
      %gather3A_873 = vector.shape_cast %broadcast_in_dim3A_872 : vector<16x1xi32> to vector<16xi32>
      %gather3A_874 = tpu.dynamic_gather %select_n3A_538[%gather3A_873] in [0] : vector<16xf32>, vector<16xi32> -> vector<16xf32>
      %and3A_875 = arith.constant 4 : i32
      %and3A_876 = vector.broadcast %and3A_875 : i32 to vector<16xi32>
      %and3A_877 = arith.andi %iota3A, %and3A_876 : vector<16xi32>
      %eq3A_878 = arith.constant 4 : i32
      %eq3A_879 = vector.broadcast %eq3A_878 : i32 to vector<16xi32>
      %eq3A_880 = arith.cmpi eq, %and3A_877, %eq3A_879 : vector<16xi32>
      %select_n3A_881 = arith.select %eq3A_880, %select_n3A_606, %gather3A_874 : vector<16xi1>, vector<16xf32>
      %lt3A_882 = arith.constant 0 : i32
      %lt3A_883 = vector.broadcast %lt3A_882 : i32 to vector<16xi32>
      %lt3A_884 = arith.cmpi slt, %xor3A_643, %lt3A_883 : vector<16xi32>
      %add3A_885 = arith.constant 16 : i32
      %add3A_886 = vector.broadcast %add3A_885 : i32 to vector<16xi32>
      %add3A_887 = arith.addi %xor3A_643, %add3A_886 : vector<16xi32>
      %select_n3A_888 = arith.select %lt3A_884, %add3A_887, %xor3A_643 : vector<16xi1>, vector<16xi32>
      %broadcast_in_dim3A_889 = vector.shape_cast %select_n3A_888 : vector<16xi32> to vector<16x1xi32>
      %gather3A_890 = vector.shape_cast %broadcast_in_dim3A_889 : vector<16x1xi32> to vector<16xi32>
      %gather3A_891 = tpu.dynamic_gather %select_n3A_555[%gather3A_890] in [0] : vector<16xf32>, vector<16xi32> -> vector<16xf32>
      %and3A_892 = arith.constant 4 : i32
      %and3A_893 = vector.broadcast %and3A_892 : i32 to vector<16xi32>
      %and3A_894 = arith.andi %iota3A, %and3A_893 : vector<16xi32>
      %eq3A_895 = arith.constant 4 : i32
      %eq3A_896 = vector.broadcast %eq3A_895 : i32 to vector<16xi32>
      %eq3A_897 = arith.cmpi eq, %and3A_894, %eq3A_896 : vector<16xi32>
      %select_n3A_898 = arith.select %eq3A_897, %select_n3A_623, %gather3A_891 : vector<16xi1>, vector<16xf32>
      %lt3A_899 = arith.constant 0 : i32
      %lt3A_900 = vector.broadcast %lt3A_899 : i32 to vector<16xi32>
      %lt3A_901 = arith.cmpi slt, %xor3A_643, %lt3A_900 : vector<16xi32>
      %add3A_902 = arith.constant 16 : i32
      %add3A_903 = vector.broadcast %add3A_902 : i32 to vector<16xi32>
      %add3A_904 = arith.addi %xor3A_643, %add3A_903 : vector<16xi32>
      %select_n3A_905 = arith.select %lt3A_901, %add3A_904, %xor3A_643 : vector<16xi1>, vector<16xi32>
      %broadcast_in_dim3A_906 = vector.shape_cast %select_n3A_905 : vector<16xi32> to vector<16x1xi32>
      %gather3A_907 = vector.shape_cast %broadcast_in_dim3A_906 : vector<16x1xi32> to vector<16xi32>
      %gather3A_908 = tpu.dynamic_gather %select_n3A_572[%gather3A_907] in [0] : vector<16xf32>, vector<16xi32> -> vector<16xf32>
      %and3A_909 = arith.constant 4 : i32
      %and3A_910 = vector.broadcast %and3A_909 : i32 to vector<16xi32>
      %and3A_911 = arith.andi %iota3A, %and3A_910 : vector<16xi32>
      %eq3A_912 = arith.constant 4 : i32
      %eq3A_913 = vector.broadcast %eq3A_912 : i32 to vector<16xi32>
      %eq3A_914 = arith.cmpi eq, %and3A_911, %eq3A_913 : vector<16xi32>
      %select_n3A_915 = arith.select %eq3A_914, %select_n3A_640, %gather3A_908 : vector<16xi1>, vector<16xf32>
      %xor3A_916 = arith.constant 8 : i32
      %xor3A_917 = vector.broadcast %xor3A_916 : i32 to vector<16xi32>
      %xor3A_918 = arith.xori %iota3A, %xor3A_917 : vector<16xi32>
      %lt3A_919 = arith.constant 0 : i32
      %lt3A_920 = vector.broadcast %lt3A_919 : i32 to vector<16xi32>
      %lt3A_921 = arith.cmpi slt, %xor3A_918, %lt3A_920 : vector<16xi32>
      %add3A_922 = arith.constant 16 : i32
      %add3A_923 = vector.broadcast %add3A_922 : i32 to vector<16xi32>
      %add3A_924 = arith.addi %xor3A_918, %add3A_923 : vector<16xi32>
      %select_n3A_925 = arith.select %lt3A_921, %add3A_924, %xor3A_918 : vector<16xi1>, vector<16xi32>
      %broadcast_in_dim3A_926 = vector.shape_cast %select_n3A_925 : vector<16xi32> to vector<16x1xi32>
      %gather3A_927 = vector.shape_cast %broadcast_in_dim3A_926 : vector<16x1xi32> to vector<16xi32>
      %gather3A_928 = tpu.dynamic_gather %select_n3A_796[%gather3A_927] in [0] : vector<16xf32>, vector<16xi32> -> vector<16xf32>
      %and3A_929 = arith.constant 8 : i32
      %and3A_930 = vector.broadcast %and3A_929 : i32 to vector<16xi32>
      %and3A_931 = arith.andi %iota3A, %and3A_930 : vector<16xi32>
      %eq3A_932 = arith.constant 0 : i32
      %eq3A_933 = vector.broadcast %eq3A_932 : i32 to vector<16xi32>
      %eq3A_934 = arith.cmpi eq, %and3A_931, %eq3A_933 : vector<16xi32>
      %select_n3A_935 = arith.select %eq3A_934, %select_n3A_660, %gather3A_928 : vector<16xi1>, vector<16xf32>
      %lt3A_936 = arith.constant 0 : i32
      %lt3A_937 = vector.broadcast %lt3A_936 : i32 to vector<16xi32>
      %lt3A_938 = arith.cmpi slt, %xor3A_918, %lt3A_937 : vector<16xi32>
      %add3A_939 = arith.constant 16 : i32
      %add3A_940 = vector.broadcast %add3A_939 : i32 to vector<16xi32>
      %add3A_941 = arith.addi %xor3A_918, %add3A_940 : vector<16xi32>
      %select_n3A_942 = arith.select %lt3A_938, %add3A_941, %xor3A_918 : vector<16xi1>, vector<16xi32>
      %broadcast_in_dim3A_943 = vector.shape_cast %select_n3A_942 : vector<16xi32> to vector<16x1xi32>
      %gather3A_944 = vector.shape_cast %broadcast_in_dim3A_943 : vector<16x1xi32> to vector<16xi32>
      %gather3A_945 = tpu.dynamic_gather %select_n3A_813[%gather3A_944] in [0] : vector<16xf32>, vector<16xi32> -> vector<16xf32>
      %and3A_946 = arith.constant 8 : i32
      %and3A_947 = vector.broadcast %and3A_946 : i32 to vector<16xi32>
      %and3A_948 = arith.andi %iota3A, %and3A_947 : vector<16xi32>
      %eq3A_949 = arith.constant 0 : i32
      %eq3A_950 = vector.broadcast %eq3A_949 : i32 to vector<16xi32>
      %eq3A_951 = arith.cmpi eq, %and3A_948, %eq3A_950 : vector<16xi32>
      %select_n3A_952 = arith.select %eq3A_951, %select_n3A_677, %gather3A_945 : vector<16xi1>, vector<16xf32>
      %lt3A_953 = arith.constant 0 : i32
      %lt3A_954 = vector.broadcast %lt3A_953 : i32 to vector<16xi32>
      %lt3A_955 = arith.cmpi slt, %xor3A_918, %lt3A_954 : vector<16xi32>
      %add3A_956 = arith.constant 16 : i32
      %add3A_957 = vector.broadcast %add3A_956 : i32 to vector<16xi32>
      %add3A_958 = arith.addi %xor3A_918, %add3A_957 : vector<16xi32>
      %select_n3A_959 = arith.select %lt3A_955, %add3A_958, %xor3A_918 : vector<16xi1>, vector<16xi32>
      %broadcast_in_dim3A_960 = vector.shape_cast %select_n3A_959 : vector<16xi32> to vector<16x1xi32>
      %gather3A_961 = vector.shape_cast %broadcast_in_dim3A_960 : vector<16x1xi32> to vector<16xi32>
      %gather3A_962 = tpu.dynamic_gather %select_n3A_830[%gather3A_961] in [0] : vector<16xf32>, vector<16xi32> -> vector<16xf32>
      %and3A_963 = arith.constant 8 : i32
      %and3A_964 = vector.broadcast %and3A_963 : i32 to vector<16xi32>
      %and3A_965 = arith.andi %iota3A, %and3A_964 : vector<16xi32>
      %eq3A_966 = arith.constant 0 : i32
      %eq3A_967 = vector.broadcast %eq3A_966 : i32 to vector<16xi32>
      %eq3A_968 = arith.cmpi eq, %and3A_965, %eq3A_967 : vector<16xi32>
      %select_n3A_969 = arith.select %eq3A_968, %select_n3A_694, %gather3A_962 : vector<16xi1>, vector<16xf32>
      %lt3A_970 = arith.constant 0 : i32
      %lt3A_971 = vector.broadcast %lt3A_970 : i32 to vector<16xi32>
      %lt3A_972 = arith.cmpi slt, %xor3A_918, %lt3A_971 : vector<16xi32>
      %add3A_973 = arith.constant 16 : i32
      %add3A_974 = vector.broadcast %add3A_973 : i32 to vector<16xi32>
      %add3A_975 = arith.addi %xor3A_918, %add3A_974 : vector<16xi32>
      %select_n3A_976 = arith.select %lt3A_972, %add3A_975, %xor3A_918 : vector<16xi1>, vector<16xi32>
      %broadcast_in_dim3A_977 = vector.shape_cast %select_n3A_976 : vector<16xi32> to vector<16x1xi32>
      %gather3A_978 = vector.shape_cast %broadcast_in_dim3A_977 : vector<16x1xi32> to vector<16xi32>
      %gather3A_979 = tpu.dynamic_gather %select_n3A_847[%gather3A_978] in [0] : vector<16xf32>, vector<16xi32> -> vector<16xf32>
      %and3A_980 = arith.constant 8 : i32
      %and3A_981 = vector.broadcast %and3A_980 : i32 to vector<16xi32>
      %and3A_982 = arith.andi %iota3A, %and3A_981 : vector<16xi32>
      %eq3A_983 = arith.constant 0 : i32
      %eq3A_984 = vector.broadcast %eq3A_983 : i32 to vector<16xi32>
      %eq3A_985 = arith.cmpi eq, %and3A_982, %eq3A_984 : vector<16xi32>
      %select_n3A_986 = arith.select %eq3A_985, %select_n3A_711, %gather3A_979 : vector<16xi1>, vector<16xf32>
      %lt3A_987 = arith.constant 0 : i32
      %lt3A_988 = vector.broadcast %lt3A_987 : i32 to vector<16xi32>
      %lt3A_989 = arith.cmpi slt, %xor3A_918, %lt3A_988 : vector<16xi32>
      %add3A_990 = arith.constant 16 : i32
      %add3A_991 = vector.broadcast %add3A_990 : i32 to vector<16xi32>
      %add3A_992 = arith.addi %xor3A_918, %add3A_991 : vector<16xi32>
      %select_n3A_993 = arith.select %lt3A_989, %add3A_992, %xor3A_918 : vector<16xi1>, vector<16xi32>
      %broadcast_in_dim3A_994 = vector.shape_cast %select_n3A_993 : vector<16xi32> to vector<16x1xi32>
      %gather3A_995 = vector.shape_cast %broadcast_in_dim3A_994 : vector<16x1xi32> to vector<16xi32>
      %gather3A_996 = tpu.dynamic_gather %select_n3A_864[%gather3A_995] in [0] : vector<16xf32>, vector<16xi32> -> vector<16xf32>
      %and3A_997 = arith.constant 8 : i32
      %and3A_998 = vector.broadcast %and3A_997 : i32 to vector<16xi32>
      %and3A_999 = arith.andi %iota3A, %and3A_998 : vector<16xi32>
      %eq3A_1000 = arith.constant 0 : i32
      %eq3A_1001 = vector.broadcast %eq3A_1000 : i32 to vector<16xi32>
      %eq3A_1002 = arith.cmpi eq, %and3A_999, %eq3A_1001 : vector<16xi32>
      %select_n3A_1003 = arith.select %eq3A_1002, %select_n3A_728, %gather3A_996 : vector<16xi1>, vector<16xf32>
      %lt3A_1004 = arith.constant 0 : i32
      %lt3A_1005 = vector.broadcast %lt3A_1004 : i32 to vector<16xi32>
      %lt3A_1006 = arith.cmpi slt, %xor3A_918, %lt3A_1005 : vector<16xi32>
      %add3A_1007 = arith.constant 16 : i32
      %add3A_1008 = vector.broadcast %add3A_1007 : i32 to vector<16xi32>
      %add3A_1009 = arith.addi %xor3A_918, %add3A_1008 : vector<16xi32>
      %select_n3A_1010 = arith.select %lt3A_1006, %add3A_1009, %xor3A_918 : vector<16xi1>, vector<16xi32>
      %broadcast_in_dim3A_1011 = vector.shape_cast %select_n3A_1010 : vector<16xi32> to vector<16x1xi32>
      %gather3A_1012 = vector.shape_cast %broadcast_in_dim3A_1011 : vector<16x1xi32> to vector<16xi32>
      %gather3A_1013 = tpu.dynamic_gather %select_n3A_881[%gather3A_1012] in [0] : vector<16xf32>, vector<16xi32> -> vector<16xf32>
      %and3A_1014 = arith.constant 8 : i32
      %and3A_1015 = vector.broadcast %and3A_1014 : i32 to vector<16xi32>
      %and3A_1016 = arith.andi %iota3A, %and3A_1015 : vector<16xi32>
      %eq3A_1017 = arith.constant 0 : i32
      %eq3A_1018 = vector.broadcast %eq3A_1017 : i32 to vector<16xi32>
      %eq3A_1019 = arith.cmpi eq, %and3A_1016, %eq3A_1018 : vector<16xi32>
      %select_n3A_1020 = arith.select %eq3A_1019, %select_n3A_745, %gather3A_1013 : vector<16xi1>, vector<16xf32>
      %lt3A_1021 = arith.constant 0 : i32
      %lt3A_1022 = vector.broadcast %lt3A_1021 : i32 to vector<16xi32>
      %lt3A_1023 = arith.cmpi slt, %xor3A_918, %lt3A_1022 : vector<16xi32>
      %add3A_1024 = arith.constant 16 : i32
      %add3A_1025 = vector.broadcast %add3A_1024 : i32 to vector<16xi32>
      %add3A_1026 = arith.addi %xor3A_918, %add3A_1025 : vector<16xi32>
      %select_n3A_1027 = arith.select %lt3A_1023, %add3A_1026, %xor3A_918 : vector<16xi1>, vector<16xi32>
      %broadcast_in_dim3A_1028 = vector.shape_cast %select_n3A_1027 : vector<16xi32> to vector<16x1xi32>
      %gather3A_1029 = vector.shape_cast %broadcast_in_dim3A_1028 : vector<16x1xi32> to vector<16xi32>
      %gather3A_1030 = tpu.dynamic_gather %select_n3A_898[%gather3A_1029] in [0] : vector<16xf32>, vector<16xi32> -> vector<16xf32>
      %and3A_1031 = arith.constant 8 : i32
      %and3A_1032 = vector.broadcast %and3A_1031 : i32 to vector<16xi32>
      %and3A_1033 = arith.andi %iota3A, %and3A_1032 : vector<16xi32>
      %eq3A_1034 = arith.constant 0 : i32
      %eq3A_1035 = vector.broadcast %eq3A_1034 : i32 to vector<16xi32>
      %eq3A_1036 = arith.cmpi eq, %and3A_1033, %eq3A_1035 : vector<16xi32>
      %select_n3A_1037 = arith.select %eq3A_1036, %select_n3A_762, %gather3A_1030 : vector<16xi1>, vector<16xf32>
      %lt3A_1038 = arith.constant 0 : i32
      %lt3A_1039 = vector.broadcast %lt3A_1038 : i32 to vector<16xi32>
      %lt3A_1040 = arith.cmpi slt, %xor3A_918, %lt3A_1039 : vector<16xi32>
      %add3A_1041 = arith.constant 16 : i32
      %add3A_1042 = vector.broadcast %add3A_1041 : i32 to vector<16xi32>
      %add3A_1043 = arith.addi %xor3A_918, %add3A_1042 : vector<16xi32>
      %select_n3A_1044 = arith.select %lt3A_1040, %add3A_1043, %xor3A_918 : vector<16xi1>, vector<16xi32>
      %broadcast_in_dim3A_1045 = vector.shape_cast %select_n3A_1044 : vector<16xi32> to vector<16x1xi32>
      %gather3A_1046 = vector.shape_cast %broadcast_in_dim3A_1045 : vector<16x1xi32> to vector<16xi32>
      %gather3A_1047 = tpu.dynamic_gather %select_n3A_915[%gather3A_1046] in [0] : vector<16xf32>, vector<16xi32> -> vector<16xf32>
      %and3A_1048 = arith.constant 8 : i32
      %and3A_1049 = vector.broadcast %and3A_1048 : i32 to vector<16xi32>
      %and3A_1050 = arith.andi %iota3A, %and3A_1049 : vector<16xi32>
      %eq3A_1051 = arith.constant 0 : i32
      %eq3A_1052 = vector.broadcast %eq3A_1051 : i32 to vector<16xi32>
      %eq3A_1053 = arith.cmpi eq, %and3A_1050, %eq3A_1052 : vector<16xi32>
      %select_n3A_1054 = arith.select %eq3A_1053, %select_n3A_779, %gather3A_1047 : vector<16xi1>, vector<16xf32>
      %lt3A_1055 = arith.constant 0 : i32
      %lt3A_1056 = vector.broadcast %lt3A_1055 : i32 to vector<16xi32>
      %lt3A_1057 = arith.cmpi slt, %xor3A_918, %lt3A_1056 : vector<16xi32>
      %add3A_1058 = arith.constant 16 : i32
      %add3A_1059 = vector.broadcast %add3A_1058 : i32 to vector<16xi32>
      %add3A_1060 = arith.addi %xor3A_918, %add3A_1059 : vector<16xi32>
      %select_n3A_1061 = arith.select %lt3A_1057, %add3A_1060, %xor3A_918 : vector<16xi1>, vector<16xi32>
      %broadcast_in_dim3A_1062 = vector.shape_cast %select_n3A_1061 : vector<16xi32> to vector<16x1xi32>
      %gather3A_1063 = vector.shape_cast %broadcast_in_dim3A_1062 : vector<16x1xi32> to vector<16xi32>
      %gather3A_1064 = tpu.dynamic_gather %select_n3A_660[%gather3A_1063] in [0] : vector<16xf32>, vector<16xi32> -> vector<16xf32>
      %and3A_1065 = arith.constant 8 : i32
      %and3A_1066 = vector.broadcast %and3A_1065 : i32 to vector<16xi32>
      %and3A_1067 = arith.andi %iota3A, %and3A_1066 : vector<16xi32>
      %eq3A_1068 = arith.constant 8 : i32
      %eq3A_1069 = vector.broadcast %eq3A_1068 : i32 to vector<16xi32>
      %eq3A_1070 = arith.cmpi eq, %and3A_1067, %eq3A_1069 : vector<16xi32>
      %select_n3A_1071 = arith.select %eq3A_1070, %select_n3A_796, %gather3A_1064 : vector<16xi1>, vector<16xf32>
      %lt3A_1072 = arith.constant 0 : i32
      %lt3A_1073 = vector.broadcast %lt3A_1072 : i32 to vector<16xi32>
      %lt3A_1074 = arith.cmpi slt, %xor3A_918, %lt3A_1073 : vector<16xi32>
      %add3A_1075 = arith.constant 16 : i32
      %add3A_1076 = vector.broadcast %add3A_1075 : i32 to vector<16xi32>
      %add3A_1077 = arith.addi %xor3A_918, %add3A_1076 : vector<16xi32>
      %select_n3A_1078 = arith.select %lt3A_1074, %add3A_1077, %xor3A_918 : vector<16xi1>, vector<16xi32>
      %broadcast_in_dim3A_1079 = vector.shape_cast %select_n3A_1078 : vector<16xi32> to vector<16x1xi32>
      %gather3A_1080 = vector.shape_cast %broadcast_in_dim3A_1079 : vector<16x1xi32> to vector<16xi32>
      %gather3A_1081 = tpu.dynamic_gather %select_n3A_677[%gather3A_1080] in [0] : vector<16xf32>, vector<16xi32> -> vector<16xf32>
      %and3A_1082 = arith.constant 8 : i32
      %and3A_1083 = vector.broadcast %and3A_1082 : i32 to vector<16xi32>
      %and3A_1084 = arith.andi %iota3A, %and3A_1083 : vector<16xi32>
      %eq3A_1085 = arith.constant 8 : i32
      %eq3A_1086 = vector.broadcast %eq3A_1085 : i32 to vector<16xi32>
      %eq3A_1087 = arith.cmpi eq, %and3A_1084, %eq3A_1086 : vector<16xi32>
      %select_n3A_1088 = arith.select %eq3A_1087, %select_n3A_813, %gather3A_1081 : vector<16xi1>, vector<16xf32>
      %lt3A_1089 = arith.constant 0 : i32
      %lt3A_1090 = vector.broadcast %lt3A_1089 : i32 to vector<16xi32>
      %lt3A_1091 = arith.cmpi slt, %xor3A_918, %lt3A_1090 : vector<16xi32>
      %add3A_1092 = arith.constant 16 : i32
      %add3A_1093 = vector.broadcast %add3A_1092 : i32 to vector<16xi32>
      %add3A_1094 = arith.addi %xor3A_918, %add3A_1093 : vector<16xi32>
      %select_n3A_1095 = arith.select %lt3A_1091, %add3A_1094, %xor3A_918 : vector<16xi1>, vector<16xi32>
      %broadcast_in_dim3A_1096 = vector.shape_cast %select_n3A_1095 : vector<16xi32> to vector<16x1xi32>
      %gather3A_1097 = vector.shape_cast %broadcast_in_dim3A_1096 : vector<16x1xi32> to vector<16xi32>
      %gather3A_1098 = tpu.dynamic_gather %select_n3A_694[%gather3A_1097] in [0] : vector<16xf32>, vector<16xi32> -> vector<16xf32>
      %and3A_1099 = arith.constant 8 : i32
      %and3A_1100 = vector.broadcast %and3A_1099 : i32 to vector<16xi32>
      %and3A_1101 = arith.andi %iota3A, %and3A_1100 : vector<16xi32>
      %eq3A_1102 = arith.constant 8 : i32
      %eq3A_1103 = vector.broadcast %eq3A_1102 : i32 to vector<16xi32>
      %eq3A_1104 = arith.cmpi eq, %and3A_1101, %eq3A_1103 : vector<16xi32>
      %select_n3A_1105 = arith.select %eq3A_1104, %select_n3A_830, %gather3A_1098 : vector<16xi1>, vector<16xf32>
      %lt3A_1106 = arith.constant 0 : i32
      %lt3A_1107 = vector.broadcast %lt3A_1106 : i32 to vector<16xi32>
      %lt3A_1108 = arith.cmpi slt, %xor3A_918, %lt3A_1107 : vector<16xi32>
      %add3A_1109 = arith.constant 16 : i32
      %add3A_1110 = vector.broadcast %add3A_1109 : i32 to vector<16xi32>
      %add3A_1111 = arith.addi %xor3A_918, %add3A_1110 : vector<16xi32>
      %select_n3A_1112 = arith.select %lt3A_1108, %add3A_1111, %xor3A_918 : vector<16xi1>, vector<16xi32>
      %broadcast_in_dim3A_1113 = vector.shape_cast %select_n3A_1112 : vector<16xi32> to vector<16x1xi32>
      %gather3A_1114 = vector.shape_cast %broadcast_in_dim3A_1113 : vector<16x1xi32> to vector<16xi32>
      %gather3A_1115 = tpu.dynamic_gather %select_n3A_711[%gather3A_1114] in [0] : vector<16xf32>, vector<16xi32> -> vector<16xf32>
      %and3A_1116 = arith.constant 8 : i32
      %and3A_1117 = vector.broadcast %and3A_1116 : i32 to vector<16xi32>
      %and3A_1118 = arith.andi %iota3A, %and3A_1117 : vector<16xi32>
      %eq3A_1119 = arith.constant 8 : i32
      %eq3A_1120 = vector.broadcast %eq3A_1119 : i32 to vector<16xi32>
      %eq3A_1121 = arith.cmpi eq, %and3A_1118, %eq3A_1120 : vector<16xi32>
      %select_n3A_1122 = arith.select %eq3A_1121, %select_n3A_847, %gather3A_1115 : vector<16xi1>, vector<16xf32>
      %lt3A_1123 = arith.constant 0 : i32
      %lt3A_1124 = vector.broadcast %lt3A_1123 : i32 to vector<16xi32>
      %lt3A_1125 = arith.cmpi slt, %xor3A_918, %lt3A_1124 : vector<16xi32>
      %add3A_1126 = arith.constant 16 : i32
      %add3A_1127 = vector.broadcast %add3A_1126 : i32 to vector<16xi32>
      %add3A_1128 = arith.addi %xor3A_918, %add3A_1127 : vector<16xi32>
      %select_n3A_1129 = arith.select %lt3A_1125, %add3A_1128, %xor3A_918 : vector<16xi1>, vector<16xi32>
      %broadcast_in_dim3A_1130 = vector.shape_cast %select_n3A_1129 : vector<16xi32> to vector<16x1xi32>
      %gather3A_1131 = vector.shape_cast %broadcast_in_dim3A_1130 : vector<16x1xi32> to vector<16xi32>
      %gather3A_1132 = tpu.dynamic_gather %select_n3A_728[%gather3A_1131] in [0] : vector<16xf32>, vector<16xi32> -> vector<16xf32>
      %and3A_1133 = arith.constant 8 : i32
      %and3A_1134 = vector.broadcast %and3A_1133 : i32 to vector<16xi32>
      %and3A_1135 = arith.andi %iota3A, %and3A_1134 : vector<16xi32>
      %eq3A_1136 = arith.constant 8 : i32
      %eq3A_1137 = vector.broadcast %eq3A_1136 : i32 to vector<16xi32>
      %eq3A_1138 = arith.cmpi eq, %and3A_1135, %eq3A_1137 : vector<16xi32>
      %select_n3A_1139 = arith.select %eq3A_1138, %select_n3A_864, %gather3A_1132 : vector<16xi1>, vector<16xf32>
      %lt3A_1140 = arith.constant 0 : i32
      %lt3A_1141 = vector.broadcast %lt3A_1140 : i32 to vector<16xi32>
      %lt3A_1142 = arith.cmpi slt, %xor3A_918, %lt3A_1141 : vector<16xi32>
      %add3A_1143 = arith.constant 16 : i32
      %add3A_1144 = vector.broadcast %add3A_1143 : i32 to vector<16xi32>
      %add3A_1145 = arith.addi %xor3A_918, %add3A_1144 : vector<16xi32>
      %select_n3A_1146 = arith.select %lt3A_1142, %add3A_1145, %xor3A_918 : vector<16xi1>, vector<16xi32>
      %broadcast_in_dim3A_1147 = vector.shape_cast %select_n3A_1146 : vector<16xi32> to vector<16x1xi32>
      %gather3A_1148 = vector.shape_cast %broadcast_in_dim3A_1147 : vector<16x1xi32> to vector<16xi32>
      %gather3A_1149 = tpu.dynamic_gather %select_n3A_745[%gather3A_1148] in [0] : vector<16xf32>, vector<16xi32> -> vector<16xf32>
      %and3A_1150 = arith.constant 8 : i32
      %and3A_1151 = vector.broadcast %and3A_1150 : i32 to vector<16xi32>
      %and3A_1152 = arith.andi %iota3A, %and3A_1151 : vector<16xi32>
      %eq3A_1153 = arith.constant 8 : i32
      %eq3A_1154 = vector.broadcast %eq3A_1153 : i32 to vector<16xi32>
      %eq3A_1155 = arith.cmpi eq, %and3A_1152, %eq3A_1154 : vector<16xi32>
      %select_n3A_1156 = arith.select %eq3A_1155, %select_n3A_881, %gather3A_1149 : vector<16xi1>, vector<16xf32>
      %lt3A_1157 = arith.constant 0 : i32
      %lt3A_1158 = vector.broadcast %lt3A_1157 : i32 to vector<16xi32>
      %lt3A_1159 = arith.cmpi slt, %xor3A_918, %lt3A_1158 : vector<16xi32>
      %add3A_1160 = arith.constant 16 : i32
      %add3A_1161 = vector.broadcast %add3A_1160 : i32 to vector<16xi32>
      %add3A_1162 = arith.addi %xor3A_918, %add3A_1161 : vector<16xi32>
      %select_n3A_1163 = arith.select %lt3A_1159, %add3A_1162, %xor3A_918 : vector<16xi1>, vector<16xi32>
      %broadcast_in_dim3A_1164 = vector.shape_cast %select_n3A_1163 : vector<16xi32> to vector<16x1xi32>
      %gather3A_1165 = vector.shape_cast %broadcast_in_dim3A_1164 : vector<16x1xi32> to vector<16xi32>
      %gather3A_1166 = tpu.dynamic_gather %select_n3A_762[%gather3A_1165] in [0] : vector<16xf32>, vector<16xi32> -> vector<16xf32>
      %and3A_1167 = arith.constant 8 : i32
      %and3A_1168 = vector.broadcast %and3A_1167 : i32 to vector<16xi32>
      %and3A_1169 = arith.andi %iota3A, %and3A_1168 : vector<16xi32>
      %eq3A_1170 = arith.constant 8 : i32
      %eq3A_1171 = vector.broadcast %eq3A_1170 : i32 to vector<16xi32>
      %eq3A_1172 = arith.cmpi eq, %and3A_1169, %eq3A_1171 : vector<16xi32>
      %select_n3A_1173 = arith.select %eq3A_1172, %select_n3A_898, %gather3A_1166 : vector<16xi1>, vector<16xf32>
      %lt3A_1174 = arith.constant 0 : i32
      %lt3A_1175 = vector.broadcast %lt3A_1174 : i32 to vector<16xi32>
      %lt3A_1176 = arith.cmpi slt, %xor3A_918, %lt3A_1175 : vector<16xi32>
      %add3A_1177 = arith.constant 16 : i32
      %add3A_1178 = vector.broadcast %add3A_1177 : i32 to vector<16xi32>
      %add3A_1179 = arith.addi %xor3A_918, %add3A_1178 : vector<16xi32>
      %select_n3A_1180 = arith.select %lt3A_1176, %add3A_1179, %xor3A_918 : vector<16xi1>, vector<16xi32>
      %broadcast_in_dim3A_1181 = vector.shape_cast %select_n3A_1180 : vector<16xi32> to vector<16x1xi32>
      %gather3A_1182 = vector.shape_cast %broadcast_in_dim3A_1181 : vector<16x1xi32> to vector<16xi32>
      %gather3A_1183 = tpu.dynamic_gather %select_n3A_779[%gather3A_1182] in [0] : vector<16xf32>, vector<16xi32> -> vector<16xf32>
      %and3A_1184 = arith.constant 8 : i32
      %and3A_1185 = vector.broadcast %and3A_1184 : i32 to vector<16xi32>
      %and3A_1186 = arith.andi %iota3A, %and3A_1185 : vector<16xi32>
      %eq3A_1187 = arith.constant 8 : i32
      %eq3A_1188 = vector.broadcast %eq3A_1187 : i32 to vector<16xi32>
      %eq3A_1189 = arith.cmpi eq, %and3A_1186, %eq3A_1188 : vector<16xi32>
      %select_n3A_1190 = arith.select %eq3A_1189, %select_n3A_915, %gather3A_1183 : vector<16xi1>, vector<16xf32>
      %swap3A = arith.constant 0 : i32
      %swap3A_1191 = arith.index_cast %swap3A : i32 to index
      %swap3A_1192 = arith.constant 0 : index
      %swap3A_1193 = tpu.vector_load %arg7[%swap3A_1191, %swap3A_1192] {strides = array<i32>} : memref<16x32xf32, #tpu.memory_space<vmem>>, vector<1x16xf32>,
      %swap3A_1194 = vector.shape_cast %swap3A_1193 : vector<1x16xf32> to vector<16xf32>
      %swap3A_1195 = vector.shape_cast %select_n3A_935 : vector<16xf32> to vector<1x16xf32>
      tpu.vector_store %arg7[%swap3A_1191, %swap3A_1192], %swap3A_1195 {strides = array<i32>} : memref<16x32xf32, #tpu.memory_space<vmem>>, vector<1x16xf32>,
      %swap3A_1196 = arith.constant 1 : i32
      %swap3A_1197 = arith.index_cast %swap3A_1196 : i32 to index
      %swap3A_1198 = arith.constant 0 : index
      %swap3A_1199 = tpu.vector_load %arg7[%swap3A_1197, %swap3A_1198] {strides = array<i32>} : memref<16x32xf32, #tpu.memory_space<vmem>>, vector<1x16xf32>,
      %swap3A_1200 = vector.shape_cast %swap3A_1199 : vector<1x16xf32> to vector<16xf32>
      %swap3A_1201 = vector.shape_cast %select_n3A_952 : vector<16xf32> to vector<1x16xf32>
      tpu.vector_store %arg7[%swap3A_1197, %swap3A_1198], %swap3A_1201 {strides = array<i32>} : memref<16x32xf32, #tpu.memory_space<vmem>>, vector<1x16xf32>,
      %swap3A_1202 = arith.constant 2 : i32
      %swap3A_1203 = arith.index_cast %swap3A_1202 : i32 to index
      %swap3A_1204 = arith.constant 0 : index
      %swap3A_1205 = tpu.vector_load %arg7[%swap3A_1203, %swap3A_1204] {strides = array<i32>} : memref<16x32xf32, #tpu.memory_space<vmem>>, vector<1x16xf32>,
      %swap3A_1206 = vector.shape_cast %swap3A_1205 : vector<1x16xf32> to vector<16xf32>
      %swap3A_1207 = vector.shape_cast %select_n3A_969 : vector<16xf32> to vector<1x16xf32>
      tpu.vector_store %arg7[%swap3A_1203, %swap3A_1204], %swap3A_1207 {strides = array<i32>} : memref<16x32xf32, #tpu.memory_space<vmem>>, vector<1x16xf32>,
      %swap3A_1208 = arith.constant 3 : i32
      %swap3A_1209 = arith.index_cast %swap3A_1208 : i32 to index
      %swap3A_1210 = arith.constant 0 : index
      %swap3A_1211 = tpu.vector_load %arg7[%swap3A_1209, %swap3A_1210] {strides = array<i32>} : memref<16x32xf32, #tpu.memory_space<vmem>>, vector<1x16xf32>,
      %swap3A_1212 = vector.shape_cast %swap3A_1211 : vector<1x16xf32> to vector<16xf32>
      %swap3A_1213 = vector.shape_cast %select_n3A_986 : vector<16xf32> to vector<1x16xf32>
      tpu.vector_store %arg7[%swap3A_1209, %swap3A_1210], %swap3A_1213 {strides = array<i32>} : memref<16x32xf32, #tpu.memory_space<vmem>>, vector<1x16xf32>,
      %swap3A_1214 = arith.constant 4 : i32
      %swap3A_1215 = arith.index_cast %swap3A_1214 : i32 to index
      %swap3A_1216 = arith.constant 0 : index
      %swap3A_1217 = tpu.vector_load %arg7[%swap3A_1215, %swap3A_1216] {strides = array<i32>} : memref<16x32xf32, #tpu.memory_space<vmem>>, vector<1x16xf32>,
      %swap3A_1218 = vector.shape_cast %swap3A_1217 : vector<1x16xf32> to vector<16xf32>
      %swap3A_1219 = vector.shape_cast %select_n3A_1003 : vector<16xf32> to vector<1x16xf32>
      tpu.vector_store %arg7[%swap3A_1215, %swap3A_1216], %swap3A_1219 {strides = array<i32>} : memref<16x32xf32, #tpu.memory_space<vmem>>, vector<1x16xf32>,
      %swap3A_1220 = arith.constant 5 : i32
      %swap3A_1221 = arith.index_cast %swap3A_1220 : i32 to index
      %swap3A_1222 = arith.constant 0 : index
      %swap3A_1223 = tpu.vector_load %arg7[%swap3A_1221, %swap3A_1222] {strides = array<i32>} : memref<16x32xf32, #tpu.memory_space<vmem>>, vector<1x16xf32>,
      %swap3A_1224 = vector.shape_cast %swap3A_1223 : vector<1x16xf32> to vector<16xf32>
      %swap3A_1225 = vector.shape_cast %select_n3A_1020 : vector<16xf32> to vector<1x16xf32>
      tpu.vector_store %arg7[%swap3A_1221, %swap3A_1222], %swap3A_1225 {strides = array<i32>} : memref<16x32xf32, #tpu.memory_space<vmem>>, vector<1x16xf32>,
      %swap3A_1226 = arith.constant 6 : i32
      %swap3A_1227 = arith.index_cast %swap3A_1226 : i32 to index
      %swap3A_1228 = arith.constant 0 : index
      %swap3A_1229 = tpu.vector_load %arg7[%swap3A_1227, %swap3A_1228] {strides = array<i32>} : memref<16x32xf32, #tpu.memory_space<vmem>>, vector<1x16xf32>,
      %swap3A_1230 = vector.shape_cast %swap3A_1229 : vector<1x16xf32> to vector<16xf32>
      %swap3A_1231 = vector.shape_cast %select_n3A_1037 : vector<16xf32> to vector<1x16xf32>
      tpu.vector_store %arg7[%swap3A_1227, %swap3A_1228], %swap3A_1231 {strides = array<i32>} : memref<16x32xf32, #tpu.memory_space<vmem>>, vector<1x16xf32>,
      %swap3A_1232 = arith.constant 7 : i32
      %swap3A_1233 = arith.index_cast %swap3A_1232 : i32 to index
      %swap3A_1234 = arith.constant 0 : index
      %swap3A_1235 = tpu.vector_load %arg7[%swap3A_1233, %swap3A_1234] {strides = array<i32>} : memref<16x32xf32, #tpu.memory_space<vmem>>, vector<1x16xf32>,
      %swap3A_1236 = vector.shape_cast %swap3A_1235 : vector<1x16xf32> to vector<16xf32>
      %swap3A_1237 = vector.shape_cast %select_n3A_1054 : vector<16xf32> to vector<1x16xf32>
      tpu.vector_store %arg7[%swap3A_1233, %swap3A_1234], %swap3A_1237 {strides = array<i32>} : memref<16x32xf32, #tpu.memory_space<vmem>>, vector<1x16xf32>,
      %swap3A_1238 = arith.constant 8 : i32
      %swap3A_1239 = arith.index_cast %swap3A_1238 : i32 to index
      %swap3A_1240 = arith.constant 0 : index
      %swap3A_1241 = tpu.vector_load %arg7[%swap3A_1239, %swap3A_1240] {strides = array<i32>} : memref<16x32xf32, #tpu.memory_space<vmem>>, vector<1x16xf32>,
      %swap3A_1242 = vector.shape_cast %swap3A_1241 : vector<1x16xf32> to vector<16xf32>
      %swap3A_1243 = vector.shape_cast %select_n3A_1071 : vector<16xf32> to vector<1x16xf32>
      tpu.vector_store %arg7[%swap3A_1239, %swap3A_1240], %swap3A_1243 {strides = array<i32>} : memref<16x32xf32, #tpu.memory_space<vmem>>, vector<1x16xf32>,
      %swap3A_1244 = arith.constant 9 : i32
      %swap3A_1245 = arith.index_cast %swap3A_1244 : i32 to index
      %swap3A_1246 = arith.constant 0 : index
      %swap3A_1247 = tpu.vector_load %arg7[%swap3A_1245, %swap3A_1246] {strides = array<i32>} : memref<16x32xf32, #tpu.memory_space<vmem>>, vector<1x16xf32>,
      %swap3A_1248 = vector.shape_cast %swap3A_1247 : vector<1x16xf32> to vector<16xf32>
      %swap3A_1249 = vector.shape_cast %select_n3A_1088 : vector<16xf32> to vector<1x16xf32>
      tpu.vector_store %arg7[%swap3A_1245, %swap3A_1246], %swap3A_1249 {strides = array<i32>} : memref<16x32xf32, #tpu.memory_space<vmem>>, vector<1x16xf32>,
      %swap3A_1250 = arith.constant 10 : i32
      %swap3A_1251 = arith.index_cast %swap3A_1250 : i32 to index
      %swap3A_1252 = arith.constant 0 : index
      %swap3A_1253 = tpu.vector_load %arg7[%swap3A_1251, %swap3A_1252] {strides = array<i32>} : memref<16x32xf32, #tpu.memory_space<vmem>>, vector<1x16xf32>,
      %swap3A_1254 = vector.shape_cast %swap3A_1253 : vector<1x16xf32> to vector<16xf32>
      %swap3A_1255 = vector.shape_cast %select_n3A_1105 : vector<16xf32> to vector<1x16xf32>
      tpu.vector_store %arg7[%swap3A_1251, %swap3A_1252], %swap3A_1255 {strides = array<i32>} : memref<16x32xf32, #tpu.memory_space<vmem>>, vector<1x16xf32>,
      %swap3A_1256 = arith.constant 11 : i32
      %swap3A_1257 = arith.index_cast %swap3A_1256 : i32 to index
      %swap3A_1258 = arith.constant 0 : index
      %swap3A_1259 = tpu.vector_load %arg7[%swap3A_1257, %swap3A_1258] {strides = array<i32>} : memref<16x32xf32, #tpu.memory_space<vmem>>, vector<1x16xf32>,
      %swap3A_1260 = vector.shape_cast %swap3A_1259 : vector<1x16xf32> to vector<16xf32>
      %swap3A_1261 = vector.shape_cast %select_n3A_1122 : vector<16xf32> to vector<1x16xf32>
      tpu.vector_store %arg7[%swap3A_1257, %swap3A_1258], %swap3A_1261 {strides = array<i32>} : memref<16x32xf32, #tpu.memory_space<vmem>>, vector<1x16xf32>,
      %swap3A_1262 = arith.constant 12 : i32
      %swap3A_1263 = arith.index_cast %swap3A_1262 : i32 to index
      %swap3A_1264 = arith.constant 0 : index
      %swap3A_1265 = tpu.vector_load %arg7[%swap3A_1263, %swap3A_1264] {strides = array<i32>} : memref<16x32xf32, #tpu.memory_space<vmem>>, vector<1x16xf32>,
      %swap3A_1266 = vector.shape_cast %swap3A_1265 : vector<1x16xf32> to vector<16xf32>
      %swap3A_1267 = vector.shape_cast %select_n3A_1139 : vector<16xf32> to vector<1x16xf32>
      tpu.vector_store %arg7[%swap3A_1263, %swap3A_1264], %swap3A_1267 {strides = array<i32>} : memref<16x32xf32, #tpu.memory_space<vmem>>, vector<1x16xf32>,
      %swap3A_1268 = arith.constant 13 : i32
      %swap3A_1269 = arith.index_cast %swap3A_1268 : i32 to index
      %swap3A_1270 = arith.constant 0 : index
      %swap3A_1271 = tpu.vector_load %arg7[%swap3A_1269, %swap3A_1270] {strides = array<i32>} : memref<16x32xf32, #tpu.memory_space<vmem>>, vector<1x16xf32>,
      %swap3A_1272 = vector.shape_cast %swap3A_1271 : vector<1x16xf32> to vector<16xf32>
      %swap3A_1273 = vector.shape_cast %select_n3A_1156 : vector<16xf32> to vector<1x16xf32>
      tpu.vector_store %arg7[%swap3A_1269, %swap3A_1270], %swap3A_1273 {strides = array<i32>} : memref<16x32xf32, #tpu.memory_space<vmem>>, vector<1x16xf32>,
      %swap3A_1274 = arith.constant 14 : i32
      %swap3A_1275 = arith.index_cast %swap3A_1274 : i32 to index
      %swap3A_1276 = arith.constant 0 : index
      %swap3A_1277 = tpu.vector_load %arg7[%swap3A_1275, %swap3A_1276] {strides = array<i32>} : memref<16x32xf32, #tpu.memory_space<vmem>>, vector<1x16xf32>,
      %swap3A_1278 = vector.shape_cast %swap3A_1277 : vector<1x16xf32> to vector<16xf32>
      %swap3A_1279 = vector.shape_cast %select_n3A_1173 : vector<16xf32> to vector<1x16xf32>
      tpu.vector_store %arg7[%swap3A_1275, %swap3A_1276], %swap3A_1279 {strides = array<i32>} : memref<16x32xf32, #tpu.memory_space<vmem>>, vector<1x16xf32>,
      %swap3A_1280 = arith.constant 15 : i32
      %swap3A_1281 = arith.index_cast %swap3A_1280 : i32 to index
      %swap3A_1282 = arith.constant 0 : index
      %swap3A_1283 = tpu.vector_load %arg7[%swap3A_1281, %swap3A_1282] {strides = array<i32>} : memref<16x32xf32, #tpu.memory_space<vmem>>, vector<1x16xf32>,
      %swap3A_1284 = vector.shape_cast %swap3A_1283 : vector<1x16xf32> to vector<16xf32>
      %swap3A_1285 = vector.shape_cast %select_n3A_1190 : vector<16xf32> to vector<1x16xf32>
      tpu.vector_store %arg7[%swap3A_1281, %swap3A_1282], %swap3A_1285 {strides = array<i32>} : memref<16x32xf32, #tpu.memory_space<vmem>>, vector<1x16xf32>,
      %get3A_1286 = arith.constant 16 : i32
      %get3A_1287 = arith.index_cast %get3A_1286 : i32 to index
      %get3A_1288 = arith.index_cast %sub3A_17 : i32 to index
      %get3A_1289 = tpu.vector_load %arg6[%get3A_1287, %get3A_1288] {strides = array<i32>} : memref<32x256xf32, #tpu.memory_space<vmem>>, vector<1x16xf32>,
      %get3A_1290 = vector.shape_cast %get3A_1289 : vector<1x16xf32> to vector<16xf32>
      %get3A_1291 = arith.constant 17 : i32
      %get3A_1292 = arith.index_cast %get3A_1291 : i32 to index
      %get3A_1293 = arith.index_cast %sub3A_17 : i32 to index
      %get3A_1294 = tpu.vector_load %arg6[%get3A_1292, %get3A_1293] {strides = array<i32>} : memref<32x256xf32, #tpu.memory_space<vmem>>, vector<1x16xf32>,
      %get3A_1295 = vector.shape_cast %get3A_1294 : vector<1x16xf32> to vector<16xf32>
      %get3A_1296 = arith.constant 18 : i32
      %get3A_1297 = arith.index_cast %get3A_1296 : i32 to index
      %get3A_1298 = arith.index_cast %sub3A_17 : i32 to index
      %get3A_1299 = tpu.vector_load %arg6[%get3A_1297, %get3A_1298] {strides = array<i32>} : memref<32x256xf32, #tpu.memory_space<vmem>>, vector<1x16xf32>,
      %get3A_1300 = vector.shape_cast %get3A_1299 : vector<1x16xf32> to vector<16xf32>
      %get3A_1301 = arith.constant 19 : i32
      %get3A_1302 = arith.index_cast %get3A_1301 : i32 to index
      %get3A_1303 = arith.index_cast %sub3A_17 : i32 to index
      %get3A_1304 = tpu.vector_load %arg6[%get3A_1302, %get3A_1303] {strides = array<i32>} : memref<32x256xf32, #tpu.memory_space<vmem>>, vector<1x16xf32>,
      %get3A_1305 = vector.shape_cast %get3A_1304 : vector<1x16xf32> to vector<16xf32>
      %get3A_1306 = arith.constant 20 : i32
      %get3A_1307 = arith.index_cast %get3A_1306 : i32 to index
      %get3A_1308 = arith.index_cast %sub3A_17 : i32 to index
      %get3A_1309 = tpu.vector_load %arg6[%get3A_1307, %get3A_1308] {strides = array<i32>} : memref<32x256xf32, #tpu.memory_space<vmem>>, vector<1x16xf32>,
      %get3A_1310 = vector.shape_cast %get3A_1309 : vector<1x16xf32> to vector<16xf32>
      %get3A_1311 = arith.constant 21 : i32
      %get3A_1312 = arith.index_cast %get3A_1311 : i32 to index
      %get3A_1313 = arith.index_cast %sub3A_17 : i32 to index
      %get3A_1314 = tpu.vector_load %arg6[%get3A_1312, %get3A_1313] {strides = array<i32>} : memref<32x256xf32, #tpu.memory_space<vmem>>, vector<1x16xf32>,
      %get3A_1315 = vector.shape_cast %get3A_1314 : vector<1x16xf32> to vector<16xf32>
      %get3A_1316 = arith.constant 22 : i32
      %get3A_1317 = arith.index_cast %get3A_1316 : i32 to index
      %get3A_1318 = arith.index_cast %sub3A_17 : i32 to index
      %get3A_1319 = tpu.vector_load %arg6[%get3A_1317, %get3A_1318] {strides = array<i32>} : memref<32x256xf32, #tpu.memory_space<vmem>>, vector<1x16xf32>,
      %get3A_1320 = vector.shape_cast %get3A_1319 : vector<1x16xf32> to vector<16xf32>
      %get3A_1321 = arith.constant 23 : i32
      %get3A_1322 = arith.index_cast %get3A_1321 : i32 to index
      %get3A_1323 = arith.index_cast %sub3A_17 : i32 to index
      %get3A_1324 = tpu.vector_load %arg6[%get3A_1322, %get3A_1323] {strides = array<i32>} : memref<32x256xf32, #tpu.memory_space<vmem>>, vector<1x16xf32>,
      %get3A_1325 = vector.shape_cast %get3A_1324 : vector<1x16xf32> to vector<16xf32>
      %get3A_1326 = arith.constant 24 : i32
      %get3A_1327 = arith.index_cast %get3A_1326 : i32 to index
      %get3A_1328 = arith.index_cast %sub3A_17 : i32 to index
      %get3A_1329 = tpu.vector_load %arg6[%get3A_1327, %get3A_1328] {strides = array<i32>} : memref<32x256xf32, #tpu.memory_space<vmem>>, vector<1x16xf32>,
      %get3A_1330 = vector.shape_cast %get3A_1329 : vector<1x16xf32> to vector<16xf32>
      %get3A_1331 = arith.constant 25 : i32
      %get3A_1332 = arith.index_cast %get3A_1331 : i32 to index
      %get3A_1333 = arith.index_cast %sub3A_17 : i32 to index
      %get3A_1334 = tpu.vector_load %arg6[%get3A_1332, %get3A_1333] {strides = array<i32>} : memref<32x256xf32, #tpu.memory_space<vmem>>, vector<1x16xf32>,
      %get3A_1335 = vector.shape_cast %get3A_1334 : vector<1x16xf32> to vector<16xf32>
      %get3A_1336 = arith.constant 26 : i32
      %get3A_1337 = arith.index_cast %get3A_1336 : i32 to index
      %get3A_1338 = arith.index_cast %sub3A_17 : i32 to index
      %get3A_1339 = tpu.vector_load %arg6[%get3A_1337, %get3A_1338] {strides = array<i32>} : memref<32x256xf32, #tpu.memory_space<vmem>>, vector<1x16xf32>,
      %get3A_1340 = vector.shape_cast %get3A_1339 : vector<1x16xf32> to vector<16xf32>
      %get3A_1341 = arith.constant 27 : i32
      %get3A_1342 = arith.index_cast %get3A_1341 : i32 to index
      %get3A_1343 = arith.index_cast %sub3A_17 : i32 to index
      %get3A_1344 = tpu.vector_load %arg6[%get3A_1342, %get3A_1343] {strides = array<i32>} : memref<32x256xf32, #tpu.memory_space<vmem>>, vector<1x16xf32>,
      %get3A_1345 = vector.shape_cast %get3A_1344 : vector<1x16xf32> to vector<16xf32>
      %get3A_1346 = arith.constant 28 : i32
      %get3A_1347 = arith.index_cast %get3A_1346 : i32 to index
      %get3A_1348 = arith.index_cast %sub3A_17 : i32 to index
      %get3A_1349 = tpu.vector_load %arg6[%get3A_1347, %get3A_1348] {strides = array<i32>} : memref<32x256xf32, #tpu.memory_space<vmem>>, vector<1x16xf32>,
      %get3A_1350 = vector.shape_cast %get3A_1349 : vector<1x16xf32> to vector<16xf32>
      %get3A_1351 = arith.constant 29 : i32
      %get3A_1352 = arith.index_cast %get3A_1351 : i32 to index
      %get3A_1353 = arith.index_cast %sub3A_17 : i32 to index
      %get3A_1354 = tpu.vector_load %arg6[%get3A_1352, %get3A_1353] {strides = array<i32>} : memref<32x256xf32, #tpu.memory_space<vmem>>, vector<1x16xf32>,
      %get3A_1355 = vector.shape_cast %get3A_1354 : vector<1x16xf32> to vector<16xf32>
      %get3A_1356 = arith.constant 30 : i32
      %get3A_1357 = arith.index_cast %get3A_1356 : i32 to index
      %get3A_1358 = arith.index_cast %sub3A_17 : i32 to index
      %get3A_1359 = tpu.vector_load %arg6[%get3A_1357, %get3A_1358] {strides = array<i32>} : memref<32x256xf32, #tpu.memory_space<vmem>>, vector<1x16xf32>,
      %get3A_1360 = vector.shape_cast %get3A_1359 : vector<1x16xf32> to vector<16xf32>
      %get3A_1361 = arith.constant 31 : i32
      %get3A_1362 = arith.index_cast %get3A_1361 : i32 to index
      %get3A_1363 = arith.index_cast %sub3A_17 : i32 to index
      %get3A_1364 = tpu.vector_load %arg6[%get3A_1362, %get3A_1363] {strides = array<i32>} : memref<32x256xf32, #tpu.memory_space<vmem>>, vector<1x16xf32>,
      %get3A_1365 = vector.shape_cast %get3A_1364 : vector<1x16xf32> to vector<16xf32>
      %xor3A_1366 = arith.constant 1 : i32
      %xor3A_1367 = vector.broadcast %xor3A_1366 : i32 to vector<16xi32>
      %xor3A_1368 = arith.xori %iota3A, %xor3A_1367 : vector<16xi32>
      %lt3A_1369 = arith.constant 0 : i32
      %lt3A_1370 = vector.broadcast %lt3A_1369 : i32 to vector<16xi32>
      %lt3A_1371 = arith.cmpi slt, %xor3A_1368, %lt3A_1370 : vector<16xi32>
      %add3A_1372 = arith.constant 16 : i32
      %add3A_1373 = vector.broadcast %add3A_1372 : i32 to vector<16xi32>
      %add3A_1374 = arith.addi %xor3A_1368, %add3A_1373 : vector<16xi32>
      %select_n3A_1375 = arith.select %lt3A_1371, %add3A_1374, %xor3A_1368 : vector<16xi1>, vector<16xi32>
      %broadcast_in_dim3A_1376 = vector.shape_cast %select_n3A_1375 : vector<16xi32> to vector<16x1xi32>
      %gather3A_1377 = vector.shape_cast %broadcast_in_dim3A_1376 : vector<16x1xi32> to vector<16xi32>
      %gather3A_1378 = tpu.dynamic_gather %get3A_1295[%gather3A_1377] in [0] : vector<16xf32>, vector<16xi32> -> vector<16xf32>
      %and3A_1379 = arith.constant 1 : i32
      %and3A_1380 = vector.broadcast %and3A_1379 : i32 to vector<16xi32>
      %and3A_1381 = arith.andi %iota3A, %and3A_1380 : vector<16xi32>
      %eq3A_1382 = arith.constant 0 : i32
      %eq3A_1383 = vector.broadcast %eq3A_1382 : i32 to vector<16xi32>
      %eq3A_1384 = arith.cmpi eq, %and3A_1381, %eq3A_1383 : vector<16xi32>
      %select_n3A_1385 = arith.select %eq3A_1384, %get3A_1290, %gather3A_1378 : vector<16xi1>, vector<16xf32>
      %lt3A_1386 = arith.constant 0 : i32
      %lt3A_1387 = vector.broadcast %lt3A_1386 : i32 to vector<16xi32>
      %lt3A_1388 = arith.cmpi slt, %xor3A_1368, %lt3A_1387 : vector<16xi32>
      %add3A_1389 = arith.constant 16 : i32
      %add3A_1390 = vector.broadcast %add3A_1389 : i32 to vector<16xi32>
      %add3A_1391 = arith.addi %xor3A_1368, %add3A_1390 : vector<16xi32>
      %select_n3A_1392 = arith.select %lt3A_1388, %add3A_1391, %xor3A_1368 : vector<16xi1>, vector<16xi32>
      %broadcast_in_dim3A_1393 = vector.shape_cast %select_n3A_1392 : vector<16xi32> to vector<16x1xi32>
      %gather3A_1394 = vector.shape_cast %broadcast_in_dim3A_1393 : vector<16x1xi32> to vector<16xi32>
      %gather3A_1395 = tpu.dynamic_gather %get3A_1290[%gather3A_1394] in [0] : vector<16xf32>, vector<16xi32> -> vector<16xf32>
      %and3A_1396 = arith.constant 1 : i32
      %and3A_1397 = vector.broadcast %and3A_1396 : i32 to vector<16xi32>
      %and3A_1398 = arith.andi %iota3A, %and3A_1397 : vector<16xi32>
      %eq3A_1399 = arith.constant 1 : i32
      %eq3A_1400 = vector.broadcast %eq3A_1399 : i32 to vector<16xi32>
      %eq3A_1401 = arith.cmpi eq, %and3A_1398, %eq3A_1400 : vector<16xi32>
      %select_n3A_1402 = arith.select %eq3A_1401, %get3A_1295, %gather3A_1395 : vector<16xi1>, vector<16xf32>
      %lt3A_1403 = arith.constant 0 : i32
      %lt3A_1404 = vector.broadcast %lt3A_1403 : i32 to vector<16xi32>
      %lt3A_1405 = arith.cmpi slt, %xor3A_1368, %lt3A_1404 : vector<16xi32>
      %add3A_1406 = arith.constant 16 : i32
      %add3A_1407 = vector.broadcast %add3A_1406 : i32 to vector<16xi32>
      %add3A_1408 = arith.addi %xor3A_1368, %add3A_1407 : vector<16xi32>
      %select_n3A_1409 = arith.select %lt3A_1405, %add3A_1408, %xor3A_1368 : vector<16xi1>, vector<16xi32>
      %broadcast_in_dim3A_1410 = vector.shape_cast %select_n3A_1409 : vector<16xi32> to vector<16x1xi32>
      %gather3A_1411 = vector.shape_cast %broadcast_in_dim3A_1410 : vector<16x1xi32> to vector<16xi32>
      %gather3A_1412 = tpu.dynamic_gather %get3A_1305[%gather3A_1411] in [0] : vector<16xf32>, vector<16xi32> -> vector<16xf32>
      %and3A_1413 = arith.constant 1 : i32
      %and3A_1414 = vector.broadcast %and3A_1413 : i32 to vector<16xi32>
      %and3A_1415 = arith.andi %iota3A, %and3A_1414 : vector<16xi32>
      %eq3A_1416 = arith.constant 0 : i32
      %eq3A_1417 = vector.broadcast %eq3A_1416 : i32 to vector<16xi32>
      %eq3A_1418 = arith.cmpi eq, %and3A_1415, %eq3A_1417 : vector<16xi32>
      %select_n3A_1419 = arith.select %eq3A_1418, %get3A_1300, %gather3A_1412 : vector<16xi1>, vector<16xf32>
      %lt3A_1420 = arith.constant 0 : i32
      %lt3A_1421 = vector.broadcast %lt3A_1420 : i32 to vector<16xi32>
      %lt3A_1422 = arith.cmpi slt, %xor3A_1368, %lt3A_1421 : vector<16xi32>
      %add3A_1423 = arith.constant 16 : i32
      %add3A_1424 = vector.broadcast %add3A_1423 : i32 to vector<16xi32>
      %add3A_1425 = arith.addi %xor3A_1368, %add3A_1424 : vector<16xi32>
      %select_n3A_1426 = arith.select %lt3A_1422, %add3A_1425, %xor3A_1368 : vector<16xi1>, vector<16xi32>
      %broadcast_in_dim3A_1427 = vector.shape_cast %select_n3A_1426 : vector<16xi32> to vector<16x1xi32>
      %gather3A_1428 = vector.shape_cast %broadcast_in_dim3A_1427 : vector<16x1xi32> to vector<16xi32>
      %gather3A_1429 = tpu.dynamic_gather %get3A_1300[%gather3A_1428] in [0] : vector<16xf32>, vector<16xi32> -> vector<16xf32>
      %and3A_1430 = arith.constant 1 : i32
      %and3A_1431 = vector.broadcast %and3A_1430 : i32 to vector<16xi32>
      %and3A_1432 = arith.andi %iota3A, %and3A_1431 : vector<16xi32>
      %eq3A_1433 = arith.constant 1 : i32
      %eq3A_1434 = vector.broadcast %eq3A_1433 : i32 to vector<16xi32>
      %eq3A_1435 = arith.cmpi eq, %and3A_1432, %eq3A_1434 : vector<16xi32>
      %select_n3A_1436 = arith.select %eq3A_1435, %get3A_1305, %gather3A_1429 : vector<16xi1>, vector<16xf32>
      %lt3A_1437 = arith.constant 0 : i32
      %lt3A_1438 = vector.broadcast %lt3A_1437 : i32 to vector<16xi32>
      %lt3A_1439 = arith.cmpi slt, %xor3A_1368, %lt3A_1438 : vector<16xi32>
      %add3A_1440 = arith.constant 16 : i32
      %add3A_1441 = vector.broadcast %add3A_1440 : i32 to vector<16xi32>
      %add3A_1442 = arith.addi %xor3A_1368, %add3A_1441 : vector<16xi32>
      %select_n3A_1443 = arith.select %lt3A_1439, %add3A_1442, %xor3A_1368 : vector<16xi1>, vector<16xi32>
      %broadcast_in_dim3A_1444 = vector.shape_cast %select_n3A_1443 : vector<16xi32> to vector<16x1xi32>
      %gather3A_1445 = vector.shape_cast %broadcast_in_dim3A_1444 : vector<16x1xi32> to vector<16xi32>
      %gather3A_1446 = tpu.dynamic_gather %get3A_1315[%gather3A_1445] in [0] : vector<16xf32>, vector<16xi32> -> vector<16xf32>
      %and3A_1447 = arith.constant 1 : i32
      %and3A_1448 = vector.broadcast %and3A_1447 : i32 to vector<16xi32>
      %and3A_1449 = arith.andi %iota3A, %and3A_1448 : vector<16xi32>
      %eq3A_1450 = arith.constant 0 : i32
      %eq3A_1451 = vector.broadcast %eq3A_1450 : i32 to vector<16xi32>
      %eq3A_1452 = arith.cmpi eq, %and3A_1449, %eq3A_1451 : vector<16xi32>
      %select_n3A_1453 = arith.select %eq3A_1452, %get3A_1310, %gather3A_1446 : vector<16xi1>, vector<16xf32>
      %lt3A_1454 = arith.constant 0 : i32
      %lt3A_1455 = vector.broadcast %lt3A_1454 : i32 to vector<16xi32>
      %lt3A_1456 = arith.cmpi slt, %xor3A_1368, %lt3A_1455 : vector<16xi32>
      %add3A_1457 = arith.constant 16 : i32
      %add3A_1458 = vector.broadcast %add3A_1457 : i32 to vector<16xi32>
      %add3A_1459 = arith.addi %xor3A_1368, %add3A_1458 : vector<16xi32>
      %select_n3A_1460 = arith.select %lt3A_1456, %add3A_1459, %xor3A_1368 : vector<16xi1>, vector<16xi32>
      %broadcast_in_dim3A_1461 = vector.shape_cast %select_n3A_1460 : vector<16xi32> to vector<16x1xi32>
      %gather3A_1462 = vector.shape_cast %broadcast_in_dim3A_1461 : vector<16x1xi32> to vector<16xi32>
      %gather3A_1463 = tpu.dynamic_gather %get3A_1310[%gather3A_1462] in [0] : vector<16xf32>, vector<16xi32> -> vector<16xf32>
      %and3A_1464 = arith.constant 1 : i32
      %and3A_1465 = vector.broadcast %and3A_1464 : i32 to vector<16xi32>
      %and3A_1466 = arith.andi %iota3A, %and3A_1465 : vector<16xi32>
      %eq3A_1467 = arith.constant 1 : i32
      %eq3A_1468 = vector.broadcast %eq3A_1467 : i32 to vector<16xi32>
      %eq3A_1469 = arith.cmpi eq, %and3A_1466, %eq3A_1468 : vector<16xi32>
      %select_n3A_1470 = arith.select %eq3A_1469, %get3A_1315, %gather3A_1463 : vector<16xi1>, vector<16xf32>
      %lt3A_1471 = arith.constant 0 : i32
      %lt3A_1472 = vector.broadcast %lt3A_1471 : i32 to vector<16xi32>
      %lt3A_1473 = arith.cmpi slt, %xor3A_1368, %lt3A_1472 : vector<16xi32>
      %add3A_1474 = arith.constant 16 : i32
      %add3A_1475 = vector.broadcast %add3A_1474 : i32 to vector<16xi32>
      %add3A_1476 = arith.addi %xor3A_1368, %add3A_1475 : vector<16xi32>
      %select_n3A_1477 = arith.select %lt3A_1473, %add3A_1476, %xor3A_1368 : vector<16xi1>, vector<16xi32>
      %broadcast_in_dim3A_1478 = vector.shape_cast %select_n3A_1477 : vector<16xi32> to vector<16x1xi32>
      %gather3A_1479 = vector.shape_cast %broadcast_in_dim3A_1478 : vector<16x1xi32> to vector<16xi32>
      %gather3A_1480 = tpu.dynamic_gather %get3A_1325[%gather3A_1479] in [0] : vector<16xf32>, vector<16xi32> -> vector<16xf32>
      %and3A_1481 = arith.constant 1 : i32
      %and3A_1482 = vector.broadcast %and3A_1481 : i32 to vector<16xi32>
      %and3A_1483 = arith.andi %iota3A, %and3A_1482 : vector<16xi32>
      %eq3A_1484 = arith.constant 0 : i32
      %eq3A_1485 = vector.broadcast %eq3A_1484 : i32 to vector<16xi32>
      %eq3A_1486 = arith.cmpi eq, %and3A_1483, %eq3A_1485 : vector<16xi32>
      %select_n3A_1487 = arith.select %eq3A_1486, %get3A_1320, %gather3A_1480 : vector<16xi1>, vector<16xf32>
      %lt3A_1488 = arith.constant 0 : i32
      %lt3A_1489 = vector.broadcast %lt3A_1488 : i32 to vector<16xi32>
      %lt3A_1490 = arith.cmpi slt, %xor3A_1368, %lt3A_1489 : vector<16xi32>
      %add3A_1491 = arith.constant 16 : i32
      %add3A_1492 = vector.broadcast %add3A_1491 : i32 to vector<16xi32>
      %add3A_1493 = arith.addi %xor3A_1368, %add3A_1492 : vector<16xi32>
      %select_n3A_1494 = arith.select %lt3A_1490, %add3A_1493, %xor3A_1368 : vector<16xi1>, vector<16xi32>
      %broadcast_in_dim3A_1495 = vector.shape_cast %select_n3A_1494 : vector<16xi32> to vector<16x1xi32>
      %gather3A_1496 = vector.shape_cast %broadcast_in_dim3A_1495 : vector<16x1xi32> to vector<16xi32>
      %gather3A_1497 = tpu.dynamic_gather %get3A_1320[%gather3A_1496] in [0] : vector<16xf32>, vector<16xi32> -> vector<16xf32>
      %and3A_1498 = arith.constant 1 : i32
      %and3A_1499 = vector.broadcast %and3A_1498 : i32 to vector<16xi32>
      %and3A_1500 = arith.andi %iota3A, %and3A_1499 : vector<16xi32>
      %eq3A_1501 = arith.constant 1 : i32
      %eq3A_1502 = vector.broadcast %eq3A_1501 : i32 to vector<16xi32>
      %eq3A_1503 = arith.cmpi eq, %and3A_1500, %eq3A_1502 : vector<16xi32>
      %select_n3A_1504 = arith.select %eq3A_1503, %get3A_1325, %gather3A_1497 : vector<16xi1>, vector<16xf32>
      %lt3A_1505 = arith.constant 0 : i32
      %lt3A_1506 = vector.broadcast %lt3A_1505 : i32 to vector<16xi32>
      %lt3A_1507 = arith.cmpi slt, %xor3A_1368, %lt3A_1506 : vector<16xi32>
      %add3A_1508 = arith.constant 16 : i32
      %add3A_1509 = vector.broadcast %add3A_1508 : i32 to vector<16xi32>
      %add3A_1510 = arith.addi %xor3A_1368, %add3A_1509 : vector<16xi32>
      %select_n3A_1511 = arith.select %lt3A_1507, %add3A_1510, %xor3A_1368 : vector<16xi1>, vector<16xi32>
      %broadcast_in_dim3A_1512 = vector.shape_cast %select_n3A_1511 : vector<16xi32> to vector<16x1xi32>
      %gather3A_1513 = vector.shape_cast %broadcast_in_dim3A_1512 : vector<16x1xi32> to vector<16xi32>
      %gather3A_1514 = tpu.dynamic_gather %get3A_1335[%gather3A_1513] in [0] : vector<16xf32>, vector<16xi32> -> vector<16xf32>
      %and3A_1515 = arith.constant 1 : i32
      %and3A_1516 = vector.broadcast %and3A_1515 : i32 to vector<16xi32>
      %and3A_1517 = arith.andi %iota3A, %and3A_1516 : vector<16xi32>
      %eq3A_1518 = arith.constant 0 : i32
      %eq3A_1519 = vector.broadcast %eq3A_1518 : i32 to vector<16xi32>
      %eq3A_1520 = arith.cmpi eq, %and3A_1517, %eq3A_1519 : vector<16xi32>
      %select_n3A_1521 = arith.select %eq3A_1520, %get3A_1330, %gather3A_1514 : vector<16xi1>, vector<16xf32>
      %lt3A_1522 = arith.constant 0 : i32
      %lt3A_1523 = vector.broadcast %lt3A_1522 : i32 to vector<16xi32>
      %lt3A_1524 = arith.cmpi slt, %xor3A_1368, %lt3A_1523 : vector<16xi32>
      %add3A_1525 = arith.constant 16 : i32
      %add3A_1526 = vector.broadcast %add3A_1525 : i32 to vector<16xi32>
      %add3A_1527 = arith.addi %xor3A_1368, %add3A_1526 : vector<16xi32>
      %select_n3A_1528 = arith.select %lt3A_1524, %add3A_1527, %xor3A_1368 : vector<16xi1>, vector<16xi32>
      %broadcast_in_dim3A_1529 = vector.shape_cast %select_n3A_1528 : vector<16xi32> to vector<16x1xi32>
      %gather3A_1530 = vector.shape_cast %broadcast_in_dim3A_1529 : vector<16x1xi32> to vector<16xi32>
      %gather3A_1531 = tpu.dynamic_gather %get3A_1330[%gather3A_1530] in [0] : vector<16xf32>, vector<16xi32> -> vector<16xf32>
      %and3A_1532 = arith.constant 1 : i32
      %and3A_1533 = vector.broadcast %and3A_1532 : i32 to vector<16xi32>
      %and3A_1534 = arith.andi %iota3A, %and3A_1533 : vector<16xi32>
      %eq3A_1535 = arith.constant 1 : i32
      %eq3A_1536 = vector.broadcast %eq3A_1535 : i32 to vector<16xi32>
      %eq3A_1537 = arith.cmpi eq, %and3A_1534, %eq3A_1536 : vector<16xi32>
      %select_n3A_1538 = arith.select %eq3A_1537, %get3A_1335, %gather3A_1531 : vector<16xi1>, vector<16xf32>
      %lt3A_1539 = arith.constant 0 : i32
      %lt3A_1540 = vector.broadcast %lt3A_1539 : i32 to vector<16xi32>
      %lt3A_1541 = arith.cmpi slt, %xor3A_1368, %lt3A_1540 : vector<16xi32>
      %add3A_1542 = arith.constant 16 : i32
      %add3A_1543 = vector.broadcast %add3A_1542 : i32 to vector<16xi32>
      %add3A_1544 = arith.addi %xor3A_1368, %add3A_1543 : vector<16xi32>
      %select_n3A_1545 = arith.select %lt3A_1541, %add3A_1544, %xor3A_1368 : vector<16xi1>, vector<16xi32>
      %broadcast_in_dim3A_1546 = vector.shape_cast %select_n3A_1545 : vector<16xi32> to vector<16x1xi32>
      %gather3A_1547 = vector.shape_cast %broadcast_in_dim3A_1546 : vector<16x1xi32> to vector<16xi32>
      %gather3A_1548 = tpu.dynamic_gather %get3A_1345[%gather3A_1547] in [0] : vector<16xf32>, vector<16xi32> -> vector<16xf32>
      %and3A_1549 = arith.constant 1 : i32
      %and3A_1550 = vector.broadcast %and3A_1549 : i32 to vector<16xi32>
      %and3A_1551 = arith.andi %iota3A, %and3A_1550 : vector<16xi32>
      %eq3A_1552 = arith.constant 0 : i32
      %eq3A_1553 = vector.broadcast %eq3A_1552 : i32 to vector<16xi32>
      %eq3A_1554 = arith.cmpi eq, %and3A_1551, %eq3A_1553 : vector<16xi32>
      %select_n3A_1555 = arith.select %eq3A_1554, %get3A_1340, %gather3A_1548 : vector<16xi1>, vector<16xf32>
      %lt3A_1556 = arith.constant 0 : i32
      %lt3A_1557 = vector.broadcast %lt3A_1556 : i32 to vector<16xi32>
      %lt3A_1558 = arith.cmpi slt, %xor3A_1368, %lt3A_1557 : vector<16xi32>
      %add3A_1559 = arith.constant 16 : i32
      %add3A_1560 = vector.broadcast %add3A_1559 : i32 to vector<16xi32>
      %add3A_1561 = arith.addi %xor3A_1368, %add3A_1560 : vector<16xi32>
      %select_n3A_1562 = arith.select %lt3A_1558, %add3A_1561, %xor3A_1368 : vector<16xi1>, vector<16xi32>
      %broadcast_in_dim3A_1563 = vector.shape_cast %select_n3A_1562 : vector<16xi32> to vector<16x1xi32>
      %gather3A_1564 = vector.shape_cast %broadcast_in_dim3A_1563 : vector<16x1xi32> to vector<16xi32>
      %gather3A_1565 = tpu.dynamic_gather %get3A_1340[%gather3A_1564] in [0] : vector<16xf32>, vector<16xi32> -> vector<16xf32>
      %and3A_1566 = arith.constant 1 : i32
      %and3A_1567 = vector.broadcast %and3A_1566 : i32 to vector<16xi32>
      %and3A_1568 = arith.andi %iota3A, %and3A_1567 : vector<16xi32>
      %eq3A_1569 = arith.constant 1 : i32
      %eq3A_1570 = vector.broadcast %eq3A_1569 : i32 to vector<16xi32>
      %eq3A_1571 = arith.cmpi eq, %and3A_1568, %eq3A_1570 : vector<16xi32>
      %select_n3A_1572 = arith.select %eq3A_1571, %get3A_1345, %gather3A_1565 : vector<16xi1>, vector<16xf32>
      %lt3A_1573 = arith.constant 0 : i32
      %lt3A_1574 = vector.broadcast %lt3A_1573 : i32 to vector<16xi32>
      %lt3A_1575 = arith.cmpi slt, %xor3A_1368, %lt3A_1574 : vector<16xi32>
      %add3A_1576 = arith.constant 16 : i32
      %add3A_1577 = vector.broadcast %add3A_1576 : i32 to vector<16xi32>
      %add3A_1578 = arith.addi %xor3A_1368, %add3A_1577 : vector<16xi32>
      %select_n3A_1579 = arith.select %lt3A_1575, %add3A_1578, %xor3A_1368 : vector<16xi1>, vector<16xi32>
      %broadcast_in_dim3A_1580 = vector.shape_cast %select_n3A_1579 : vector<16xi32> to vector<16x1xi32>
      %gather3A_1581 = vector.shape_cast %broadcast_in_dim3A_1580 : vector<16x1xi32> to vector<16xi32>
      %gather3A_1582 = tpu.dynamic_gather %get3A_1355[%gather3A_1581] in [0] : vector<16xf32>, vector<16xi32> -> vector<16xf32>
      %and3A_1583 = arith.constant 1 : i32
      %and3A_1584 = vector.broadcast %and3A_1583 : i32 to vector<16xi32>
      %and3A_1585 = arith.andi %iota3A, %and3A_1584 : vector<16xi32>
      %eq3A_1586 = arith.constant 0 : i32
      %eq3A_1587 = vector.broadcast %eq3A_1586 : i32 to vector<16xi32>
      %eq3A_1588 = arith.cmpi eq, %and3A_1585, %eq3A_1587 : vector<16xi32>
      %select_n3A_1589 = arith.select %eq3A_1588, %get3A_1350, %gather3A_1582 : vector<16xi1>, vector<16xf32>
      %lt3A_1590 = arith.constant 0 : i32
      %lt3A_1591 = vector.broadcast %lt3A_1590 : i32 to vector<16xi32>
      %lt3A_1592 = arith.cmpi slt, %xor3A_1368, %lt3A_1591 : vector<16xi32>
      %add3A_1593 = arith.constant 16 : i32
      %add3A_1594 = vector.broadcast %add3A_1593 : i32 to vector<16xi32>
      %add3A_1595 = arith.addi %xor3A_1368, %add3A_1594 : vector<16xi32>
      %select_n3A_1596 = arith.select %lt3A_1592, %add3A_1595, %xor3A_1368 : vector<16xi1>, vector<16xi32>
      %broadcast_in_dim3A_1597 = vector.shape_cast %select_n3A_1596 : vector<16xi32> to vector<16x1xi32>
      %gather3A_1598 = vector.shape_cast %broadcast_in_dim3A_1597 : vector<16x1xi32> to vector<16xi32>
      %gather3A_1599 = tpu.dynamic_gather %get3A_1350[%gather3A_1598] in [0] : vector<16xf32>, vector<16xi32> -> vector<16xf32>
      %and3A_1600 = arith.constant 1 : i32
      %and3A_1601 = vector.broadcast %and3A_1600 : i32 to vector<16xi32>
      %and3A_1602 = arith.andi %iota3A, %and3A_1601 : vector<16xi32>
      %eq3A_1603 = arith.constant 1 : i32
      %eq3A_1604 = vector.broadcast %eq3A_1603 : i32 to vector<16xi32>
      %eq3A_1605 = arith.cmpi eq, %and3A_1602, %eq3A_1604 : vector<16xi32>
      %select_n3A_1606 = arith.select %eq3A_1605, %get3A_1355, %gather3A_1599 : vector<16xi1>, vector<16xf32>
      %lt3A_1607 = arith.constant 0 : i32
      %lt3A_1608 = vector.broadcast %lt3A_1607 : i32 to vector<16xi32>
      %lt3A_1609 = arith.cmpi slt, %xor3A_1368, %lt3A_1608 : vector<16xi32>
      %add3A_1610 = arith.constant 16 : i32
      %add3A_1611 = vector.broadcast %add3A_1610 : i32 to vector<16xi32>
      %add3A_1612 = arith.addi %xor3A_1368, %add3A_1611 : vector<16xi32>
      %select_n3A_1613 = arith.select %lt3A_1609, %add3A_1612, %xor3A_1368 : vector<16xi1>, vector<16xi32>
      %broadcast_in_dim3A_1614 = vector.shape_cast %select_n3A_1613 : vector<16xi32> to vector<16x1xi32>
      %gather3A_1615 = vector.shape_cast %broadcast_in_dim3A_1614 : vector<16x1xi32> to vector<16xi32>
      %gather3A_1616 = tpu.dynamic_gather %get3A_1365[%gather3A_1615] in [0] : vector<16xf32>, vector<16xi32> -> vector<16xf32>
      %and3A_1617 = arith.constant 1 : i32
      %and3A_1618 = vector.broadcast %and3A_1617 : i32 to vector<16xi32>
      %and3A_1619 = arith.andi %iota3A, %and3A_1618 : vector<16xi32>
      %eq3A_1620 = arith.constant 0 : i32
      %eq3A_1621 = vector.broadcast %eq3A_1620 : i32 to vector<16xi32>
      %eq3A_1622 = arith.cmpi eq, %and3A_1619, %eq3A_1621 : vector<16xi32>
      %select_n3A_1623 = arith.select %eq3A_1622, %get3A_1360, %gather3A_1616 : vector<16xi1>, vector<16xf32>
      %lt3A_1624 = arith.constant 0 : i32
      %lt3A_1625 = vector.broadcast %lt3A_1624 : i32 to vector<16xi32>
      %lt3A_1626 = arith.cmpi slt, %xor3A_1368, %lt3A_1625 : vector<16xi32>
      %add3A_1627 = arith.constant 16 : i32
      %add3A_1628 = vector.broadcast %add3A_1627 : i32 to vector<16xi32>
      %add3A_1629 = arith.addi %xor3A_1368, %add3A_1628 : vector<16xi32>
      %select_n3A_1630 = arith.select %lt3A_1626, %add3A_1629, %xor3A_1368 : vector<16xi1>, vector<16xi32>
      %broadcast_in_dim3A_1631 = vector.shape_cast %select_n3A_1630 : vector<16xi32> to vector<16x1xi32>
      %gather3A_1632 = vector.shape_cast %broadcast_in_dim3A_1631 : vector<16x1xi32> to vector<16xi32>
      %gather3A_1633 = tpu.dynamic_gather %get3A_1360[%gather3A_1632] in [0] : vector<16xf32>, vector<16xi32> -> vector<16xf32>
      %and3A_1634 = arith.constant 1 : i32
      %and3A_1635 = vector.broadcast %and3A_1634 : i32 to vector<16xi32>
      %and3A_1636 = arith.andi %iota3A, %and3A_1635 : vector<16xi32>
      %eq3A_1637 = arith.constant 1 : i32
      %eq3A_1638 = vector.broadcast %eq3A_1637 : i32 to vector<16xi32>
      %eq3A_1639 = arith.cmpi eq, %and3A_1636, %eq3A_1638 : vector<16xi32>
      %select_n3A_1640 = arith.select %eq3A_1639, %get3A_1365, %gather3A_1633 : vector<16xi1>, vector<16xf32>
      %xor3A_1641 = arith.constant 2 : i32
      %xor3A_1642 = vector.broadcast %xor3A_1641 : i32 to vector<16xi32>
      %xor3A_1643 = arith.xori %iota3A, %xor3A_1642 : vector<16xi32>
      %lt3A_1644 = arith.constant 0 : i32
      %lt3A_1645 = vector.broadcast %lt3A_1644 : i32 to vector<16xi32>
      %lt3A_1646 = arith.cmpi slt, %xor3A_1643, %lt3A_1645 : vector<16xi32>
      %add3A_1647 = arith.constant 16 : i32
      %add3A_1648 = vector.broadcast %add3A_1647 : i32 to vector<16xi32>
      %add3A_1649 = arith.addi %xor3A_1643, %add3A_1648 : vector<16xi32>
      %select_n3A_1650 = arith.select %lt3A_1646, %add3A_1649, %xor3A_1643 : vector<16xi1>, vector<16xi32>
      %broadcast_in_dim3A_1651 = vector.shape_cast %select_n3A_1650 : vector<16xi32> to vector<16x1xi32>
      %gather3A_1652 = vector.shape_cast %broadcast_in_dim3A_1651 : vector<16x1xi32> to vector<16xi32>
      %gather3A_1653 = tpu.dynamic_gather %select_n3A_1419[%gather3A_1652] in [0] : vector<16xf32>, vector<16xi32> -> vector<16xf32>
      %and3A_1654 = arith.constant 2 : i32
      %and3A_1655 = vector.broadcast %and3A_1654 : i32 to vector<16xi32>
      %and3A_1656 = arith.andi %iota3A, %and3A_1655 : vector<16xi32>
      %eq3A_1657 = arith.constant 0 : i32
      %eq3A_1658 = vector.broadcast %eq3A_1657 : i32 to vector<16xi32>
      %eq3A_1659 = arith.cmpi eq, %and3A_1656, %eq3A_1658 : vector<16xi32>
      %select_n3A_1660 = arith.select %eq3A_1659, %select_n3A_1385, %gather3A_1653 : vector<16xi1>, vector<16xf32>
      %lt3A_1661 = arith.constant 0 : i32
      %lt3A_1662 = vector.broadcast %lt3A_1661 : i32 to vector<16xi32>
      %lt3A_1663 = arith.cmpi slt, %xor3A_1643, %lt3A_1662 : vector<16xi32>
      %add3A_1664 = arith.constant 16 : i32
      %add3A_1665 = vector.broadcast %add3A_1664 : i32 to vector<16xi32>
      %add3A_1666 = arith.addi %xor3A_1643, %add3A_1665 : vector<16xi32>
      %select_n3A_1667 = arith.select %lt3A_1663, %add3A_1666, %xor3A_1643 : vector<16xi1>, vector<16xi32>
      %broadcast_in_dim3A_1668 = vector.shape_cast %select_n3A_1667 : vector<16xi32> to vector<16x1xi32>
      %gather3A_1669 = vector.shape_cast %broadcast_in_dim3A_1668 : vector<16x1xi32> to vector<16xi32>
      %gather3A_1670 = tpu.dynamic_gather %select_n3A_1436[%gather3A_1669] in [0] : vector<16xf32>, vector<16xi32> -> vector<16xf32>
      %and3A_1671 = arith.constant 2 : i32
      %and3A_1672 = vector.broadcast %and3A_1671 : i32 to vector<16xi32>
      %and3A_1673 = arith.andi %iota3A, %and3A_1672 : vector<16xi32>
      %eq3A_1674 = arith.constant 0 : i32
      %eq3A_1675 = vector.broadcast %eq3A_1674 : i32 to vector<16xi32>
      %eq3A_1676 = arith.cmpi eq, %and3A_1673, %eq3A_1675 : vector<16xi32>
      %select_n3A_1677 = arith.select %eq3A_1676, %select_n3A_1402, %gather3A_1670 : vector<16xi1>, vector<16xf32>
      %lt3A_1678 = arith.constant 0 : i32
      %lt3A_1679 = vector.broadcast %lt3A_1678 : i32 to vector<16xi32>
      %lt3A_1680 = arith.cmpi slt, %xor3A_1643, %lt3A_1679 : vector<16xi32>
      %add3A_1681 = arith.constant 16 : i32
      %add3A_1682 = vector.broadcast %add3A_1681 : i32 to vector<16xi32>
      %add3A_1683 = arith.addi %xor3A_1643, %add3A_1682 : vector<16xi32>
      %select_n3A_1684 = arith.select %lt3A_1680, %add3A_1683, %xor3A_1643 : vector<16xi1>, vector<16xi32>
      %broadcast_in_dim3A_1685 = vector.shape_cast %select_n3A_1684 : vector<16xi32> to vector<16x1xi32>
      %gather3A_1686 = vector.shape_cast %broadcast_in_dim3A_1685 : vector<16x1xi32> to vector<16xi32>
      %gather3A_1687 = tpu.dynamic_gather %select_n3A_1385[%gather3A_1686] in [0] : vector<16xf32>, vector<16xi32> -> vector<16xf32>
      %and3A_1688 = arith.constant 2 : i32
      %and3A_1689 = vector.broadcast %and3A_1688 : i32 to vector<16xi32>
      %and3A_1690 = arith.andi %iota3A, %and3A_1689 : vector<16xi32>
      %eq3A_1691 = arith.constant 2 : i32
      %eq3A_1692 = vector.broadcast %eq3A_1691 : i32 to vector<16xi32>
      %eq3A_1693 = arith.cmpi eq, %and3A_1690, %eq3A_1692 : vector<16xi32>
      %select_n3A_1694 = arith.select %eq3A_1693, %select_n3A_1419, %gather3A_1687 : vector<16xi1>, vector<16xf32>
      %lt3A_1695 = arith.constant 0 : i32
      %lt3A_1696 = vector.broadcast %lt3A_1695 : i32 to vector<16xi32>
      %lt3A_1697 = arith.cmpi slt, %xor3A_1643, %lt3A_1696 : vector<16xi32>
      %add3A_1698 = arith.constant 16 : i32
      %add3A_1699 = vector.broadcast %add3A_1698 : i32 to vector<16xi32>
      %add3A_1700 = arith.addi %xor3A_1643, %add3A_1699 : vector<16xi32>
      %select_n3A_1701 = arith.select %lt3A_1697, %add3A_1700, %xor3A_1643 : vector<16xi1>, vector<16xi32>
      %broadcast_in_dim3A_1702 = vector.shape_cast %select_n3A_1701 : vector<16xi32> to vector<16x1xi32>
      %gather3A_1703 = vector.shape_cast %broadcast_in_dim3A_1702 : vector<16x1xi32> to vector<16xi32>
      %gather3A_1704 = tpu.dynamic_gather %select_n3A_1402[%gather3A_1703] in [0] : vector<16xf32>, vector<16xi32> -> vector<16xf32>
      %and3A_1705 = arith.constant 2 : i32
      %and3A_1706 = vector.broadcast %and3A_1705 : i32 to vector<16xi32>
      %and3A_1707 = arith.andi %iota3A, %and3A_1706 : vector<16xi32>
      %eq3A_1708 = arith.constant 2 : i32
      %eq3A_1709 = vector.broadcast %eq3A_1708 : i32 to vector<16xi32>
      %eq3A_1710 = arith.cmpi eq, %and3A_1707, %eq3A_1709 : vector<16xi32>
      %select_n3A_1711 = arith.select %eq3A_1710, %select_n3A_1436, %gather3A_1704 : vector<16xi1>, vector<16xf32>
      %lt3A_1712 = arith.constant 0 : i32
      %lt3A_1713 = vector.broadcast %lt3A_1712 : i32 to vector<16xi32>
      %lt3A_1714 = arith.cmpi slt, %xor3A_1643, %lt3A_1713 : vector<16xi32>
      %add3A_1715 = arith.constant 16 : i32
      %add3A_1716 = vector.broadcast %add3A_1715 : i32 to vector<16xi32>
      %add3A_1717 = arith.addi %xor3A_1643, %add3A_1716 : vector<16xi32>
      %select_n3A_1718 = arith.select %lt3A_1714, %add3A_1717, %xor3A_1643 : vector<16xi1>, vector<16xi32>
      %broadcast_in_dim3A_1719 = vector.shape_cast %select_n3A_1718 : vector<16xi32> to vector<16x1xi32>
      %gather3A_1720 = vector.shape_cast %broadcast_in_dim3A_1719 : vector<16x1xi32> to vector<16xi32>
      %gather3A_1721 = tpu.dynamic_gather %select_n3A_1487[%gather3A_1720] in [0] : vector<16xf32>, vector<16xi32> -> vector<16xf32>
      %and3A_1722 = arith.constant 2 : i32
      %and3A_1723 = vector.broadcast %and3A_1722 : i32 to vector<16xi32>
      %and3A_1724 = arith.andi %iota3A, %and3A_1723 : vector<16xi32>
      %eq3A_1725 = arith.constant 0 : i32
      %eq3A_1726 = vector.broadcast %eq3A_1725 : i32 to vector<16xi32>
      %eq3A_1727 = arith.cmpi eq, %and3A_1724, %eq3A_1726 : vector<16xi32>
      %select_n3A_1728 = arith.select %eq3A_1727, %select_n3A_1453, %gather3A_1721 : vector<16xi1>, vector<16xf32>
      %lt3A_1729 = arith.constant 0 : i32
      %lt3A_1730 = vector.broadcast %lt3A_1729 : i32 to vector<16xi32>
      %lt3A_1731 = arith.cmpi slt, %xor3A_1643, %lt3A_1730 : vector<16xi32>
      %add3A_1732 = arith.constant 16 : i32
      %add3A_1733 = vector.broadcast %add3A_1732 : i32 to vector<16xi32>
      %add3A_1734 = arith.addi %xor3A_1643, %add3A_1733 : vector<16xi32>
      %select_n3A_1735 = arith.select %lt3A_1731, %add3A_1734, %xor3A_1643 : vector<16xi1>, vector<16xi32>
      %broadcast_in_dim3A_1736 = vector.shape_cast %select_n3A_1735 : vector<16xi32> to vector<16x1xi32>
      %gather3A_1737 = vector.shape_cast %broadcast_in_dim3A_1736 : vector<16x1xi32> to vector<16xi32>
      %gather3A_1738 = tpu.dynamic_gather %select_n3A_1504[%gather3A_1737] in [0] : vector<16xf32>, vector<16xi32> -> vector<16xf32>
      %and3A_1739 = arith.constant 2 : i32
      %and3A_1740 = vector.broadcast %and3A_1739 : i32 to vector<16xi32>
      %and3A_1741 = arith.andi %iota3A, %and3A_1740 : vector<16xi32>
      %eq3A_1742 = arith.constant 0 : i32
      %eq3A_1743 = vector.broadcast %eq3A_1742 : i32 to vector<16xi32>
      %eq3A_1744 = arith.cmpi eq, %and3A_1741, %eq3A_1743 : vector<16xi32>
      %select_n3A_1745 = arith.select %eq3A_1744, %select_n3A_1470, %gather3A_1738 : vector<16xi1>, vector<16xf32>
      %lt3A_1746 = arith.constant 0 : i32
      %lt3A_1747 = vector.broadcast %lt3A_1746 : i32 to vector<16xi32>
      %lt3A_1748 = arith.cmpi slt, %xor3A_1643, %lt3A_1747 : vector<16xi32>
      %add3A_1749 = arith.constant 16 : i32
      %add3A_1750 = vector.broadcast %add3A_1749 : i32 to vector<16xi32>
      %add3A_1751 = arith.addi %xor3A_1643, %add3A_1750 : vector<16xi32>
      %select_n3A_1752 = arith.select %lt3A_1748, %add3A_1751, %xor3A_1643 : vector<16xi1>, vector<16xi32>
      %broadcast_in_dim3A_1753 = vector.shape_cast %select_n3A_1752 : vector<16xi32> to vector<16x1xi32>
      %gather3A_1754 = vector.shape_cast %broadcast_in_dim3A_1753 : vector<16x1xi32> to vector<16xi32>
      %gather3A_1755 = tpu.dynamic_gather %select_n3A_1453[%gather3A_1754] in [0] : vector<16xf32>, vector<16xi32> -> vector<16xf32>
      %and3A_1756 = arith.constant 2 : i32
      %and3A_1757 = vector.broadcast %and3A_1756 : i32 to vector<16xi32>
      %and3A_1758 = arith.andi %iota3A, %and3A_1757 : vector<16xi32>
      %eq3A_1759 = arith.constant 2 : i32
      %eq3A_1760 = vector.broadcast %eq3A_1759 : i32 to vector<16xi32>
      %eq3A_1761 = arith.cmpi eq, %and3A_1758, %eq3A_1760 : vector<16xi32>
      %select_n3A_1762 = arith.select %eq3A_1761, %select_n3A_1487, %gather3A_1755 : vector<16xi1>, vector<16xf32>
      %lt3A_1763 = arith.constant 0 : i32
      %lt3A_1764 = vector.broadcast %lt3A_1763 : i32 to vector<16xi32>
      %lt3A_1765 = arith.cmpi slt, %xor3A_1643, %lt3A_1764 : vector<16xi32>
      %add3A_1766 = arith.constant 16 : i32
      %add3A_1767 = vector.broadcast %add3A_1766 : i32 to vector<16xi32>
      %add3A_1768 = arith.addi %xor3A_1643, %add3A_1767 : vector<16xi32>
      %select_n3A_1769 = arith.select %lt3A_1765, %add3A_1768, %xor3A_1643 : vector<16xi1>, vector<16xi32>
      %broadcast_in_dim3A_1770 = vector.shape_cast %select_n3A_1769 : vector<16xi32> to vector<16x1xi32>
      %gather3A_1771 = vector.shape_cast %broadcast_in_dim3A_1770 : vector<16x1xi32> to vector<16xi32>
      %gather3A_1772 = tpu.dynamic_gather %select_n3A_1470[%gather3A_1771] in [0] : vector<16xf32>, vector<16xi32> -> vector<16xf32>
      %and3A_1773 = arith.constant 2 : i32
      %and3A_1774 = vector.broadcast %and3A_1773 : i32 to vector<16xi32>
      %and3A_1775 = arith.andi %iota3A, %and3A_1774 : vector<16xi32>
      %eq3A_1776 = arith.constant 2 : i32
      %eq3A_1777 = vector.broadcast %eq3A_1776 : i32 to vector<16xi32>
      %eq3A_1778 = arith.cmpi eq, %and3A_1775, %eq3A_1777 : vector<16xi32>
      %select_n3A_1779 = arith.select %eq3A_1778, %select_n3A_1504, %gather3A_1772 : vector<16xi1>, vector<16xf32>
      %lt3A_1780 = arith.constant 0 : i32
      %lt3A_1781 = vector.broadcast %lt3A_1780 : i32 to vector<16xi32>
      %lt3A_1782 = arith.cmpi slt, %xor3A_1643, %lt3A_1781 : vector<16xi32>
      %add3A_1783 = arith.constant 16 : i32
      %add3A_1784 = vector.broadcast %add3A_1783 : i32 to vector<16xi32>
      %add3A_1785 = arith.addi %xor3A_1643, %add3A_1784 : vector<16xi32>
      %select_n3A_1786 = arith.select %lt3A_1782, %add3A_1785, %xor3A_1643 : vector<16xi1>, vector<16xi32>
      %broadcast_in_dim3A_1787 = vector.shape_cast %select_n3A_1786 : vector<16xi32> to vector<16x1xi32>
      %gather3A_1788 = vector.shape_cast %broadcast_in_dim3A_1787 : vector<16x1xi32> to vector<16xi32>
      %gather3A_1789 = tpu.dynamic_gather %select_n3A_1555[%gather3A_1788] in [0] : vector<16xf32>, vector<16xi32> -> vector<16xf32>
      %and3A_1790 = arith.constant 2 : i32
      %and3A_1791 = vector.broadcast %and3A_1790 : i32 to vector<16xi32>
      %and3A_1792 = arith.andi %iota3A, %and3A_1791 : vector<16xi32>
      %eq3A_1793 = arith.constant 0 : i32
      %eq3A_1794 = vector.broadcast %eq3A_1793 : i32 to vector<16xi32>
      %eq3A_1795 = arith.cmpi eq, %and3A_1792, %eq3A_1794 : vector<16xi32>
      %select_n3A_1796 = arith.select %eq3A_1795, %select_n3A_1521, %gather3A_1789 : vector<16xi1>, vector<16xf32>
      %lt3A_1797 = arith.constant 0 : i32
      %lt3A_1798 = vector.broadcast %lt3A_1797 : i32 to vector<16xi32>
      %lt3A_1799 = arith.cmpi slt, %xor3A_1643, %lt3A_1798 : vector<16xi32>
      %add3A_1800 = arith.constant 16 : i32
      %add3A_1801 = vector.broadcast %add3A_1800 : i32 to vector<16xi32>
      %add3A_1802 = arith.addi %xor3A_1643, %add3A_1801 : vector<16xi32>
      %select_n3A_1803 = arith.select %lt3A_1799, %add3A_1802, %xor3A_1643 : vector<16xi1>, vector<16xi32>
      %broadcast_in_dim3A_1804 = vector.shape_cast %select_n3A_1803 : vector<16xi32> to vector<16x1xi32>
      %gather3A_1805 = vector.shape_cast %broadcast_in_dim3A_1804 : vector<16x1xi32> to vector<16xi32>
      %gather3A_1806 = tpu.dynamic_gather %select_n3A_1572[%gather3A_1805] in [0] : vector<16xf32>, vector<16xi32> -> vector<16xf32>
      %and3A_1807 = arith.constant 2 : i32
      %and3A_1808 = vector.broadcast %and3A_1807 : i32 to vector<16xi32>
      %and3A_1809 = arith.andi %iota3A, %and3A_1808 : vector<16xi32>
      %eq3A_1810 = arith.constant 0 : i32
      %eq3A_1811 = vector.broadcast %eq3A_1810 : i32 to vector<16xi32>
      %eq3A_1812 = arith.cmpi eq, %and3A_1809, %eq3A_1811 : vector<16xi32>
      %select_n3A_1813 = arith.select %eq3A_1812, %select_n3A_1538, %gather3A_1806 : vector<16xi1>, vector<16xf32>
      %lt3A_1814 = arith.constant 0 : i32
      %lt3A_1815 = vector.broadcast %lt3A_1814 : i32 to vector<16xi32>
      %lt3A_1816 = arith.cmpi slt, %xor3A_1643, %lt3A_1815 : vector<16xi32>
      %add3A_1817 = arith.constant 16 : i32
      %add3A_1818 = vector.broadcast %add3A_1817 : i32 to vector<16xi32>
      %add3A_1819 = arith.addi %xor3A_1643, %add3A_1818 : vector<16xi32>
      %select_n3A_1820 = arith.select %lt3A_1816, %add3A_1819, %xor3A_1643 : vector<16xi1>, vector<16xi32>
      %broadcast_in_dim3A_1821 = vector.shape_cast %select_n3A_1820 : vector<16xi32> to vector<16x1xi32>
      %gather3A_1822 = vector.shape_cast %broadcast_in_dim3A_1821 : vector<16x1xi32> to vector<16xi32>
      %gather3A_1823 = tpu.dynamic_gather %select_n3A_1521[%gather3A_1822] in [0] : vector<16xf32>, vector<16xi32> -> vector<16xf32>
      %and3A_1824 = arith.constant 2 : i32
      %and3A_1825 = vector.broadcast %and3A_1824 : i32 to vector<16xi32>
      %and3A_1826 = arith.andi %iota3A, %and3A_1825 : vector<16xi32>
      %eq3A_1827 = arith.constant 2 : i32
      %eq3A_1828 = vector.broadcast %eq3A_1827 : i32 to vector<16xi32>
      %eq3A_1829 = arith.cmpi eq, %and3A_1826, %eq3A_1828 : vector<16xi32>
      %select_n3A_1830 = arith.select %eq3A_1829, %select_n3A_1555, %gather3A_1823 : vector<16xi1>, vector<16xf32>
      %lt3A_1831 = arith.constant 0 : i32
      %lt3A_1832 = vector.broadcast %lt3A_1831 : i32 to vector<16xi32>
      %lt3A_1833 = arith.cmpi slt, %xor3A_1643, %lt3A_1832 : vector<16xi32>
      %add3A_1834 = arith.constant 16 : i32
      %add3A_1835 = vector.broadcast %add3A_1834 : i32 to vector<16xi32>
      %add3A_1836 = arith.addi %xor3A_1643, %add3A_1835 : vector<16xi32>
      %select_n3A_1837 = arith.select %lt3A_1833, %add3A_1836, %xor3A_1643 : vector<16xi1>, vector<16xi32>
      %broadcast_in_dim3A_1838 = vector.shape_cast %select_n3A_1837 : vector<16xi32> to vector<16x1xi32>
      %gather3A_1839 = vector.shape_cast %broadcast_in_dim3A_1838 : vector<16x1xi32> to vector<16xi32>
      %gather3A_1840 = tpu.dynamic_gather %select_n3A_1538[%gather3A_1839] in [0] : vector<16xf32>, vector<16xi32> -> vector<16xf32>
      %and3A_1841 = arith.constant 2 : i32
      %and3A_1842 = vector.broadcast %and3A_1841 : i32 to vector<16xi32>
      %and3A_1843 = arith.andi %iota3A, %and3A_1842 : vector<16xi32>
      %eq3A_1844 = arith.constant 2 : i32
      %eq3A_1845 = vector.broadcast %eq3A_1844 : i32 to vector<16xi32>
      %eq3A_1846 = arith.cmpi eq, %and3A_1843, %eq3A_1845 : vector<16xi32>
      %select_n3A_1847 = arith.select %eq3A_1846, %select_n3A_1572, %gather3A_1840 : vector<16xi1>, vector<16xf32>
      %lt3A_1848 = arith.constant 0 : i32
      %lt3A_1849 = vector.broadcast %lt3A_1848 : i32 to vector<16xi32>
      %lt3A_1850 = arith.cmpi slt, %xor3A_1643, %lt3A_1849 : vector<16xi32>
      %add3A_1851 = arith.constant 16 : i32
      %add3A_1852 = vector.broadcast %add3A_1851 : i32 to vector<16xi32>
      %add3A_1853 = arith.addi %xor3A_1643, %add3A_1852 : vector<16xi32>
      %select_n3A_1854 = arith.select %lt3A_1850, %add3A_1853, %xor3A_1643 : vector<16xi1>, vector<16xi32>
      %broadcast_in_dim3A_1855 = vector.shape_cast %select_n3A_1854 : vector<16xi32> to vector<16x1xi32>
      %gather3A_1856 = vector.shape_cast %broadcast_in_dim3A_1855 : vector<16x1xi32> to vector<16xi32>
      %gather3A_1857 = tpu.dynamic_gather %select_n3A_1623[%gather3A_1856] in [0] : vector<16xf32>, vector<16xi32> -> vector<16xf32>
      %and3A_1858 = arith.constant 2 : i32
      %and3A_1859 = vector.broadcast %and3A_1858 : i32 to vector<16xi32>
      %and3A_1860 = arith.andi %iota3A, %and3A_1859 : vector<16xi32>
      %eq3A_1861 = arith.constant 0 : i32
      %eq3A_1862 = vector.broadcast %eq3A_1861 : i32 to vector<16xi32>
      %eq3A_1863 = arith.cmpi eq, %and3A_1860, %eq3A_1862 : vector<16xi32>
      %select_n3A_1864 = arith.select %eq3A_1863, %select_n3A_1589, %gather3A_1857 : vector<16xi1>, vector<16xf32>
      %lt3A_1865 = arith.constant 0 : i32
      %lt3A_1866 = vector.broadcast %lt3A_1865 : i32 to vector<16xi32>
      %lt3A_1867 = arith.cmpi slt, %xor3A_1643, %lt3A_1866 : vector<16xi32>
      %add3A_1868 = arith.constant 16 : i32
      %add3A_1869 = vector.broadcast %add3A_1868 : i32 to vector<16xi32>
      %add3A_1870 = arith.addi %xor3A_1643, %add3A_1869 : vector<16xi32>
      %select_n3A_1871 = arith.select %lt3A_1867, %add3A_1870, %xor3A_1643 : vector<16xi1>, vector<16xi32>
      %broadcast_in_dim3A_1872 = vector.shape_cast %select_n3A_1871 : vector<16xi32> to vector<16x1xi32>
      %gather3A_1873 = vector.shape_cast %broadcast_in_dim3A_1872 : vector<16x1xi32> to vector<16xi32>
      %gather3A_1874 = tpu.dynamic_gather %select_n3A_1640[%gather3A_1873] in [0] : vector<16xf32>, vector<16xi32> -> vector<16xf32>
      %and3A_1875 = arith.constant 2 : i32
      %and3A_1876 = vector.broadcast %and3A_1875 : i32 to vector<16xi32>
      %and3A_1877 = arith.andi %iota3A, %and3A_1876 : vector<16xi32>
      %eq3A_1878 = arith.constant 0 : i32
      %eq3A_1879 = vector.broadcast %eq3A_1878 : i32 to vector<16xi32>
      %eq3A_1880 = arith.cmpi eq, %and3A_1877, %eq3A_1879 : vector<16xi32>
      %select_n3A_1881 = arith.select %eq3A_1880, %select_n3A_1606, %gather3A_1874 : vector<16xi1>, vector<16xf32>
      %lt3A_1882 = arith.constant 0 : i32
      %lt3A_1883 = vector.broadcast %lt3A_1882 : i32 to vector<16xi32>
      %lt3A_1884 = arith.cmpi slt, %xor3A_1643, %lt3A_1883 : vector<16xi32>
      %add3A_1885 = arith.constant 16 : i32
      %add3A_1886 = vector.broadcast %add3A_1885 : i32 to vector<16xi32>
      %add3A_1887 = arith.addi %xor3A_1643, %add3A_1886 : vector<16xi32>
      %select_n3A_1888 = arith.select %lt3A_1884, %add3A_1887, %xor3A_1643 : vector<16xi1>, vector<16xi32>
      %broadcast_in_dim3A_1889 = vector.shape_cast %select_n3A_1888 : vector<16xi32> to vector<16x1xi32>
      %gather3A_1890 = vector.shape_cast %broadcast_in_dim3A_1889 : vector<16x1xi32> to vector<16xi32>
      %gather3A_1891 = tpu.dynamic_gather %select_n3A_1589[%gather3A_1890] in [0] : vector<16xf32>, vector<16xi32> -> vector<16xf32>
      %and3A_1892 = arith.constant 2 : i32
      %and3A_1893 = vector.broadcast %and3A_1892 : i32 to vector<16xi32>
      %and3A_1894 = arith.andi %iota3A, %and3A_1893 : vector<16xi32>
      %eq3A_1895 = arith.constant 2 : i32
      %eq3A_1896 = vector.broadcast %eq3A_1895 : i32 to vector<16xi32>
      %eq3A_1897 = arith.cmpi eq, %and3A_1894, %eq3A_1896 : vector<16xi32>
      %select_n3A_1898 = arith.select %eq3A_1897, %select_n3A_1623, %gather3A_1891 : vector<16xi1>, vector<16xf32>
      %lt3A_1899 = arith.constant 0 : i32
      %lt3A_1900 = vector.broadcast %lt3A_1899 : i32 to vector<16xi32>
      %lt3A_1901 = arith.cmpi slt, %xor3A_1643, %lt3A_1900 : vector<16xi32>
      %add3A_1902 = arith.constant 16 : i32
      %add3A_1903 = vector.broadcast %add3A_1902 : i32 to vector<16xi32>
      %add3A_1904 = arith.addi %xor3A_1643, %add3A_1903 : vector<16xi32>
      %select_n3A_1905 = arith.select %lt3A_1901, %add3A_1904, %xor3A_1643 : vector<16xi1>, vector<16xi32>
      %broadcast_in_dim3A_1906 = vector.shape_cast %select_n3A_1905 : vector<16xi32> to vector<16x1xi32>
      %gather3A_1907 = vector.shape_cast %broadcast_in_dim3A_1906 : vector<16x1xi32> to vector<16xi32>
      %gather3A_1908 = tpu.dynamic_gather %select_n3A_1606[%gather3A_1907] in [0] : vector<16xf32>, vector<16xi32> -> vector<16xf32>
      %and3A_1909 = arith.constant 2 : i32
      %and3A_1910 = vector.broadcast %and3A_1909 : i32 to vector<16xi32>
      %and3A_1911 = arith.andi %iota3A, %and3A_1910 : vector<16xi32>
      %eq3A_1912 = arith.constant 2 : i32
      %eq3A_1913 = vector.broadcast %eq3A_1912 : i32 to vector<16xi32>
      %eq3A_1914 = arith.cmpi eq, %and3A_1911, %eq3A_1913 : vector<16xi32>
      %select_n3A_1915 = arith.select %eq3A_1914, %select_n3A_1640, %gather3A_1908 : vector<16xi1>, vector<16xf32>
      %xor3A_1916 = arith.constant 4 : i32
      %xor3A_1917 = vector.broadcast %xor3A_1916 : i32 to vector<16xi32>
      %xor3A_1918 = arith.xori %iota3A, %xor3A_1917 : vector<16xi32>
      %lt3A_1919 = arith.constant 0 : i32
      %lt3A_1920 = vector.broadcast %lt3A_1919 : i32 to vector<16xi32>
      %lt3A_1921 = arith.cmpi slt, %xor3A_1918, %lt3A_1920 : vector<16xi32>
      %add3A_1922 = arith.constant 16 : i32
      %add3A_1923 = vector.broadcast %add3A_1922 : i32 to vector<16xi32>
      %add3A_1924 = arith.addi %xor3A_1918, %add3A_1923 : vector<16xi32>
      %select_n3A_1925 = arith.select %lt3A_1921, %add3A_1924, %xor3A_1918 : vector<16xi1>, vector<16xi32>
      %broadcast_in_dim3A_1926 = vector.shape_cast %select_n3A_1925 : vector<16xi32> to vector<16x1xi32>
      %gather3A_1927 = vector.shape_cast %broadcast_in_dim3A_1926 : vector<16x1xi32> to vector<16xi32>
      %gather3A_1928 = tpu.dynamic_gather %select_n3A_1728[%gather3A_1927] in [0] : vector<16xf32>, vector<16xi32> -> vector<16xf32>
      %and3A_1929 = arith.constant 4 : i32
      %and3A_1930 = vector.broadcast %and3A_1929 : i32 to vector<16xi32>
      %and3A_1931 = arith.andi %iota3A, %and3A_1930 : vector<16xi32>
      %eq3A_1932 = arith.constant 0 : i32
      %eq3A_1933 = vector.broadcast %eq3A_1932 : i32 to vector<16xi32>
      %eq3A_1934 = arith.cmpi eq, %and3A_1931, %eq3A_1933 : vector<16xi32>
      %select_n3A_1935 = arith.select %eq3A_1934, %select_n3A_1660, %gather3A_1928 : vector<16xi1>, vector<16xf32>
      %lt3A_1936 = arith.constant 0 : i32
      %lt3A_1937 = vector.broadcast %lt3A_1936 : i32 to vector<16xi32>
      %lt3A_1938 = arith.cmpi slt, %xor3A_1918, %lt3A_1937 : vector<16xi32>
      %add3A_1939 = arith.constant 16 : i32
      %add3A_1940 = vector.broadcast %add3A_1939 : i32 to vector<16xi32>
      %add3A_1941 = arith.addi %xor3A_1918, %add3A_1940 : vector<16xi32>
      %select_n3A_1942 = arith.select %lt3A_1938, %add3A_1941, %xor3A_1918 : vector<16xi1>, vector<16xi32>
      %broadcast_in_dim3A_1943 = vector.shape_cast %select_n3A_1942 : vector<16xi32> to vector<16x1xi32>
      %gather3A_1944 = vector.shape_cast %broadcast_in_dim3A_1943 : vector<16x1xi32> to vector<16xi32>
      %gather3A_1945 = tpu.dynamic_gather %select_n3A_1745[%gather3A_1944] in [0] : vector<16xf32>, vector<16xi32> -> vector<16xf32>
      %and3A_1946 = arith.constant 4 : i32
      %and3A_1947 = vector.broadcast %and3A_1946 : i32 to vector<16xi32>
      %and3A_1948 = arith.andi %iota3A, %and3A_1947 : vector<16xi32>
      %eq3A_1949 = arith.constant 0 : i32
      %eq3A_1950 = vector.broadcast %eq3A_1949 : i32 to vector<16xi32>
      %eq3A_1951 = arith.cmpi eq, %and3A_1948, %eq3A_1950 : vector<16xi32>
      %select_n3A_1952 = arith.select %eq3A_1951, %select_n3A_1677, %gather3A_1945 : vector<16xi1>, vector<16xf32>
      %lt3A_1953 = arith.constant 0 : i32
      %lt3A_1954 = vector.broadcast %lt3A_1953 : i32 to vector<16xi32>
      %lt3A_1955 = arith.cmpi slt, %xor3A_1918, %lt3A_1954 : vector<16xi32>
      %add3A_1956 = arith.constant 16 : i32
      %add3A_1957 = vector.broadcast %add3A_1956 : i32 to vector<16xi32>
      %add3A_1958 = arith.addi %xor3A_1918, %add3A_1957 : vector<16xi32>
      %select_n3A_1959 = arith.select %lt3A_1955, %add3A_1958, %xor3A_1918 : vector<16xi1>, vector<16xi32>
      %broadcast_in_dim3A_1960 = vector.shape_cast %select_n3A_1959 : vector<16xi32> to vector<16x1xi32>
      %gather3A_1961 = vector.shape_cast %broadcast_in_dim3A_1960 : vector<16x1xi32> to vector<16xi32>
      %gather3A_1962 = tpu.dynamic_gather %select_n3A_1762[%gather3A_1961] in [0] : vector<16xf32>, vector<16xi32> -> vector<16xf32>
      %and3A_1963 = arith.constant 4 : i32
      %and3A_1964 = vector.broadcast %and3A_1963 : i32 to vector<16xi32>
      %and3A_1965 = arith.andi %iota3A, %and3A_1964 : vector<16xi32>
      %eq3A_1966 = arith.constant 0 : i32
      %eq3A_1967 = vector.broadcast %eq3A_1966 : i32 to vector<16xi32>
      %eq3A_1968 = arith.cmpi eq, %and3A_1965, %eq3A_1967 : vector<16xi32>
      %select_n3A_1969 = arith.select %eq3A_1968, %select_n3A_1694, %gather3A_1962 : vector<16xi1>, vector<16xf32>
      %lt3A_1970 = arith.constant 0 : i32
      %lt3A_1971 = vector.broadcast %lt3A_1970 : i32 to vector<16xi32>
      %lt3A_1972 = arith.cmpi slt, %xor3A_1918, %lt3A_1971 : vector<16xi32>
      %add3A_1973 = arith.constant 16 : i32
      %add3A_1974 = vector.broadcast %add3A_1973 : i32 to vector<16xi32>
      %add3A_1975 = arith.addi %xor3A_1918, %add3A_1974 : vector<16xi32>
      %select_n3A_1976 = arith.select %lt3A_1972, %add3A_1975, %xor3A_1918 : vector<16xi1>, vector<16xi32>
      %broadcast_in_dim3A_1977 = vector.shape_cast %select_n3A_1976 : vector<16xi32> to vector<16x1xi32>
      %gather3A_1978 = vector.shape_cast %broadcast_in_dim3A_1977 : vector<16x1xi32> to vector<16xi32>
      %gather3A_1979 = tpu.dynamic_gather %select_n3A_1779[%gather3A_1978] in [0] : vector<16xf32>, vector<16xi32> -> vector<16xf32>
      %and3A_1980 = arith.constant 4 : i32
      %and3A_1981 = vector.broadcast %and3A_1980 : i32 to vector<16xi32>
      %and3A_1982 = arith.andi %iota3A, %and3A_1981 : vector<16xi32>
      %eq3A_1983 = arith.constant 0 : i32
      %eq3A_1984 = vector.broadcast %eq3A_1983 : i32 to vector<16xi32>
      %eq3A_1985 = arith.cmpi eq, %and3A_1982, %eq3A_1984 : vector<16xi32>
      %select_n3A_1986 = arith.select %eq3A_1985, %select_n3A_1711, %gather3A_1979 : vector<16xi1>, vector<16xf32>
      %lt3A_1987 = arith.constant 0 : i32
      %lt3A_1988 = vector.broadcast %lt3A_1987 : i32 to vector<16xi32>
      %lt3A_1989 = arith.cmpi slt, %xor3A_1918, %lt3A_1988 : vector<16xi32>
      %add3A_1990 = arith.constant 16 : i32
      %add3A_1991 = vector.broadcast %add3A_1990 : i32 to vector<16xi32>
      %add3A_1992 = arith.addi %xor3A_1918, %add3A_1991 : vector<16xi32>
      %select_n3A_1993 = arith.select %lt3A_1989, %add3A_1992, %xor3A_1918 : vector<16xi1>, vector<16xi32>
      %broadcast_in_dim3A_1994 = vector.shape_cast %select_n3A_1993 : vector<16xi32> to vector<16x1xi32>
      %gather3A_1995 = vector.shape_cast %broadcast_in_dim3A_1994 : vector<16x1xi32> to vector<16xi32>
      %gather3A_1996 = tpu.dynamic_gather %select_n3A_1660[%gather3A_1995] in [0] : vector<16xf32>, vector<16xi32> -> vector<16xf32>
      %and3A_1997 = arith.constant 4 : i32
      %and3A_1998 = vector.broadcast %and3A_1997 : i32 to vector<16xi32>
      %and3A_1999 = arith.andi %iota3A, %and3A_1998 : vector<16xi32>
      %eq3A_2000 = arith.constant 4 : i32
      %eq3A_2001 = vector.broadcast %eq3A_2000 : i32 to vector<16xi32>
      %eq3A_2002 = arith.cmpi eq, %and3A_1999, %eq3A_2001 : vector<16xi32>
      %select_n3A_2003 = arith.select %eq3A_2002, %select_n3A_1728, %gather3A_1996 : vector<16xi1>, vector<16xf32>
      %lt3A_2004 = arith.constant 0 : i32
      %lt3A_2005 = vector.broadcast %lt3A_2004 : i32 to vector<16xi32>
      %lt3A_2006 = arith.cmpi slt, %xor3A_1918, %lt3A_2005 : vector<16xi32>
      %add3A_2007 = arith.constant 16 : i32
      %add3A_2008 = vector.broadcast %add3A_2007 : i32 to vector<16xi32>
      %add3A_2009 = arith.addi %xor3A_1918, %add3A_2008 : vector<16xi32>
      %select_n3A_2010 = arith.select %lt3A_2006, %add3A_2009, %xor3A_1918 : vector<16xi1>, vector<16xi32>
      %broadcast_in_dim3A_2011 = vector.shape_cast %select_n3A_2010 : vector<16xi32> to vector<16x1xi32>
      %gather3A_2012 = vector.shape_cast %broadcast_in_dim3A_2011 : vector<16x1xi32> to vector<16xi32>
      %gather3A_2013 = tpu.dynamic_gather %select_n3A_1677[%gather3A_2012] in [0] : vector<16xf32>, vector<16xi32> -> vector<16xf32>
      %and3A_2014 = arith.constant 4 : i32
      %and3A_2015 = vector.broadcast %and3A_2014 : i32 to vector<16xi32>
      %and3A_2016 = arith.andi %iota3A, %and3A_2015 : vector<16xi32>
      %eq3A_2017 = arith.constant 4 : i32
      %eq3A_2018 = vector.broadcast %eq3A_2017 : i32 to vector<16xi32>
      %eq3A_2019 = arith.cmpi eq, %and3A_2016, %eq3A_2018 : vector<16xi32>
      %select_n3A_2020 = arith.select %eq3A_2019, %select_n3A_1745, %gather3A_2013 : vector<16xi1>, vector<16xf32>
      %lt3A_2021 = arith.constant 0 : i32
      %lt3A_2022 = vector.broadcast %lt3A_2021 : i32 to vector<16xi32>
      %lt3A_2023 = arith.cmpi slt, %xor3A_1918, %lt3A_2022 : vector<16xi32>
      %add3A_2024 = arith.constant 16 : i32
      %add3A_2025 = vector.broadcast %add3A_2024 : i32 to vector<16xi32>
      %add3A_2026 = arith.addi %xor3A_1918, %add3A_2025 : vector<16xi32>
      %select_n3A_2027 = arith.select %lt3A_2023, %add3A_2026, %xor3A_1918 : vector<16xi1>, vector<16xi32>
      %broadcast_in_dim3A_2028 = vector.shape_cast %select_n3A_2027 : vector<16xi32> to vector<16x1xi32>
      %gather3A_2029 = vector.shape_cast %broadcast_in_dim3A_2028 : vector<16x1xi32> to vector<16xi32>
      %gather3A_2030 = tpu.dynamic_gather %select_n3A_1694[%gather3A_2029] in [0] : vector<16xf32>, vector<16xi32> -> vector<16xf32>
      %and3A_2031 = arith.constant 4 : i32
      %and3A_2032 = vector.broadcast %and3A_2031 : i32 to vector<16xi32>
      %and3A_2033 = arith.andi %iota3A, %and3A_2032 : vector<16xi32>
      %eq3A_2034 = arith.constant 4 : i32
      %eq3A_2035 = vector.broadcast %eq3A_2034 : i32 to vector<16xi32>
      %eq3A_2036 = arith.cmpi eq, %and3A_2033, %eq3A_2035 : vector<16xi32>
      %select_n3A_2037 = arith.select %eq3A_2036, %select_n3A_1762, %gather3A_2030 : vector<16xi1>, vector<16xf32>
      %lt3A_2038 = arith.constant 0 : i32
      %lt3A_2039 = vector.broadcast %lt3A_2038 : i32 to vector<16xi32>
      %lt3A_2040 = arith.cmpi slt, %xor3A_1918, %lt3A_2039 : vector<16xi32>
      %add3A_2041 = arith.constant 16 : i32
      %add3A_2042 = vector.broadcast %add3A_2041 : i32 to vector<16xi32>
      %add3A_2043 = arith.addi %xor3A_1918, %add3A_2042 : vector<16xi32>
      %select_n3A_2044 = arith.select %lt3A_2040, %add3A_2043, %xor3A_1918 : vector<16xi1>, vector<16xi32>
      %broadcast_in_dim3A_2045 = vector.shape_cast %select_n3A_2044 : vector<16xi32> to vector<16x1xi32>
      %gather3A_2046 = vector.shape_cast %broadcast_in_dim3A_2045 : vector<16x1xi32> to vector<16xi32>
      %gather3A_2047 = tpu.dynamic_gather %select_n3A_1711[%gather3A_2046] in [0] : vector<16xf32>, vector<16xi32> -> vector<16xf32>
      %and3A_2048 = arith.constant 4 : i32
      %and3A_2049 = vector.broadcast %and3A_2048 : i32 to vector<16xi32>
      %and3A_2050 = arith.andi %iota3A, %and3A_2049 : vector<16xi32>
      %eq3A_2051 = arith.constant 4 : i32
      %eq3A_2052 = vector.broadcast %eq3A_2051 : i32 to vector<16xi32>
      %eq3A_2053 = arith.cmpi eq, %and3A_2050, %eq3A_2052 : vector<16xi32>
      %select_n3A_2054 = arith.select %eq3A_2053, %select_n3A_1779, %gather3A_2047 : vector<16xi1>, vector<16xf32>
      %lt3A_2055 = arith.constant 0 : i32
      %lt3A_2056 = vector.broadcast %lt3A_2055 : i32 to vector<16xi32>
      %lt3A_2057 = arith.cmpi slt, %xor3A_1918, %lt3A_2056 : vector<16xi32>
      %add3A_2058 = arith.constant 16 : i32
      %add3A_2059 = vector.broadcast %add3A_2058 : i32 to vector<16xi32>
      %add3A_2060 = arith.addi %xor3A_1918, %add3A_2059 : vector<16xi32>
      %select_n3A_2061 = arith.select %lt3A_2057, %add3A_2060, %xor3A_1918 : vector<16xi1>, vector<16xi32>
      %broadcast_in_dim3A_2062 = vector.shape_cast %select_n3A_2061 : vector<16xi32> to vector<16x1xi32>
      %gather3A_2063 = vector.shape_cast %broadcast_in_dim3A_2062 : vector<16x1xi32> to vector<16xi32>
      %gather3A_2064 = tpu.dynamic_gather %select_n3A_1864[%gather3A_2063] in [0] : vector<16xf32>, vector<16xi32> -> vector<16xf32>
      %and3A_2065 = arith.constant 4 : i32
      %and3A_2066 = vector.broadcast %and3A_2065 : i32 to vector<16xi32>
      %and3A_2067 = arith.andi %iota3A, %and3A_2066 : vector<16xi32>
      %eq3A_2068 = arith.constant 0 : i32
      %eq3A_2069 = vector.broadcast %eq3A_2068 : i32 to vector<16xi32>
      %eq3A_2070 = arith.cmpi eq, %and3A_2067, %eq3A_2069 : vector<16xi32>
      %select_n3A_2071 = arith.select %eq3A_2070, %select_n3A_1796, %gather3A_2064 : vector<16xi1>, vector<16xf32>
      %lt3A_2072 = arith.constant 0 : i32
      %lt3A_2073 = vector.broadcast %lt3A_2072 : i32 to vector<16xi32>
      %lt3A_2074 = arith.cmpi slt, %xor3A_1918, %lt3A_2073 : vector<16xi32>
      %add3A_2075 = arith.constant 16 : i32
      %add3A_2076 = vector.broadcast %add3A_2075 : i32 to vector<16xi32>
      %add3A_2077 = arith.addi %xor3A_1918, %add3A_2076 : vector<16xi32>
      %select_n3A_2078 = arith.select %lt3A_2074, %add3A_2077, %xor3A_1918 : vector<16xi1>, vector<16xi32>
      %broadcast_in_dim3A_2079 = vector.shape_cast %select_n3A_2078 : vector<16xi32> to vector<16x1xi32>
      %gather3A_2080 = vector.shape_cast %broadcast_in_dim3A_2079 : vector<16x1xi32> to vector<16xi32>
      %gather3A_2081 = tpu.dynamic_gather %select_n3A_1881[%gather3A_2080] in [0] : vector<16xf32>, vector<16xi32> -> vector<16xf32>
      %and3A_2082 = arith.constant 4 : i32
      %and3A_2083 = vector.broadcast %and3A_2082 : i32 to vector<16xi32>
      %and3A_2084 = arith.andi %iota3A, %and3A_2083 : vector<16xi32>
      %eq3A_2085 = arith.constant 0 : i32
      %eq3A_2086 = vector.broadcast %eq3A_2085 : i32 to vector<16xi32>
      %eq3A_2087 = arith.cmpi eq, %and3A_2084, %eq3A_2086 : vector<16xi32>
      %select_n3A_2088 = arith.select %eq3A_2087, %select_n3A_1813, %gather3A_2081 : vector<16xi1>, vector<16xf32>
      %lt3A_2089 = arith.constant 0 : i32
      %lt3A_2090 = vector.broadcast %lt3A_2089 : i32 to vector<16xi32>
      %lt3A_2091 = arith.cmpi slt, %xor3A_1918, %lt3A_2090 : vector<16xi32>
      %add3A_2092 = arith.constant 16 : i32
      %add3A_2093 = vector.broadcast %add3A_2092 : i32 to vector<16xi32>
      %add3A_2094 = arith.addi %xor3A_1918, %add3A_2093 : vector<16xi32>
      %select_n3A_2095 = arith.select %lt3A_2091, %add3A_2094, %xor3A_1918 : vector<16xi1>, vector<16xi32>
      %broadcast_in_dim3A_2096 = vector.shape_cast %select_n3A_2095 : vector<16xi32> to vector<16x1xi32>
      %gather3A_2097 = vector.shape_cast %broadcast_in_dim3A_2096 : vector<16x1xi32> to vector<16xi32>
      %gather3A_2098 = tpu.dynamic_gather %select_n3A_1898[%gather3A_2097] in [0] : vector<16xf32>, vector<16xi32> -> vector<16xf32>
      %and3A_2099 = arith.constant 4 : i32
      %and3A_2100 = vector.broadcast %and3A_2099 : i32 to vector<16xi32>
      %and3A_2101 = arith.andi %iota3A, %and3A_2100 : vector<16xi32>
      %eq3A_2102 = arith.constant 0 : i32
      %eq3A_2103 = vector.broadcast %eq3A_2102 : i32 to vector<16xi32>
      %eq3A_2104 = arith.cmpi eq, %and3A_2101, %eq3A_2103 : vector<16xi32>
      %select_n3A_2105 = arith.select %eq3A_2104, %select_n3A_1830, %gather3A_2098 : vector<16xi1>, vector<16xf32>
      %lt3A_2106 = arith.constant 0 : i32
      %lt3A_2107 = vector.broadcast %lt3A_2106 : i32 to vector<16xi32>
      %lt3A_2108 = arith.cmpi slt, %xor3A_1918, %lt3A_2107 : vector<16xi32>
      %add3A_2109 = arith.constant 16 : i32
      %add3A_2110 = vector.broadcast %add3A_2109 : i32 to vector<16xi32>
      %add3A_2111 = arith.addi %xor3A_1918, %add3A_2110 : vector<16xi32>
      %select_n3A_2112 = arith.select %lt3A_2108, %add3A_2111, %xor3A_1918 : vector<16xi1>, vector<16xi32>
      %broadcast_in_dim3A_2113 = vector.shape_cast %select_n3A_2112 : vector<16xi32> to vector<16x1xi32>
      %gather3A_2114 = vector.shape_cast %broadcast_in_dim3A_2113 : vector<16x1xi32> to vector<16xi32>
      %gather3A_2115 = tpu.dynamic_gather %select_n3A_1915[%gather3A_2114] in [0] : vector<16xf32>, vector<16xi32> -> vector<16xf32>
      %and3A_2116 = arith.constant 4 : i32
      %and3A_2117 = vector.broadcast %and3A_2116 : i32 to vector<16xi32>
      %and3A_2118 = arith.andi %iota3A, %and3A_2117 : vector<16xi32>
      %eq3A_2119 = arith.constant 0 : i32
      %eq3A_2120 = vector.broadcast %eq3A_2119 : i32 to vector<16xi32>
      %eq3A_2121 = arith.cmpi eq, %and3A_2118, %eq3A_2120 : vector<16xi32>
      %select_n3A_2122 = arith.select %eq3A_2121, %select_n3A_1847, %gather3A_2115 : vector<16xi1>, vector<16xf32>
      %lt3A_2123 = arith.constant 0 : i32
      %lt3A_2124 = vector.broadcast %lt3A_2123 : i32 to vector<16xi32>
      %lt3A_2125 = arith.cmpi slt, %xor3A_1918, %lt3A_2124 : vector<16xi32>
      %add3A_2126 = arith.constant 16 : i32
      %add3A_2127 = vector.broadcast %add3A_2126 : i32 to vector<16xi32>
      %add3A_2128 = arith.addi %xor3A_1918, %add3A_2127 : vector<16xi32>
      %select_n3A_2129 = arith.select %lt3A_2125, %add3A_2128, %xor3A_1918 : vector<16xi1>, vector<16xi32>
      %broadcast_in_dim3A_2130 = vector.shape_cast %select_n3A_2129 : vector<16xi32> to vector<16x1xi32>
      %gather3A_2131 = vector.shape_cast %broadcast_in_dim3A_2130 : vector<16x1xi32> to vector<16xi32>
      %gather3A_2132 = tpu.dynamic_gather %select_n3A_1796[%gather3A_2131] in [0] : vector<16xf32>, vector<16xi32> -> vector<16xf32>
      %and3A_2133 = arith.constant 4 : i32
      %and3A_2134 = vector.broadcast %and3A_2133 : i32 to vector<16xi32>
      %and3A_2135 = arith.andi %iota3A, %and3A_2134 : vector<16xi32>
      %eq3A_2136 = arith.constant 4 : i32
      %eq3A_2137 = vector.broadcast %eq3A_2136 : i32 to vector<16xi32>
      %eq3A_2138 = arith.cmpi eq, %and3A_2135, %eq3A_2137 : vector<16xi32>
      %select_n3A_2139 = arith.select %eq3A_2138, %select_n3A_1864, %gather3A_2132 : vector<16xi1>, vector<16xf32>
      %lt3A_2140 = arith.constant 0 : i32
      %lt3A_2141 = vector.broadcast %lt3A_2140 : i32 to vector<16xi32>
      %lt3A_2142 = arith.cmpi slt, %xor3A_1918, %lt3A_2141 : vector<16xi32>
      %add3A_2143 = arith.constant 16 : i32
      %add3A_2144 = vector.broadcast %add3A_2143 : i32 to vector<16xi32>
      %add3A_2145 = arith.addi %xor3A_1918, %add3A_2144 : vector<16xi32>
      %select_n3A_2146 = arith.select %lt3A_2142, %add3A_2145, %xor3A_1918 : vector<16xi1>, vector<16xi32>
      %broadcast_in_dim3A_2147 = vector.shape_cast %select_n3A_2146 : vector<16xi32> to vector<16x1xi32>
      %gather3A_2148 = vector.shape_cast %broadcast_in_dim3A_2147 : vector<16x1xi32> to vector<16xi32>
      %gather3A_2149 = tpu.dynamic_gather %select_n3A_1813[%gather3A_2148] in [0] : vector<16xf32>, vector<16xi32> -> vector<16xf32>
      %and3A_2150 = arith.constant 4 : i32
      %and3A_2151 = vector.broadcast %and3A_2150 : i32 to vector<16xi32>
      %and3A_2152 = arith.andi %iota3A, %and3A_2151 : vector<16xi32>
      %eq3A_2153 = arith.constant 4 : i32
      %eq3A_2154 = vector.broadcast %eq3A_2153 : i32 to vector<16xi32>
      %eq3A_2155 = arith.cmpi eq, %and3A_2152, %eq3A_2154 : vector<16xi32>
      %select_n3A_2156 = arith.select %eq3A_2155, %select_n3A_1881, %gather3A_2149 : vector<16xi1>, vector<16xf32>
      %lt3A_2157 = arith.constant 0 : i32
      %lt3A_2158 = vector.broadcast %lt3A_2157 : i32 to vector<16xi32>
      %lt3A_2159 = arith.cmpi slt, %xor3A_1918, %lt3A_2158 : vector<16xi32>
      %add3A_2160 = arith.constant 16 : i32
      %add3A_2161 = vector.broadcast %add3A_2160 : i32 to vector<16xi32>
      %add3A_2162 = arith.addi %xor3A_1918, %add3A_2161 : vector<16xi32>
      %select_n3A_2163 = arith.select %lt3A_2159, %add3A_2162, %xor3A_1918 : vector<16xi1>, vector<16xi32>
      %broadcast_in_dim3A_2164 = vector.shape_cast %select_n3A_2163 : vector<16xi32> to vector<16x1xi32>
      %gather3A_2165 = vector.shape_cast %broadcast_in_dim3A_2164 : vector<16x1xi32> to vector<16xi32>
      %gather3A_2166 = tpu.dynamic_gather %select_n3A_1830[%gather3A_2165] in [0] : vector<16xf32>, vector<16xi32> -> vector<16xf32>
      %and3A_2167 = arith.constant 4 : i32
      %and3A_2168 = vector.broadcast %and3A_2167 : i32 to vector<16xi32>
      %and3A_2169 = arith.andi %iota3A, %and3A_2168 : vector<16xi32>
      %eq3A_2170 = arith.constant 4 : i32
      %eq3A_2171 = vector.broadcast %eq3A_2170 : i32 to vector<16xi32>
      %eq3A_2172 = arith.cmpi eq, %and3A_2169, %eq3A_2171 : vector<16xi32>
      %select_n3A_2173 = arith.select %eq3A_2172, %select_n3A_1898, %gather3A_2166 : vector<16xi1>, vector<16xf32>
      %lt3A_2174 = arith.constant 0 : i32
      %lt3A_2175 = vector.broadcast %lt3A_2174 : i32 to vector<16xi32>
      %lt3A_2176 = arith.cmpi slt, %xor3A_1918, %lt3A_2175 : vector<16xi32>
      %add3A_2177 = arith.constant 16 : i32
      %add3A_2178 = vector.broadcast %add3A_2177 : i32 to vector<16xi32>
      %add3A_2179 = arith.addi %xor3A_1918, %add3A_2178 : vector<16xi32>
      %select_n3A_2180 = arith.select %lt3A_2176, %add3A_2179, %xor3A_1918 : vector<16xi1>, vector<16xi32>
      %broadcast_in_dim3A_2181 = vector.shape_cast %select_n3A_2180 : vector<16xi32> to vector<16x1xi32>
      %gather3A_2182 = vector.shape_cast %broadcast_in_dim3A_2181 : vector<16x1xi32> to vector<16xi32>
      %gather3A_2183 = tpu.dynamic_gather %select_n3A_1847[%gather3A_2182] in [0] : vector<16xf32>, vector<16xi32> -> vector<16xf32>
      %and3A_2184 = arith.constant 4 : i32
      %and3A_2185 = vector.broadcast %and3A_2184 : i32 to vector<16xi32>
      %and3A_2186 = arith.andi %iota3A, %and3A_2185 : vector<16xi32>
      %eq3A_2187 = arith.constant 4 : i32
      %eq3A_2188 = vector.broadcast %eq3A_2187 : i32 to vector<16xi32>
      %eq3A_2189 = arith.cmpi eq, %and3A_2186, %eq3A_2188 : vector<16xi32>
      %select_n3A_2190 = arith.select %eq3A_2189, %select_n3A_1915, %gather3A_2183 : vector<16xi1>, vector<16xf32>
      %xor3A_2191 = arith.constant 8 : i32
      %xor3A_2192 = vector.broadcast %xor3A_2191 : i32 to vector<16xi32>
      %xor3A_2193 = arith.xori %iota3A, %xor3A_2192 : vector<16xi32>
      %lt3A_2194 = arith.constant 0 : i32
      %lt3A_2195 = vector.broadcast %lt3A_2194 : i32 to vector<16xi32>
      %lt3A_2196 = arith.cmpi slt, %xor3A_2193, %lt3A_2195 : vector<16xi32>
      %add3A_2197 = arith.constant 16 : i32
      %add3A_2198 = vector.broadcast %add3A_2197 : i32 to vector<16xi32>
      %add3A_2199 = arith.addi %xor3A_2193, %add3A_2198 : vector<16xi32>
      %select_n3A_2200 = arith.select %lt3A_2196, %add3A_2199, %xor3A_2193 : vector<16xi1>, vector<16xi32>
      %broadcast_in_dim3A_2201 = vector.shape_cast %select_n3A_2200 : vector<16xi32> to vector<16x1xi32>
      %gather3A_2202 = vector.shape_cast %broadcast_in_dim3A_2201 : vector<16x1xi32> to vector<16xi32>
      %gather3A_2203 = tpu.dynamic_gather %select_n3A_2071[%gather3A_2202] in [0] : vector<16xf32>, vector<16xi32> -> vector<16xf32>
      %and3A_2204 = arith.constant 8 : i32
      %and3A_2205 = vector.broadcast %and3A_2204 : i32 to vector<16xi32>
      %and3A_2206 = arith.andi %iota3A, %and3A_2205 : vector<16xi32>
      %eq3A_2207 = arith.constant 0 : i32
      %eq3A_2208 = vector.broadcast %eq3A_2207 : i32 to vector<16xi32>
      %eq3A_2209 = arith.cmpi eq, %and3A_2206, %eq3A_2208 : vector<16xi32>
      %select_n3A_2210 = arith.select %eq3A_2209, %select_n3A_1935, %gather3A_2203 : vector<16xi1>, vector<16xf32>
      %lt3A_2211 = arith.constant 0 : i32
      %lt3A_2212 = vector.broadcast %lt3A_2211 : i32 to vector<16xi32>
      %lt3A_2213 = arith.cmpi slt, %xor3A_2193, %lt3A_2212 : vector<16xi32>
      %add3A_2214 = arith.constant 16 : i32
      %add3A_2215 = vector.broadcast %add3A_2214 : i32 to vector<16xi32>
      %add3A_2216 = arith.addi %xor3A_2193, %add3A_2215 : vector<16xi32>
      %select_n3A_2217 = arith.select %lt3A_2213, %add3A_2216, %xor3A_2193 : vector<16xi1>, vector<16xi32>
      %broadcast_in_dim3A_2218 = vector.shape_cast %select_n3A_2217 : vector<16xi32> to vector<16x1xi32>
      %gather3A_2219 = vector.shape_cast %broadcast_in_dim3A_2218 : vector<16x1xi32> to vector<16xi32>
      %gather3A_2220 = tpu.dynamic_gather %select_n3A_2088[%gather3A_2219] in [0] : vector<16xf32>, vector<16xi32> -> vector<16xf32>
      %and3A_2221 = arith.constant 8 : i32
      %and3A_2222 = vector.broadcast %and3A_2221 : i32 to vector<16xi32>
      %and3A_2223 = arith.andi %iota3A, %and3A_2222 : vector<16xi32>
      %eq3A_2224 = arith.constant 0 : i32
      %eq3A_2225 = vector.broadcast %eq3A_2224 : i32 to vector<16xi32>
      %eq3A_2226 = arith.cmpi eq, %and3A_2223, %eq3A_2225 : vector<16xi32>
      %select_n3A_2227 = arith.select %eq3A_2226, %select_n3A_1952, %gather3A_2220 : vector<16xi1>, vector<16xf32>
      %lt3A_2228 = arith.constant 0 : i32
      %lt3A_2229 = vector.broadcast %lt3A_2228 : i32 to vector<16xi32>
      %lt3A_2230 = arith.cmpi slt, %xor3A_2193, %lt3A_2229 : vector<16xi32>
      %add3A_2231 = arith.constant 16 : i32
      %add3A_2232 = vector.broadcast %add3A_2231 : i32 to vector<16xi32>
      %add3A_2233 = arith.addi %xor3A_2193, %add3A_2232 : vector<16xi32>
      %select_n3A_2234 = arith.select %lt3A_2230, %add3A_2233, %xor3A_2193 : vector<16xi1>, vector<16xi32>
      %broadcast_in_dim3A_2235 = vector.shape_cast %select_n3A_2234 : vector<16xi32> to vector<16x1xi32>
      %gather3A_2236 = vector.shape_cast %broadcast_in_dim3A_2235 : vector<16x1xi32> to vector<16xi32>
      %gather3A_2237 = tpu.dynamic_gather %select_n3A_2105[%gather3A_2236] in [0] : vector<16xf32>, vector<16xi32> -> vector<16xf32>
      %and3A_2238 = arith.constant 8 : i32
      %and3A_2239 = vector.broadcast %and3A_2238 : i32 to vector<16xi32>
      %and3A_2240 = arith.andi %iota3A, %and3A_2239 : vector<16xi32>
      %eq3A_2241 = arith.constant 0 : i32
      %eq3A_2242 = vector.broadcast %eq3A_2241 : i32 to vector<16xi32>
      %eq3A_2243 = arith.cmpi eq, %and3A_2240, %eq3A_2242 : vector<16xi32>
      %select_n3A_2244 = arith.select %eq3A_2243, %select_n3A_1969, %gather3A_2237 : vector<16xi1>, vector<16xf32>
      %lt3A_2245 = arith.constant 0 : i32
      %lt3A_2246 = vector.broadcast %lt3A_2245 : i32 to vector<16xi32>
      %lt3A_2247 = arith.cmpi slt, %xor3A_2193, %lt3A_2246 : vector<16xi32>
      %add3A_2248 = arith.constant 16 : i32
      %add3A_2249 = vector.broadcast %add3A_2248 : i32 to vector<16xi32>
      %add3A_2250 = arith.addi %xor3A_2193, %add3A_2249 : vector<16xi32>
      %select_n3A_2251 = arith.select %lt3A_2247, %add3A_2250, %xor3A_2193 : vector<16xi1>, vector<16xi32>
      %broadcast_in_dim3A_2252 = vector.shape_cast %select_n3A_2251 : vector<16xi32> to vector<16x1xi32>
      %gather3A_2253 = vector.shape_cast %broadcast_in_dim3A_2252 : vector<16x1xi32> to vector<16xi32>
      %gather3A_2254 = tpu.dynamic_gather %select_n3A_2122[%gather3A_2253] in [0] : vector<16xf32>, vector<16xi32> -> vector<16xf32>
      %and3A_2255 = arith.constant 8 : i32
      %and3A_2256 = vector.broadcast %and3A_2255 : i32 to vector<16xi32>
      %and3A_2257 = arith.andi %iota3A, %and3A_2256 : vector<16xi32>
      %eq3A_2258 = arith.constant 0 : i32
      %eq3A_2259 = vector.broadcast %eq3A_2258 : i32 to vector<16xi32>
      %eq3A_2260 = arith.cmpi eq, %and3A_2257, %eq3A_2259 : vector<16xi32>
      %select_n3A_2261 = arith.select %eq3A_2260, %select_n3A_1986, %gather3A_2254 : vector<16xi1>, vector<16xf32>
      %lt3A_2262 = arith.constant 0 : i32
      %lt3A_2263 = vector.broadcast %lt3A_2262 : i32 to vector<16xi32>
      %lt3A_2264 = arith.cmpi slt, %xor3A_2193, %lt3A_2263 : vector<16xi32>
      %add3A_2265 = arith.constant 16 : i32
      %add3A_2266 = vector.broadcast %add3A_2265 : i32 to vector<16xi32>
      %add3A_2267 = arith.addi %xor3A_2193, %add3A_2266 : vector<16xi32>
      %select_n3A_2268 = arith.select %lt3A_2264, %add3A_2267, %xor3A_2193 : vector<16xi1>, vector<16xi32>
      %broadcast_in_dim3A_2269 = vector.shape_cast %select_n3A_2268 : vector<16xi32> to vector<16x1xi32>
      %gather3A_2270 = vector.shape_cast %broadcast_in_dim3A_2269 : vector<16x1xi32> to vector<16xi32>
      %gather3A_2271 = tpu.dynamic_gather %select_n3A_2139[%gather3A_2270] in [0] : vector<16xf32>, vector<16xi32> -> vector<16xf32>
      %and3A_2272 = arith.constant 8 : i32
      %and3A_2273 = vector.broadcast %and3A_2272 : i32 to vector<16xi32>
      %and3A_2274 = arith.andi %iota3A, %and3A_2273 : vector<16xi32>
      %eq3A_2275 = arith.constant 0 : i32
      %eq3A_2276 = vector.broadcast %eq3A_2275 : i32 to vector<16xi32>
      %eq3A_2277 = arith.cmpi eq, %and3A_2274, %eq3A_2276 : vector<16xi32>
      %select_n3A_2278 = arith.select %eq3A_2277, %select_n3A_2003, %gather3A_2271 : vector<16xi1>, vector<16xf32>
      %lt3A_2279 = arith.constant 0 : i32
      %lt3A_2280 = vector.broadcast %lt3A_2279 : i32 to vector<16xi32>
      %lt3A_2281 = arith.cmpi slt, %xor3A_2193, %lt3A_2280 : vector<16xi32>
      %add3A_2282 = arith.constant 16 : i32
      %add3A_2283 = vector.broadcast %add3A_2282 : i32 to vector<16xi32>
      %add3A_2284 = arith.addi %xor3A_2193, %add3A_2283 : vector<16xi32>
      %select_n3A_2285 = arith.select %lt3A_2281, %add3A_2284, %xor3A_2193 : vector<16xi1>, vector<16xi32>
      %broadcast_in_dim3A_2286 = vector.shape_cast %select_n3A_2285 : vector<16xi32> to vector<16x1xi32>
      %gather3A_2287 = vector.shape_cast %broadcast_in_dim3A_2286 : vector<16x1xi32> to vector<16xi32>
      %gather3A_2288 = tpu.dynamic_gather %select_n3A_2156[%gather3A_2287] in [0] : vector<16xf32>, vector<16xi32> -> vector<16xf32>
      %and3A_2289 = arith.constant 8 : i32
      %and3A_2290 = vector.broadcast %and3A_2289 : i32 to vector<16xi32>
      %and3A_2291 = arith.andi %iota3A, %and3A_2290 : vector<16xi32>
      %eq3A_2292 = arith.constant 0 : i32
      %eq3A_2293 = vector.broadcast %eq3A_2292 : i32 to vector<16xi32>
      %eq3A_2294 = arith.cmpi eq, %and3A_2291, %eq3A_2293 : vector<16xi32>
      %select_n3A_2295 = arith.select %eq3A_2294, %select_n3A_2020, %gather3A_2288 : vector<16xi1>, vector<16xf32>
      %lt3A_2296 = arith.constant 0 : i32
      %lt3A_2297 = vector.broadcast %lt3A_2296 : i32 to vector<16xi32>
      %lt3A_2298 = arith.cmpi slt, %xor3A_2193, %lt3A_2297 : vector<16xi32>
      %add3A_2299 = arith.constant 16 : i32
      %add3A_2300 = vector.broadcast %add3A_2299 : i32 to vector<16xi32>
      %add3A_2301 = arith.addi %xor3A_2193, %add3A_2300 : vector<16xi32>
      %select_n3A_2302 = arith.select %lt3A_2298, %add3A_2301, %xor3A_2193 : vector<16xi1>, vector<16xi32>
      %broadcast_in_dim3A_2303 = vector.shape_cast %select_n3A_2302 : vector<16xi32> to vector<16x1xi32>
      %gather3A_2304 = vector.shape_cast %broadcast_in_dim3A_2303 : vector<16x1xi32> to vector<16xi32>
      %gather3A_2305 = tpu.dynamic_gather %select_n3A_2173[%gather3A_2304] in [0] : vector<16xf32>, vector<16xi32> -> vector<16xf32>
      %and3A_2306 = arith.constant 8 : i32
      %and3A_2307 = vector.broadcast %and3A_2306 : i32 to vector<16xi32>
      %and3A_2308 = arith.andi %iota3A, %and3A_2307 : vector<16xi32>
      %eq3A_2309 = arith.constant 0 : i32
      %eq3A_2310 = vector.broadcast %eq3A_2309 : i32 to vector<16xi32>
      %eq3A_2311 = arith.cmpi eq, %and3A_2308, %eq3A_2310 : vector<16xi32>
      %select_n3A_2312 = arith.select %eq3A_2311, %select_n3A_2037, %gather3A_2305 : vector<16xi1>, vector<16xf32>
      %lt3A_2313 = arith.constant 0 : i32
      %lt3A_2314 = vector.broadcast %lt3A_2313 : i32 to vector<16xi32>
      %lt3A_2315 = arith.cmpi slt, %xor3A_2193, %lt3A_2314 : vector<16xi32>
      %add3A_2316 = arith.constant 16 : i32
      %add3A_2317 = vector.broadcast %add3A_2316 : i32 to vector<16xi32>
      %add3A_2318 = arith.addi %xor3A_2193, %add3A_2317 : vector<16xi32>
      %select_n3A_2319 = arith.select %lt3A_2315, %add3A_2318, %xor3A_2193 : vector<16xi1>, vector<16xi32>
      %broadcast_in_dim3A_2320 = vector.shape_cast %select_n3A_2319 : vector<16xi32> to vector<16x1xi32>
      %gather3A_2321 = vector.shape_cast %broadcast_in_dim3A_2320 : vector<16x1xi32> to vector<16xi32>
      %gather3A_2322 = tpu.dynamic_gather %select_n3A_2190[%gather3A_2321] in [0] : vector<16xf32>, vector<16xi32> -> vector<16xf32>
      %and3A_2323 = arith.constant 8 : i32
      %and3A_2324 = vector.broadcast %and3A_2323 : i32 to vector<16xi32>
      %and3A_2325 = arith.andi %iota3A, %and3A_2324 : vector<16xi32>
      %eq3A_2326 = arith.constant 0 : i32
      %eq3A_2327 = vector.broadcast %eq3A_2326 : i32 to vector<16xi32>
      %eq3A_2328 = arith.cmpi eq, %and3A_2325, %eq3A_2327 : vector<16xi32>
      %select_n3A_2329 = arith.select %eq3A_2328, %select_n3A_2054, %gather3A_2322 : vector<16xi1>, vector<16xf32>
      %lt3A_2330 = arith.constant 0 : i32
      %lt3A_2331 = vector.broadcast %lt3A_2330 : i32 to vector<16xi32>
      %lt3A_2332 = arith.cmpi slt, %xor3A_2193, %lt3A_2331 : vector<16xi32>
      %add3A_2333 = arith.constant 16 : i32
      %add3A_2334 = vector.broadcast %add3A_2333 : i32 to vector<16xi32>
      %add3A_2335 = arith.addi %xor3A_2193, %add3A_2334 : vector<16xi32>
      %select_n3A_2336 = arith.select %lt3A_2332, %add3A_2335, %xor3A_2193 : vector<16xi1>, vector<16xi32>
      %broadcast_in_dim3A_2337 = vector.shape_cast %select_n3A_2336 : vector<16xi32> to vector<16x1xi32>
      %gather3A_2338 = vector.shape_cast %broadcast_in_dim3A_2337 : vector<16x1xi32> to vector<16xi32>
      %gather3A_2339 = tpu.dynamic_gather %select_n3A_1935[%gather3A_2338] in [0] : vector<16xf32>, vector<16xi32> -> vector<16xf32>
      %and3A_2340 = arith.constant 8 : i32
      %and3A_2341 = vector.broadcast %and3A_2340 : i32 to vector<16xi32>
      %and3A_2342 = arith.andi %iota3A, %and3A_2341 : vector<16xi32>
      %eq3A_2343 = arith.constant 8 : i32
      %eq3A_2344 = vector.broadcast %eq3A_2343 : i32 to vector<16xi32>
      %eq3A_2345 = arith.cmpi eq, %and3A_2342, %eq3A_2344 : vector<16xi32>
      %select_n3A_2346 = arith.select %eq3A_2345, %select_n3A_2071, %gather3A_2339 : vector<16xi1>, vector<16xf32>
      %lt3A_2347 = arith.constant 0 : i32
      %lt3A_2348 = vector.broadcast %lt3A_2347 : i32 to vector<16xi32>
      %lt3A_2349 = arith.cmpi slt, %xor3A_2193, %lt3A_2348 : vector<16xi32>
      %add3A_2350 = arith.constant 16 : i32
      %add3A_2351 = vector.broadcast %add3A_2350 : i32 to vector<16xi32>
      %add3A_2352 = arith.addi %xor3A_2193, %add3A_2351 : vector<16xi32>
      %select_n3A_2353 = arith.select %lt3A_2349, %add3A_2352, %xor3A_2193 : vector<16xi1>, vector<16xi32>
      %broadcast_in_dim3A_2354 = vector.shape_cast %select_n3A_2353 : vector<16xi32> to vector<16x1xi32>
      %gather3A_2355 = vector.shape_cast %broadcast_in_dim3A_2354 : vector<16x1xi32> to vector<16xi32>
      %gather3A_2356 = tpu.dynamic_gather %select_n3A_1952[%gather3A_2355] in [0] : vector<16xf32>, vector<16xi32> -> vector<16xf32>
      %and3A_2357 = arith.constant 8 : i32
      %and3A_2358 = vector.broadcast %and3A_2357 : i32 to vector<16xi32>
      %and3A_2359 = arith.andi %iota3A, %and3A_2358 : vector<16xi32>
      %eq3A_2360 = arith.constant 8 : i32
      %eq3A_2361 = vector.broadcast %eq3A_2360 : i32 to vector<16xi32>
      %eq3A_2362 = arith.cmpi eq, %and3A_2359, %eq3A_2361 : vector<16xi32>
      %select_n3A_2363 = arith.select %eq3A_2362, %select_n3A_2088, %gather3A_2356 : vector<16xi1>, vector<16xf32>
      %lt3A_2364 = arith.constant 0 : i32
      %lt3A_2365 = vector.broadcast %lt3A_2364 : i32 to vector<16xi32>
      %lt3A_2366 = arith.cmpi slt, %xor3A_2193, %lt3A_2365 : vector<16xi32>
      %add3A_2367 = arith.constant 16 : i32
      %add3A_2368 = vector.broadcast %add3A_2367 : i32 to vector<16xi32>
      %add3A_2369 = arith.addi %xor3A_2193, %add3A_2368 : vector<16xi32>
      %select_n3A_2370 = arith.select %lt3A_2366, %add3A_2369, %xor3A_2193 : vector<16xi1>, vector<16xi32>
      %broadcast_in_dim3A_2371 = vector.shape_cast %select_n3A_2370 : vector<16xi32> to vector<16x1xi32>
      %gather3A_2372 = vector.shape_cast %broadcast_in_dim3A_2371 : vector<16x1xi32> to vector<16xi32>
      %gather3A_2373 = tpu.dynamic_gather %select_n3A_1969[%gather3A_2372] in [0] : vector<16xf32>, vector<16xi32> -> vector<16xf32>
      %and3A_2374 = arith.constant 8 : i32
      %and3A_2375 = vector.broadcast %and3A_2374 : i32 to vector<16xi32>
      %and3A_2376 = arith.andi %iota3A, %and3A_2375 : vector<16xi32>
      %eq3A_2377 = arith.constant 8 : i32
      %eq3A_2378 = vector.broadcast %eq3A_2377 : i32 to vector<16xi32>
      %eq3A_2379 = arith.cmpi eq, %and3A_2376, %eq3A_2378 : vector<16xi32>
      %select_n3A_2380 = arith.select %eq3A_2379, %select_n3A_2105, %gather3A_2373 : vector<16xi1>, vector<16xf32>
      %lt3A_2381 = arith.constant 0 : i32
      %lt3A_2382 = vector.broadcast %lt3A_2381 : i32 to vector<16xi32>
      %lt3A_2383 = arith.cmpi slt, %xor3A_2193, %lt3A_2382 : vector<16xi32>
      %add3A_2384 = arith.constant 16 : i32
      %add3A_2385 = vector.broadcast %add3A_2384 : i32 to vector<16xi32>
      %add3A_2386 = arith.addi %xor3A_2193, %add3A_2385 : vector<16xi32>
      %select_n3A_2387 = arith.select %lt3A_2383, %add3A_2386, %xor3A_2193 : vector<16xi1>, vector<16xi32>
      %broadcast_in_dim3A_2388 = vector.shape_cast %select_n3A_2387 : vector<16xi32> to vector<16x1xi32>
      %gather3A_2389 = vector.shape_cast %broadcast_in_dim3A_2388 : vector<16x1xi32> to vector<16xi32>
      %gather3A_2390 = tpu.dynamic_gather %select_n3A_1986[%gather3A_2389] in [0] : vector<16xf32>, vector<16xi32> -> vector<16xf32>
      %and3A_2391 = arith.constant 8 : i32
      %and3A_2392 = vector.broadcast %and3A_2391 : i32 to vector<16xi32>
      %and3A_2393 = arith.andi %iota3A, %and3A_2392 : vector<16xi32>
      %eq3A_2394 = arith.constant 8 : i32
      %eq3A_2395 = vector.broadcast %eq3A_2394 : i32 to vector<16xi32>
      %eq3A_2396 = arith.cmpi eq, %and3A_2393, %eq3A_2395 : vector<16xi32>
      %select_n3A_2397 = arith.select %eq3A_2396, %select_n3A_2122, %gather3A_2390 : vector<16xi1>, vector<16xf32>
      %lt3A_2398 = arith.constant 0 : i32
      %lt3A_2399 = vector.broadcast %lt3A_2398 : i32 to vector<16xi32>
      %lt3A_2400 = arith.cmpi slt, %xor3A_2193, %lt3A_2399 : vector<16xi32>
      %add3A_2401 = arith.constant 16 : i32
      %add3A_2402 = vector.broadcast %add3A_2401 : i32 to vector<16xi32>
      %add3A_2403 = arith.addi %xor3A_2193, %add3A_2402 : vector<16xi32>
      %select_n3A_2404 = arith.select %lt3A_2400, %add3A_2403, %xor3A_2193 : vector<16xi1>, vector<16xi32>
      %broadcast_in_dim3A_2405 = vector.shape_cast %select_n3A_2404 : vector<16xi32> to vector<16x1xi32>
      %gather3A_2406 = vector.shape_cast %broadcast_in_dim3A_2405 : vector<16x1xi32> to vector<16xi32>
      %gather3A_2407 = tpu.dynamic_gather %select_n3A_2003[%gather3A_2406] in [0] : vector<16xf32>, vector<16xi32> -> vector<16xf32>
      %and3A_2408 = arith.constant 8 : i32
      %and3A_2409 = vector.broadcast %and3A_2408 : i32 to vector<16xi32>
      %and3A_2410 = arith.andi %iota3A, %and3A_2409 : vector<16xi32>
      %eq3A_2411 = arith.constant 8 : i32
      %eq3A_2412 = vector.broadcast %eq3A_2411 : i32 to vector<16xi32>
      %eq3A_2413 = arith.cmpi eq, %and3A_2410, %eq3A_2412 : vector<16xi32>
      %select_n3A_2414 = arith.select %eq3A_2413, %select_n3A_2139, %gather3A_2407 : vector<16xi1>, vector<16xf32>
      %lt3A_2415 = arith.constant 0 : i32
      %lt3A_2416 = vector.broadcast %lt3A_2415 : i32 to vector<16xi32>
      %lt3A_2417 = arith.cmpi slt, %xor3A_2193, %lt3A_2416 : vector<16xi32>
      %add3A_2418 = arith.constant 16 : i32
      %add3A_2419 = vector.broadcast %add3A_2418 : i32 to vector<16xi32>
      %add3A_2420 = arith.addi %xor3A_2193, %add3A_2419 : vector<16xi32>
      %select_n3A_2421 = arith.select %lt3A_2417, %add3A_2420, %xor3A_2193 : vector<16xi1>, vector<16xi32>
      %broadcast_in_dim3A_2422 = vector.shape_cast %select_n3A_2421 : vector<16xi32> to vector<16x1xi32>
      %gather3A_2423 = vector.shape_cast %broadcast_in_dim3A_2422 : vector<16x1xi32> to vector<16xi32>
      %gather3A_2424 = tpu.dynamic_gather %select_n3A_2020[%gather3A_2423] in [0] : vector<16xf32>, vector<16xi32> -> vector<16xf32>
      %and3A_2425 = arith.constant 8 : i32
      %and3A_2426 = vector.broadcast %and3A_2425 : i32 to vector<16xi32>
      %and3A_2427 = arith.andi %iota3A, %and3A_2426 : vector<16xi32>
      %eq3A_2428 = arith.constant 8 : i32
      %eq3A_2429 = vector.broadcast %eq3A_2428 : i32 to vector<16xi32>
      %eq3A_2430 = arith.cmpi eq, %and3A_2427, %eq3A_2429 : vector<16xi32>
      %select_n3A_2431 = arith.select %eq3A_2430, %select_n3A_2156, %gather3A_2424 : vector<16xi1>, vector<16xf32>
      %lt3A_2432 = arith.constant 0 : i32
      %lt3A_2433 = vector.broadcast %lt3A_2432 : i32 to vector<16xi32>
      %lt3A_2434 = arith.cmpi slt, %xor3A_2193, %lt3A_2433 : vector<16xi32>
      %add3A_2435 = arith.constant 16 : i32
      %add3A_2436 = vector.broadcast %add3A_2435 : i32 to vector<16xi32>
      %add3A_2437 = arith.addi %xor3A_2193, %add3A_2436 : vector<16xi32>
      %select_n3A_2438 = arith.select %lt3A_2434, %add3A_2437, %xor3A_2193 : vector<16xi1>, vector<16xi32>
      %broadcast_in_dim3A_2439 = vector.shape_cast %select_n3A_2438 : vector<16xi32> to vector<16x1xi32>
      %gather3A_2440 = vector.shape_cast %broadcast_in_dim3A_2439 : vector<16x1xi32> to vector<16xi32>
      %gather3A_2441 = tpu.dynamic_gather %select_n3A_2037[%gather3A_2440] in [0] : vector<16xf32>, vector<16xi32> -> vector<16xf32>
      %and3A_2442 = arith.constant 8 : i32
      %and3A_2443 = vector.broadcast %and3A_2442 : i32 to vector<16xi32>
      %and3A_2444 = arith.andi %iota3A, %and3A_2443 : vector<16xi32>
      %eq3A_2445 = arith.constant 8 : i32
      %eq3A_2446 = vector.broadcast %eq3A_2445 : i32 to vector<16xi32>
      %eq3A_2447 = arith.cmpi eq, %and3A_2444, %eq3A_2446 : vector<16xi32>
      %select_n3A_2448 = arith.select %eq3A_2447, %select_n3A_2173, %gather3A_2441 : vector<16xi1>, vector<16xf32>
      %lt3A_2449 = arith.constant 0 : i32
      %lt3A_2450 = vector.broadcast %lt3A_2449 : i32 to vector<16xi32>
      %lt3A_2451 = arith.cmpi slt, %xor3A_2193, %lt3A_2450 : vector<16xi32>
      %add3A_2452 = arith.constant 16 : i32
      %add3A_2453 = vector.broadcast %add3A_2452 : i32 to vector<16xi32>
      %add3A_2454 = arith.addi %xor3A_2193, %add3A_2453 : vector<16xi32>
      %select_n3A_2455 = arith.select %lt3A_2451, %add3A_2454, %xor3A_2193 : vector<16xi1>, vector<16xi32>
      %broadcast_in_dim3A_2456 = vector.shape_cast %select_n3A_2455 : vector<16xi32> to vector<16x1xi32>
      %gather3A_2457 = vector.shape_cast %broadcast_in_dim3A_2456 : vector<16x1xi32> to vector<16xi32>
      %gather3A_2458 = tpu.dynamic_gather %select_n3A_2054[%gather3A_2457] in [0] : vector<16xf32>, vector<16xi32> -> vector<16xf32>
      %and3A_2459 = arith.constant 8 : i32
      %and3A_2460 = vector.broadcast %and3A_2459 : i32 to vector<16xi32>
      %and3A_2461 = arith.andi %iota3A, %and3A_2460 : vector<16xi32>
      %eq3A_2462 = arith.constant 8 : i32
      %eq3A_2463 = vector.broadcast %eq3A_2462 : i32 to vector<16xi32>
      %eq3A_2464 = arith.cmpi eq, %and3A_2461, %eq3A_2463 : vector<16xi32>
      %select_n3A_2465 = arith.select %eq3A_2464, %select_n3A_2190, %gather3A_2458 : vector<16xi1>, vector<16xf32>
      %swap3A_2466 = arith.constant 0 : i32
      %swap3A_2467 = arith.index_cast %swap3A_2466 : i32 to index
      %swap3A_2468 = arith.constant 16 : index
      %swap3A_2469 = tpu.vector_load %arg7[%swap3A_2467, %swap3A_2468] {strides = array<i32>} : memref<16x32xf32, #tpu.memory_space<vmem>>, vector<1x16xf32>,
      %swap3A_2470 = vector.shape_cast %swap3A_2469 : vector<1x16xf32> to vector<16xf32>
      %swap3A_2471 = vector.shape_cast %select_n3A_2210 : vector<16xf32> to vector<1x16xf32>
      tpu.vector_store %arg7[%swap3A_2467, %swap3A_2468], %swap3A_2471 {strides = array<i32>} : memref<16x32xf32, #tpu.memory_space<vmem>>, vector<1x16xf32>,
      %swap3A_2472 = arith.constant 1 : i32
      %swap3A_2473 = arith.index_cast %swap3A_2472 : i32 to index
      %swap3A_2474 = arith.constant 16 : index
      %swap3A_2475 = tpu.vector_load %arg7[%swap3A_2473, %swap3A_2474] {strides = array<i32>} : memref<16x32xf32, #tpu.memory_space<vmem>>, vector<1x16xf32>,
      %swap3A_2476 = vector.shape_cast %swap3A_2475 : vector<1x16xf32> to vector<16xf32>
      %swap3A_2477 = vector.shape_cast %select_n3A_2227 : vector<16xf32> to vector<1x16xf32>
      tpu.vector_store %arg7[%swap3A_2473, %swap3A_2474], %swap3A_2477 {strides = array<i32>} : memref<16x32xf32, #tpu.memory_space<vmem>>, vector<1x16xf32>,
      %swap3A_2478 = arith.constant 2 : i32
      %swap3A_2479 = arith.index_cast %swap3A_2478 : i32 to index
      %swap3A_2480 = arith.constant 16 : index
      %swap3A_2481 = tpu.vector_load %arg7[%swap3A_2479, %swap3A_2480] {strides = array<i32>} : memref<16x32xf32, #tpu.memory_space<vmem>>, vector<1x16xf32>,
      %swap3A_2482 = vector.shape_cast %swap3A_2481 : vector<1x16xf32> to vector<16xf32>
      %swap3A_2483 = vector.shape_cast %select_n3A_2244 : vector<16xf32> to vector<1x16xf32>
      tpu.vector_store %arg7[%swap3A_2479, %swap3A_2480], %swap3A_2483 {strides = array<i32>} : memref<16x32xf32, #tpu.memory_space<vmem>>, vector<1x16xf32>,
      %swap3A_2484 = arith.constant 3 : i32
      %swap3A_2485 = arith.index_cast %swap3A_2484 : i32 to index
      %swap3A_2486 = arith.constant 16 : index
      %swap3A_2487 = tpu.vector_load %arg7[%swap3A_2485, %swap3A_2486] {strides = array<i32>} : memref<16x32xf32, #tpu.memory_space<vmem>>, vector<1x16xf32>,
      %swap3A_2488 = vector.shape_cast %swap3A_2487 : vector<1x16xf32> to vector<16xf32>
      %swap3A_2489 = vector.shape_cast %select_n3A_2261 : vector<16xf32> to vector<1x16xf32>
      tpu.vector_store %arg7[%swap3A_2485, %swap3A_2486], %swap3A_2489 {strides = array<i32>} : memref<16x32xf32, #tpu.memory_space<vmem>>, vector<1x16xf32>,
      %swap3A_2490 = arith.constant 4 : i32
      %swap3A_2491 = arith.index_cast %swap3A_2490 : i32 to index
      %swap3A_2492 = arith.constant 16 : index
      %swap3A_2493 = tpu.vector_load %arg7[%swap3A_2491, %swap3A_2492] {strides = array<i32>} : memref<16x32xf32, #tpu.memory_space<vmem>>, vector<1x16xf32>,
      %swap3A_2494 = vector.shape_cast %swap3A_2493 : vector<1x16xf32> to vector<16xf32>
      %swap3A_2495 = vector.shape_cast %select_n3A_2278 : vector<16xf32> to vector<1x16xf32>
      tpu.vector_store %arg7[%swap3A_2491, %swap3A_2492], %swap3A_2495 {strides = array<i32>} : memref<16x32xf32, #tpu.memory_space<vmem>>, vector<1x16xf32>,
      %swap3A_2496 = arith.constant 5 : i32
      %swap3A_2497 = arith.index_cast %swap3A_2496 : i32 to index
      %swap3A_2498 = arith.constant 16 : index
      %swap3A_2499 = tpu.vector_load %arg7[%swap3A_2497, %swap3A_2498] {strides = array<i32>} : memref<16x32xf32, #tpu.memory_space<vmem>>, vector<1x16xf32>,
      %swap3A_2500 = vector.shape_cast %swap3A_2499 : vector<1x16xf32> to vector<16xf32>
      %swap3A_2501 = vector.shape_cast %select_n3A_2295 : vector<16xf32> to vector<1x16xf32>
      tpu.vector_store %arg7[%swap3A_2497, %swap3A_2498], %swap3A_2501 {strides = array<i32>} : memref<16x32xf32, #tpu.memory_space<vmem>>, vector<1x16xf32>,
      %swap3A_2502 = arith.constant 6 : i32
      %swap3A_2503 = arith.index_cast %swap3A_2502 : i32 to index
      %swap3A_2504 = arith.constant 16 : index
      %swap3A_2505 = tpu.vector_load %arg7[%swap3A_2503, %swap3A_2504] {strides = array<i32>} : memref<16x32xf32, #tpu.memory_space<vmem>>, vector<1x16xf32>,
      %swap3A_2506 = vector.shape_cast %swap3A_2505 : vector<1x16xf32> to vector<16xf32>
      %swap3A_2507 = vector.shape_cast %select_n3A_2312 : vector<16xf32> to vector<1x16xf32>
      tpu.vector_store %arg7[%swap3A_2503, %swap3A_2504], %swap3A_2507 {strides = array<i32>} : memref<16x32xf32, #tpu.memory_space<vmem>>, vector<1x16xf32>,
      %swap3A_2508 = arith.constant 7 : i32
      %swap3A_2509 = arith.index_cast %swap3A_2508 : i32 to index
      %swap3A_2510 = arith.constant 16 : index
      %swap3A_2511 = tpu.vector_load %arg7[%swap3A_2509, %swap3A_2510] {strides = array<i32>} : memref<16x32xf32, #tpu.memory_space<vmem>>, vector<1x16xf32>,
      %swap3A_2512 = vector.shape_cast %swap3A_2511 : vector<1x16xf32> to vector<16xf32>
      %swap3A_2513 = vector.shape_cast %select_n3A_2329 : vector<16xf32> to vector<1x16xf32>
      tpu.vector_store %arg7[%swap3A_2509, %swap3A_2510], %swap3A_2513 {strides = array<i32>} : memref<16x32xf32, #tpu.memory_space<vmem>>, vector<1x16xf32>,
      %swap3A_2514 = arith.constant 8 : i32
      %swap3A_2515 = arith.index_cast %swap3A_2514 : i32 to index
      %swap3A_2516 = arith.constant 16 : index
      %swap3A_2517 = tpu.vector_load %arg7[%swap3A_2515, %swap3A_2516] {strides = array<i32>} : memref<16x32xf32, #tpu.memory_space<vmem>>, vector<1x16xf32>,
      %swap3A_2518 = vector.shape_cast %swap3A_2517 : vector<1x16xf32> to vector<16xf32>
      %swap3A_2519 = vector.shape_cast %select_n3A_2346 : vector<16xf32> to vector<1x16xf32>
      tpu.vector_store %arg7[%swap3A_2515, %swap3A_2516], %swap3A_2519 {strides = array<i32>} : memref<16x32xf32, #tpu.memory_space<vmem>>, vector<1x16xf32>,
      %swap3A_2520 = arith.constant 9 : i32
      %swap3A_2521 = arith.index_cast %swap3A_2520 : i32 to index
      %swap3A_2522 = arith.constant 16 : index
      %swap3A_2523 = tpu.vector_load %arg7[%swap3A_2521, %swap3A_2522] {strides = array<i32>} : memref<16x32xf32, #tpu.memory_space<vmem>>, vector<1x16xf32>,
      %swap3A_2524 = vector.shape_cast %swap3A_2523 : vector<1x16xf32> to vector<16xf32>
      %swap3A_2525 = vector.shape_cast %select_n3A_2363 : vector<16xf32> to vector<1x16xf32>
      tpu.vector_store %arg7[%swap3A_2521, %swap3A_2522], %swap3A_2525 {strides = array<i32>} : memref<16x32xf32, #tpu.memory_space<vmem>>, vector<1x16xf32>,
      %swap3A_2526 = arith.constant 10 : i32
      %swap3A_2527 = arith.index_cast %swap3A_2526 : i32 to index
      %swap3A_2528 = arith.constant 16 : index
      %swap3A_2529 = tpu.vector_load %arg7[%swap3A_2527, %swap3A_2528] {strides = array<i32>} : memref<16x32xf32, #tpu.memory_space<vmem>>, vector<1x16xf32>,
      %swap3A_2530 = vector.shape_cast %swap3A_2529 : vector<1x16xf32> to vector<16xf32>
      %swap3A_2531 = vector.shape_cast %select_n3A_2380 : vector<16xf32> to vector<1x16xf32>
      tpu.vector_store %arg7[%swap3A_2527, %swap3A_2528], %swap3A_2531 {strides = array<i32>} : memref<16x32xf32, #tpu.memory_space<vmem>>, vector<1x16xf32>,
      %swap3A_2532 = arith.constant 11 : i32
      %swap3A_2533 = arith.index_cast %swap3A_2532 : i32 to index
      %swap3A_2534 = arith.constant 16 : index
      %swap3A_2535 = tpu.vector_load %arg7[%swap3A_2533, %swap3A_2534] {strides = array<i32>} : memref<16x32xf32, #tpu.memory_space<vmem>>, vector<1x16xf32>,
      %swap3A_2536 = vector.shape_cast %swap3A_2535 : vector<1x16xf32> to vector<16xf32>
      %swap3A_2537 = vector.shape_cast %select_n3A_2397 : vector<16xf32> to vector<1x16xf32>
      tpu.vector_store %arg7[%swap3A_2533, %swap3A_2534], %swap3A_2537 {strides = array<i32>} : memref<16x32xf32, #tpu.memory_space<vmem>>, vector<1x16xf32>,
      %swap3A_2538 = arith.constant 12 : i32
      %swap3A_2539 = arith.index_cast %swap3A_2538 : i32 to index
      %swap3A_2540 = arith.constant 16 : index
      %swap3A_2541 = tpu.vector_load %arg7[%swap3A_2539, %swap3A_2540] {strides = array<i32>} : memref<16x32xf32, #tpu.memory_space<vmem>>, vector<1x16xf32>,
      %swap3A_2542 = vector.shape_cast %swap3A_2541 : vector<1x16xf32> to vector<16xf32>
      %swap3A_2543 = vector.shape_cast %select_n3A_2414 : vector<16xf32> to vector<1x16xf32>
      tpu.vector_store %arg7[%swap3A_2539, %swap3A_2540], %swap3A_2543 {strides = array<i32>} : memref<16x32xf32, #tpu.memory_space<vmem>>, vector<1x16xf32>,
      %swap3A_2544 = arith.constant 13 : i32
      %swap3A_2545 = arith.index_cast %swap3A_2544 : i32 to index
      %swap3A_2546 = arith.constant 16 : index
      %swap3A_2547 = tpu.vector_load %arg7[%swap3A_2545, %swap3A_2546] {strides = array<i32>} : memref<16x32xf32, #tpu.memory_space<vmem>>, vector<1x16xf32>,
      %swap3A_2548 = vector.shape_cast %swap3A_2547 : vector<1x16xf32> to vector<16xf32>
      %swap3A_2549 = vector.shape_cast %select_n3A_2431 : vector<16xf32> to vector<1x16xf32>
      tpu.vector_store %arg7[%swap3A_2545, %swap3A_2546], %swap3A_2549 {strides = array<i32>} : memref<16x32xf32, #tpu.memory_space<vmem>>, vector<1x16xf32>,
      %swap3A_2550 = arith.constant 14 : i32
      %swap3A_2551 = arith.index_cast %swap3A_2550 : i32 to index
      %swap3A_2552 = arith.constant 16 : index
      %swap3A_2553 = tpu.vector_load %arg7[%swap3A_2551, %swap3A_2552] {strides = array<i32>} : memref<16x32xf32, #tpu.memory_space<vmem>>, vector<1x16xf32>,
      %swap3A_2554 = vector.shape_cast %swap3A_2553 : vector<1x16xf32> to vector<16xf32>
      %swap3A_2555 = vector.shape_cast %select_n3A_2448 : vector<16xf32> to vector<1x16xf32>
      tpu.vector_store %arg7[%swap3A_2551, %swap3A_2552], %swap3A_2555 {strides = array<i32>} : memref<16x32xf32, #tpu.memory_space<vmem>>, vector<1x16xf32>,
      %swap3A_2556 = arith.constant 15 : i32
      %swap3A_2557 = arith.index_cast %swap3A_2556 : i32 to index
      %swap3A_2558 = arith.constant 16 : index
      %swap3A_2559 = tpu.vector_load %arg7[%swap3A_2557, %swap3A_2558] {strides = array<i32>} : memref<16x32xf32, #tpu.memory_space<vmem>>, vector<1x16xf32>,
      %swap3A_2560 = vector.shape_cast %swap3A_2559 : vector<1x16xf32> to vector<16xf32>
      %swap3A_2561 = vector.shape_cast %select_n3A_2465 : vector<16xf32> to vector<1x16xf32>
      tpu.vector_store %arg7[%swap3A_2557, %swap3A_2558], %swap3A_2561 {strides = array<i32>} : memref<16x32xf32, #tpu.memory_space<vmem>>, vector<1x16xf32>,
    } else {
    }
    %mul3A_7 = arith.constant 16 : i32
    %mul3A_8 = arith.muli %add3A, %mul3A_7 : i32
    %dma_start3A = arith.constant 0 : i32
    %dma_start3A_9 = tpu.memref_slice %arg4[%mul3A_8, %dma_start3A] : memref<512x32xf32, #tpu.memory_space<hbm>> -> memref<16x32xf32, #tpu.memory_space<hbm>>
    %dma_start3A_10 = arith.constant 0 : i32
    %dma_start3A_11 = tpu.memref_slice %arg4[%mul3A_8, %dma_start3A_10] : memref<512x32xf32, #tpu.memory_space<hbm>> -> memref<16x32xf32, #tpu.memory_space<hbm>>
    tpu.enqueue_dma source(%arg7 : memref<16x32xf32, #tpu.memory_space<vmem>>) target(%dma_start3A_11 : memref<16x32xf32, #tpu.memory_space<hbm>>) target_semaphore(%arg8 : memref<!tpu.dma_semaphore, #tpu.memory_space<semaphore_mem>>)
    %dma_wait3A = arith.constant 0 : i32
    %dma_wait3A_12 = tpu.memref_slice %arg4[%mul3A_8, %dma_wait3A] : memref<512x32xf32, #tpu.memory_space<hbm>> -> memref<16x32xf32, #tpu.memory_space<hbm>>
    %dma_wait3A_13 = arith.constant 0 : i32
    %dma_wait3A_14 = tpu.memref_slice %arg4[%mul3A_8, %dma_wait3A_13] : memref<512x32xf32, #tpu.memory_space<hbm>> -> memref<16x32xf32, #tpu.memory_space<hbm>>
    tpu.wait_dma2 semaphore(%arg8 : memref<!tpu.dma_semaphore, #tpu.memory_space<semaphore_mem>>) src(%arg7 : memref<16x32xf32, #tpu.memory_space<vmem>>) dst(%dma_wait3A_14 : memref<16x32xf32, #tpu.memory_space<hbm>>)
    return
  }
}

module attributes {stable_mosaic.version = 14 : i64} {
  func.func @_tc_broadcast_body(%arg0: memref<512x32xf32, #tpu.memory_space<vmem>>, %arg1: memref<16x512x1024xf32, #tpu.memory_space<any>>, %arg2: memref<512x1024xf32, #tpu.memory_space<vmem>>, %arg3: memref<!tpu.dma_semaphore, #tpu.memory_space<semaphore_mem>>) attributes {dimension_semantics = [], scalar_prefetch = 0 : i64, scratch_operands = 2 : i64, tpu.core_type = #tpu.core_type<tc>} {
    %get3A = arith.constant 0 : index
    %get3A_0 = arith.constant 0 : index
    %get3A_1 = vector.load %arg0[%get3A, %get3A_0] : memref<512x32xf32, #tpu.memory_space<vmem>>, vector<512x32xf32>
    %slice3A = vector.extract_strided_slice %get3A_1 {offsets = [0, 0], sizes = [256, 32], strides = [1, 1]} : vector<512x32xf32> to vector<256x32xf32>
    %slice3A_2 = vector.extract_strided_slice %get3A_1 {offsets = [256, 0], sizes = [256, 32], strides = [1, 1]} : vector<512x32xf32> to vector<256x32xf32>
    %iota3A = tpu.iota {dimensions = array<i32: 1>} : vector<256x1024xi32>
    %jit3A = arith.constant 32 : i32
    %eq3A = arith.constant 0 : i32
    %eq3A_3 = arith.cmpi eq, %jit3A, %eq3A : i32
    %jit3A_4 = arith.constant 1 : i32
    %select_n3A = arith.select %eq3A_3, %jit3A_4, %jit3A : i32
    %rem3A = vector.broadcast %select_n3A : i32 to vector<256x1024xi32>
    %rem3A_5 = arith.remsi %iota3A, %rem3A : vector<256x1024xi32>
    %ne3A = arith.constant 0 : i32
    %ne3A_6 = vector.broadcast %ne3A : i32 to vector<256x1024xi32>
    %ne3A_7 = arith.cmpi ne, %rem3A_5, %ne3A_6 : vector<256x1024xi32>
    %lt3A = arith.constant 0 : i32
    %lt3A_8 = vector.broadcast %lt3A : i32 to vector<256x1024xi32>
    %lt3A_9 = arith.cmpi slt, %rem3A_5, %lt3A_8 : vector<256x1024xi32>
    %lt3A_10 = arith.constant 0 : i32
    %lt3A_11 = arith.cmpi slt, %select_n3A, %lt3A_10 : i32
    %ne3A_12 = vector.broadcast %lt3A_11 : i1 to vector<256x1024xi1>
    %ne3A_13 = vector.broadcast %ne3A_12 : vector<256x1024xi1> to vector<256x1024xi1>
    %ne3A_14 = arith.xori %lt3A_9, %ne3A_13 : vector<256x1024xi1>
    %and3A = arith.andi %ne3A_14, %ne3A_7 : vector<256x1024xi1>
    %add3A = vector.broadcast %select_n3A : i32 to vector<256x1024xi32>
    %add3A_15 = arith.addi %rem3A_5, %add3A : vector<256x1024xi32>
    %select_n3A_16 = arith.select %and3A, %add3A_15, %rem3A_5 : vector<256x1024xi1>, vector<256x1024xi32>
    %lt3A_17 = arith.constant 0 : i32
    %lt3A_18 = vector.broadcast %lt3A_17 : i32 to vector<256x1024xi32>
    %lt3A_19 = arith.cmpi slt, %select_n3A_16, %lt3A_18 : vector<256x1024xi32>
    %add3A_20 = arith.constant 32 : i32
    %add3A_21 = vector.broadcast %add3A_20 : i32 to vector<256x1024xi32>
    %add3A_22 = arith.addi %select_n3A_16, %add3A_21 : vector<256x1024xi32>
    %select_n3A_23 = arith.select %lt3A_19, %add3A_22, %select_n3A_16 : vector<256x1024xi1>, vector<256x1024xi32>
    %reshape3A = vector.shape_cast %select_n3A_23 : vector<256x1024xi32> to vector<256x1024x1xi32>
    %gather3A = vector.shape_cast %reshape3A : vector<256x1024x1xi32> to vector<256x1024xi32>
    %gather3A_24 = tpu.dynamic_gather %slice3A[%gather3A] in [1] : vector<256x32xf32>, vector<256x1024xi32> -> vector<256x1024xf32>
    %swap3A = arith.constant 0 : index
    %swap3A_25 = arith.constant 0 : index
    %swap3A_26 = vector.load %arg2[%swap3A, %swap3A_25] : memref<512x1024xf32, #tpu.memory_space<vmem>>, vector<256x1024xf32>
    tpu.vector_store %arg2[%swap3A, %swap3A_25], %gather3A_24 {strides = array<i32>} : memref<512x1024xf32, #tpu.memory_space<vmem>>, vector<256x1024xf32>,
    %jit3A_27 = arith.constant 32 : i32
    %div3A = vector.broadcast %jit3A_27 : i32 to vector<256x1024xi32>
    %div3A_28 = arith.divsi %iota3A, %div3A : vector<256x1024xi32>
    %sign3A = arith.constant 0 : i32
    %sign3A_29 = vector.broadcast %sign3A : i32 to vector<256x1024xi32>
    %sign3A_30 = arith.cmpi sgt, %iota3A, %sign3A_29 : vector<256x1024xi32>
    %sign3A_31 = arith.extui %sign3A_30 : vector<256x1024xi1> to vector<256x1024xi32>
    %sign3A_32 = arith.constant 0 : i32
    %sign3A_33 = vector.broadcast %sign3A_32 : i32 to vector<256x1024xi32>
    %sign3A_34 = arith.cmpi slt, %iota3A, %sign3A_33 : vector<256x1024xi32>
    %sign3A_35 = arith.extui %sign3A_34 : vector<256x1024xi1> to vector<256x1024xi32>
    %sign3A_36 = arith.subi %sign3A_31, %sign3A_35 : vector<256x1024xi32>
    %sign3A_37 = arith.constant 0 : i32
    %sign3A_38 = arith.cmpi sgt, %jit3A_27, %sign3A_37 : i32
    %sign3A_39 = arith.extui %sign3A_38 : i1 to i32
    %sign3A_40 = arith.constant 0 : i32
    %sign3A_41 = arith.cmpi slt, %jit3A_27, %sign3A_40 : i32
    %sign3A_42 = arith.extui %sign3A_41 : i1 to i32
    %sign3A_43 = arith.subi %sign3A_39, %sign3A_42 : i32
    %ne3A_44 = vector.broadcast %sign3A_43 : i32 to vector<256x1024xi32>
    %ne3A_45 = arith.cmpi ne, %sign3A_36, %ne3A_44 : vector<256x1024xi32>
    %rem3A_46 = vector.broadcast %jit3A_27 : i32 to vector<256x1024xi32>
    %rem3A_47 = arith.remsi %iota3A, %rem3A_46 : vector<256x1024xi32>
    %ne3A_48 = arith.constant 0 : i32
    %ne3A_49 = vector.broadcast %ne3A_48 : i32 to vector<256x1024xi32>
    %ne3A_50 = arith.cmpi ne, %rem3A_47, %ne3A_49 : vector<256x1024xi32>
    %and3A_51 = arith.andi %ne3A_45, %ne3A_50 : vector<256x1024xi1>
    %sub3A = arith.constant 1 : i32
    %sub3A_52 = vector.broadcast %sub3A : i32 to vector<256x1024xi32>
    %sub3A_53 = arith.subi %div3A_28, %sub3A_52 : vector<256x1024xi32>
    %select_n3A_54 = arith.select %and3A_51, %sub3A_53, %div3A_28 : vector<256x1024xi1>, vector<256x1024xi32>
    %lt3A_55 = arith.constant 0 : i32
    %lt3A_56 = vector.broadcast %lt3A_55 : i32 to vector<256x1024xi32>
    %lt3A_57 = arith.cmpi slt, %select_n3A_54, %lt3A_56 : vector<256x1024xi32>
    %add3A_58 = arith.constant 32 : i32
    %add3A_59 = vector.broadcast %add3A_58 : i32 to vector<256x1024xi32>
    %add3A_60 = arith.addi %select_n3A_54, %add3A_59 : vector<256x1024xi32>
    %select_n3A_61 = arith.select %lt3A_57, %add3A_60, %select_n3A_54 : vector<256x1024xi1>, vector<256x1024xi32>
    %reshape3A_62 = vector.shape_cast %select_n3A_61 : vector<256x1024xi32> to vector<256x1024x1xi32>
    %gather3A_63 = vector.shape_cast %reshape3A_62 : vector<256x1024x1xi32> to vector<256x1024xi32>
    %gather3A_64 = tpu.dynamic_gather %slice3A_2[%gather3A_63] in [1] : vector<256x32xf32>, vector<256x1024xi32> -> vector<256x1024xf32>
    %swap3A_65 = arith.constant 256 : index
    %swap3A_66 = arith.constant 0 : index
    %swap3A_67 = vector.load %arg2[%swap3A_65, %swap3A_66] : memref<512x1024xf32, #tpu.memory_space<vmem>>, vector<256x1024xf32>
    tpu.vector_store %arg2[%swap3A_65, %swap3A_66], %gather3A_64 {strides = array<i32>} : memref<512x1024xf32, #tpu.memory_space<vmem>>, vector<256x1024xf32>,
    %dma_start3A = arith.constant 0 : i32
    %dma_start3A_68 = arith.constant 0 : i32
    %dma_start3A_69 = arith.constant 0 : i32
    %dma_start3A_70 = tpu.memref_slice %arg1[%dma_start3A, %dma_start3A_68, %dma_start3A_69] : memref<16x512x1024xf32, #tpu.memory_space<any>> -> memref<1x512x1024xf32, #tpu.memory_space<any>>
    %dma_start3A_71 = tpu.memref_squeeze %dma_start3A_70 : memref<1x512x1024xf32, #tpu.memory_space<any>> -> memref<512x1024xf32, #tpu.memory_space<any>>
    tpu.enqueue_dma source(%arg2 : memref<512x1024xf32, #tpu.memory_space<vmem>>) target(%dma_start3A_71 : memref<512x1024xf32, #tpu.memory_space<any>>) target_semaphore(%arg3 : memref<!tpu.dma_semaphore, #tpu.memory_space<semaphore_mem>>)
    %dma_start3A_72 = arith.constant 1 : i32
    %dma_start3A_73 = arith.constant 0 : i32
    %dma_start3A_74 = arith.constant 0 : i32
    %dma_start3A_75 = tpu.memref_slice %arg1[%dma_start3A_72, %dma_start3A_73, %dma_start3A_74] : memref<16x512x1024xf32, #tpu.memory_space<any>> -> memref<1x512x1024xf32, #tpu.memory_space<any>>
    %dma_start3A_76 = tpu.memref_squeeze %dma_start3A_75 : memref<1x512x1024xf32, #tpu.memory_space<any>> -> memref<512x1024xf32, #tpu.memory_space<any>>
    tpu.enqueue_dma source(%arg2 : memref<512x1024xf32, #tpu.memory_space<vmem>>) target(%dma_start3A_76 : memref<512x1024xf32, #tpu.memory_space<any>>) target_semaphore(%arg3 : memref<!tpu.dma_semaphore, #tpu.memory_space<semaphore_mem>>)
    %dma_start3A_77 = arith.constant 2 : i32
    %dma_start3A_78 = arith.constant 0 : i32
    %dma_start3A_79 = arith.constant 0 : i32
    %dma_start3A_80 = tpu.memref_slice %arg1[%dma_start3A_77, %dma_start3A_78, %dma_start3A_79] : memref<16x512x1024xf32, #tpu.memory_space<any>> -> memref<1x512x1024xf32, #tpu.memory_space<any>>
    %dma_start3A_81 = tpu.memref_squeeze %dma_start3A_80 : memref<1x512x1024xf32, #tpu.memory_space<any>> -> memref<512x1024xf32, #tpu.memory_space<any>>
    tpu.enqueue_dma source(%arg2 : memref<512x1024xf32, #tpu.memory_space<vmem>>) target(%dma_start3A_81 : memref<512x1024xf32, #tpu.memory_space<any>>) target_semaphore(%arg3 : memref<!tpu.dma_semaphore, #tpu.memory_space<semaphore_mem>>)
    %dma_start3A_82 = arith.constant 3 : i32
    %dma_start3A_83 = arith.constant 0 : i32
    %dma_start3A_84 = arith.constant 0 : i32
    %dma_start3A_85 = tpu.memref_slice %arg1[%dma_start3A_82, %dma_start3A_83, %dma_start3A_84] : memref<16x512x1024xf32, #tpu.memory_space<any>> -> memref<1x512x1024xf32, #tpu.memory_space<any>>
    %dma_start3A_86 = tpu.memref_squeeze %dma_start3A_85 : memref<1x512x1024xf32, #tpu.memory_space<any>> -> memref<512x1024xf32, #tpu.memory_space<any>>
    tpu.enqueue_dma source(%arg2 : memref<512x1024xf32, #tpu.memory_space<vmem>>) target(%dma_start3A_86 : memref<512x1024xf32, #tpu.memory_space<any>>) target_semaphore(%arg3 : memref<!tpu.dma_semaphore, #tpu.memory_space<semaphore_mem>>)
    %dma_start3A_87 = arith.constant 4 : i32
    %dma_start3A_88 = arith.constant 0 : i32
    %dma_start3A_89 = arith.constant 0 : i32
    %dma_start3A_90 = tpu.memref_slice %arg1[%dma_start3A_87, %dma_start3A_88, %dma_start3A_89] : memref<16x512x1024xf32, #tpu.memory_space<any>> -> memref<1x512x1024xf32, #tpu.memory_space<any>>
    %dma_start3A_91 = tpu.memref_squeeze %dma_start3A_90 : memref<1x512x1024xf32, #tpu.memory_space<any>> -> memref<512x1024xf32, #tpu.memory_space<any>>
    tpu.enqueue_dma source(%arg2 : memref<512x1024xf32, #tpu.memory_space<vmem>>) target(%dma_start3A_91 : memref<512x1024xf32, #tpu.memory_space<any>>) target_semaphore(%arg3 : memref<!tpu.dma_semaphore, #tpu.memory_space<semaphore_mem>>)
    %dma_start3A_92 = arith.constant 5 : i32
    %dma_start3A_93 = arith.constant 0 : i32
    %dma_start3A_94 = arith.constant 0 : i32
    %dma_start3A_95 = tpu.memref_slice %arg1[%dma_start3A_92, %dma_start3A_93, %dma_start3A_94] : memref<16x512x1024xf32, #tpu.memory_space<any>> -> memref<1x512x1024xf32, #tpu.memory_space<any>>
    %dma_start3A_96 = tpu.memref_squeeze %dma_start3A_95 : memref<1x512x1024xf32, #tpu.memory_space<any>> -> memref<512x1024xf32, #tpu.memory_space<any>>
    tpu.enqueue_dma source(%arg2 : memref<512x1024xf32, #tpu.memory_space<vmem>>) target(%dma_start3A_96 : memref<512x1024xf32, #tpu.memory_space<any>>) target_semaphore(%arg3 : memref<!tpu.dma_semaphore, #tpu.memory_space<semaphore_mem>>)
    %dma_start3A_97 = arith.constant 6 : i32
    %dma_start3A_98 = arith.constant 0 : i32
    %dma_start3A_99 = arith.constant 0 : i32
    %dma_start3A_100 = tpu.memref_slice %arg1[%dma_start3A_97, %dma_start3A_98, %dma_start3A_99] : memref<16x512x1024xf32, #tpu.memory_space<any>> -> memref<1x512x1024xf32, #tpu.memory_space<any>>
    %dma_start3A_101 = tpu.memref_squeeze %dma_start3A_100 : memref<1x512x1024xf32, #tpu.memory_space<any>> -> memref<512x1024xf32, #tpu.memory_space<any>>
    tpu.enqueue_dma source(%arg2 : memref<512x1024xf32, #tpu.memory_space<vmem>>) target(%dma_start3A_101 : memref<512x1024xf32, #tpu.memory_space<any>>) target_semaphore(%arg3 : memref<!tpu.dma_semaphore, #tpu.memory_space<semaphore_mem>>)
    %dma_start3A_102 = arith.constant 7 : i32
    %dma_start3A_103 = arith.constant 0 : i32
    %dma_start3A_104 = arith.constant 0 : i32
    %dma_start3A_105 = tpu.memref_slice %arg1[%dma_start3A_102, %dma_start3A_103, %dma_start3A_104] : memref<16x512x1024xf32, #tpu.memory_space<any>> -> memref<1x512x1024xf32, #tpu.memory_space<any>>
    %dma_start3A_106 = tpu.memref_squeeze %dma_start3A_105 : memref<1x512x1024xf32, #tpu.memory_space<any>> -> memref<512x1024xf32, #tpu.memory_space<any>>
    tpu.enqueue_dma source(%arg2 : memref<512x1024xf32, #tpu.memory_space<vmem>>) target(%dma_start3A_106 : memref<512x1024xf32, #tpu.memory_space<any>>) target_semaphore(%arg3 : memref<!tpu.dma_semaphore, #tpu.memory_space<semaphore_mem>>)
    %dma_start3A_107 = arith.constant 8 : i32
    %dma_start3A_108 = arith.constant 0 : i32
    %dma_start3A_109 = arith.constant 0 : i32
    %dma_start3A_110 = tpu.memref_slice %arg1[%dma_start3A_107, %dma_start3A_108, %dma_start3A_109] : memref<16x512x1024xf32, #tpu.memory_space<any>> -> memref<1x512x1024xf32, #tpu.memory_space<any>>
    %dma_start3A_111 = tpu.memref_squeeze %dma_start3A_110 : memref<1x512x1024xf32, #tpu.memory_space<any>> -> memref<512x1024xf32, #tpu.memory_space<any>>
    tpu.enqueue_dma source(%arg2 : memref<512x1024xf32, #tpu.memory_space<vmem>>) target(%dma_start3A_111 : memref<512x1024xf32, #tpu.memory_space<any>>) target_semaphore(%arg3 : memref<!tpu.dma_semaphore, #tpu.memory_space<semaphore_mem>>)
    %dma_start3A_112 = arith.constant 9 : i32
    %dma_start3A_113 = arith.constant 0 : i32
    %dma_start3A_114 = arith.constant 0 : i32
    %dma_start3A_115 = tpu.memref_slice %arg1[%dma_start3A_112, %dma_start3A_113, %dma_start3A_114] : memref<16x512x1024xf32, #tpu.memory_space<any>> -> memref<1x512x1024xf32, #tpu.memory_space<any>>
    %dma_start3A_116 = tpu.memref_squeeze %dma_start3A_115 : memref<1x512x1024xf32, #tpu.memory_space<any>> -> memref<512x1024xf32, #tpu.memory_space<any>>
    tpu.enqueue_dma source(%arg2 : memref<512x1024xf32, #tpu.memory_space<vmem>>) target(%dma_start3A_116 : memref<512x1024xf32, #tpu.memory_space<any>>) target_semaphore(%arg3 : memref<!tpu.dma_semaphore, #tpu.memory_space<semaphore_mem>>)
    %dma_start3A_117 = arith.constant 10 : i32
    %dma_start3A_118 = arith.constant 0 : i32
    %dma_start3A_119 = arith.constant 0 : i32
    %dma_start3A_120 = tpu.memref_slice %arg1[%dma_start3A_117, %dma_start3A_118, %dma_start3A_119] : memref<16x512x1024xf32, #tpu.memory_space<any>> -> memref<1x512x1024xf32, #tpu.memory_space<any>>
    %dma_start3A_121 = tpu.memref_squeeze %dma_start3A_120 : memref<1x512x1024xf32, #tpu.memory_space<any>> -> memref<512x1024xf32, #tpu.memory_space<any>>
    tpu.enqueue_dma source(%arg2 : memref<512x1024xf32, #tpu.memory_space<vmem>>) target(%dma_start3A_121 : memref<512x1024xf32, #tpu.memory_space<any>>) target_semaphore(%arg3 : memref<!tpu.dma_semaphore, #tpu.memory_space<semaphore_mem>>)
    %dma_start3A_122 = arith.constant 11 : i32
    %dma_start3A_123 = arith.constant 0 : i32
    %dma_start3A_124 = arith.constant 0 : i32
    %dma_start3A_125 = tpu.memref_slice %arg1[%dma_start3A_122, %dma_start3A_123, %dma_start3A_124] : memref<16x512x1024xf32, #tpu.memory_space<any>> -> memref<1x512x1024xf32, #tpu.memory_space<any>>
    %dma_start3A_126 = tpu.memref_squeeze %dma_start3A_125 : memref<1x512x1024xf32, #tpu.memory_space<any>> -> memref<512x1024xf32, #tpu.memory_space<any>>
    tpu.enqueue_dma source(%arg2 : memref<512x1024xf32, #tpu.memory_space<vmem>>) target(%dma_start3A_126 : memref<512x1024xf32, #tpu.memory_space<any>>) target_semaphore(%arg3 : memref<!tpu.dma_semaphore, #tpu.memory_space<semaphore_mem>>)
    %dma_start3A_127 = arith.constant 12 : i32
    %dma_start3A_128 = arith.constant 0 : i32
    %dma_start3A_129 = arith.constant 0 : i32
    %dma_start3A_130 = tpu.memref_slice %arg1[%dma_start3A_127, %dma_start3A_128, %dma_start3A_129] : memref<16x512x1024xf32, #tpu.memory_space<any>> -> memref<1x512x1024xf32, #tpu.memory_space<any>>
    %dma_start3A_131 = tpu.memref_squeeze %dma_start3A_130 : memref<1x512x1024xf32, #tpu.memory_space<any>> -> memref<512x1024xf32, #tpu.memory_space<any>>
    tpu.enqueue_dma source(%arg2 : memref<512x1024xf32, #tpu.memory_space<vmem>>) target(%dma_start3A_131 : memref<512x1024xf32, #tpu.memory_space<any>>) target_semaphore(%arg3 : memref<!tpu.dma_semaphore, #tpu.memory_space<semaphore_mem>>)
    %dma_start3A_132 = arith.constant 13 : i32
    %dma_start3A_133 = arith.constant 0 : i32
    %dma_start3A_134 = arith.constant 0 : i32
    %dma_start3A_135 = tpu.memref_slice %arg1[%dma_start3A_132, %dma_start3A_133, %dma_start3A_134] : memref<16x512x1024xf32, #tpu.memory_space<any>> -> memref<1x512x1024xf32, #tpu.memory_space<any>>
    %dma_start3A_136 = tpu.memref_squeeze %dma_start3A_135 : memref<1x512x1024xf32, #tpu.memory_space<any>> -> memref<512x1024xf32, #tpu.memory_space<any>>
    tpu.enqueue_dma source(%arg2 : memref<512x1024xf32, #tpu.memory_space<vmem>>) target(%dma_start3A_136 : memref<512x1024xf32, #tpu.memory_space<any>>) target_semaphore(%arg3 : memref<!tpu.dma_semaphore, #tpu.memory_space<semaphore_mem>>)
    %dma_start3A_137 = arith.constant 14 : i32
    %dma_start3A_138 = arith.constant 0 : i32
    %dma_start3A_139 = arith.constant 0 : i32
    %dma_start3A_140 = tpu.memref_slice %arg1[%dma_start3A_137, %dma_start3A_138, %dma_start3A_139] : memref<16x512x1024xf32, #tpu.memory_space<any>> -> memref<1x512x1024xf32, #tpu.memory_space<any>>
    %dma_start3A_141 = tpu.memref_squeeze %dma_start3A_140 : memref<1x512x1024xf32, #tpu.memory_space<any>> -> memref<512x1024xf32, #tpu.memory_space<any>>
    tpu.enqueue_dma source(%arg2 : memref<512x1024xf32, #tpu.memory_space<vmem>>) target(%dma_start3A_141 : memref<512x1024xf32, #tpu.memory_space<any>>) target_semaphore(%arg3 : memref<!tpu.dma_semaphore, #tpu.memory_space<semaphore_mem>>)
    %dma_start3A_142 = arith.constant 15 : i32
    %dma_start3A_143 = arith.constant 0 : i32
    %dma_start3A_144 = arith.constant 0 : i32
    %dma_start3A_145 = tpu.memref_slice %arg1[%dma_start3A_142, %dma_start3A_143, %dma_start3A_144] : memref<16x512x1024xf32, #tpu.memory_space<any>> -> memref<1x512x1024xf32, #tpu.memory_space<any>>
    %dma_start3A_146 = tpu.memref_squeeze %dma_start3A_145 : memref<1x512x1024xf32, #tpu.memory_space<any>> -> memref<512x1024xf32, #tpu.memory_space<any>>
    tpu.enqueue_dma source(%arg2 : memref<512x1024xf32, #tpu.memory_space<vmem>>) target(%dma_start3A_146 : memref<512x1024xf32, #tpu.memory_space<any>>) target_semaphore(%arg3 : memref<!tpu.dma_semaphore, #tpu.memory_space<semaphore_mem>>)
    %dma_wait3A = arith.constant 0 : i32
    %dma_wait3A_147 = arith.constant 0 : i32
    %dma_wait3A_148 = arith.constant 0 : i32
    %dma_wait3A_149 = tpu.memref_slice %arg1[%dma_wait3A, %dma_wait3A_147, %dma_wait3A_148] : memref<16x512x1024xf32, #tpu.memory_space<any>> -> memref<1x512x1024xf32, #tpu.memory_space<any>>
    %dma_wait3A_150 = tpu.memref_squeeze %dma_wait3A_149 : memref<1x512x1024xf32, #tpu.memory_space<any>> -> memref<512x1024xf32, #tpu.memory_space<any>>
    tpu.wait_dma2 semaphore(%arg3 : memref<!tpu.dma_semaphore, #tpu.memory_space<semaphore_mem>>) src(%arg2 : memref<512x1024xf32, #tpu.memory_space<vmem>>) dst(%dma_wait3A_150 : memref<512x1024xf32, #tpu.memory_space<any>>)
    %dma_wait3A_151 = arith.constant 1 : i32
    %dma_wait3A_152 = arith.constant 0 : i32
    %dma_wait3A_153 = arith.constant 0 : i32
    %dma_wait3A_154 = tpu.memref_slice %arg1[%dma_wait3A_151, %dma_wait3A_152, %dma_wait3A_153] : memref<16x512x1024xf32, #tpu.memory_space<any>> -> memref<1x512x1024xf32, #tpu.memory_space<any>>
    %dma_wait3A_155 = tpu.memref_squeeze %dma_wait3A_154 : memref<1x512x1024xf32, #tpu.memory_space<any>> -> memref<512x1024xf32, #tpu.memory_space<any>>
    tpu.wait_dma2 semaphore(%arg3 : memref<!tpu.dma_semaphore, #tpu.memory_space<semaphore_mem>>) src(%arg2 : memref<512x1024xf32, #tpu.memory_space<vmem>>) dst(%dma_wait3A_155 : memref<512x1024xf32, #tpu.memory_space<any>>)
    %dma_wait3A_156 = arith.constant 2 : i32
    %dma_wait3A_157 = arith.constant 0 : i32
    %dma_wait3A_158 = arith.constant 0 : i32
    %dma_wait3A_159 = tpu.memref_slice %arg1[%dma_wait3A_156, %dma_wait3A_157, %dma_wait3A_158] : memref<16x512x1024xf32, #tpu.memory_space<any>> -> memref<1x512x1024xf32, #tpu.memory_space<any>>
    %dma_wait3A_160 = tpu.memref_squeeze %dma_wait3A_159 : memref<1x512x1024xf32, #tpu.memory_space<any>> -> memref<512x1024xf32, #tpu.memory_space<any>>
    tpu.wait_dma2 semaphore(%arg3 : memref<!tpu.dma_semaphore, #tpu.memory_space<semaphore_mem>>) src(%arg2 : memref<512x1024xf32, #tpu.memory_space<vmem>>) dst(%dma_wait3A_160 : memref<512x1024xf32, #tpu.memory_space<any>>)
    %dma_wait3A_161 = arith.constant 3 : i32
    %dma_wait3A_162 = arith.constant 0 : i32
    %dma_wait3A_163 = arith.constant 0 : i32
    %dma_wait3A_164 = tpu.memref_slice %arg1[%dma_wait3A_161, %dma_wait3A_162, %dma_wait3A_163] : memref<16x512x1024xf32, #tpu.memory_space<any>> -> memref<1x512x1024xf32, #tpu.memory_space<any>>
    %dma_wait3A_165 = tpu.memref_squeeze %dma_wait3A_164 : memref<1x512x1024xf32, #tpu.memory_space<any>> -> memref<512x1024xf32, #tpu.memory_space<any>>
    tpu.wait_dma2 semaphore(%arg3 : memref<!tpu.dma_semaphore, #tpu.memory_space<semaphore_mem>>) src(%arg2 : memref<512x1024xf32, #tpu.memory_space<vmem>>) dst(%dma_wait3A_165 : memref<512x1024xf32, #tpu.memory_space<any>>)
    %dma_wait3A_166 = arith.constant 4 : i32
    %dma_wait3A_167 = arith.constant 0 : i32
    %dma_wait3A_168 = arith.constant 0 : i32
    %dma_wait3A_169 = tpu.memref_slice %arg1[%dma_wait3A_166, %dma_wait3A_167, %dma_wait3A_168] : memref<16x512x1024xf32, #tpu.memory_space<any>> -> memref<1x512x1024xf32, #tpu.memory_space<any>>
    %dma_wait3A_170 = tpu.memref_squeeze %dma_wait3A_169 : memref<1x512x1024xf32, #tpu.memory_space<any>> -> memref<512x1024xf32, #tpu.memory_space<any>>
    tpu.wait_dma2 semaphore(%arg3 : memref<!tpu.dma_semaphore, #tpu.memory_space<semaphore_mem>>) src(%arg2 : memref<512x1024xf32, #tpu.memory_space<vmem>>) dst(%dma_wait3A_170 : memref<512x1024xf32, #tpu.memory_space<any>>)
    %dma_wait3A_171 = arith.constant 5 : i32
    %dma_wait3A_172 = arith.constant 0 : i32
    %dma_wait3A_173 = arith.constant 0 : i32
    %dma_wait3A_174 = tpu.memref_slice %arg1[%dma_wait3A_171, %dma_wait3A_172, %dma_wait3A_173] : memref<16x512x1024xf32, #tpu.memory_space<any>> -> memref<1x512x1024xf32, #tpu.memory_space<any>>
    %dma_wait3A_175 = tpu.memref_squeeze %dma_wait3A_174 : memref<1x512x1024xf32, #tpu.memory_space<any>> -> memref<512x1024xf32, #tpu.memory_space<any>>
    tpu.wait_dma2 semaphore(%arg3 : memref<!tpu.dma_semaphore, #tpu.memory_space<semaphore_mem>>) src(%arg2 : memref<512x1024xf32, #tpu.memory_space<vmem>>) dst(%dma_wait3A_175 : memref<512x1024xf32, #tpu.memory_space<any>>)
    %dma_wait3A_176 = arith.constant 6 : i32
    %dma_wait3A_177 = arith.constant 0 : i32
    %dma_wait3A_178 = arith.constant 0 : i32
    %dma_wait3A_179 = tpu.memref_slice %arg1[%dma_wait3A_176, %dma_wait3A_177, %dma_wait3A_178] : memref<16x512x1024xf32, #tpu.memory_space<any>> -> memref<1x512x1024xf32, #tpu.memory_space<any>>
    %dma_wait3A_180 = tpu.memref_squeeze %dma_wait3A_179 : memref<1x512x1024xf32, #tpu.memory_space<any>> -> memref<512x1024xf32, #tpu.memory_space<any>>
    tpu.wait_dma2 semaphore(%arg3 : memref<!tpu.dma_semaphore, #tpu.memory_space<semaphore_mem>>) src(%arg2 : memref<512x1024xf32, #tpu.memory_space<vmem>>) dst(%dma_wait3A_180 : memref<512x1024xf32, #tpu.memory_space<any>>)
    %dma_wait3A_181 = arith.constant 7 : i32
    %dma_wait3A_182 = arith.constant 0 : i32
    %dma_wait3A_183 = arith.constant 0 : i32
    %dma_wait3A_184 = tpu.memref_slice %arg1[%dma_wait3A_181, %dma_wait3A_182, %dma_wait3A_183] : memref<16x512x1024xf32, #tpu.memory_space<any>> -> memref<1x512x1024xf32, #tpu.memory_space<any>>
    %dma_wait3A_185 = tpu.memref_squeeze %dma_wait3A_184 : memref<1x512x1024xf32, #tpu.memory_space<any>> -> memref<512x1024xf32, #tpu.memory_space<any>>
    tpu.wait_dma2 semaphore(%arg3 : memref<!tpu.dma_semaphore, #tpu.memory_space<semaphore_mem>>) src(%arg2 : memref<512x1024xf32, #tpu.memory_space<vmem>>) dst(%dma_wait3A_185 : memref<512x1024xf32, #tpu.memory_space<any>>)
    %dma_wait3A_186 = arith.constant 8 : i32
    %dma_wait3A_187 = arith.constant 0 : i32
    %dma_wait3A_188 = arith.constant 0 : i32
    %dma_wait3A_189 = tpu.memref_slice %arg1[%dma_wait3A_186, %dma_wait3A_187, %dma_wait3A_188] : memref<16x512x1024xf32, #tpu.memory_space<any>> -> memref<1x512x1024xf32, #tpu.memory_space<any>>
    %dma_wait3A_190 = tpu.memref_squeeze %dma_wait3A_189 : memref<1x512x1024xf32, #tpu.memory_space<any>> -> memref<512x1024xf32, #tpu.memory_space<any>>
    tpu.wait_dma2 semaphore(%arg3 : memref<!tpu.dma_semaphore, #tpu.memory_space<semaphore_mem>>) src(%arg2 : memref<512x1024xf32, #tpu.memory_space<vmem>>) dst(%dma_wait3A_190 : memref<512x1024xf32, #tpu.memory_space<any>>)
    %dma_wait3A_191 = arith.constant 9 : i32
    %dma_wait3A_192 = arith.constant 0 : i32
    %dma_wait3A_193 = arith.constant 0 : i32
    %dma_wait3A_194 = tpu.memref_slice %arg1[%dma_wait3A_191, %dma_wait3A_192, %dma_wait3A_193] : memref<16x512x1024xf32, #tpu.memory_space<any>> -> memref<1x512x1024xf32, #tpu.memory_space<any>>
    %dma_wait3A_195 = tpu.memref_squeeze %dma_wait3A_194 : memref<1x512x1024xf32, #tpu.memory_space<any>> -> memref<512x1024xf32, #tpu.memory_space<any>>
    tpu.wait_dma2 semaphore(%arg3 : memref<!tpu.dma_semaphore, #tpu.memory_space<semaphore_mem>>) src(%arg2 : memref<512x1024xf32, #tpu.memory_space<vmem>>) dst(%dma_wait3A_195 : memref<512x1024xf32, #tpu.memory_space<any>>)
    %dma_wait3A_196 = arith.constant 10 : i32
    %dma_wait3A_197 = arith.constant 0 : i32
    %dma_wait3A_198 = arith.constant 0 : i32
    %dma_wait3A_199 = tpu.memref_slice %arg1[%dma_wait3A_196, %dma_wait3A_197, %dma_wait3A_198] : memref<16x512x1024xf32, #tpu.memory_space<any>> -> memref<1x512x1024xf32, #tpu.memory_space<any>>
    %dma_wait3A_200 = tpu.memref_squeeze %dma_wait3A_199 : memref<1x512x1024xf32, #tpu.memory_space<any>> -> memref<512x1024xf32, #tpu.memory_space<any>>
    tpu.wait_dma2 semaphore(%arg3 : memref<!tpu.dma_semaphore, #tpu.memory_space<semaphore_mem>>) src(%arg2 : memref<512x1024xf32, #tpu.memory_space<vmem>>) dst(%dma_wait3A_200 : memref<512x1024xf32, #tpu.memory_space<any>>)
    %dma_wait3A_201 = arith.constant 11 : i32
    %dma_wait3A_202 = arith.constant 0 : i32
    %dma_wait3A_203 = arith.constant 0 : i32
    %dma_wait3A_204 = tpu.memref_slice %arg1[%dma_wait3A_201, %dma_wait3A_202, %dma_wait3A_203] : memref<16x512x1024xf32, #tpu.memory_space<any>> -> memref<1x512x1024xf32, #tpu.memory_space<any>>
    %dma_wait3A_205 = tpu.memref_squeeze %dma_wait3A_204 : memref<1x512x1024xf32, #tpu.memory_space<any>> -> memref<512x1024xf32, #tpu.memory_space<any>>
    tpu.wait_dma2 semaphore(%arg3 : memref<!tpu.dma_semaphore, #tpu.memory_space<semaphore_mem>>) src(%arg2 : memref<512x1024xf32, #tpu.memory_space<vmem>>) dst(%dma_wait3A_205 : memref<512x1024xf32, #tpu.memory_space<any>>)
    %dma_wait3A_206 = arith.constant 12 : i32
    %dma_wait3A_207 = arith.constant 0 : i32
    %dma_wait3A_208 = arith.constant 0 : i32
    %dma_wait3A_209 = tpu.memref_slice %arg1[%dma_wait3A_206, %dma_wait3A_207, %dma_wait3A_208] : memref<16x512x1024xf32, #tpu.memory_space<any>> -> memref<1x512x1024xf32, #tpu.memory_space<any>>
    %dma_wait3A_210 = tpu.memref_squeeze %dma_wait3A_209 : memref<1x512x1024xf32, #tpu.memory_space<any>> -> memref<512x1024xf32, #tpu.memory_space<any>>
    tpu.wait_dma2 semaphore(%arg3 : memref<!tpu.dma_semaphore, #tpu.memory_space<semaphore_mem>>) src(%arg2 : memref<512x1024xf32, #tpu.memory_space<vmem>>) dst(%dma_wait3A_210 : memref<512x1024xf32, #tpu.memory_space<any>>)
    %dma_wait3A_211 = arith.constant 13 : i32
    %dma_wait3A_212 = arith.constant 0 : i32
    %dma_wait3A_213 = arith.constant 0 : i32
    %dma_wait3A_214 = tpu.memref_slice %arg1[%dma_wait3A_211, %dma_wait3A_212, %dma_wait3A_213] : memref<16x512x1024xf32, #tpu.memory_space<any>> -> memref<1x512x1024xf32, #tpu.memory_space<any>>
    %dma_wait3A_215 = tpu.memref_squeeze %dma_wait3A_214 : memref<1x512x1024xf32, #tpu.memory_space<any>> -> memref<512x1024xf32, #tpu.memory_space<any>>
    tpu.wait_dma2 semaphore(%arg3 : memref<!tpu.dma_semaphore, #tpu.memory_space<semaphore_mem>>) src(%arg2 : memref<512x1024xf32, #tpu.memory_space<vmem>>) dst(%dma_wait3A_215 : memref<512x1024xf32, #tpu.memory_space<any>>)
    %dma_wait3A_216 = arith.constant 14 : i32
    %dma_wait3A_217 = arith.constant 0 : i32
    %dma_wait3A_218 = arith.constant 0 : i32
    %dma_wait3A_219 = tpu.memref_slice %arg1[%dma_wait3A_216, %dma_wait3A_217, %dma_wait3A_218] : memref<16x512x1024xf32, #tpu.memory_space<any>> -> memref<1x512x1024xf32, #tpu.memory_space<any>>
    %dma_wait3A_220 = tpu.memref_squeeze %dma_wait3A_219 : memref<1x512x1024xf32, #tpu.memory_space<any>> -> memref<512x1024xf32, #tpu.memory_space<any>>
    tpu.wait_dma2 semaphore(%arg3 : memref<!tpu.dma_semaphore, #tpu.memory_space<semaphore_mem>>) src(%arg2 : memref<512x1024xf32, #tpu.memory_space<vmem>>) dst(%dma_wait3A_220 : memref<512x1024xf32, #tpu.memory_space<any>>)
    %dma_wait3A_221 = arith.constant 15 : i32
    %dma_wait3A_222 = arith.constant 0 : i32
    %dma_wait3A_223 = arith.constant 0 : i32
    %dma_wait3A_224 = tpu.memref_slice %arg1[%dma_wait3A_221, %dma_wait3A_222, %dma_wait3A_223] : memref<16x512x1024xf32, #tpu.memory_space<any>> -> memref<1x512x1024xf32, #tpu.memory_space<any>>
    %dma_wait3A_225 = tpu.memref_squeeze %dma_wait3A_224 : memref<1x512x1024xf32, #tpu.memory_space<any>> -> memref<512x1024xf32, #tpu.memory_space<any>>
    tpu.wait_dma2 semaphore(%arg3 : memref<!tpu.dma_semaphore, #tpu.memory_space<semaphore_mem>>) src(%arg2 : memref<512x1024xf32, #tpu.memory_space<vmem>>) dst(%dma_wait3A_225 : memref<512x1024xf32, #tpu.memory_space<any>>)
    return
  }
}

</mosaic_0001>

<sc_bundles>
// kernel: kernel.4.cloned.1.call-start
scs
__scs_entry_jumppad:
0x0: {  	(pc) =	sbr.rel $0x88, $3  }
0x1: {  	(tag) =	ssettag $0x0;
	lr =	simm.s32 $0x1  }
0x2: {  	[smem:$0x3F9F] =	sst lr;
	_ =	strace $0xD0000000  }
0x3: {  	_ = 	snop  }
0x4: {  	_ = 	snop  }
0x5: {  	_ = 	snop  }
0x6: {  	_ = 	snop  }
0x7: {  	_ = 	snop  }
__scs_overlays_trampoline_lowered:
0x8: {  	[smem:$0x3FAE] =	sst s0  }
0x9: {  	[smem:$0x3FAF] =	sst s1  }
0xa: {  	[smem:$0x3FB0] =	sst s2  }
0xb: {  	[smem:$0x3FB1] =	sst s3  }
0xc: {  	[smem:$0x3FB2] =	sst s4  }
0xd: {  	[smem:$0x3FB3] =	sst s5  }
0xe: {  	[smem:$0x3FB4] =	sst s6  }
0xf: {  	[smem:$0x3FB5] =	sst s7  }
0x10: {  	[smem:$0x3FB6] =	sst s8  }
0x11: {  	[smem:$0x3FB7] =	sst s9;
	s0 =	simm.s32 @!p0 $0x0  }
0x12: {  	s1 =	sld [smem:$0x3F9D];
	s0 =	simm.s32 @p0 $0x1  }
0x13: {  	[smem:$0x3FB8] =	sst s0;
	s0 =	simm.s32 @!p1 $0x0  }
0x14: {  	s2 =	sld [smem:$0x3F9C];
	s0 =	simm.s32 @p1 $0x1  }
0x15: {  	[smem:$0x3FB9] =	sst s0;
	s0 =	simm.s32 @!p2 $0x0  }
0x16: {  	s3 =	sld [smem:$0x3FDB];
	s0 =	simm.s32 @p2 $0x1  }
0x17: {  	s4 =	simm.s32 $0x1BF5;
	[smem:$0x3FBB] =	sst s0  }
0x18: {  	s0 =	sld [smem:$0x3F9E];
	_ =	swait.ge [sflag:s4], $0x0  }
0x19: {  	s7 =	sld [smem:$0x3F9F]  }
0x1a: {  	s8 =	sadd.s32 $0xFFFFE003, lr  }
0x1b: {  	s9 =	sadd.s32 $0xFFFFFEF7, lr;
	s5 =	simm.s32 $0xFFFFFFFF;
	p2 =	slt.u32 s8, $0xFFFFF086  }
0x1c: {  	p1 =	slt.u32 s9, $0xF7A;
	s5 =	simm.s32 @!p2 $0x0  }
0x1d: {  	s5 =	simm.s32 @p1 $0x1;
	p0 =	seq.s32 s7, s2  }
0x1e: {  	s7 =	smul.u32 @!p0 $0xF7A, s2;
	p2 =	seq.s32 @!p0 s5, $0x0  }
0x1f: {  	s9 =	smul.u32 $0xF7A, s1;
	s8 =	simm.s32 @!p0 $0x1BF5;
	p2 =	por !p2, p0  }
0x20: {  	[sflag:s8] =	ssyncset.s32 @!p0 $0xFFFFF086;
	s6 =	sadd.s32 @!p0 s3, s7;
	s7 =	simm.s32 @!p0 $0x108  }
0x21: {  	s3 =	sadd.s32 s3, s9;
	s6 =	sadd.s32 @!p0 $0x88, s6;
	s7 =	simm.s32 @p2 $0x1082  }
0x22: {  	[simem:s7], [sflag:s8] =	dma.local @!p0 [hbm:s6], $0xF7A  }
0x23: {  	s9 =	sor.u32 $0xD0000000, s2;
	s6 =	simm.s32 $0x108;
	_ =	swait.ge @!p0 [sflag:s8], $0x0  }
0x24: {  	s3 =	sadd.s32 $0x88, s3;
	s6 =	simm.s32 @!p1 $0x1082;
	[sflag:s4] =	ssyncset.s32 $0xFFFFF086  }
0x25: {  	[simem:s6], [sflag:s4] =	dma.local [hbm:s3], $0xF7A  }
0x26: {  	[smem:$0x3F9F] =	sst s1;
	(tag) =	ssettag s2;
	_ =	strace s9  }
0x27: {  	s1 =	sld [smem:$0x3FAF]  }
0x28: {  	s2 =	sld [smem:$0x3FB0]  }
0x29: {  	s4 =	sld [smem:$0x3FB2]  }
0x2a: {  	p0 =	seq.s32 s5, $0x0;
	s5 =	sld [smem:$0x3FB3]  }
0x2b: {  	s6 =	sld [smem:$0x3FB4]  }
0x2c: {  	s7 =	sld [smem:$0x3FB5]  }
0x2d: {  	s3 =	simm.s32 $0x108;
	s8 =	sld [smem:$0x3FB6]  }
0x2e: {  	s3 =	simm.s32 @!p0 $0x1082;
	s9 =	sld [smem:$0x3FB7]  }
0x2f: {  	lr =	sadd.s32 s0, s3;
	s0 =	sld [smem:$0x3FAE]  }
0x30: {  	s3 =	sld [smem:$0x3FB1]  }
0x31: {  	[smem:$0x3FBA] =	sst s10  }
0x32: {  	s10 =	sld [smem:$0x3FB8];
	_ =	sdelay $0x3  }
0x33: {  	p0 =	seq.s32 s10, $0x1;
	s10 =	sld [smem:$0x3FBA];
	_ =	sdelay $0x3  }
0x34: {  	[smem:$0x3FBA] =	sst s10  }
0x35: {  	s10 =	sld [smem:$0x3FB9];
	_ =	sdelay $0x3  }
0x36: {  	p1 =	seq.s32 s10, $0x1;
	s10 =	sld [smem:$0x3FBA];
	_ =	sdelay $0x3  }
0x37: {  	[smem:$0x3FBA] =	sst s10  }
0x38: {  	s10 =	sld [smem:$0x3FBB]  }
0x39: {  	_ = 	snop;
	(pc) =	sbr.ind lr, $3  }
0x3a: {  	_ = 	snop  }
0x3b: {  	_ = 	snop  }
0x3c: {  	p2 =	seq.s32 s10, $0x1;
	s10 =	sld [smem:$0x3FBA]  }
0x3d: {  	_ =	shalt  }
0x3e: {  	_ =	shalt  }
0x3f: {  	_ =	shalt  }
0x40: {  	_ =	shalt  }
0x41: {  	_ =	shalt  }
0x42: {  	_ =	shalt  }
0x43: {  	_ =	shalt  }
0x44: {  	_ =	shalt  }
0x45: {  	_ =	shalt  }
0x46: {  	_ =	shalt  }
0x47: {  	_ =	shalt  }
0x48: {  	_ =	shalt  }
0x49: {  	_ =	shalt  }
0x4a: {  	_ =	shalt  }
0x4b: {  	_ =	shalt  }
0x4c: {  	_ =	shalt  }
0x4d: {  	_ =	shalt  }
0x4e: {  	_ =	shalt  }
0x4f: {  	_ =	shalt  }
0x50: {  	_ =	shalt  }
0x51: {  	_ =	shalt  }
0x52: {  	_ =	shalt  }
0x53: {  	_ =	shalt  }
0x54: {  	_ =	shalt  }
0x55: {  	_ =	shalt  }
0x56: {  	_ =	shalt  }
0x57: {  	_ =	shalt  }
0x58: {  	_ =	shalt  }
0x59: {  	_ =	shalt  }
0x5a: {  	_ =	shalt  }
0x5b: {  	_ =	shalt  }
0x5c: {  	_ =	shalt  }
0x5d: {  	_ =	shalt  }
0x5e: {  	_ =	shalt  }
0x5f: {  	_ =	shalt  }
0x60: {  	_ =	shalt  }
0x61: {  	_ =	shalt  }
0x62: {  	_ =	shalt  }
0x63: {  	_ =	shalt  }
0x64: {  	_ =	shalt  }
0x65: {  	_ =	shalt  }
0x66: {  	_ =	shalt  }
0x67: {  	_ =	shalt  }
0x68: {  	_ =	shalt  }
0x69: {  	_ =	shalt  }
0x6a: {  	_ =	shalt  }
0x6b: {  	_ =	shalt  }
0x6c: {  	_ =	shalt  }
0x6d: {  	_ =	shalt  }
0x6e: {  	_ =	shalt  }
0x6f: {  	_ =	shalt  }
0x70: {  	_ =	shalt  }
0x71: {  	_ =	shalt  }
0x72: {  	_ =	shalt  }
0x73: {  	_ =	shalt  }
0x74: {  	_ =	shalt  }
0x75: {  	_ =	shalt  }
0x76: {  	_ =	shalt  }
0x77: {  	_ =	shalt  }
0x78: {  	_ =	shalt  }
0x79: {  	_ =	shalt  }
0x7a: {  	_ =	shalt  }
0x7b: {  	_ =	shalt  }
0x7c: {  	_ =	shalt  }
0x7d: {  	_ =	shalt  }
0x7e: {  	_ =	shalt  }
0x7f: {  	_ =	shalt  }
0x80: {  	_ =	shalt  }
0x81: {  	_ =	shalt  }
0x82: {  	_ =	shalt  }
0x83: {  	_ =	shalt  }
0x84: {  	_ =	shalt  }
0x85: {  	_ =	shalt  }
0x86: {  	_ =	shalt  }
0x87: {  	_ =	shalt  }
.Lfunc_end0:
.L_simem_size_0:
called_computation_lowered:
.L_overlay_start_0:
0x88: {  	s2 =	sld [smem:$0x3FD9]  }
0x89: {  	s3 =	sld [smem:$0x3FFE];
	_ =	sdelay $0x1  }
0x8a: {  	s1 =	srdreg.scid  }
0x8b: {  	s0 =	sand.u32 $0x1, s1  }
0x8c: {  	s18 =	sshll.u32 s0, $0xA;
	s2 =	sadd.s32 s3, s2  }
0x8d: {  	s2 =	sadd.s32 s2, s18  }
0x8e: {  	[smem:$0x3FC6] =	sst s2  }
0x8f: {  	_ = 	snop  }
0x90: {  	s2 =	sld [smem:$0x3FC9]  }
0x91: {  	s19 =	sld [smem:$0x3FC8]  }
0x92: {  	s4 =	sld [smem:$0x3FD0];
	(tm) =	ssettm $0x1  }
0x93: {  	s5 =	sld [smem:$0x3FFB];
	_ =	sdelay $0x3  }
0x94: {  	_ =	strace s5  }
0x95: {  	s5 =	sld [smem:$0x3FFC];
	_ =	sdelay $0x3  }
0x96: {  	_ =	strace s5  }
0x97: {  	s5 =	sld [smem:$0x3FFD];
	_ =	sdelay $0x3  }
0x98: {  	_ =	strace s5  }
0x99: {  	_ =	strace $0x8FFFFFFF  }
0x9a: {  	s20 =	sld [smem:$0x3FDB];
	_ =	sdelay $0x1  }
0x9b: {  	s6 =	simm.s32 $_scs_section_size  }
0x9c: {  	s7 =	simm.s32 $_size__tile_overlayer_lowered;
	s8 =	simm.s32 $_tile_overlayer_lowered  }
0x9d: {  	s23 =	simm.s32 $0x1BFF;
	s22 =	sshll.u32 s8, $0x1;
	s5 =	sadd.s32 s6, s20  }
0x9e: {  	s9 =	simm.s32 $0x0;
	s21 =	sshll.u32 s7, $0x1;
	s7 =	sadd.s32 s22, s5  }
0x9f: {  	[timem:s9], [sflag:s23] =	dma.local [hbm:s7], s21  }
0xa0: {  	_ =	swait.ge [sflag:s23], s21  }
0xa1: {  	s6 =	ssub.s32 $0x0, s21;
	[sflag:s23] =	ssyncset.done $0x0  }
0xa2: {  	[sflag:s23] =	ssyncadd.s32 s6;
	_ =	sdelay $0x1  }
0xa3: {  	s24 =	simm.s32 $0x1B8B  }
0xa4: {  	_ =	swait.ge [sflag:s24], $0x1  }
0xa5: {  	[sflag:s24] =	ssyncset.done $0x0  }
0xa6: {  	s25 =	simm.s32 $0x1B8E;
	[sflag:s24] =	ssyncadd.s32 $0xFFFFFFFF  }
0xa7: {  	s26 =	simm.s32 $execute0_lowered;
	[smem:$0x3FD2] =	sst s25  }
0xa8: {  	s6 =	sshll.u32 s26, $0x1;
	_ =	strace $0x80000046;
	[dreg:$0x1] =	wrdreg $0xFFFFFFFF  }
0xa9: {  	s28 =	simm.s32 $_size_execute0_lowered;
	s5 =	sadd.s32 s5, s6;
	[dreg:$0x0] =	wrdreg $0x0  }
0xaa: {  	s6 =	sshll.u32 s28, $0x1;
	[dreg:$0x2] =	wrdreg s5  }
0xab: {  	[dreg:$0x3] =	wrdreg s6  }
0xac: {  	[dreg:$0x4] =	wrdreg $0xC0  }
0xad: {  	_ =	task [dreg:s9], $0x5FFFF  }
0xae: {  	[dreg:$0x1] =	wrdreg $0xFFFFFFFF  }
0xaf: {  	[dreg:$0x0] =	wrdreg $0x60  }
0xb0: {  	[dreg:$0x2] =	wrdreg s2  }
0xb1: {  	[dreg:$0x3] =	wrdreg s19  }
0xb2: {  	[dreg:$0x4] =	wrdreg s4  }
0xb3: {  	[dreg:$0x5] =	wrdreg $0x9  }
0xb4: {  	_ =	task.clear_ibuf [dreg:s9], $0x6FFFF;
	_ =	strace $0x90000046  }
0xb5: {  	s29 =	simm.s32 $0x9;
	_ =	strace $0x80000048  }
0xb6: {  	_ =	swait.ge [sflag:s29], $0x1  }
0xb7: {  	[sflag:s29] =	ssyncadd.s32 $0xFFFFFFFF  }
0xb8: {  	_ =	strace $0x90000048  }
0xb9: {  	_ =	sfence  }
0xba: {  	s30 =	sld [smem:$0x0];
	_ =	sdelay $0x2  }
0xbb: {  	s31 =	sshll.u32 s1, $0xD;
	s1 =	sshrl.u32 s1, $0x2  }
0xbc: {  	s3 =	sand.u32 $0x4000, s31;
	s1 =	sadd.s32 s1, s30  }
0xbd: {  	s0 =	sor.u32 s3, s0;
	s1 =	sshll.u32 s1, $0x11  }
0xbe: {  	s0 =	sor.u32 s1, s0  }
0xbf: {  	s0 =	sadd.s32 $0x8F2B, s0  }
0xc0: {  	[sflag:s0] =	ssyncadd.remote.s32 $0x1  }
0xc1: {  	_ =	sfence.sel $0xFFFF  }
0xc2: {  	[dreg:$0x0] =	wrdreg $0xFFFFFFFF;
	(pc) =	sbr.abs _section_cstart, $3  }
0xc3: {  	[dreg:$0x1] =	wrdreg $0xFFFFFFFF  }
0xc4: {  	_ =	task.clear_ibuf [dreg:s9], $0x2FFFF;
	_ =	strace $0x9FFFFFFF  }
0xc5: {  	(tm) =	ssettm $0x7FFFFFFF  }
tec
execute0_lowered:
.L_overlay_start_1:
0x0: {  	(tag) =	ssettag $0x1  }
0x1: {  	s0 =	rddreg [dreg:$0x0]  }
0x2: {  	s23 =	rddreg [dreg:$0x1]  }
0x3: {  	s1 =	srdreg.scid;
	s11 =	rddreg [dreg:$0x2]  }
0x4: {  	s24 =	stileid.u32;
	s2 =	simm.s32 $0x0;
	[dreg:$0x4] =	wrdreg s0  }
0x5: {  	s26 =	simm.s32 $0x2000;
	[dreg:$0x5] =	wrdreg s23;
	s1 =	sand.u32 $0x1, s1  }
0x6: {  	s3 =	sshll.u32 s24, $0x1;
	[smem:$0x7FF] =	sst s2;
	p0 =	slt.u32 s24, $0x8  }
0x7: {  	s13 =	sor.u32 s1, s3;
	s4 =	ssub.s32 $0x2, s1;
	_ =	strace $0x80000047  }
0x8: {  	[dreg:$0x7] =	wrdreg s26;
	s3 =	sshll.u32 s13, $0x4;
	s14 =	sshll.u32 s13, $0x7  }
0x9: {  	s25 =	sshrl.u32 s4, $0x1;
	s23 =	sshll.u32 s13, $0x8;
	s1 =	sand.u32 $0x70, s3  }
0xa: {  	s12 =	sand.u32 $0xC00, s14;
	s29 =	ssub.s32 s4, s25;
	s13 =	sand.u32 $0x400, s14  }
0xb: {  	s11 =	sadd.s32 s11, s23;
	s10 =	sor.u32 s1, s12;
	s22 =	sor.u32 s1, s14  }
0xc: {  	s14 =	sor.u32 s1, s13;
	[dreg:$0x6] =	wrdreg s11;
	s26 =	sadd.s32 $0x2800, s12  }
0xd: {  	s28 =	sadd.s32 $0x2880, s12;
	s24 =	sadd.s32 $0x2900, s12;
	s25 =	sadd.s32 $0x2980, s12  }
0xe: {  	s0 =	sor.u32 $0x1B80, s13;
	s29 =	smax.u32 s29, $0x1;
	s15 =	sadd.s32 $0x1800, s10  }
0xf: {  	s16 =	sadd.s32 $0x1880, s10;
	s17 =	sadd.s32 $0x1900, s10;
	s18 =	sadd.s32 $0x1980, s10  }
0x10: {  	s19 =	sadd.s32 $0x1A00, s10;
	s20 =	sadd.s32 $0x1A80, s10;
	s4 =	sadd.s32 $0x1B00, s10  }
0x11: {  	s21 =	sadd.s32 $0x1B80, s10;
	s5 =	sor.u32 $0x2000, s10;
	s6 =	sor.u32 $0x2080, s10  }
0x12: {  	s7 =	sor.u32 $0x2100, s10;
	s8 =	sor.u32 $0x2180, s10;
	s9 =	sor.u32 $0x2200, s10  }
0x13: {  	s3 =	sor.u32 $0x2280, s10;
	s31 =	sor.u32 $0x2300, s10;
	s30 =	sor.u32 $0x380, s22  }
0x14: {  	s23 =	sor.u32 $0x80, s14;
	s10 =	sor.u32 $0x2380, s22;
	s22 =	sadd.s32 $0x2A00, s12  }
0x15: {  	s16 =	smov.u32 @p0 s23;
	s15 =	smov.u32 @p0 s14;
	s23 =	sadd.s32 $0x2A80, s12  }
0x16: {  	s21 =	smov.u32 @p0 s30;
	s30 =	sor.u32 $0x3300, s12;
	[dreg:$0x8] =	wrdreg s16  }
0x17: {  	s16 =	sor.u32 $0x180, s14;
	[dreg:$0x9] =	wrdreg s15;
	s15 =	sor.u32 $0x100, s14  }
0x18: {  	[dreg:$0xe] =	wrdreg s21;
	s21 =	sadd.s32 $0x2B80, s12;
	s18 =	smov.u32 @p0 s16  }
0x19: {  	s17 =	smov.u32 @p0 s15;
	s15 =	sor.u32 $0x280, s14;
	[dreg:$0xa] =	wrdreg s18  }
0x1a: {  	s16 =	sor.u32 $0x800, s14;
	[dreg:$0xb] =	wrdreg s17;
	s20 =	smov.u32 @p0 s15  }
0x1b: {  	s15 =	sor.u32 $0x200, s14;
	s5 =	smov.u32 @p0 s16;
	s16 =	sor.u32 $0x900, s14  }
0x1c: {  	s18 =	sor.u32 $0x3000, s12;
	s17 =	sor.u32 $0x3180, s12;
	[dreg:$0xc] =	wrdreg s20  }
0x1d: {  	s19 =	smov.u32 @p0 s15;
	s20 =	sadd.s32 $0x2B00, s12;
	s15 =	sor.u32 $0x300, s14  }
0x1e: {  	s7 =	smov.u32 @p0 s16;
	s16 =	sor.u32 $0xA00, s14;
	[dreg:$0xd] =	wrdreg s19  }
0x1f: {  	s4 =	smov.u32 @p0 s15;
	s15 =	sor.u32 $0x880, s14;
	s9 =	smov.u32 @p0 s16  }
0x20: {  	s19 =	sor.u32 $0x3080, s12;
	s6 =	smov.u32 @p0 s15;
	s15 =	sor.u32 $0x980, s14  }
0x21: {  	s16 =	sor.u32 $0x3100, s12;
	s8 =	smov.u32 @p0 s15;
	s15 =	sor.u32 $0xA80, s14  }
0x22: {  	v0 =	vimm.s32 $0xEFCDAB89;
	[dreg:$0xf] =	wrdreg s4;
	s3 =	smov.u32 @p0 s15;
	s15 =	sor.u32 $0xB80, s14  }
0x23: {  	vm0 =	vcmask $0xB08;
	v1 =	vimm.s32 $0x67452301;
	v2 =	vimm.s32 $0xDCFE98BA;
	s14 =	sor.u32 $0xB00, s14;
	s4 =	smov.u32 s3;
	s10 =	smov.u32 @p0 s15  }
0x24: {  	vm1 =	vcmask $0x300;
	v3 =	vimm.s32 $0x54761032;
	vm2 =	vcmask $0x700;
	s15 =	sor.u32 $0x1080, s13;
	s31 =	smov.u32 @p0 s14;
	s14 =	sor.u32 $0x1000, s13  }
0x25: {  	vm3 =	vcmask $0x3B38;
	v4 =	vimm.s32 $0xFEDCBA98;
	v5 =	vimm.s32 $0x76543210;
	s11 =	smov.u32 s31;
	s28 =	smov.u32 @p0 s15;
	s15 =	sor.u32 $0x1100, s13  }
0x26: {  	v0 =	vunpack.c.l.s4.s8 v0;
	vm0 =	vmor vm1, vm0;
	vm1 =	vcmask $0x1310;
	s26 =	smov.u32 @p0 s14;
	s14 =	sor.u32 $0x1180, s13;
	s31 =	sor.u32 $0x3380, s12  }
0x27: {  	v1 =	vunpack.c.l.s4.s8 v1;
	v2 =	vunpack.c.l.s4.s8 v2;
	v3 =	vunpack.c.l.s4.s8 v3;
	s25 =	smov.u32 @p0 s14;
	s14 =	sor.u32 $0x1280, s13;
	s24 =	smov.u32 @p0 s15  }
0x28: {  	v4 =	vunpack.c.l.s4.s8 v4;
	vm0 =	vmor vm0, vm1;
	vm1 =	vcmask $0x1B18;
	s15 =	sor.u32 $0x1200, s13;
	s31 =	smov.u32 @p0 s0;
	s0 =	sor.u32 $0x1A00, s13  }
0x29: {  	v0 =	vunpack.c.0.s8.s32 v0;
	vm0 =	vmor vm0, vm1;
	vm1 =	vcmask $0x2320;
	s26 =	sadd.s32 s1, s26;
	s28 =	sadd.s32 s1, s28;
	s23 =	smov.u32 @p0 s14  }
0x2a: {  	v1 =	vunpack.c.0.s8.s32 v1;
	vm0 =	vmor vm0, vm1;
	vm1 =	vcmask $0x2B28;
	s14 =	sor.u32 $0x1380, s13;
	s22 =	smov.u32 @p0 s15;
	s15 =	sor.u32 $0x1300, s13  }
0x2b: {  	v4 =	vunpack.c.0.s8.s32 v4;
	vm0 =	vmor vm0, vm1;
	vm1 =	vcmask $0x3330;
	s24 =	sadd.s32 s1, s24;
	s25 =	sadd.s32 s1, s25;
	s21 =	smov.u32 @p0 s14  }
0x2c: {  	v0 =	vcombine.low v1, v0;
	v1 =	vunpack.c.0.s8.s32 v2;
	v2 =	vunpack.c.0.s8.s32 v3;
	s20 =	smov.u32 @p0 s15;
	s14 =	sor.u32 $0x1880, s13;
	s15 =	sor.u32 $0x3280, s12  }
0x2d: {  	v3 =	vimm.s32 $0x32107654;
	vm0 =	vmor vm0, vm1;
	vm1 =	vcmask $0x1710;
	s22 =	sadd.s32 s1, s22;
	s23 =	sadd.s32 s1, s23;
	s19 =	smov.u32 @p0 s14  }
0x2e: {  	v3 =	vunpack.c.l.s4.s8 v3;
	v1 =	vcombine.low v2, v1;
	v2 =	vimm.s32 $0xBA98FEDC;
	s14 =	sor.u32 $0x1800, s13;
	s20 =	sadd.s32 s1, s20;
	s21 =	sadd.s32 s1, s21  }
0x2f: {  	vm1 =	vmor vm2, vm1;
	vm2 =	vcmask $0x2720;
	v2 =	vunpack.c.l.s4.s8 v2;
	s18 =	smov.u32 @p0 s14;
	s14 =	sor.u32 $0x1980, s13;
	s19 =	sadd.s32 s1, s19  }
0x30: {  	v5 =	vunpack.c.l.s4.s8 v5;
	v4 =	vand.u32 $0xF, v4;
	vm1 =	vmor vm1, vm2;
	s17 =	smov.u32 @p0 s14;
	s14 =	sor.u32 $0x1900, s13;
	s18 =	sadd.s32 s1, s18  }
0x31: {  	vm2 =	vcmask $0x3730;
	v3 =	vunpack.c.0.s8.s32 v3;
	v2 =	vunpack.c.0.s8.s32 v2;
	s16 =	smov.u32 @p0 s14;
	s14 =	sor.u32 $0x1A80, s13;
	s17 =	sadd.s32 s1, s17  }
0x32: {  	vm0 =	vmor vm0, vm3;
	vm3 =	vcmask $0xF00;
	vm1 =	vmor vm1, vm2;
	s15 =	smov.u32 @p0 s14;
	s14 =	sor.u32 $0x3200, s12;
	s12 =	sor.u32 $0x1B00, s13  }
0x33: {  	vm2 =	vcmask $0x2F20;
	v2 =	vcombine.low v3, v2;
	v3 =	vunpack.c.0.s8.s32 v5;
	s13 =	sadd.s32 s1, s31;
	s16 =	sadd.s32 s1, s16;
	s30 =	smov.u32 @p0 s12  }
0x34: {  	v0 =	vand.u32 $0xF, v0;
	v1 =	vand.u32 $0xF, v1;
	vm2 =	vmor vm3, vm2;
	s14 =	smov.u32 @p0 s0;
	s15 =	sadd.s32 s1, s15;
	s12 =	sadd.s32 s1, s30  }
0x35: {  	vm3 =	vmmov $0xff;
	v2 =	vand.u32 $0xF, v2;
	v3 =	vcombine.low v4, v3;
	s14 =	sadd.s32 s1, s14;
	s30 =	simm.s32 $0x2;
	s1 =	simm.s32 $0x1  }
.LBB2_1:
0x36: {  	s0 =	rddreg [dreg:$0x4]  }
0x37: {  	[tilespmem:s2], [sflag:$0x2] =	stream.linear.gather [hbm4b:s0+s2], $0x2000, $0x38;
	[tilespmem:$0x4800] =	vst v63  }
0x38: {  	_ =	swait.ge [sflag:s30], $0x2000  }
0x39: {  	s3 =	rddreg [dreg:$0x5];
	[sflag:s30] =	ssyncset.done $0x0  }
0x3a: {  	s31 =	rddreg [dreg:$0x7];
	[sflag:s30] =	ssyncadd.s32 $0xFFFFE000  }
0x3b: {  	[tilespmem:s31], [sflag:$0x2] =	stream.linear.gather [hbm4b:s3+s2], $0x2000, $0x38;
	[tilespmem:$0x4800] =	vst v63  }
0x3c: {  	_ =	swait.ge [sflag:s30], $0x2000  }
0x3d: {  	[sflag:s30] =	ssyncset.done $0x0  }
0x3e: {  	s0 =	rddreg [dreg:$0xe];
	[sflag:s30] =	ssyncadd.s32 $0xFFFFE000  }
0x3f: {  	s31 =	rddreg [dreg:$0xc];
	v4 =	vld [tilespmem:s0+$0x0]  }
0x40: {  	s3 =	rddreg [dreg:$0xb];
	v5 =	vld [tilespmem:s31+$0x0]  }
0x41: {  	v6 =	vld [tilespmem:s3+$0x0]  }
0x42: {  	v10 =	vld [tilespmem:s4+$0x0]  }
0x43: {  	v11 =	vld [tilespmem:s8+$0x0]  }
0x44: {  	v15 =	vld [tilespmem:s6+$0x0]  }
0x45: {  	v17 =	vld [tilespmem:s5+$0x0]  }
0x46: {  	v18 =	vld [tilespmem:s7+$0x0]  }
0x47: {  	v20 =	vld [tilespmem:s9+$0x0]  }
0x48: {  	v22 =	vld [tilespmem:s10+$0x0]  }
0x49: {  	s0 =	rddreg [dreg:$0xa];
	v56 =	vld [tilespmem:s11+$0x0]  }
0x4a: {  	s31 =	rddreg [dreg:$0x8];
	v7 =	vld [tilespmem:s0+$0x0]  }
0x4b: {  	s3 =	rddreg [dreg:$0x9];
	v8 =	vld [tilespmem:s31+$0x0];
	v53 =	vperm.xlane v6, v0  }
0x4c: {  	v9 =	vld [tilespmem:s3+$0x0];
	s3 =	rddreg [dreg:$0xd];
	v19 =	vperm.xlane v5, v0;
	v21 =	vperm.xlane v4, v0  }
0x4d: {  	s31 =	rddreg [dreg:$0xf];
	v12 =	vld [tilespmem:s3+$0x0];
	v57 =	vperm.xlane v15, v0;
	v58 =	vperm.xlane v17, v0  }
0x4e: {  	v13 =	vld [tilespmem:s31+$0x0];
	v59 =	vperm.xlane v11, v0;
	v60 =	vperm.xlane v18, v0  }
0x4f: {  	v23 =	vperm.xlane v10, v0;
	v62 =	vperm.xlane v20, v0  }
0x50: {  	v24 =	vperm.xlane v22, v0;
	v25 =	vperm.xlane v56, v0  }
0x51: {  	v14 =	vperm.xlane v8, v0;
	v16 =	vperm.xlane v9, v0  }
0x52: {  	v52 =	vperm.xlane v7, v0;
	v54 =	vperm.xlane v12, v0;
	v7 =	vsel vm0, v53, v7  }
0x53: {  	v12 =	vsel vm0, v12, v19;
	v55 =	vperm.xlane v13, v0;
	v13 =	vsel vm0, v13, v21  }
0x54: {  	v15 =	vsel vm0, v58, v15;
	v61 =	vsel vm0, v18, v59;
	v11 =	vsel vm0, v60, v11  }
0x55: {  	v63 =	vsel vm0, v20, v23;
	v10 =	vsel vm0, v62, v10;
	v19 =	vsel vm0, v56, v24  }
0x56: {  	v18 =	vsel vm0, v25, v22;
	v9 =	vsel vm0, v9, v14;
	v27 =	vperm.xlane v7, v1  }
0x57: {  	v8 =	vsel vm0, v16, v8;
	v30 =	vperm.xlane v13, v1;
	v32 =	vperm.xlane v12, v1  }
0x58: {  	v6 =	vsel vm0, v6, v52;
	v34 =	vperm.xlane v61, v1;
	v35 =	vperm.xlane v11, v1  }
0x59: {  	v14 =	vsel vm0, v17, v57;
	v37 =	vperm.xlane v19, v1;
	v38 =	vperm.xlane v18, v1  }
0x5a: {  	v39 =	vperm.xlane v63, v1;
	v41 =	vperm.xlane v10, v1;
	v5 =	vsel vm0, v54, v5  }
0x5b: {  	v4 =	vsel vm0, v55, v4;
	v26 =	vperm.xlane v6, v1;
	v28 =	vperm.xlane v9, v1  }
0x5c: {  	v29 =	vperm.xlane v8, v1;
	v8 =	vsel vm1, v8, v27;
	v31 =	vperm.xlane v4, v1  }
0x5d: {  	v12 =	vsel vm1, v12, v30;
	v33 =	vperm.xlane v5, v1;
	v13 =	vsel vm1, v32, v13  }
0x5e: {  	v36 =	vsel vm1, v14, v34;
	v14 =	vperm.xlane v14, v1;
	v21 =	vsel vm1, v15, v35  }
0x5f: {  	v15 =	vperm.xlane v15, v1;
	v40 =	vsel vm1, v63, v37;
	v10 =	vsel vm1, v10, v38  }
0x60: {  	v42 =	vsel vm1, v39, v19;
	v17 =	vsel vm1, v41, v18;
	v43 =	vperm.xlane v12, v2  }
0x61: {  	v9 =	vsel vm1, v9, v26;
	v45 =	vperm.xlane v13, v2;
	v47 =	vperm.xlane v40, v2  }
0x62: {  	v6 =	vsel vm1, v28, v6;
	v48 =	vperm.xlane v10, v2;
	v24 =	vperm.xlane v42, v2  }
0x63: {  	v25 =	vperm.xlane v17, v2;
	v20 =	vperm.xlane v36, v2;
	v5 =	vsel vm1, v5, v31  }
0x64: {  	v4 =	vsel vm1, v33, v4;
	v14 =	vsel vm1, v14, v61;
	v11 =	vsel vm1, v15, v11  }
0x65: {  	v44 =	vperm.xlane v5, v2;
	v19 =	vsel vm2, v9, v43;
	v46 =	vperm.xlane v4, v2  }
0x66: {  	v9 =	vperm.xlane v9, v2;
	v22 =	vsel vm2, v6, v45;
	v6 =	vperm.xlane v6, v2  }
0x67: {  	v24 =	vsel vm2, v14, v24;
	v25 =	vsel vm2, v11, v25;
	v14 =	vperm.xlane v14, v2  }
0x68: {  	v15 =	vsel vm2, v20, v40;
	v11 =	vperm.xlane v11, v2;
	v51 =	vperm.xlane v24, v3  }
0x69: {  	v7 =	vsel vm1, v29, v7;
	v27 =	vperm.xlane v25, v3;
	v53 =	vperm.xlane v15, v3  }
0x6a: {  	v18 =	vsel vm2, v8, v44;
	v8 =	vperm.xlane v8, v2;
	v23 =	vsel vm2, v7, v46  }
0x6b: {  	v9 =	vsel vm2, v9, v12;
	v7 =	vperm.xlane v7, v2;
	v12 =	vsel vm2, v36, v47  }
0x6c: {  	v14 =	vsel vm2, v14, v42;
	v11 =	vsel vm2, v11, v17;
	v52 =	vsel vm3, v22, v51  }
0x6d: {  	v6 =	vsel vm2, v6, v13;
	v26 =	vperm.xlane v12, v3;
	v54 =	vsel vm3, v23, v27;
	[tilespmem:$0x4100] =	vst v52  }
0x6e: {  	v56 =	vsel vm3, v9, v53;
	v57 =	vperm.xlane v14, v3;
	v59 =	vperm.xlane v11, v3;
	[tilespmem:$0x4180] =	vst v54  }
0x6f: {  	v63 =	vperm.xlane v18, v3;
	v5 =	vsel vm2, v8, v5;
	[tilespmem:$0x4200] =	vst v56;
	v50 =	vsel vm3, v19, v26  }
0x70: {  	v8 =	vsel vm2, v21, v48;
	v4 =	vsel vm2, v7, v4;
	v60 =	vsel vm3, v6, v57;
	[tilespmem:$0x4000] =	vst v50  }
0x71: {  	v49 =	vperm.xlane v8, v3;
	v62 =	vsel vm3, v4, v59;
	[tilespmem:$0x4300] =	vst v60  }
0x72: {  	v61 =	vperm.xlane v19, v3;
	v8 =	vsel vm3, v63, v8;
	[tilespmem:$0x4380] =	vst v62  }
0x73: {  	v21 =	vperm.xlane v21, v2;
	v19 =	vperm.xlane v22, v3;
	[tilespmem:$0x4480] =	vst v8;
	v20 =	vsel vm3, v18, v49  }
0x74: {  	v6 =	vperm.xlane v6, v3;
	v18 =	vsel vm3, v61, v12;
	[tilespmem:$0x4080] =	vst v20  }
0x75: {  	v4 =	vperm.xlane v4, v3;
	v10 =	vsel vm2, v21, v10;
	v21 =	vsel vm3, v19, v24;
	[tilespmem:$0x4400] =	vst v18  }
0x76: {  	v9 =	vperm.xlane v9, v3;
	v6 =	vsel vm3, v6, v14;
	[tilespmem:$0x4500] =	vst v21  }
0x77: {  	v55 =	vperm.xlane v10, v3;
	v4 =	vsel vm3, v4, v11;
	[tilespmem:$0x4700] =	vst v6  }
0x78: {  	v20 =	vperm.xlane v23, v3;
	v23 =	vsel vm3, v9, v15;
	[tilespmem:$0x4780] =	vst v4  }
0x79: {  	v58 =	vsel vm3, v5, v55;
	v5 =	vperm.xlane v5, v3;
	[tilespmem:$0x4600] =	vst v23  }
0x7a: {  	[tilespmem:$0x4280] =	vst v58;
	v22 =	vsel vm3, v20, v25  }
0x7b: {  	[tilespmem:$0x4580] =	vst v22;
	v5 =	vsel vm3, v5, v10  }
0x7c: {  	[tilespmem:$0x4680] =	vst v5  }
0x7d: {  	v4 =	vld [tilespmem:s15+$0x0]  }
0x7e: {  	v5 =	vld [tilespmem:s17+$0x0]  }
0x7f: {  	v6 =	vld [tilespmem:s21+$0x0]  }
0x80: {  	v7 =	vld [tilespmem:s23+$0x0]  }
0x81: {  	v8 =	vld [tilespmem:s28+$0x0]  }
0x82: {  	v24 =	vld [tilespmem:s26+$0x0]  }
0x83: {  	v25 =	vld [tilespmem:s25+$0x0]  }
0x84: {  	v26 =	vld [tilespmem:s24+$0x0]  }
0x85: {  	v27 =	vld [tilespmem:s22+$0x0]  }
0x86: {  	v28 =	vld [tilespmem:s20+$0x0]  }
0x87: {  	v30 =	vld [tilespmem:s19+$0x0]  }
0x88: {  	v32 =	vld [tilespmem:s18+$0x0]  }
0x89: {  	v34 =	vld [tilespmem:s16+$0x0];
	v29 =	vperm.xlane v8, v0  }
0x8a: {  	v37 =	vld [tilespmem:s14+$0x0];
	v31 =	vperm.xlane v24, v0;
	v33 =	vperm.xlane v25, v0  }
0x8b: {  	v40 =	vld [tilespmem:s13+$0x0];
	v35 =	vperm.xlane v26, v0;
	v36 =	vperm.xlane v7, v0  }
0x8c: {  	v42 =	vld [tilespmem:s12+$0x0];
	v38 =	vperm.xlane v27, v0;
	v39 =	vperm.xlane v6, v0  }
0x8d: {  	v41 =	vperm.xlane v28, v0;
	v43 =	vperm.xlane v30, v0  }
0x8e: {  	v44 =	vperm.xlane v32, v0;
	v45 =	vperm.xlane v5, v0  }
0x8f: {  	v46 =	vperm.xlane v34, v0;
	v47 =	vperm.xlane v4, v0  }
0x90: {  	v49 =	vperm.xlane v37, v0;
	v51 =	vperm.xlane v40, v0  }
0x91: {  	v52 =	vperm.xlane v42, v0;
	v9 =	vsel vm0, v24, v29;
	v8 =	vsel vm0, v31, v8  }
0x92: {  	v11 =	vsel vm0, v26, v33;
	v10 =	vsel vm0, v35, v25;
	v12 =	vsel vm0, v27, v36  }
0x93: {  	v7 =	vsel vm0, v38, v7;
	v13 =	vsel vm0, v28, v39;
	v6 =	vsel vm0, v41, v6  }
0x94: {  	v14 =	vsel vm0, v32, v43;
	v15 =	vsel vm0, v44, v30;
	v53 =	vperm.xlane v11, v1  }
0x95: {  	v48 =	vsel vm0, v34, v45;
	v54 =	vperm.xlane v10, v1;
	v55 =	vperm.xlane v9, v1  }
0x96: {  	v5 =	vsel vm0, v46, v5;
	v56 =	vperm.xlane v8, v1;
	v57 =	vperm.xlane v13, v1  }
0x97: {  	v50 =	vsel vm0, v37, v47;
	v58 =	vperm.xlane v6, v1;
	v59 =	vperm.xlane v12, v1  }
0x98: {  	v19 =	vsel vm0, v42, v51;
	v60 =	vperm.xlane v7, v1;
	v61 =	vperm.xlane v48, v1  }
0x99: {  	v18 =	vsel vm0, v52, v40;
	v62 =	vperm.xlane v5, v1;
	v26 =	vperm.xlane v19, v1  }
0x9a: {  	v4 =	vsel vm0, v49, v4;
	v27 =	vperm.xlane v18, v1;
	v28 =	vperm.xlane v50, v1  }
0x9b: {  	v30 =	vperm.xlane v4, v1;
	v9 =	vsel vm1, v9, v53;
	v8 =	vsel vm1, v8, v54  }
0x9c: {  	v11 =	vsel vm1, v55, v11;
	v12 =	vsel vm1, v12, v57;
	v7 =	vsel vm1, v7, v58  }
0x9d: {  	v13 =	vsel vm1, v59, v13;
	v6 =	vsel vm1, v60, v6;
	v63 =	vsel vm1, v14, v61  }
0x9e: {  	v14 =	vperm.xlane v14, v1;
	v21 =	vsel vm1, v15, v62;
	v15 =	vperm.xlane v15, v1  }
0x9f: {  	v29 =	vsel vm1, v50, v26;
	v32 =	vperm.xlane v12, v2;
	v33 =	vperm.xlane v7, v2  }
0xa0: {  	v4 =	vsel vm1, v4, v27;
	v34 =	vperm.xlane v13, v2;
	v35 =	vperm.xlane v6, v2  }
0xa1: {  	v31 =	vsel vm1, v28, v19;
	v36 =	vperm.xlane v29, v2;
	v37 =	vperm.xlane v11, v2  }
0xa2: {  	v17 =	vsel vm1, v30, v18;
	v38 =	vperm.xlane v4, v2;
	v39 =	vperm.xlane v31, v2  }
0xa3: {  	v10 =	vsel vm1, v56, v10;
	v40 =	vperm.xlane v17, v2;
	v20 =	vperm.xlane v63, v2  }
0xa4: {  	v14 =	vsel vm1, v14, v48;
	v5 =	vsel vm1, v15, v5;
	v19 =	vsel vm2, v9, v32  }
0xa5: {  	v9 =	vperm.xlane v9, v2;
	v18 =	vsel vm2, v8, v33;
	v22 =	vsel vm2, v11, v34  }
0xa6: {  	v8 =	vperm.xlane v8, v2;
	v23 =	vsel vm2, v10, v35;
	v11 =	vsel vm2, v21, v38  }
0xa7: {  	v10 =	vperm.xlane v10, v2;
	v24 =	vsel vm2, v14, v39;
	v42 =	vperm.xlane v11, v3  }
0xa8: {  	v21 =	vperm.xlane v21, v2;
	v25 =	vsel vm2, v5, v40;
	v44 =	vperm.xlane v24, v3  }
0xa9: {  	v15 =	vsel vm2, v20, v29;
	v45 =	vperm.xlane v25, v3;
	v20 =	vsel vm3, v18, v42  }
0xaa: {  	v14 =	vperm.xlane v14, v2;
	v47 =	vperm.xlane v15, v3;
	v46 =	vsel vm3, v22, v44;
	[tilespmem:$0x4090] =	vst v20  }
0xab: {  	v55 =	vperm.xlane v19, v3;
	v9 =	vsel vm2, v9, v12;
	v48 =	vsel vm3, v23, v45;
	[tilespmem:$0x4110] =	vst v46  }
0xac: {  	v57 =	vperm.xlane v18, v3;
	v12 =	vsel vm2, v63, v36;
	v50 =	vsel vm3, v9, v47;
	[tilespmem:$0x4190] =	vst v48  }
0xad: {  	v5 =	vperm.xlane v5, v2;
	v59 =	vperm.xlane v22, v3;
	v58 =	vsel vm3, v55, v12;
	[tilespmem:$0x4210] =	vst v50  }
0xae: {  	v60 =	vperm.xlane v23, v3;
	v7 =	vsel vm2, v8, v7;
	v11 =	vsel vm3, v57, v11;
	[tilespmem:$0x4410] =	vst v58  }
0xaf: {  	v4 =	vsel vm2, v21, v4;
	v41 =	vperm.xlane v12, v3;
	v61 =	vsel vm3, v59, v24;
	[tilespmem:$0x4490] =	vst v11  }
0xb0: {  	v14 =	vsel vm2, v14, v31;
	v49 =	vperm.xlane v4, v3;
	v62 =	vsel vm3, v60, v25;
	[tilespmem:$0x4510] =	vst v61  }
0xb1: {  	v5 =	vsel vm2, v5, v17;
	v51 =	vperm.xlane v14, v3;
	[tilespmem:$0x4590] =	vst v62;
	v43 =	vsel vm3, v19, v41  }
0xb2: {  	v8 =	vsel vm2, v37, v13;
	v53 =	vperm.xlane v5, v3;
	v52 =	vsel vm3, v7, v49;
	[tilespmem:$0x4010] =	vst v43  }
0xb3: {  	v6 =	vsel vm2, v10, v6;
	v9 =	vperm.xlane v9, v3;
	v54 =	vsel vm3, v8, v51;
	[tilespmem:$0x4290] =	vst v52  }
0xb4: {  	v56 =	vsel vm3, v6, v53;
	v7 =	vperm.xlane v7, v3;
	[tilespmem:$0x4310] =	vst v54  }
0xb5: {  	v9 =	vsel vm3, v9, v15;
	v8 =	vperm.xlane v8, v3;
	[tilespmem:$0x4390] =	vst v56  }
0xb6: {  	v6 =	vperm.xlane v6, v3;
	[tilespmem:$0x4610] =	vst v9;
	v4 =	vsel vm3, v7, v4  }
0xb7: {  	v63 =	vsel vm3, v8, v14;
	[tilespmem:$0x4690] =	vst v4  }
0xb8: {  	p0 =	sne.s32 s29, $0x1;
	v4 =	vsel vm3, v6, v5;
	[tilespmem:$0x4710] =	vst v63  }
.Ltmp0:
0xb9: {  	s3 =	rddreg [dreg:$0x6];
	s31 =	simm.s32 $0x4000;
	[tilespmem:$0x4790] =	vst v4;
	(pc) =	sbr.rel @p0 .LBB2_1-.Ltmp0, $4  }
0xba: {  	[hbm4b:s3+s2] =	stream.linear.scatter [tilespmem:s31], [sflag:$0x1], $0x800, $0x38;
	[tilespmem:$0x4800] =	vst v63  }
0xbb: {  	_ =	swait.ge [sflag:s1], $0x800  }
0xbc: {  	[sflag:s1] =	ssyncset.done $0x0  }
0xbd: {  	s29 =	sadd.s32 $0xFFFFFFFF, s29;
	[sflag:s1] =	ssyncadd.s32 $0xFFFFF800  }
0xbe: {  	_ =	sfence.sel $0x180000  }
0xbf: {  	[bflag:$0x0] =	sbarrier.arrive $0xFFFF  }
0xc0: {  	_ =	strace $0x90000047  }
0xc1: {  	s0 =	stileid.u32;
	[bflag:$0x2] =	sbarrier.arrive $0xFFFF  }
0xc2: {  	p0 =	sne.s32 s0, $0x0;
	s0 =	rddreg [dreg:$0x3]  }
0xc3: {  	s0 =	sadd.s32 @!p0 $0x100000, s0  }
0xc4: {  	[sflag:s0] =	ssyncadd.tile.s32 @!p0 $0x1;
	_ =	shalt  }
.Lfunc_end2:
_tile_overlayer_lowered:
.L_overlay_start_2:
0xc5: {  	(tag) =	ssettag $0x2  }
0xc6: {  	s0 =	rddreg [dreg:$0x0];
	s2 =	stileid.u32  }
0xc7: {  	s1 =	rddreg [dreg:$0x1];
	p0 =	sne.s32 s2, $0x0  }
0xc8: {  	s3 =	rddreg [dreg:$0x2];
	[bflag:$0x3] =	sbarrier.arrive $0xFFFF;
	s2 =	simm.s32 @!p0 $0x1C02  }
0xc9: {  	[timem:s3], [sflag:s2] =	dma.local @!p0 [hbm:s0], s1  }
0xca: {  	s0 =	simm.s32 @!p0 $0x2  }
0xcb: {  	_ =	swait.ge @!p0 [sflag:s0], s1  }
0xcc: {  	s1 =	ssub.s32 @!p0 $0x0, s1;
	[sflag:s0] =	ssyncset.done @!p0 $0x0  }
0xcd: {  	[sflag:s0] =	ssyncadd.s32 @!p0 s1  }
0xce: {  	[bflag:$0x3] =	sbarrier.arrive $0xFFFF  }
0xcf: {  	_ =	shalt  }

</sc_bundles>
